<compile_context>
chip_gen: v7x
topology: tpu7x:2x2x1
jax: 0.10.2.dev20260603
libtpu: 0.0.44.dev20260713+nightly
codegen_flags: <defaults>
</compile_context>

<pallas_src>
import functools

import jax
import jax.numpy as jnp
from jax import lax
from jax.experimental import pallas as pl
from jax.experimental.pallas import tpu as pltpu
from jax.experimental.pallas import tpu_sc as plsc

NUM_CORES = 2
NUM_SUBCORES = 16
NW = NUM_CORES * NUM_SUBCORES
CHUNK = 16
NBUF = 7
DEPTH = 2


def _sc_gather(table, pos):
    batch, seq = pos.shape
    emb = table.shape[1]
    b_per_w = (batch * seq) // NW
    w_per_b = seq // b_per_w
    n_chunks = b_per_w // CHUNK
    mesh = plsc.VectorSubcoreMesh(core_axis_name="c", subcore_axis_name="s")

    @functools.partial(
        pl.kernel,
        out_type=jax.ShapeDtypeStruct((batch, seq, emb), jnp.float32),
        mesh=mesh,
        scratch_types=[
            pltpu.VMEM((b_per_w,), jnp.int32),
            pltpu.VMEM((NBUF, CHUNK, emb), jnp.float32),
            [pltpu.SemaphoreType.DMA] * NBUF,
            [pltpu.SemaphoreType.DMA] * NBUF,
        ],
    )
    def k(table_hbm, idx_hbm, out_hbm, idx_v, rows_v, gsems, osems):
        wid = lax.axis_index("s") * NUM_CORES + lax.axis_index("c")
        b = wid // w_per_b
        off = (wid % w_per_b) * b_per_w
        pltpu.sync_copy(idx_hbm.at[b, pl.ds(off, b_per_w)], idx_v)

        def issue_gather(j, buf):
            return pltpu.async_copy(
                table_hbm.at[idx_v.at[pl.ds(j * CHUNK, CHUNK)]],
                rows_v.at[buf],
                gsems[buf],
            )

        def issue_out(j, buf):
            return pltpu.async_copy(
                rows_v.at[buf],
                out_hbm.at[b, pl.ds(off + j * CHUNK, CHUNK)],
                osems[buf],
            )

        gathers = [None] * NBUF
        outs = [None] * NBUF
        for j in range(min(DEPTH, n_chunks)):
            gathers[j % NBUF] = issue_gather(j, j % NBUF)
        for j in range(n_chunks):
            buf = j % NBUF
            nxt = j + DEPTH
            if nxt < n_chunks:
                nb = nxt % NBUF
                if outs[nb] is not None:
                    outs[nb].wait()
                    outs[nb] = None
                gathers[nb] = issue_gather(nxt, nb)
            gathers[buf].wait()
            outs[buf] = issue_out(j, buf)
        for o in outs:
            if o is not None:
                o.wait()

    return k(table, pos)


def kernel(pos, A):
    return _sc_gather(A, pos.astype(jnp.int32))

# --- scband reference (transcript-rebuilt; emitter-appended) ---
"""Pipeline reference for scband-static-position-encoding-34041910788256 (READ-ONLY COPY).

The authoritative reference and input builder live on the scoring server;
editing this copy changes nothing except your own understanding.
"""

import jax, jax.numpy as jnp
import numpy as np

BLOCK_SIZE = 8192
EMBED_DIM = 1024
BATCH = 4
SEQ_LEN = 4096


def setup_inputs(seed: int = 0) -> dict:
    key = jax.random.key(seed)
    k_pos, k_A = jax.random.split(key)
    pos = jax.random.randint(k_pos, (BATCH, SEQ_LEN), 0, BLOCK_SIZE, dtype=jnp.int64 if jax.config.jax_enable_x64 else jnp.int32)
    A = jax.random.normal(k_A, (BLOCK_SIZE, EMBED_DIM), dtype=jnp.float32) * 0.02
    return {"pos": pos, "A": A}


def reference(pos, A):
    # StaticPositionEncoding.__call__: gather rows of the learned position table
    return jnp.take(A, pos, axis=0)

if __name__ == "__main__":
    import jax
    _d = setup_inputs()
    print(jax.jit(kernel)(*tuple(_d.values())))

</pallas_src>

<mosaic_0001>
#map = affine_map<(d0, d1) -> (0, 0)>
#map1 = affine_map<(d0, d1) -> (0, 0, 0)>
module attributes {stable_mosaic.version = 14 : i64} {
  func.func @k(%arg0: i32, %arg1: i32, %arg2: memref<8192x1024xf32, #tpu.memory_space<hbm>>, %arg3: memref<4x4096xi32, #tpu.memory_space<hbm>>, %arg4: memref<4x4096x1024xf32, #tpu.memory_space<hbm>>, %arg5: memref<512xi32, #tpu.memory_space<vmem>>, %arg6: memref<7x16x1024xf32, #tpu.memory_space<vmem>>, %arg7: memref<!tpu.dma_semaphore, #tpu.memory_space<semaphore_mem>>, %arg8: memref<!tpu.dma_semaphore, #tpu.memory_space<semaphore_mem>>, %arg9: memref<!tpu.dma_semaphore, #tpu.memory_space<semaphore_mem>>, %arg10: memref<!tpu.dma_semaphore, #tpu.memory_space<semaphore_mem>>, %arg11: memref<!tpu.dma_semaphore, #tpu.memory_space<semaphore_mem>>, %arg12: memref<!tpu.dma_semaphore, #tpu.memory_space<semaphore_mem>>, %arg13: memref<!tpu.dma_semaphore, #tpu.memory_space<semaphore_mem>>, %arg14: memref<!tpu.dma_semaphore, #tpu.memory_space<semaphore_mem>>, %arg15: memref<!tpu.dma_semaphore, #tpu.memory_space<semaphore_mem>>, %arg16: memref<!tpu.dma_semaphore, #tpu.memory_space<semaphore_mem>>, %arg17: memref<!tpu.dma_semaphore, #tpu.memory_space<semaphore_mem>>, %arg18: memref<!tpu.dma_semaphore, #tpu.memory_space<semaphore_mem>>, %arg19: memref<!tpu.dma_semaphore, #tpu.memory_space<semaphore_mem>>, %arg20: memref<!tpu.dma_semaphore, #tpu.memory_space<semaphore_mem>>) attributes {dimension_semantics = [#tpu.dimension_semantics<core_parallel>, #tpu.dimension_semantics<subcore_parallel>], iteration_bounds = array<i64: 2, 16>, scalar_prefetch = 0 : i64, scratch_operands = 16 : i64, tpu.core_type = #tpu.core_type<sc_vector_subcore>, window_params = [{transform_indices = #map}, {transform_indices = #map}, {transform_indices = #map1}]} {
    %mul3A = arith.constant 2 : i32
    %mul3A_0 = arith.muli %arg1, %mul3A : i32
    %add3A = arith.addi %mul3A_0, %arg0 : i32
    %jit3A = arith.constant 8 : i32
    %div3A = arith.divsi %add3A, %jit3A : i32
    %sign3A = arith.constant 0 : i32
    %sign3A_1 = arith.cmpi sgt, %add3A, %sign3A : i32
    %sign3A_2 = arith.extui %sign3A_1 : i1 to i32
    %sign3A_3 = arith.constant 0 : i32
    %sign3A_4 = arith.cmpi slt, %add3A, %sign3A_3 : i32
    %sign3A_5 = arith.extui %sign3A_4 : i1 to i32
    %sign3A_6 = arith.subi %sign3A_2, %sign3A_5 : i32
    %sign3A_7 = arith.constant 0 : i32
    %sign3A_8 = arith.cmpi sgt, %jit3A, %sign3A_7 : i32
    %sign3A_9 = arith.extui %sign3A_8 : i1 to i32
    %sign3A_10 = arith.constant 0 : i32
    %sign3A_11 = arith.cmpi slt, %jit3A, %sign3A_10 : i32
    %sign3A_12 = arith.extui %sign3A_11 : i1 to i32
    %sign3A_13 = arith.subi %sign3A_9, %sign3A_12 : i32
    %ne3A = arith.cmpi ne, %sign3A_6, %sign3A_13 : i32
    %rem3A = arith.remsi %add3A, %jit3A : i32
    %ne3A_14 = arith.constant 0 : i32
    %ne3A_15 = arith.cmpi ne, %rem3A, %ne3A_14 : i32
    %and3A = arith.andi %ne3A, %ne3A_15 : i1
    %sub3A = arith.constant 1 : i32
    %sub3A_16 = arith.subi %div3A, %sub3A : i32
    %select_n3A = arith.select %and3A, %sub3A_16, %div3A : i32
    %jit3A_17 = arith.constant 8 : i32
    %eq3A = arith.constant 0 : i32
    %eq3A_18 = arith.cmpi eq, %jit3A_17, %eq3A : i32
    %jit3A_19 = arith.constant 1 : i32
    %select_n3A_20 = arith.select %eq3A_18, %jit3A_19, %jit3A_17 : i32
    %rem3A_21 = arith.remsi %add3A, %select_n3A_20 : i32
    %ne3A_22 = arith.constant 0 : i32
    %ne3A_23 = arith.cmpi ne, %rem3A_21, %ne3A_22 : i32
    %lt3A = arith.constant 0 : i32
    %lt3A_24 = arith.cmpi slt, %rem3A_21, %lt3A : i32
    %lt3A_25 = arith.constant 0 : i32
    %lt3A_26 = arith.cmpi slt, %select_n3A_20, %lt3A_25 : i32
    %ne3A_27 = arith.xori %lt3A_24, %lt3A_26 : i1
    %and3A_28 = arith.andi %ne3A_27, %ne3A_23 : i1
    %add3A_29 = arith.addi %rem3A_21, %select_n3A_20 : i32
    %select_n3A_30 = arith.select %and3A_28, %add3A_29, %rem3A_21 : i32
    %mul3A_31 = arith.constant 512 : i32
    %mul3A_32 = arith.muli %select_n3A_30, %mul3A_31 : i32
    "tpu.region"() ({
      %run_scoped3A = tpu.sem_alloc : memref<!tpu.dma_semaphore, #tpu.memory_space<semaphore_mem>>
      %dma_start3A_1695 = tpu.memref_slice %arg3[%select_n3A, %mul3A_32] : memref<4x4096xi32, #tpu.memory_space<hbm>> -> memref<1x512xi32, #tpu.memory_space<hbm>>
      %dma_start3A_1696 = tpu.memref_squeeze %dma_start3A_1695 : memref<1x512xi32, #tpu.memory_space<hbm>> -> memref<512xi32, #tpu.memory_space<hbm>>
      %dma_start3A_1697 = tpu.memref_slice %arg3[%select_n3A, %mul3A_32] : memref<4x4096xi32, #tpu.memory_space<hbm>> -> memref<1x512xi32, #tpu.memory_space<hbm>>
      %dma_start3A_1698 = tpu.memref_squeeze %dma_start3A_1697 : memref<1x512xi32, #tpu.memory_space<hbm>> -> memref<512xi32, #tpu.memory_space<hbm>>
      tpu.enqueue_dma source(%dma_start3A_1698 : memref<512xi32, #tpu.memory_space<hbm>>) target(%arg5 : memref<512xi32, #tpu.memory_space<vmem>>) target_semaphore(%run_scoped3A : memref<!tpu.dma_semaphore, #tpu.memory_space<semaphore_mem>>)
      %dma_wait3A_1699 = tpu.memref_slice %arg3[%select_n3A, %mul3A_32] : memref<4x4096xi32, #tpu.memory_space<hbm>> -> memref<1x512xi32, #tpu.memory_space<hbm>>
      %dma_wait3A_1700 = tpu.memref_squeeze %dma_wait3A_1699 : memref<1x512xi32, #tpu.memory_space<hbm>> -> memref<512xi32, #tpu.memory_space<hbm>>
      %dma_wait3A_1701 = tpu.memref_slice %arg3[%select_n3A, %mul3A_32] : memref<4x4096xi32, #tpu.memory_space<hbm>> -> memref<1x512xi32, #tpu.memory_space<hbm>>
      %dma_wait3A_1702 = tpu.memref_squeeze %dma_wait3A_1701 : memref<1x512xi32, #tpu.memory_space<hbm>> -> memref<512xi32, #tpu.memory_space<hbm>>
      tpu.wait_dma2 semaphore(%run_scoped3A : memref<!tpu.dma_semaphore, #tpu.memory_space<semaphore_mem>>) src(%dma_wait3A_1702 : memref<512xi32, #tpu.memory_space<hbm>>) dst(%arg5 : memref<512xi32, #tpu.memory_space<vmem>>)
      tpu.yield
    }) : () -> ()
    %dma_start3A = arith.constant 0 : i32
    %dma_start3A_33 = arith.constant 0 : i32
    %dma_start3A_34 = arith.constant 0 : i32
    %dma_start3A_35 = tpu.memref_slice %arg6[%dma_start3A, %dma_start3A_33, %dma_start3A_34] : memref<7x16x1024xf32, #tpu.memory_space<vmem>> -> memref<1x16x1024xf32, #tpu.memory_space<vmem>>
    %dma_start3A_36 = tpu.memref_squeeze %dma_start3A_35 : memref<1x16x1024xf32, #tpu.memory_space<vmem>> -> memref<16x1024xf32, #tpu.memory_space<vmem>>
    %dma_start3A_37 = arith.constant 0 : i32
    %dma_start3A_38 = tpu.memref_slice %arg5[%dma_start3A_37] : memref<512xi32, #tpu.memory_space<vmem>> -> memref<16xi32, #tpu.memory_space<vmem>>
    %dma_start3A_39 = arith.constant 0 : i32
    %dma_start3A_40 = arith.constant 0 : i32
    %dma_start3A_41 = tpu.memref_slice %arg2[%dma_start3A_39, %dma_start3A_40] : memref<8192x1024xf32, #tpu.memory_space<hbm>> -> memref<8192x1024xf32, #tpu.memory_space<hbm>>
    tpu.enqueue_indirect_dma source(%dma_start3A_41 : memref<8192x1024xf32, #tpu.memory_space<hbm>>) target(%dma_start3A_36 : memref<16x1024xf32, #tpu.memory_space<vmem>>) offsets(%dma_start3A_38 : memref<16xi32, #tpu.memory_space<vmem>>) semaphore(%arg7 : memref<!tpu.dma_semaphore, #tpu.memory_space<semaphore_mem>>)
    %dma_start3A_42 = arith.constant 1 : i32
    %dma_start3A_43 = arith.constant 0 : i32
    %dma_start3A_44 = arith.constant 0 : i32
    %dma_start3A_45 = tpu.memref_slice %arg6[%dma_start3A_42, %dma_start3A_43, %dma_start3A_44] : memref<7x16x1024xf32, #tpu.memory_space<vmem>> -> memref<1x16x1024xf32, #tpu.memory_space<vmem>>
    %dma_start3A_46 = tpu.memref_squeeze %dma_start3A_45 : memref<1x16x1024xf32, #tpu.memory_space<vmem>> -> memref<16x1024xf32, #tpu.memory_space<vmem>>
    %dma_start3A_47 = arith.constant 16 : i32
    %dma_start3A_48 = tpu.memref_slice %arg5[%dma_start3A_47] : memref<512xi32, #tpu.memory_space<vmem>> -> memref<16xi32, #tpu.memory_space<vmem>>
    %dma_start3A_49 = arith.constant 0 : i32
    %dma_start3A_50 = arith.constant 0 : i32
    %dma_start3A_51 = tpu.memref_slice %arg2[%dma_start3A_49, %dma_start3A_50] : memref<8192x1024xf32, #tpu.memory_space<hbm>> -> memref<8192x1024xf32, #tpu.memory_space<hbm>>
    tpu.enqueue_indirect_dma source(%dma_start3A_51 : memref<8192x1024xf32, #tpu.memory_space<hbm>>) target(%dma_start3A_46 : memref<16x1024xf32, #tpu.memory_space<vmem>>) offsets(%dma_start3A_48 : memref<16xi32, #tpu.memory_space<vmem>>) semaphore(%arg8 : memref<!tpu.dma_semaphore, #tpu.memory_space<semaphore_mem>>)
    %dma_start3A_52 = arith.constant 2 : i32
    %dma_start3A_53 = arith.constant 0 : i32
    %dma_start3A_54 = arith.constant 0 : i32
    %dma_start3A_55 = tpu.memref_slice %arg6[%dma_start3A_52, %dma_start3A_53, %dma_start3A_54] : memref<7x16x1024xf32, #tpu.memory_space<vmem>> -> memref<1x16x1024xf32, #tpu.memory_space<vmem>>
    %dma_start3A_56 = tpu.memref_squeeze %dma_start3A_55 : memref<1x16x1024xf32, #tpu.memory_space<vmem>> -> memref<16x1024xf32, #tpu.memory_space<vmem>>
    %dma_start3A_57 = arith.constant 32 : i32
    %dma_start3A_58 = tpu.memref_slice %arg5[%dma_start3A_57] : memref<512xi32, #tpu.memory_space<vmem>> -> memref<16xi32, #tpu.memory_space<vmem>>
    %dma_start3A_59 = arith.constant 0 : i32
    %dma_start3A_60 = arith.constant 0 : i32
    %dma_start3A_61 = tpu.memref_slice %arg2[%dma_start3A_59, %dma_start3A_60] : memref<8192x1024xf32, #tpu.memory_space<hbm>> -> memref<8192x1024xf32, #tpu.memory_space<hbm>>
    tpu.enqueue_indirect_dma source(%dma_start3A_61 : memref<8192x1024xf32, #tpu.memory_space<hbm>>) target(%dma_start3A_56 : memref<16x1024xf32, #tpu.memory_space<vmem>>) offsets(%dma_start3A_58 : memref<16xi32, #tpu.memory_space<vmem>>) semaphore(%arg9 : memref<!tpu.dma_semaphore, #tpu.memory_space<semaphore_mem>>)
    %dma_wait3A = arith.constant 0 : i32
    %dma_wait3A_62 = arith.constant 0 : i32
    %dma_wait3A_63 = arith.constant 0 : i32
    %dma_wait3A_64 = tpu.memref_slice %arg6[%dma_wait3A, %dma_wait3A_62, %dma_wait3A_63] : memref<7x16x1024xf32, #tpu.memory_space<vmem>> -> memref<1x16x1024xf32, #tpu.memory_space<vmem>>
    %dma_wait3A_65 = tpu.memref_squeeze %dma_wait3A_64 : memref<1x16x1024xf32, #tpu.memory_space<vmem>> -> memref<16x1024xf32, #tpu.memory_space<vmem>>
    %dma_wait3A_66 = arith.constant 0 : i32
    %dma_wait3A_67 = tpu.memref_slice %arg5[%dma_wait3A_66] : memref<512xi32, #tpu.memory_space<vmem>> -> memref<16xi32, #tpu.memory_space<vmem>>
    %dma_wait3A_68 = arith.constant 0 : i32
    %dma_wait3A_69 = arith.constant 0 : i32
    %dma_wait3A_70 = tpu.memref_slice %arg2[%dma_wait3A_68, %dma_wait3A_69] : memref<8192x1024xf32, #tpu.memory_space<hbm>> -> memref<8192x1024xf32, #tpu.memory_space<hbm>>
    tpu.wait_indirect_dma semaphore(%arg7 : memref<!tpu.dma_semaphore, #tpu.memory_space<semaphore_mem>>) src(%dma_wait3A_70 : memref<8192x1024xf32, #tpu.memory_space<hbm>>) dst(%dma_wait3A_65 : memref<16x1024xf32, #tpu.memory_space<vmem>>)
    %add3A_71 = arith.constant 0 : i32
    %add3A_72 = arith.addi %mul3A_32, %add3A_71 : i32
    %dma_start3A_73 = arith.constant 0 : i32
    %dma_start3A_74 = arith.constant 0 : i32
    %dma_start3A_75 = arith.constant 0 : i32
    %dma_start3A_76 = tpu.memref_slice %arg6[%dma_start3A_73, %dma_start3A_74, %dma_start3A_75] : memref<7x16x1024xf32, #tpu.memory_space<vmem>> -> memref<1x16x1024xf32, #tpu.memory_space<vmem>>
    %dma_start3A_77 = tpu.memref_squeeze %dma_start3A_76 : memref<1x16x1024xf32, #tpu.memory_space<vmem>> -> memref<16x1024xf32, #tpu.memory_space<vmem>>
    %dma_start3A_78 = arith.constant 0 : i32
    %dma_start3A_79 = tpu.memref_slice %arg4[%select_n3A, %add3A_72, %dma_start3A_78] : memref<4x4096x1024xf32, #tpu.memory_space<hbm>> -> memref<1x16x1024xf32, #tpu.memory_space<hbm>>
    %dma_start3A_80 = tpu.memref_squeeze %dma_start3A_79 : memref<1x16x1024xf32, #tpu.memory_space<hbm>> -> memref<16x1024xf32, #tpu.memory_space<hbm>>
    %dma_start3A_81 = arith.constant 0 : i32
    %dma_start3A_82 = tpu.memref_slice %arg4[%select_n3A, %add3A_72, %dma_start3A_81] : memref<4x4096x1024xf32, #tpu.memory_space<hbm>> -> memref<1x16x1024xf32, #tpu.memory_space<hbm>>
    %dma_start3A_83 = tpu.memref_squeeze %dma_start3A_82 : memref<1x16x1024xf32, #tpu.memory_space<hbm>> -> memref<16x1024xf32, #tpu.memory_space<hbm>>
    %dma_start3A_84 = arith.constant 0 : i32
    %dma_start3A_85 = arith.constant 0 : i32
    %dma_start3A_86 = tpu.memref_slice %arg6[%dma_start3A_73, %dma_start3A_84, %dma_start3A_85] : memref<7x16x1024xf32, #tpu.memory_space<vmem>> -> memref<1x16x1024xf32, #tpu.memory_space<vmem>>
    %dma_start3A_87 = tpu.memref_squeeze %dma_start3A_86 : memref<1x16x1024xf32, #tpu.memory_space<vmem>> -> memref<16x1024xf32, #tpu.memory_space<vmem>>
    tpu.enqueue_dma source(%dma_start3A_87 : memref<16x1024xf32, #tpu.memory_space<vmem>>) target(%dma_start3A_83 : memref<16x1024xf32, #tpu.memory_space<hbm>>) target_semaphore(%arg14 : memref<!tpu.dma_semaphore, #tpu.memory_space<semaphore_mem>>)
    %dma_start3A_88 = arith.constant 3 : i32
    %dma_start3A_89 = arith.constant 0 : i32
    %dma_start3A_90 = arith.constant 0 : i32
    %dma_start3A_91 = tpu.memref_slice %arg6[%dma_start3A_88, %dma_start3A_89, %dma_start3A_90] : memref<7x16x1024xf32, #tpu.memory_space<vmem>> -> memref<1x16x1024xf32, #tpu.memory_space<vmem>>
    %dma_start3A_92 = tpu.memref_squeeze %dma_start3A_91 : memref<1x16x1024xf32, #tpu.memory_space<vmem>> -> memref<16x1024xf32, #tpu.memory_space<vmem>>
    %dma_start3A_93 = arith.constant 48 : i32
    %dma_start3A_94 = tpu.memref_slice %arg5[%dma_start3A_93] : memref<512xi32, #tpu.memory_space<vmem>> -> memref<16xi32, #tpu.memory_space<vmem>>
    %dma_start3A_95 = arith.constant 0 : i32
    %dma_start3A_96 = arith.constant 0 : i32
    %dma_start3A_97 = tpu.memref_slice %arg2[%dma_start3A_95, %dma_start3A_96] : memref<8192x1024xf32, #tpu.memory_space<hbm>> -> memref<8192x1024xf32, #tpu.memory_space<hbm>>
    tpu.enqueue_indirect_dma source(%dma_start3A_97 : memref<8192x1024xf32, #tpu.memory_space<hbm>>) target(%dma_start3A_92 : memref<16x1024xf32, #tpu.memory_space<vmem>>) offsets(%dma_start3A_94 : memref<16xi32, #tpu.memory_space<vmem>>) semaphore(%arg10 : memref<!tpu.dma_semaphore, #tpu.memory_space<semaphore_mem>>)
    %dma_wait3A_98 = arith.constant 1 : i32
    %dma_wait3A_99 = arith.constant 0 : i32
    %dma_wait3A_100 = arith.constant 0 : i32
    %dma_wait3A_101 = tpu.memref_slice %arg6[%dma_wait3A_98, %dma_wait3A_99, %dma_wait3A_100] : memref<7x16x1024xf32, #tpu.memory_space<vmem>> -> memref<1x16x1024xf32, #tpu.memory_space<vmem>>
    %dma_wait3A_102 = tpu.memref_squeeze %dma_wait3A_101 : memref<1x16x1024xf32, #tpu.memory_space<vmem>> -> memref<16x1024xf32, #tpu.memory_space<vmem>>
    %dma_wait3A_103 = arith.constant 16 : i32
    %dma_wait3A_104 = tpu.memref_slice %arg5[%dma_wait3A_103] : memref<512xi32, #tpu.memory_space<vmem>> -> memref<16xi32, #tpu.memory_space<vmem>>
    %dma_wait3A_105 = arith.constant 0 : i32
    %dma_wait3A_106 = arith.constant 0 : i32
    %dma_wait3A_107 = tpu.memref_slice %arg2[%dma_wait3A_105, %dma_wait3A_106] : memref<8192x1024xf32, #tpu.memory_space<hbm>> -> memref<8192x1024xf32, #tpu.memory_space<hbm>>
    tpu.wait_indirect_dma semaphore(%arg8 : memref<!tpu.dma_semaphore, #tpu.memory_space<semaphore_mem>>) src(%dma_wait3A_107 : memref<8192x1024xf32, #tpu.memory_space<hbm>>) dst(%dma_wait3A_102 : memref<16x1024xf32, #tpu.memory_space<vmem>>)
    %add3A_108 = arith.constant 16 : i32
    %add3A_109 = arith.addi %mul3A_32, %add3A_108 : i32
    %dma_start3A_110 = arith.constant 1 : i32
    %dma_start3A_111 = arith.constant 0 : i32
    %dma_start3A_112 = arith.constant 0 : i32
    %dma_start3A_113 = tpu.memref_slice %arg6[%dma_start3A_110, %dma_start3A_111, %dma_start3A_112] : memref<7x16x1024xf32, #tpu.memory_space<vmem>> -> memref<1x16x1024xf32, #tpu.memory_space<vmem>>
    %dma_start3A_114 = tpu.memref_squeeze %dma_start3A_113 : memref<1x16x1024xf32, #tpu.memory_space<vmem>> -> memref<16x1024xf32, #tpu.memory_space<vmem>>
    %dma_start3A_115 = arith.constant 0 : i32
    %dma_start3A_116 = tpu.memref_slice %arg4[%select_n3A, %add3A_109, %dma_start3A_115] : memref<4x4096x1024xf32, #tpu.memory_space<hbm>> -> memref<1x16x1024xf32, #tpu.memory_space<hbm>>
    %dma_start3A_117 = tpu.memref_squeeze %dma_start3A_116 : memref<1x16x1024xf32, #tpu.memory_space<hbm>> -> memref<16x1024xf32, #tpu.memory_space<hbm>>
    %dma_start3A_118 = arith.constant 0 : i32
    %dma_start3A_119 = tpu.memref_slice %arg4[%select_n3A, %add3A_109, %dma_start3A_118] : memref<4x4096x1024xf32, #tpu.memory_space<hbm>> -> memref<1x16x1024xf32, #tpu.memory_space<hbm>>
    %dma_start3A_120 = tpu.memref_squeeze %dma_start3A_119 : memref<1x16x1024xf32, #tpu.memory_space<hbm>> -> memref<16x1024xf32, #tpu.memory_space<hbm>>
    %dma_start3A_121 = arith.constant 0 : i32
    %dma_start3A_122 = arith.constant 0 : i32
    %dma_start3A_123 = tpu.memref_slice %arg6[%dma_start3A_110, %dma_start3A_121, %dma_start3A_122] : memref<7x16x1024xf32, #tpu.memory_space<vmem>> -> memref<1x16x1024xf32, #tpu.memory_space<vmem>>
    %dma_start3A_124 = tpu.memref_squeeze %dma_start3A_123 : memref<1x16x1024xf32, #tpu.memory_space<vmem>> -> memref<16x1024xf32, #tpu.memory_space<vmem>>
    tpu.enqueue_dma source(%dma_start3A_124 : memref<16x1024xf32, #tpu.memory_space<vmem>>) target(%dma_start3A_120 : memref<16x1024xf32, #tpu.memory_space<hbm>>) target_semaphore(%arg15 : memref<!tpu.dma_semaphore, #tpu.memory_space<semaphore_mem>>)
    %dma_start3A_125 = arith.constant 4 : i32
    %dma_start3A_126 = arith.constant 0 : i32
    %dma_start3A_127 = arith.constant 0 : i32
    %dma_start3A_128 = tpu.memref_slice %arg6[%dma_start3A_125, %dma_start3A_126, %dma_start3A_127] : memref<7x16x1024xf32, #tpu.memory_space<vmem>> -> memref<1x16x1024xf32, #tpu.memory_space<vmem>>
    %dma_start3A_129 = tpu.memref_squeeze %dma_start3A_128 : memref<1x16x1024xf32, #tpu.memory_space<vmem>> -> memref<16x1024xf32, #tpu.memory_space<vmem>>
    %dma_start3A_130 = arith.constant 64 : i32
    %dma_start3A_131 = tpu.memref_slice %arg5[%dma_start3A_130] : memref<512xi32, #tpu.memory_space<vmem>> -> memref<16xi32, #tpu.memory_space<vmem>>
    %dma_start3A_132 = arith.constant 0 : i32
    %dma_start3A_133 = arith.constant 0 : i32
    %dma_start3A_134 = tpu.memref_slice %arg2[%dma_start3A_132, %dma_start3A_133] : memref<8192x1024xf32, #tpu.memory_space<hbm>> -> memref<8192x1024xf32, #tpu.memory_space<hbm>>
    tpu.enqueue_indirect_dma source(%dma_start3A_134 : memref<8192x1024xf32, #tpu.memory_space<hbm>>) target(%dma_start3A_129 : memref<16x1024xf32, #tpu.memory_space<vmem>>) offsets(%dma_start3A_131 : memref<16xi32, #tpu.memory_space<vmem>>) semaphore(%arg11 : memref<!tpu.dma_semaphore, #tpu.memory_space<semaphore_mem>>)
    %dma_wait3A_135 = arith.constant 2 : i32
    %dma_wait3A_136 = arith.constant 0 : i32
    %dma_wait3A_137 = arith.constant 0 : i32
    %dma_wait3A_138 = tpu.memref_slice %arg6[%dma_wait3A_135, %dma_wait3A_136, %dma_wait3A_137] : memref<7x16x1024xf32, #tpu.memory_space<vmem>> -> memref<1x16x1024xf32, #tpu.memory_space<vmem>>
    %dma_wait3A_139 = tpu.memref_squeeze %dma_wait3A_138 : memref<1x16x1024xf32, #tpu.memory_space<vmem>> -> memref<16x1024xf32, #tpu.memory_space<vmem>>
    %dma_wait3A_140 = arith.constant 32 : i32
    %dma_wait3A_141 = tpu.memref_slice %arg5[%dma_wait3A_140] : memref<512xi32, #tpu.memory_space<vmem>> -> memref<16xi32, #tpu.memory_space<vmem>>
    %dma_wait3A_142 = arith.constant 0 : i32
    %dma_wait3A_143 = arith.constant 0 : i32
    %dma_wait3A_144 = tpu.memref_slice %arg2[%dma_wait3A_142, %dma_wait3A_143] : memref<8192x1024xf32, #tpu.memory_space<hbm>> -> memref<8192x1024xf32, #tpu.memory_space<hbm>>
    tpu.wait_indirect_dma semaphore(%arg9 : memref<!tpu.dma_semaphore, #tpu.memory_space<semaphore_mem>>) src(%dma_wait3A_144 : memref<8192x1024xf32, #tpu.memory_space<hbm>>) dst(%dma_wait3A_139 : memref<16x1024xf32, #tpu.memory_space<vmem>>)
    %add3A_145 = arith.constant 32 : i32
    %add3A_146 = arith.addi %mul3A_32, %add3A_145 : i32
    %dma_start3A_147 = arith.constant 2 : i32
    %dma_start3A_148 = arith.constant 0 : i32
    %dma_start3A_149 = arith.constant 0 : i32
    %dma_start3A_150 = tpu.memref_slice %arg6[%dma_start3A_147, %dma_start3A_148, %dma_start3A_149] : memref<7x16x1024xf32, #tpu.memory_space<vmem>> -> memref<1x16x1024xf32, #tpu.memory_space<vmem>>
    %dma_start3A_151 = tpu.memref_squeeze %dma_start3A_150 : memref<1x16x1024xf32, #tpu.memory_space<vmem>> -> memref<16x1024xf32, #tpu.memory_space<vmem>>
    %dma_start3A_152 = arith.constant 0 : i32
    %dma_start3A_153 = tpu.memref_slice %arg4[%select_n3A, %add3A_146, %dma_start3A_152] : memref<4x4096x1024xf32, #tpu.memory_space<hbm>> -> memref<1x16x1024xf32, #tpu.memory_space<hbm>>
    %dma_start3A_154 = tpu.memref_squeeze %dma_start3A_153 : memref<1x16x1024xf32, #tpu.memory_space<hbm>> -> memref<16x1024xf32, #tpu.memory_space<hbm>>
    %dma_start3A_155 = arith.constant 0 : i32
    %dma_start3A_156 = tpu.memref_slice %arg4[%select_n3A, %add3A_146, %dma_start3A_155] : memref<4x4096x1024xf32, #tpu.memory_space<hbm>> -> memref<1x16x1024xf32, #tpu.memory_space<hbm>>
    %dma_start3A_157 = tpu.memref_squeeze %dma_start3A_156 : memref<1x16x1024xf32, #tpu.memory_space<hbm>> -> memref<16x1024xf32, #tpu.memory_space<hbm>>
    %dma_start3A_158 = arith.constant 0 : i32
    %dma_start3A_159 = arith.constant 0 : i32
    %dma_start3A_160 = tpu.memref_slice %arg6[%dma_start3A_147, %dma_start3A_158, %dma_start3A_159] : memref<7x16x1024xf32, #tpu.memory_space<vmem>> -> memref<1x16x1024xf32, #tpu.memory_space<vmem>>
    %dma_start3A_161 = tpu.memref_squeeze %dma_start3A_160 : memref<1x16x1024xf32, #tpu.memory_space<vmem>> -> memref<16x1024xf32, #tpu.memory_space<vmem>>
    tpu.enqueue_dma source(%dma_start3A_161 : memref<16x1024xf32, #tpu.memory_space<vmem>>) target(%dma_start3A_157 : memref<16x1024xf32, #tpu.memory_space<hbm>>) target_semaphore(%arg16 : memref<!tpu.dma_semaphore, #tpu.memory_space<semaphore_mem>>)
    %dma_start3A_162 = arith.constant 5 : i32
    %dma_start3A_163 = arith.constant 0 : i32
    %dma_start3A_164 = arith.constant 0 : i32
    %dma_start3A_165 = tpu.memref_slice %arg6[%dma_start3A_162, %dma_start3A_163, %dma_start3A_164] : memref<7x16x1024xf32, #tpu.memory_space<vmem>> -> memref<1x16x1024xf32, #tpu.memory_space<vmem>>
    %dma_start3A_166 = tpu.memref_squeeze %dma_start3A_165 : memref<1x16x1024xf32, #tpu.memory_space<vmem>> -> memref<16x1024xf32, #tpu.memory_space<vmem>>
    %dma_start3A_167 = arith.constant 80 : i32
    %dma_start3A_168 = tpu.memref_slice %arg5[%dma_start3A_167] : memref<512xi32, #tpu.memory_space<vmem>> -> memref<16xi32, #tpu.memory_space<vmem>>
    %dma_start3A_169 = arith.constant 0 : i32
    %dma_start3A_170 = arith.constant 0 : i32
    %dma_start3A_171 = tpu.memref_slice %arg2[%dma_start3A_169, %dma_start3A_170] : memref<8192x1024xf32, #tpu.memory_space<hbm>> -> memref<8192x1024xf32, #tpu.memory_space<hbm>>
    tpu.enqueue_indirect_dma source(%dma_start3A_171 : memref<8192x1024xf32, #tpu.memory_space<hbm>>) target(%dma_start3A_166 : memref<16x1024xf32, #tpu.memory_space<vmem>>) offsets(%dma_start3A_168 : memref<16xi32, #tpu.memory_space<vmem>>) semaphore(%arg12 : memref<!tpu.dma_semaphore, #tpu.memory_space<semaphore_mem>>)
    %dma_wait3A_172 = arith.constant 3 : i32
    %dma_wait3A_173 = arith.constant 0 : i32
    %dma_wait3A_174 = arith.constant 0 : i32
    %dma_wait3A_175 = tpu.memref_slice %arg6[%dma_wait3A_172, %dma_wait3A_173, %dma_wait3A_174] : memref<7x16x1024xf32, #tpu.memory_space<vmem>> -> memref<1x16x1024xf32, #tpu.memory_space<vmem>>
    %dma_wait3A_176 = tpu.memref_squeeze %dma_wait3A_175 : memref<1x16x1024xf32, #tpu.memory_space<vmem>> -> memref<16x1024xf32, #tpu.memory_space<vmem>>
    %dma_wait3A_177 = arith.constant 48 : i32
    %dma_wait3A_178 = tpu.memref_slice %arg5[%dma_wait3A_177] : memref<512xi32, #tpu.memory_space<vmem>> -> memref<16xi32, #tpu.memory_space<vmem>>
    %dma_wait3A_179 = arith.constant 0 : i32
    %dma_wait3A_180 = arith.constant 0 : i32
    %dma_wait3A_181 = tpu.memref_slice %arg2[%dma_wait3A_179, %dma_wait3A_180] : memref<8192x1024xf32, #tpu.memory_space<hbm>> -> memref<8192x1024xf32, #tpu.memory_space<hbm>>
    tpu.wait_indirect_dma semaphore(%arg10 : memref<!tpu.dma_semaphore, #tpu.memory_space<semaphore_mem>>) src(%dma_wait3A_181 : memref<8192x1024xf32, #tpu.memory_space<hbm>>) dst(%dma_wait3A_176 : memref<16x1024xf32, #tpu.memory_space<vmem>>)
    %add3A_182 = arith.constant 48 : i32
    %add3A_183 = arith.addi %mul3A_32, %add3A_182 : i32
    %dma_start3A_184 = arith.constant 3 : i32
    %dma_start3A_185 = arith.constant 0 : i32
    %dma_start3A_186 = arith.constant 0 : i32
    %dma_start3A_187 = tpu.memref_slice %arg6[%dma_start3A_184, %dma_start3A_185, %dma_start3A_186] : memref<7x16x1024xf32, #tpu.memory_space<vmem>> -> memref<1x16x1024xf32, #tpu.memory_space<vmem>>
    %dma_start3A_188 = tpu.memref_squeeze %dma_start3A_187 : memref<1x16x1024xf32, #tpu.memory_space<vmem>> -> memref<16x1024xf32, #tpu.memory_space<vmem>>
    %dma_start3A_189 = arith.constant 0 : i32
    %dma_start3A_190 = tpu.memref_slice %arg4[%select_n3A, %add3A_183, %dma_start3A_189] : memref<4x4096x1024xf32, #tpu.memory_space<hbm>> -> memref<1x16x1024xf32, #tpu.memory_space<hbm>>
    %dma_start3A_191 = tpu.memref_squeeze %dma_start3A_190 : memref<1x16x1024xf32, #tpu.memory_space<hbm>> -> memref<16x1024xf32, #tpu.memory_space<hbm>>
    %dma_start3A_192 = arith.constant 0 : i32
    %dma_start3A_193 = tpu.memref_slice %arg4[%select_n3A, %add3A_183, %dma_start3A_192] : memref<4x4096x1024xf32, #tpu.memory_space<hbm>> -> memref<1x16x1024xf32, #tpu.memory_space<hbm>>
    %dma_start3A_194 = tpu.memref_squeeze %dma_start3A_193 : memref<1x16x1024xf32, #tpu.memory_space<hbm>> -> memref<16x1024xf32, #tpu.memory_space<hbm>>
    %dma_start3A_195 = arith.constant 0 : i32
    %dma_start3A_196 = arith.constant 0 : i32
    %dma_start3A_197 = tpu.memref_slice %arg6[%dma_start3A_184, %dma_start3A_195, %dma_start3A_196] : memref<7x16x1024xf32, #tpu.memory_space<vmem>> -> memref<1x16x1024xf32, #tpu.memory_space<vmem>>
    %dma_start3A_198 = tpu.memref_squeeze %dma_start3A_197 : memref<1x16x1024xf32, #tpu.memory_space<vmem>> -> memref<16x1024xf32, #tpu.memory_space<vmem>>
    tpu.enqueue_dma source(%dma_start3A_198 : memref<16x1024xf32, #tpu.memory_space<vmem>>) target(%dma_start3A_194 : memref<16x1024xf32, #tpu.memory_space<hbm>>) target_semaphore(%arg17 : memref<!tpu.dma_semaphore, #tpu.memory_space<semaphore_mem>>)
    %dma_start3A_199 = arith.constant 6 : i32
    %dma_start3A_200 = arith.constant 0 : i32
    %dma_start3A_201 = arith.constant 0 : i32
    %dma_start3A_202 = tpu.memref_slice %arg6[%dma_start3A_199, %dma_start3A_200, %dma_start3A_201] : memref<7x16x1024xf32, #tpu.memory_space<vmem>> -> memref<1x16x1024xf32, #tpu.memory_space<vmem>>
    %dma_start3A_203 = tpu.memref_squeeze %dma_start3A_202 : memref<1x16x1024xf32, #tpu.memory_space<vmem>> -> memref<16x1024xf32, #tpu.memory_space<vmem>>
    %dma_start3A_204 = arith.constant 96 : i32
    %dma_start3A_205 = tpu.memref_slice %arg5[%dma_start3A_204] : memref<512xi32, #tpu.memory_space<vmem>> -> memref<16xi32, #tpu.memory_space<vmem>>
    %dma_start3A_206 = arith.constant 0 : i32
    %dma_start3A_207 = arith.constant 0 : i32
    %dma_start3A_208 = tpu.memref_slice %arg2[%dma_start3A_206, %dma_start3A_207] : memref<8192x1024xf32, #tpu.memory_space<hbm>> -> memref<8192x1024xf32, #tpu.memory_space<hbm>>
    tpu.enqueue_indirect_dma source(%dma_start3A_208 : memref<8192x1024xf32, #tpu.memory_space<hbm>>) target(%dma_start3A_203 : memref<16x1024xf32, #tpu.memory_space<vmem>>) offsets(%dma_start3A_205 : memref<16xi32, #tpu.memory_space<vmem>>) semaphore(%arg13 : memref<!tpu.dma_semaphore, #tpu.memory_space<semaphore_mem>>)
    %dma_wait3A_209 = arith.constant 4 : i32
    %dma_wait3A_210 = arith.constant 0 : i32
    %dma_wait3A_211 = arith.constant 0 : i32
    %dma_wait3A_212 = tpu.memref_slice %arg6[%dma_wait3A_209, %dma_wait3A_210, %dma_wait3A_211] : memref<7x16x1024xf32, #tpu.memory_space<vmem>> -> memref<1x16x1024xf32, #tpu.memory_space<vmem>>
    %dma_wait3A_213 = tpu.memref_squeeze %dma_wait3A_212 : memref<1x16x1024xf32, #tpu.memory_space<vmem>> -> memref<16x1024xf32, #tpu.memory_space<vmem>>
    %dma_wait3A_214 = arith.constant 64 : i32
    %dma_wait3A_215 = tpu.memref_slice %arg5[%dma_wait3A_214] : memref<512xi32, #tpu.memory_space<vmem>> -> memref<16xi32, #tpu.memory_space<vmem>>
    %dma_wait3A_216 = arith.constant 0 : i32
    %dma_wait3A_217 = arith.constant 0 : i32
    %dma_wait3A_218 = tpu.memref_slice %arg2[%dma_wait3A_216, %dma_wait3A_217] : memref<8192x1024xf32, #tpu.memory_space<hbm>> -> memref<8192x1024xf32, #tpu.memory_space<hbm>>
    tpu.wait_indirect_dma semaphore(%arg11 : memref<!tpu.dma_semaphore, #tpu.memory_space<semaphore_mem>>) src(%dma_wait3A_218 : memref<8192x1024xf32, #tpu.memory_space<hbm>>) dst(%dma_wait3A_213 : memref<16x1024xf32, #tpu.memory_space<vmem>>)
    %add3A_219 = arith.constant 64 : i32
    %add3A_220 = arith.addi %mul3A_32, %add3A_219 : i32
    %dma_start3A_221 = arith.constant 4 : i32
    %dma_start3A_222 = arith.constant 0 : i32
    %dma_start3A_223 = arith.constant 0 : i32
    %dma_start3A_224 = tpu.memref_slice %arg6[%dma_start3A_221, %dma_start3A_222, %dma_start3A_223] : memref<7x16x1024xf32, #tpu.memory_space<vmem>> -> memref<1x16x1024xf32, #tpu.memory_space<vmem>>
    %dma_start3A_225 = tpu.memref_squeeze %dma_start3A_224 : memref<1x16x1024xf32, #tpu.memory_space<vmem>> -> memref<16x1024xf32, #tpu.memory_space<vmem>>
    %dma_start3A_226 = arith.constant 0 : i32
    %dma_start3A_227 = tpu.memref_slice %arg4[%select_n3A, %add3A_220, %dma_start3A_226] : memref<4x4096x1024xf32, #tpu.memory_space<hbm>> -> memref<1x16x1024xf32, #tpu.memory_space<hbm>>
    %dma_start3A_228 = tpu.memref_squeeze %dma_start3A_227 : memref<1x16x1024xf32, #tpu.memory_space<hbm>> -> memref<16x1024xf32, #tpu.memory_space<hbm>>
    %dma_start3A_229 = arith.constant 0 : i32
    %dma_start3A_230 = tpu.memref_slice %arg4[%select_n3A, %add3A_220, %dma_start3A_229] : memref<4x4096x1024xf32, #tpu.memory_space<hbm>> -> memref<1x16x1024xf32, #tpu.memory_space<hbm>>
    %dma_start3A_231 = tpu.memref_squeeze %dma_start3A_230 : memref<1x16x1024xf32, #tpu.memory_space<hbm>> -> memref<16x1024xf32, #tpu.memory_space<hbm>>
    %dma_start3A_232 = arith.constant 0 : i32
    %dma_start3A_233 = arith.constant 0 : i32
    %dma_start3A_234 = tpu.memref_slice %arg6[%dma_start3A_221, %dma_start3A_232, %dma_start3A_233] : memref<7x16x1024xf32, #tpu.memory_space<vmem>> -> memref<1x16x1024xf32, #tpu.memory_space<vmem>>
    %dma_start3A_235 = tpu.memref_squeeze %dma_start3A_234 : memref<1x16x1024xf32, #tpu.memory_space<vmem>> -> memref<16x1024xf32, #tpu.memory_space<vmem>>
    tpu.enqueue_dma source(%dma_start3A_235 : memref<16x1024xf32, #tpu.memory_space<vmem>>) target(%dma_start3A_231 : memref<16x1024xf32, #tpu.memory_space<hbm>>) target_semaphore(%arg18 : memref<!tpu.dma_semaphore, #tpu.memory_space<semaphore_mem>>)
    %dma_wait3A_236 = arith.constant 0 : i32
    %dma_wait3A_237 = arith.constant 0 : i32
    %dma_wait3A_238 = arith.constant 0 : i32
    %dma_wait3A_239 = tpu.memref_slice %arg6[%dma_wait3A_236, %dma_wait3A_237, %dma_wait3A_238] : memref<7x16x1024xf32, #tpu.memory_space<vmem>> -> memref<1x16x1024xf32, #tpu.memory_space<vmem>>
    %dma_wait3A_240 = tpu.memref_squeeze %dma_wait3A_239 : memref<1x16x1024xf32, #tpu.memory_space<vmem>> -> memref<16x1024xf32, #tpu.memory_space<vmem>>
    %dma_wait3A_241 = arith.constant 0 : i32
    %dma_wait3A_242 = tpu.memref_slice %arg4[%select_n3A, %add3A_72, %dma_wait3A_241] : memref<4x4096x1024xf32, #tpu.memory_space<hbm>> -> memref<1x16x1024xf32, #tpu.memory_space<hbm>>
    %dma_wait3A_243 = tpu.memref_squeeze %dma_wait3A_242 : memref<1x16x1024xf32, #tpu.memory_space<hbm>> -> memref<16x1024xf32, #tpu.memory_space<hbm>>
    %dma_wait3A_244 = arith.constant 0 : i32
    %dma_wait3A_245 = tpu.memref_slice %arg4[%select_n3A, %add3A_72, %dma_wait3A_244] : memref<4x4096x1024xf32, #tpu.memory_space<hbm>> -> memref<1x16x1024xf32, #tpu.memory_space<hbm>>
    %dma_wait3A_246 = tpu.memref_squeeze %dma_wait3A_245 : memref<1x16x1024xf32, #tpu.memory_space<hbm>> -> memref<16x1024xf32, #tpu.memory_space<hbm>>
    %dma_wait3A_247 = arith.constant 0 : i32
    %dma_wait3A_248 = arith.constant 0 : i32
    %dma_wait3A_249 = tpu.memref_slice %arg6[%dma_wait3A_236, %dma_wait3A_247, %dma_wait3A_248] : memref<7x16x1024xf32, #tpu.memory_space<vmem>> -> memref<1x16x1024xf32, #tpu.memory_space<vmem>>
    %dma_wait3A_250 = tpu.memref_squeeze %dma_wait3A_249 : memref<1x16x1024xf32, #tpu.memory_space<vmem>> -> memref<16x1024xf32, #tpu.memory_space<vmem>>
    tpu.wait_dma2 semaphore(%arg14 : memref<!tpu.dma_semaphore, #tpu.memory_space<semaphore_mem>>) src(%dma_wait3A_250 : memref<16x1024xf32, #tpu.memory_space<vmem>>) dst(%dma_wait3A_246 : memref<16x1024xf32, #tpu.memory_space<hbm>>)
    %dma_start3A_251 = arith.constant 0 : i32
    %dma_start3A_252 = arith.constant 0 : i32
    %dma_start3A_253 = arith.constant 0 : i32
    %dma_start3A_254 = tpu.memref_slice %arg6[%dma_start3A_251, %dma_start3A_252, %dma_start3A_253] : memref<7x16x1024xf32, #tpu.memory_space<vmem>> -> memref<1x16x1024xf32, #tpu.memory_space<vmem>>
    %dma_start3A_255 = tpu.memref_squeeze %dma_start3A_254 : memref<1x16x1024xf32, #tpu.memory_space<vmem>> -> memref<16x1024xf32, #tpu.memory_space<vmem>>
    %dma_start3A_256 = arith.constant 112 : i32
    %dma_start3A_257 = tpu.memref_slice %arg5[%dma_start3A_256] : memref<512xi32, #tpu.memory_space<vmem>> -> memref<16xi32, #tpu.memory_space<vmem>>
    %dma_start3A_258 = arith.constant 0 : i32
    %dma_start3A_259 = arith.constant 0 : i32
    %dma_start3A_260 = tpu.memref_slice %arg2[%dma_start3A_258, %dma_start3A_259] : memref<8192x1024xf32, #tpu.memory_space<hbm>> -> memref<8192x1024xf32, #tpu.memory_space<hbm>>
    tpu.enqueue_indirect_dma source(%dma_start3A_260 : memref<8192x1024xf32, #tpu.memory_space<hbm>>) target(%dma_start3A_255 : memref<16x1024xf32, #tpu.memory_space<vmem>>) offsets(%dma_start3A_257 : memref<16xi32, #tpu.memory_space<vmem>>) semaphore(%arg7 : memref<!tpu.dma_semaphore, #tpu.memory_space<semaphore_mem>>)
    %dma_wait3A_261 = arith.constant 5 : i32
    %dma_wait3A_262 = arith.constant 0 : i32
    %dma_wait3A_263 = arith.constant 0 : i32
    %dma_wait3A_264 = tpu.memref_slice %arg6[%dma_wait3A_261, %dma_wait3A_262, %dma_wait3A_263] : memref<7x16x1024xf32, #tpu.memory_space<vmem>> -> memref<1x16x1024xf32, #tpu.memory_space<vmem>>
    %dma_wait3A_265 = tpu.memref_squeeze %dma_wait3A_264 : memref<1x16x1024xf32, #tpu.memory_space<vmem>> -> memref<16x1024xf32, #tpu.memory_space<vmem>>
    %dma_wait3A_266 = arith.constant 80 : i32
    %dma_wait3A_267 = tpu.memref_slice %arg5[%dma_wait3A_266] : memref<512xi32, #tpu.memory_space<vmem>> -> memref<16xi32, #tpu.memory_space<vmem>>
    %dma_wait3A_268 = arith.constant 0 : i32
    %dma_wait3A_269 = arith.constant 0 : i32
    %dma_wait3A_270 = tpu.memref_slice %arg2[%dma_wait3A_268, %dma_wait3A_269] : memref<8192x1024xf32, #tpu.memory_space<hbm>> -> memref<8192x1024xf32, #tpu.memory_space<hbm>>
    tpu.wait_indirect_dma semaphore(%arg12 : memref<!tpu.dma_semaphore, #tpu.memory_space<semaphore_mem>>) src(%dma_wait3A_270 : memref<8192x1024xf32, #tpu.memory_space<hbm>>) dst(%dma_wait3A_265 : memref<16x1024xf32, #tpu.memory_space<vmem>>)
    %add3A_271 = arith.constant 80 : i32
    %add3A_272 = arith.addi %mul3A_32, %add3A_271 : i32
    %dma_start3A_273 = arith.constant 5 : i32
    %dma_start3A_274 = arith.constant 0 : i32
    %dma_start3A_275 = arith.constant 0 : i32
    %dma_start3A_276 = tpu.memref_slice %arg6[%dma_start3A_273, %dma_start3A_274, %dma_start3A_275] : memref<7x16x1024xf32, #tpu.memory_space<vmem>> -> memref<1x16x1024xf32, #tpu.memory_space<vmem>>
    %dma_start3A_277 = tpu.memref_squeeze %dma_start3A_276 : memref<1x16x1024xf32, #tpu.memory_space<vmem>> -> memref<16x1024xf32, #tpu.memory_space<vmem>>
    %dma_start3A_278 = arith.constant 0 : i32
    %dma_start3A_279 = tpu.memref_slice %arg4[%select_n3A, %add3A_272, %dma_start3A_278] : memref<4x4096x1024xf32, #tpu.memory_space<hbm>> -> memref<1x16x1024xf32, #tpu.memory_space<hbm>>
    %dma_start3A_280 = tpu.memref_squeeze %dma_start3A_279 : memref<1x16x1024xf32, #tpu.memory_space<hbm>> -> memref<16x1024xf32, #tpu.memory_space<hbm>>
    %dma_start3A_281 = arith.constant 0 : i32
    %dma_start3A_282 = tpu.memref_slice %arg4[%select_n3A, %add3A_272, %dma_start3A_281] : memref<4x4096x1024xf32, #tpu.memory_space<hbm>> -> memref<1x16x1024xf32, #tpu.memory_space<hbm>>
    %dma_start3A_283 = tpu.memref_squeeze %dma_start3A_282 : memref<1x16x1024xf32, #tpu.memory_space<hbm>> -> memref<16x1024xf32, #tpu.memory_space<hbm>>
    %dma_start3A_284 = arith.constant 0 : i32
    %dma_start3A_285 = arith.constant 0 : i32
    %dma_start3A_286 = tpu.memref_slice %arg6[%dma_start3A_273, %dma_start3A_284, %dma_start3A_285] : memref<7x16x1024xf32, #tpu.memory_space<vmem>> -> memref<1x16x1024xf32, #tpu.memory_space<vmem>>
    %dma_start3A_287 = tpu.memref_squeeze %dma_start3A_286 : memref<1x16x1024xf32, #tpu.memory_space<vmem>> -> memref<16x1024xf32, #tpu.memory_space<vmem>>
    tpu.enqueue_dma source(%dma_start3A_287 : memref<16x1024xf32, #tpu.memory_space<vmem>>) target(%dma_start3A_283 : memref<16x1024xf32, #tpu.memory_space<hbm>>) target_semaphore(%arg19 : memref<!tpu.dma_semaphore, #tpu.memory_space<semaphore_mem>>)
    %dma_wait3A_288 = arith.constant 1 : i32
    %dma_wait3A_289 = arith.constant 0 : i32
    %dma_wait3A_290 = arith.constant 0 : i32
    %dma_wait3A_291 = tpu.memref_slice %arg6[%dma_wait3A_288, %dma_wait3A_289, %dma_wait3A_290] : memref<7x16x1024xf32, #tpu.memory_space<vmem>> -> memref<1x16x1024xf32, #tpu.memory_space<vmem>>
    %dma_wait3A_292 = tpu.memref_squeeze %dma_wait3A_291 : memref<1x16x1024xf32, #tpu.memory_space<vmem>> -> memref<16x1024xf32, #tpu.memory_space<vmem>>
    %dma_wait3A_293 = arith.constant 0 : i32
    %dma_wait3A_294 = tpu.memref_slice %arg4[%select_n3A, %add3A_109, %dma_wait3A_293] : memref<4x4096x1024xf32, #tpu.memory_space<hbm>> -> memref<1x16x1024xf32, #tpu.memory_space<hbm>>
    %dma_wait3A_295 = tpu.memref_squeeze %dma_wait3A_294 : memref<1x16x1024xf32, #tpu.memory_space<hbm>> -> memref<16x1024xf32, #tpu.memory_space<hbm>>
    %dma_wait3A_296 = arith.constant 0 : i32
    %dma_wait3A_297 = tpu.memref_slice %arg4[%select_n3A, %add3A_109, %dma_wait3A_296] : memref<4x4096x1024xf32, #tpu.memory_space<hbm>> -> memref<1x16x1024xf32, #tpu.memory_space<hbm>>
    %dma_wait3A_298 = tpu.memref_squeeze %dma_wait3A_297 : memref<1x16x1024xf32, #tpu.memory_space<hbm>> -> memref<16x1024xf32, #tpu.memory_space<hbm>>
    %dma_wait3A_299 = arith.constant 0 : i32
    %dma_wait3A_300 = arith.constant 0 : i32
    %dma_wait3A_301 = tpu.memref_slice %arg6[%dma_wait3A_288, %dma_wait3A_299, %dma_wait3A_300] : memref<7x16x1024xf32, #tpu.memory_space<vmem>> -> memref<1x16x1024xf32, #tpu.memory_space<vmem>>
    %dma_wait3A_302 = tpu.memref_squeeze %dma_wait3A_301 : memref<1x16x1024xf32, #tpu.memory_space<vmem>> -> memref<16x1024xf32, #tpu.memory_space<vmem>>
    tpu.wait_dma2 semaphore(%arg15 : memref<!tpu.dma_semaphore, #tpu.memory_space<semaphore_mem>>) src(%dma_wait3A_302 : memref<16x1024xf32, #tpu.memory_space<vmem>>) dst(%dma_wait3A_298 : memref<16x1024xf32, #tpu.memory_space<hbm>>)
    %dma_start3A_303 = arith.constant 1 : i32
    %dma_start3A_304 = arith.constant 0 : i32
    %dma_start3A_305 = arith.constant 0 : i32
    %dma_start3A_306 = tpu.memref_slice %arg6[%dma_start3A_303, %dma_start3A_304, %dma_start3A_305] : memref<7x16x1024xf32, #tpu.memory_space<vmem>> -> memref<1x16x1024xf32, #tpu.memory_space<vmem>>
    %dma_start3A_307 = tpu.memref_squeeze %dma_start3A_306 : memref<1x16x1024xf32, #tpu.memory_space<vmem>> -> memref<16x1024xf32, #tpu.memory_space<vmem>>
    %dma_start3A_308 = arith.constant 128 : i32
    %dma_start3A_309 = tpu.memref_slice %arg5[%dma_start3A_308] : memref<512xi32, #tpu.memory_space<vmem>> -> memref<16xi32, #tpu.memory_space<vmem>>
    %dma_start3A_310 = arith.constant 0 : i32
    %dma_start3A_311 = arith.constant 0 : i32
    %dma_start3A_312 = tpu.memref_slice %arg2[%dma_start3A_310, %dma_start3A_311] : memref<8192x1024xf32, #tpu.memory_space<hbm>> -> memref<8192x1024xf32, #tpu.memory_space<hbm>>
    tpu.enqueue_indirect_dma source(%dma_start3A_312 : memref<8192x1024xf32, #tpu.memory_space<hbm>>) target(%dma_start3A_307 : memref<16x1024xf32, #tpu.memory_space<vmem>>) offsets(%dma_start3A_309 : memref<16xi32, #tpu.memory_space<vmem>>) semaphore(%arg8 : memref<!tpu.dma_semaphore, #tpu.memory_space<semaphore_mem>>)
    %dma_wait3A_313 = arith.constant 6 : i32
    %dma_wait3A_314 = arith.constant 0 : i32
    %dma_wait3A_315 = arith.constant 0 : i32
    %dma_wait3A_316 = tpu.memref_slice %arg6[%dma_wait3A_313, %dma_wait3A_314, %dma_wait3A_315] : memref<7x16x1024xf32, #tpu.memory_space<vmem>> -> memref<1x16x1024xf32, #tpu.memory_space<vmem>>
    %dma_wait3A_317 = tpu.memref_squeeze %dma_wait3A_316 : memref<1x16x1024xf32, #tpu.memory_space<vmem>> -> memref<16x1024xf32, #tpu.memory_space<vmem>>
    %dma_wait3A_318 = arith.constant 96 : i32
    %dma_wait3A_319 = tpu.memref_slice %arg5[%dma_wait3A_318] : memref<512xi32, #tpu.memory_space<vmem>> -> memref<16xi32, #tpu.memory_space<vmem>>
    %dma_wait3A_320 = arith.constant 0 : i32
    %dma_wait3A_321 = arith.constant 0 : i32
    %dma_wait3A_322 = tpu.memref_slice %arg2[%dma_wait3A_320, %dma_wait3A_321] : memref<8192x1024xf32, #tpu.memory_space<hbm>> -> memref<8192x1024xf32, #tpu.memory_space<hbm>>
    tpu.wait_indirect_dma semaphore(%arg13 : memref<!tpu.dma_semaphore, #tpu.memory_space<semaphore_mem>>) src(%dma_wait3A_322 : memref<8192x1024xf32, #tpu.memory_space<hbm>>) dst(%dma_wait3A_317 : memref<16x1024xf32, #tpu.memory_space<vmem>>)
    %add3A_323 = arith.constant 96 : i32
    %add3A_324 = arith.addi %mul3A_32, %add3A_323 : i32
    %dma_start3A_325 = arith.constant 6 : i32
    %dma_start3A_326 = arith.constant 0 : i32
    %dma_start3A_327 = arith.constant 0 : i32
    %dma_start3A_328 = tpu.memref_slice %arg6[%dma_start3A_325, %dma_start3A_326, %dma_start3A_327] : memref<7x16x1024xf32, #tpu.memory_space<vmem>> -> memref<1x16x1024xf32, #tpu.memory_space<vmem>>
    %dma_start3A_329 = tpu.memref_squeeze %dma_start3A_328 : memref<1x16x1024xf32, #tpu.memory_space<vmem>> -> memref<16x1024xf32, #tpu.memory_space<vmem>>
    %dma_start3A_330 = arith.constant 0 : i32
    %dma_start3A_331 = tpu.memref_slice %arg4[%select_n3A, %add3A_324, %dma_start3A_330] : memref<4x4096x1024xf32, #tpu.memory_space<hbm>> -> memref<1x16x1024xf32, #tpu.memory_space<hbm>>
    %dma_start3A_332 = tpu.memref_squeeze %dma_start3A_331 : memref<1x16x1024xf32, #tpu.memory_space<hbm>> -> memref<16x1024xf32, #tpu.memory_space<hbm>>
    %dma_start3A_333 = arith.constant 0 : i32
    %dma_start3A_334 = tpu.memref_slice %arg4[%select_n3A, %add3A_324, %dma_start3A_333] : memref<4x4096x1024xf32, #tpu.memory_space<hbm>> -> memref<1x16x1024xf32, #tpu.memory_space<hbm>>
    %dma_start3A_335 = tpu.memref_squeeze %dma_start3A_334 : memref<1x16x1024xf32, #tpu.memory_space<hbm>> -> memref<16x1024xf32, #tpu.memory_space<hbm>>
    %dma_start3A_336 = arith.constant 0 : i32
    %dma_start3A_337 = arith.constant 0 : i32
    %dma_start3A_338 = tpu.memref_slice %arg6[%dma_start3A_325, %dma_start3A_336, %dma_start3A_337] : memref<7x16x1024xf32, #tpu.memory_space<vmem>> -> memref<1x16x1024xf32, #tpu.memory_space<vmem>>
    %dma_start3A_339 = tpu.memref_squeeze %dma_start3A_338 : memref<1x16x1024xf32, #tpu.memory_space<vmem>> -> memref<16x1024xf32, #tpu.memory_space<vmem>>
    tpu.enqueue_dma source(%dma_start3A_339 : memref<16x1024xf32, #tpu.memory_space<vmem>>) target(%dma_start3A_335 : memref<16x1024xf32, #tpu.memory_space<hbm>>) target_semaphore(%arg20 : memref<!tpu.dma_semaphore, #tpu.memory_space<semaphore_mem>>)
    %dma_wait3A_340 = arith.constant 2 : i32
    %dma_wait3A_341 = arith.constant 0 : i32
    %dma_wait3A_342 = arith.constant 0 : i32
    %dma_wait3A_343 = tpu.memref_slice %arg6[%dma_wait3A_340, %dma_wait3A_341, %dma_wait3A_342] : memref<7x16x1024xf32, #tpu.memory_space<vmem>> -> memref<1x16x1024xf32, #tpu.memory_space<vmem>>
    %dma_wait3A_344 = tpu.memref_squeeze %dma_wait3A_343 : memref<1x16x1024xf32, #tpu.memory_space<vmem>> -> memref<16x1024xf32, #tpu.memory_space<vmem>>
    %dma_wait3A_345 = arith.constant 0 : i32
    %dma_wait3A_346 = tpu.memref_slice %arg4[%select_n3A, %add3A_146, %dma_wait3A_345] : memref<4x4096x1024xf32, #tpu.memory_space<hbm>> -> memref<1x16x1024xf32, #tpu.memory_space<hbm>>
    %dma_wait3A_347 = tpu.memref_squeeze %dma_wait3A_346 : memref<1x16x1024xf32, #tpu.memory_space<hbm>> -> memref<16x1024xf32, #tpu.memory_space<hbm>>
    %dma_wait3A_348 = arith.constant 0 : i32
    %dma_wait3A_349 = tpu.memref_slice %arg4[%select_n3A, %add3A_146, %dma_wait3A_348] : memref<4x4096x1024xf32, #tpu.memory_space<hbm>> -> memref<1x16x1024xf32, #tpu.memory_space<hbm>>
    %dma_wait3A_350 = tpu.memref_squeeze %dma_wait3A_349 : memref<1x16x1024xf32, #tpu.memory_space<hbm>> -> memref<16x1024xf32, #tpu.memory_space<hbm>>
    %dma_wait3A_351 = arith.constant 0 : i32
    %dma_wait3A_352 = arith.constant 0 : i32
    %dma_wait3A_353 = tpu.memref_slice %arg6[%dma_wait3A_340, %dma_wait3A_351, %dma_wait3A_352] : memref<7x16x1024xf32, #tpu.memory_space<vmem>> -> memref<1x16x1024xf32, #tpu.memory_space<vmem>>
    %dma_wait3A_354 = tpu.memref_squeeze %dma_wait3A_353 : memref<1x16x1024xf32, #tpu.memory_space<vmem>> -> memref<16x1024xf32, #tpu.memory_space<vmem>>
    tpu.wait_dma2 semaphore(%arg16 : memref<!tpu.dma_semaphore, #tpu.memory_space<semaphore_mem>>) src(%dma_wait3A_354 : memref<16x1024xf32, #tpu.memory_space<vmem>>) dst(%dma_wait3A_350 : memref<16x1024xf32, #tpu.memory_space<hbm>>)
    %dma_start3A_355 = arith.constant 2 : i32
    %dma_start3A_356 = arith.constant 0 : i32
    %dma_start3A_357 = arith.constant 0 : i32
    %dma_start3A_358 = tpu.memref_slice %arg6[%dma_start3A_355, %dma_start3A_356, %dma_start3A_357] : memref<7x16x1024xf32, #tpu.memory_space<vmem>> -> memref<1x16x1024xf32, #tpu.memory_space<vmem>>
    %dma_start3A_359 = tpu.memref_squeeze %dma_start3A_358 : memref<1x16x1024xf32, #tpu.memory_space<vmem>> -> memref<16x1024xf32, #tpu.memory_space<vmem>>
    %dma_start3A_360 = arith.constant 144 : i32
    %dma_start3A_361 = tpu.memref_slice %arg5[%dma_start3A_360] : memref<512xi32, #tpu.memory_space<vmem>> -> memref<16xi32, #tpu.memory_space<vmem>>
    %dma_start3A_362 = arith.constant 0 : i32
    %dma_start3A_363 = arith.constant 0 : i32
    %dma_start3A_364 = tpu.memref_slice %arg2[%dma_start3A_362, %dma_start3A_363] : memref<8192x1024xf32, #tpu.memory_space<hbm>> -> memref<8192x1024xf32, #tpu.memory_space<hbm>>
    tpu.enqueue_indirect_dma source(%dma_start3A_364 : memref<8192x1024xf32, #tpu.memory_space<hbm>>) target(%dma_start3A_359 : memref<16x1024xf32, #tpu.memory_space<vmem>>) offsets(%dma_start3A_361 : memref<16xi32, #tpu.memory_space<vmem>>) semaphore(%arg9 : memref<!tpu.dma_semaphore, #tpu.memory_space<semaphore_mem>>)
    %dma_wait3A_365 = arith.constant 0 : i32
    %dma_wait3A_366 = arith.constant 0 : i32
    %dma_wait3A_367 = arith.constant 0 : i32
    %dma_wait3A_368 = tpu.memref_slice %arg6[%dma_wait3A_365, %dma_wait3A_366, %dma_wait3A_367] : memref<7x16x1024xf32, #tpu.memory_space<vmem>> -> memref<1x16x1024xf32, #tpu.memory_space<vmem>>
    %dma_wait3A_369 = tpu.memref_squeeze %dma_wait3A_368 : memref<1x16x1024xf32, #tpu.memory_space<vmem>> -> memref<16x1024xf32, #tpu.memory_space<vmem>>
    %dma_wait3A_370 = arith.constant 112 : i32
    %dma_wait3A_371 = tpu.memref_slice %arg5[%dma_wait3A_370] : memref<512xi32, #tpu.memory_space<vmem>> -> memref<16xi32, #tpu.memory_space<vmem>>
    %dma_wait3A_372 = arith.constant 0 : i32
    %dma_wait3A_373 = arith.constant 0 : i32
    %dma_wait3A_374 = tpu.memref_slice %arg2[%dma_wait3A_372, %dma_wait3A_373] : memref<8192x1024xf32, #tpu.memory_space<hbm>> -> memref<8192x1024xf32, #tpu.memory_space<hbm>>
    tpu.wait_indirect_dma semaphore(%arg7 : memref<!tpu.dma_semaphore, #tpu.memory_space<semaphore_mem>>) src(%dma_wait3A_374 : memref<8192x1024xf32, #tpu.memory_space<hbm>>) dst(%dma_wait3A_369 : memref<16x1024xf32, #tpu.memory_space<vmem>>)
    %add3A_375 = arith.constant 112 : i32
    %add3A_376 = arith.addi %mul3A_32, %add3A_375 : i32
    %dma_start3A_377 = arith.constant 0 : i32
    %dma_start3A_378 = arith.constant 0 : i32
    %dma_start3A_379 = arith.constant 0 : i32
    %dma_start3A_380 = tpu.memref_slice %arg6[%dma_start3A_377, %dma_start3A_378, %dma_start3A_379] : memref<7x16x1024xf32, #tpu.memory_space<vmem>> -> memref<1x16x1024xf32, #tpu.memory_space<vmem>>
    %dma_start3A_381 = tpu.memref_squeeze %dma_start3A_380 : memref<1x16x1024xf32, #tpu.memory_space<vmem>> -> memref<16x1024xf32, #tpu.memory_space<vmem>>
    %dma_start3A_382 = arith.constant 0 : i32
    %dma_start3A_383 = tpu.memref_slice %arg4[%select_n3A, %add3A_376, %dma_start3A_382] : memref<4x4096x1024xf32, #tpu.memory_space<hbm>> -> memref<1x16x1024xf32, #tpu.memory_space<hbm>>
    %dma_start3A_384 = tpu.memref_squeeze %dma_start3A_383 : memref<1x16x1024xf32, #tpu.memory_space<hbm>> -> memref<16x1024xf32, #tpu.memory_space<hbm>>
    %dma_start3A_385 = arith.constant 0 : i32
    %dma_start3A_386 = tpu.memref_slice %arg4[%select_n3A, %add3A_376, %dma_start3A_385] : memref<4x4096x1024xf32, #tpu.memory_space<hbm>> -> memref<1x16x1024xf32, #tpu.memory_space<hbm>>
    %dma_start3A_387 = tpu.memref_squeeze %dma_start3A_386 : memref<1x16x1024xf32, #tpu.memory_space<hbm>> -> memref<16x1024xf32, #tpu.memory_space<hbm>>
    %dma_start3A_388 = arith.constant 0 : i32
    %dma_start3A_389 = arith.constant 0 : i32
    %dma_start3A_390 = tpu.memref_slice %arg6[%dma_start3A_377, %dma_start3A_388, %dma_start3A_389] : memref<7x16x1024xf32, #tpu.memory_space<vmem>> -> memref<1x16x1024xf32, #tpu.memory_space<vmem>>
    %dma_start3A_391 = tpu.memref_squeeze %dma_start3A_390 : memref<1x16x1024xf32, #tpu.memory_space<vmem>> -> memref<16x1024xf32, #tpu.memory_space<vmem>>
    tpu.enqueue_dma source(%dma_start3A_391 : memref<16x1024xf32, #tpu.memory_space<vmem>>) target(%dma_start3A_387 : memref<16x1024xf32, #tpu.memory_space<hbm>>) target_semaphore(%arg14 : memref<!tpu.dma_semaphore, #tpu.memory_space<semaphore_mem>>)
    %dma_wait3A_392 = arith.constant 3 : i32
    %dma_wait3A_393 = arith.constant 0 : i32
    %dma_wait3A_394 = arith.constant 0 : i32
    %dma_wait3A_395 = tpu.memref_slice %arg6[%dma_wait3A_392, %dma_wait3A_393, %dma_wait3A_394] : memref<7x16x1024xf32, #tpu.memory_space<vmem>> -> memref<1x16x1024xf32, #tpu.memory_space<vmem>>
    %dma_wait3A_396 = tpu.memref_squeeze %dma_wait3A_395 : memref<1x16x1024xf32, #tpu.memory_space<vmem>> -> memref<16x1024xf32, #tpu.memory_space<vmem>>
    %dma_wait3A_397 = arith.constant 0 : i32
    %dma_wait3A_398 = tpu.memref_slice %arg4[%select_n3A, %add3A_183, %dma_wait3A_397] : memref<4x4096x1024xf32, #tpu.memory_space<hbm>> -> memref<1x16x1024xf32, #tpu.memory_space<hbm>>
    %dma_wait3A_399 = tpu.memref_squeeze %dma_wait3A_398 : memref<1x16x1024xf32, #tpu.memory_space<hbm>> -> memref<16x1024xf32, #tpu.memory_space<hbm>>
    %dma_wait3A_400 = arith.constant 0 : i32
    %dma_wait3A_401 = tpu.memref_slice %arg4[%select_n3A, %add3A_183, %dma_wait3A_400] : memref<4x4096x1024xf32, #tpu.memory_space<hbm>> -> memref<1x16x1024xf32, #tpu.memory_space<hbm>>
    %dma_wait3A_402 = tpu.memref_squeeze %dma_wait3A_401 : memref<1x16x1024xf32, #tpu.memory_space<hbm>> -> memref<16x1024xf32, #tpu.memory_space<hbm>>
    %dma_wait3A_403 = arith.constant 0 : i32
    %dma_wait3A_404 = arith.constant 0 : i32
    %dma_wait3A_405 = tpu.memref_slice %arg6[%dma_wait3A_392, %dma_wait3A_403, %dma_wait3A_404] : memref<7x16x1024xf32, #tpu.memory_space<vmem>> -> memref<1x16x1024xf32, #tpu.memory_space<vmem>>
    %dma_wait3A_406 = tpu.memref_squeeze %dma_wait3A_405 : memref<1x16x1024xf32, #tpu.memory_space<vmem>> -> memref<16x1024xf32, #tpu.memory_space<vmem>>
    tpu.wait_dma2 semaphore(%arg17 : memref<!tpu.dma_semaphore, #tpu.memory_space<semaphore_mem>>) src(%dma_wait3A_406 : memref<16x1024xf32, #tpu.memory_space<vmem>>) dst(%dma_wait3A_402 : memref<16x1024xf32, #tpu.memory_space<hbm>>)
    %dma_start3A_407 = arith.constant 3 : i32
    %dma_start3A_408 = arith.constant 0 : i32
    %dma_start3A_409 = arith.constant 0 : i32
    %dma_start3A_410 = tpu.memref_slice %arg6[%dma_start3A_407, %dma_start3A_408, %dma_start3A_409] : memref<7x16x1024xf32, #tpu.memory_space<vmem>> -> memref<1x16x1024xf32, #tpu.memory_space<vmem>>
    %dma_start3A_411 = tpu.memref_squeeze %dma_start3A_410 : memref<1x16x1024xf32, #tpu.memory_space<vmem>> -> memref<16x1024xf32, #tpu.memory_space<vmem>>
    %dma_start3A_412 = arith.constant 160 : i32
    %dma_start3A_413 = tpu.memref_slice %arg5[%dma_start3A_412] : memref<512xi32, #tpu.memory_space<vmem>> -> memref<16xi32, #tpu.memory_space<vmem>>
    %dma_start3A_414 = arith.constant 0 : i32
    %dma_start3A_415 = arith.constant 0 : i32
    %dma_start3A_416 = tpu.memref_slice %arg2[%dma_start3A_414, %dma_start3A_415] : memref<8192x1024xf32, #tpu.memory_space<hbm>> -> memref<8192x1024xf32, #tpu.memory_space<hbm>>
    tpu.enqueue_indirect_dma source(%dma_start3A_416 : memref<8192x1024xf32, #tpu.memory_space<hbm>>) target(%dma_start3A_411 : memref<16x1024xf32, #tpu.memory_space<vmem>>) offsets(%dma_start3A_413 : memref<16xi32, #tpu.memory_space<vmem>>) semaphore(%arg10 : memref<!tpu.dma_semaphore, #tpu.memory_space<semaphore_mem>>)
    %dma_wait3A_417 = arith.constant 1 : i32
    %dma_wait3A_418 = arith.constant 0 : i32
    %dma_wait3A_419 = arith.constant 0 : i32
    %dma_wait3A_420 = tpu.memref_slice %arg6[%dma_wait3A_417, %dma_wait3A_418, %dma_wait3A_419] : memref<7x16x1024xf32, #tpu.memory_space<vmem>> -> memref<1x16x1024xf32, #tpu.memory_space<vmem>>
    %dma_wait3A_421 = tpu.memref_squeeze %dma_wait3A_420 : memref<1x16x1024xf32, #tpu.memory_space<vmem>> -> memref<16x1024xf32, #tpu.memory_space<vmem>>
    %dma_wait3A_422 = arith.constant 128 : i32
    %dma_wait3A_423 = tpu.memref_slice %arg5[%dma_wait3A_422] : memref<512xi32, #tpu.memory_space<vmem>> -> memref<16xi32, #tpu.memory_space<vmem>>
    %dma_wait3A_424 = arith.constant 0 : i32
    %dma_wait3A_425 = arith.constant 0 : i32
    %dma_wait3A_426 = tpu.memref_slice %arg2[%dma_wait3A_424, %dma_wait3A_425] : memref<8192x1024xf32, #tpu.memory_space<hbm>> -> memref<8192x1024xf32, #tpu.memory_space<hbm>>
    tpu.wait_indirect_dma semaphore(%arg8 : memref<!tpu.dma_semaphore, #tpu.memory_space<semaphore_mem>>) src(%dma_wait3A_426 : memref<8192x1024xf32, #tpu.memory_space<hbm>>) dst(%dma_wait3A_421 : memref<16x1024xf32, #tpu.memory_space<vmem>>)
    %add3A_427 = arith.constant 128 : i32
    %add3A_428 = arith.addi %mul3A_32, %add3A_427 : i32
    %dma_start3A_429 = arith.constant 1 : i32
    %dma_start3A_430 = arith.constant 0 : i32
    %dma_start3A_431 = arith.constant 0 : i32
    %dma_start3A_432 = tpu.memref_slice %arg6[%dma_start3A_429, %dma_start3A_430, %dma_start3A_431] : memref<7x16x1024xf32, #tpu.memory_space<vmem>> -> memref<1x16x1024xf32, #tpu.memory_space<vmem>>
    %dma_start3A_433 = tpu.memref_squeeze %dma_start3A_432 : memref<1x16x1024xf32, #tpu.memory_space<vmem>> -> memref<16x1024xf32, #tpu.memory_space<vmem>>
    %dma_start3A_434 = arith.constant 0 : i32
    %dma_start3A_435 = tpu.memref_slice %arg4[%select_n3A, %add3A_428, %dma_start3A_434] : memref<4x4096x1024xf32, #tpu.memory_space<hbm>> -> memref<1x16x1024xf32, #tpu.memory_space<hbm>>
    %dma_start3A_436 = tpu.memref_squeeze %dma_start3A_435 : memref<1x16x1024xf32, #tpu.memory_space<hbm>> -> memref<16x1024xf32, #tpu.memory_space<hbm>>
    %dma_start3A_437 = arith.constant 0 : i32
    %dma_start3A_438 = tpu.memref_slice %arg4[%select_n3A, %add3A_428, %dma_start3A_437] : memref<4x4096x1024xf32, #tpu.memory_space<hbm>> -> memref<1x16x1024xf32, #tpu.memory_space<hbm>>
    %dma_start3A_439 = tpu.memref_squeeze %dma_start3A_438 : memref<1x16x1024xf32, #tpu.memory_space<hbm>> -> memref<16x1024xf32, #tpu.memory_space<hbm>>
    %dma_start3A_440 = arith.constant 0 : i32
    %dma_start3A_441 = arith.constant 0 : i32
    %dma_start3A_442 = tpu.memref_slice %arg6[%dma_start3A_429, %dma_start3A_440, %dma_start3A_441] : memref<7x16x1024xf32, #tpu.memory_space<vmem>> -> memref<1x16x1024xf32, #tpu.memory_space<vmem>>
    %dma_start3A_443 = tpu.memref_squeeze %dma_start3A_442 : memref<1x16x1024xf32, #tpu.memory_space<vmem>> -> memref<16x1024xf32, #tpu.memory_space<vmem>>
    tpu.enqueue_dma source(%dma_start3A_443 : memref<16x1024xf32, #tpu.memory_space<vmem>>) target(%dma_start3A_439 : memref<16x1024xf32, #tpu.memory_space<hbm>>) target_semaphore(%arg15 : memref<!tpu.dma_semaphore, #tpu.memory_space<semaphore_mem>>)
    %dma_wait3A_444 = arith.constant 4 : i32
    %dma_wait3A_445 = arith.constant 0 : i32
    %dma_wait3A_446 = arith.constant 0 : i32
    %dma_wait3A_447 = tpu.memref_slice %arg6[%dma_wait3A_444, %dma_wait3A_445, %dma_wait3A_446] : memref<7x16x1024xf32, #tpu.memory_space<vmem>> -> memref<1x16x1024xf32, #tpu.memory_space<vmem>>
    %dma_wait3A_448 = tpu.memref_squeeze %dma_wait3A_447 : memref<1x16x1024xf32, #tpu.memory_space<vmem>> -> memref<16x1024xf32, #tpu.memory_space<vmem>>
    %dma_wait3A_449 = arith.constant 0 : i32
    %dma_wait3A_450 = tpu.memref_slice %arg4[%select_n3A, %add3A_220, %dma_wait3A_449] : memref<4x4096x1024xf32, #tpu.memory_space<hbm>> -> memref<1x16x1024xf32, #tpu.memory_space<hbm>>
    %dma_wait3A_451 = tpu.memref_squeeze %dma_wait3A_450 : memref<1x16x1024xf32, #tpu.memory_space<hbm>> -> memref<16x1024xf32, #tpu.memory_space<hbm>>
    %dma_wait3A_452 = arith.constant 0 : i32
    %dma_wait3A_453 = tpu.memref_slice %arg4[%select_n3A, %add3A_220, %dma_wait3A_452] : memref<4x4096x1024xf32, #tpu.memory_space<hbm>> -> memref<1x16x1024xf32, #tpu.memory_space<hbm>>
    %dma_wait3A_454 = tpu.memref_squeeze %dma_wait3A_453 : memref<1x16x1024xf32, #tpu.memory_space<hbm>> -> memref<16x1024xf32, #tpu.memory_space<hbm>>
    %dma_wait3A_455 = arith.constant 0 : i32
    %dma_wait3A_456 = arith.constant 0 : i32
    %dma_wait3A_457 = tpu.memref_slice %arg6[%dma_wait3A_444, %dma_wait3A_455, %dma_wait3A_456] : memref<7x16x1024xf32, #tpu.memory_space<vmem>> -> memref<1x16x1024xf32, #tpu.memory_space<vmem>>
    %dma_wait3A_458 = tpu.memref_squeeze %dma_wait3A_457 : memref<1x16x1024xf32, #tpu.memory_space<vmem>> -> memref<16x1024xf32, #tpu.memory_space<vmem>>
    tpu.wait_dma2 semaphore(%arg18 : memref<!tpu.dma_semaphore, #tpu.memory_space<semaphore_mem>>) src(%dma_wait3A_458 : memref<16x1024xf32, #tpu.memory_space<vmem>>) dst(%dma_wait3A_454 : memref<16x1024xf32, #tpu.memory_space<hbm>>)
    %dma_start3A_459 = arith.constant 4 : i32
    %dma_start3A_460 = arith.constant 0 : i32
    %dma_start3A_461 = arith.constant 0 : i32
    %dma_start3A_462 = tpu.memref_slice %arg6[%dma_start3A_459, %dma_start3A_460, %dma_start3A_461] : memref<7x16x1024xf32, #tpu.memory_space<vmem>> -> memref<1x16x1024xf32, #tpu.memory_space<vmem>>
    %dma_start3A_463 = tpu.memref_squeeze %dma_start3A_462 : memref<1x16x1024xf32, #tpu.memory_space<vmem>> -> memref<16x1024xf32, #tpu.memory_space<vmem>>
    %dma_start3A_464 = arith.constant 176 : i32
    %dma_start3A_465 = tpu.memref_slice %arg5[%dma_start3A_464] : memref<512xi32, #tpu.memory_space<vmem>> -> memref<16xi32, #tpu.memory_space<vmem>>
    %dma_start3A_466 = arith.constant 0 : i32
    %dma_start3A_467 = arith.constant 0 : i32
    %dma_start3A_468 = tpu.memref_slice %arg2[%dma_start3A_466, %dma_start3A_467] : memref<8192x1024xf32, #tpu.memory_space<hbm>> -> memref<8192x1024xf32, #tpu.memory_space<hbm>>
    tpu.enqueue_indirect_dma source(%dma_start3A_468 : memref<8192x1024xf32, #tpu.memory_space<hbm>>) target(%dma_start3A_463 : memref<16x1024xf32, #tpu.memory_space<vmem>>) offsets(%dma_start3A_465 : memref<16xi32, #tpu.memory_space<vmem>>) semaphore(%arg11 : memref<!tpu.dma_semaphore, #tpu.memory_space<semaphore_mem>>)
    %dma_wait3A_469 = arith.constant 2 : i32
    %dma_wait3A_470 = arith.constant 0 : i32
    %dma_wait3A_471 = arith.constant 0 : i32
    %dma_wait3A_472 = tpu.memref_slice %arg6[%dma_wait3A_469, %dma_wait3A_470, %dma_wait3A_471] : memref<7x16x1024xf32, #tpu.memory_space<vmem>> -> memref<1x16x1024xf32, #tpu.memory_space<vmem>>
    %dma_wait3A_473 = tpu.memref_squeeze %dma_wait3A_472 : memref<1x16x1024xf32, #tpu.memory_space<vmem>> -> memref<16x1024xf32, #tpu.memory_space<vmem>>
    %dma_wait3A_474 = arith.constant 144 : i32
    %dma_wait3A_475 = tpu.memref_slice %arg5[%dma_wait3A_474] : memref<512xi32, #tpu.memory_space<vmem>> -> memref<16xi32, #tpu.memory_space<vmem>>
    %dma_wait3A_476 = arith.constant 0 : i32
    %dma_wait3A_477 = arith.constant 0 : i32
    %dma_wait3A_478 = tpu.memref_slice %arg2[%dma_wait3A_476, %dma_wait3A_477] : memref<8192x1024xf32, #tpu.memory_space<hbm>> -> memref<8192x1024xf32, #tpu.memory_space<hbm>>
    tpu.wait_indirect_dma semaphore(%arg9 : memref<!tpu.dma_semaphore, #tpu.memory_space<semaphore_mem>>) src(%dma_wait3A_478 : memref<8192x1024xf32, #tpu.memory_space<hbm>>) dst(%dma_wait3A_473 : memref<16x1024xf32, #tpu.memory_space<vmem>>)
    %add3A_479 = arith.constant 144 : i32
    %add3A_480 = arith.addi %mul3A_32, %add3A_479 : i32
    %dma_start3A_481 = arith.constant 2 : i32
    %dma_start3A_482 = arith.constant 0 : i32
    %dma_start3A_483 = arith.constant 0 : i32
    %dma_start3A_484 = tpu.memref_slice %arg6[%dma_start3A_481, %dma_start3A_482, %dma_start3A_483] : memref<7x16x1024xf32, #tpu.memory_space<vmem>> -> memref<1x16x1024xf32, #tpu.memory_space<vmem>>
    %dma_start3A_485 = tpu.memref_squeeze %dma_start3A_484 : memref<1x16x1024xf32, #tpu.memory_space<vmem>> -> memref<16x1024xf32, #tpu.memory_space<vmem>>
    %dma_start3A_486 = arith.constant 0 : i32
    %dma_start3A_487 = tpu.memref_slice %arg4[%select_n3A, %add3A_480, %dma_start3A_486] : memref<4x4096x1024xf32, #tpu.memory_space<hbm>> -> memref<1x16x1024xf32, #tpu.memory_space<hbm>>
    %dma_start3A_488 = tpu.memref_squeeze %dma_start3A_487 : memref<1x16x1024xf32, #tpu.memory_space<hbm>> -> memref<16x1024xf32, #tpu.memory_space<hbm>>
    %dma_start3A_489 = arith.constant 0 : i32
    %dma_start3A_490 = tpu.memref_slice %arg4[%select_n3A, %add3A_480, %dma_start3A_489] : memref<4x4096x1024xf32, #tpu.memory_space<hbm>> -> memref<1x16x1024xf32, #tpu.memory_space<hbm>>
    %dma_start3A_491 = tpu.memref_squeeze %dma_start3A_490 : memref<1x16x1024xf32, #tpu.memory_space<hbm>> -> memref<16x1024xf32, #tpu.memory_space<hbm>>
    %dma_start3A_492 = arith.constant 0 : i32
    %dma_start3A_493 = arith.constant 0 : i32
    %dma_start3A_494 = tpu.memref_slice %arg6[%dma_start3A_481, %dma_start3A_492, %dma_start3A_493] : memref<7x16x1024xf32, #tpu.memory_space<vmem>> -> memref<1x16x1024xf32, #tpu.memory_space<vmem>>
    %dma_start3A_495 = tpu.memref_squeeze %dma_start3A_494 : memref<1x16x1024xf32, #tpu.memory_space<vmem>> -> memref<16x1024xf32, #tpu.memory_space<vmem>>
    tpu.enqueue_dma source(%dma_start3A_495 : memref<16x1024xf32, #tpu.memory_space<vmem>>) target(%dma_start3A_491 : memref<16x1024xf32, #tpu.memory_space<hbm>>) target_semaphore(%arg16 : memref<!tpu.dma_semaphore, #tpu.memory_space<semaphore_mem>>)
    %dma_wait3A_496 = arith.constant 5 : i32
    %dma_wait3A_497 = arith.constant 0 : i32
    %dma_wait3A_498 = arith.constant 0 : i32
    %dma_wait3A_499 = tpu.memref_slice %arg6[%dma_wait3A_496, %dma_wait3A_497, %dma_wait3A_498] : memref<7x16x1024xf32, #tpu.memory_space<vmem>> -> memref<1x16x1024xf32, #tpu.memory_space<vmem>>
    %dma_wait3A_500 = tpu.memref_squeeze %dma_wait3A_499 : memref<1x16x1024xf32, #tpu.memory_space<vmem>> -> memref<16x1024xf32, #tpu.memory_space<vmem>>
    %dma_wait3A_501 = arith.constant 0 : i32
    %dma_wait3A_502 = tpu.memref_slice %arg4[%select_n3A, %add3A_272, %dma_wait3A_501] : memref<4x4096x1024xf32, #tpu.memory_space<hbm>> -> memref<1x16x1024xf32, #tpu.memory_space<hbm>>
    %dma_wait3A_503 = tpu.memref_squeeze %dma_wait3A_502 : memref<1x16x1024xf32, #tpu.memory_space<hbm>> -> memref<16x1024xf32, #tpu.memory_space<hbm>>
    %dma_wait3A_504 = arith.constant 0 : i32
    %dma_wait3A_505 = tpu.memref_slice %arg4[%select_n3A, %add3A_272, %dma_wait3A_504] : memref<4x4096x1024xf32, #tpu.memory_space<hbm>> -> memref<1x16x1024xf32, #tpu.memory_space<hbm>>
    %dma_wait3A_506 = tpu.memref_squeeze %dma_wait3A_505 : memref<1x16x1024xf32, #tpu.memory_space<hbm>> -> memref<16x1024xf32, #tpu.memory_space<hbm>>
    %dma_wait3A_507 = arith.constant 0 : i32
    %dma_wait3A_508 = arith.constant 0 : i32
    %dma_wait3A_509 = tpu.memref_slice %arg6[%dma_wait3A_496, %dma_wait3A_507, %dma_wait3A_508] : memref<7x16x1024xf32, #tpu.memory_space<vmem>> -> memref<1x16x1024xf32, #tpu.memory_space<vmem>>
    %dma_wait3A_510 = tpu.memref_squeeze %dma_wait3A_509 : memref<1x16x1024xf32, #tpu.memory_space<vmem>> -> memref<16x1024xf32, #tpu.memory_space<vmem>>
    tpu.wait_dma2 semaphore(%arg19 : memref<!tpu.dma_semaphore, #tpu.memory_space<semaphore_mem>>) src(%dma_wait3A_510 : memref<16x1024xf32, #tpu.memory_space<vmem>>) dst(%dma_wait3A_506 : memref<16x1024xf32, #tpu.memory_space<hbm>>)
    %dma_start3A_511 = arith.constant 5 : i32
    %dma_start3A_512 = arith.constant 0 : i32
    %dma_start3A_513 = arith.constant 0 : i32
    %dma_start3A_514 = tpu.memref_slice %arg6[%dma_start3A_511, %dma_start3A_512, %dma_start3A_513] : memref<7x16x1024xf32, #tpu.memory_space<vmem>> -> memref<1x16x1024xf32, #tpu.memory_space<vmem>>
    %dma_start3A_515 = tpu.memref_squeeze %dma_start3A_514 : memref<1x16x1024xf32, #tpu.memory_space<vmem>> -> memref<16x1024xf32, #tpu.memory_space<vmem>>
    %dma_start3A_516 = arith.constant 192 : i32
    %dma_start3A_517 = tpu.memref_slice %arg5[%dma_start3A_516] : memref<512xi32, #tpu.memory_space<vmem>> -> memref<16xi32, #tpu.memory_space<vmem>>
    %dma_start3A_518 = arith.constant 0 : i32
    %dma_start3A_519 = arith.constant 0 : i32
    %dma_start3A_520 = tpu.memref_slice %arg2[%dma_start3A_518, %dma_start3A_519] : memref<8192x1024xf32, #tpu.memory_space<hbm>> -> memref<8192x1024xf32, #tpu.memory_space<hbm>>
    tpu.enqueue_indirect_dma source(%dma_start3A_520 : memref<8192x1024xf32, #tpu.memory_space<hbm>>) target(%dma_start3A_515 : memref<16x1024xf32, #tpu.memory_space<vmem>>) offsets(%dma_start3A_517 : memref<16xi32, #tpu.memory_space<vmem>>) semaphore(%arg12 : memref<!tpu.dma_semaphore, #tpu.memory_space<semaphore_mem>>)
    %dma_wait3A_521 = arith.constant 3 : i32
    %dma_wait3A_522 = arith.constant 0 : i32
    %dma_wait3A_523 = arith.constant 0 : i32
    %dma_wait3A_524 = tpu.memref_slice %arg6[%dma_wait3A_521, %dma_wait3A_522, %dma_wait3A_523] : memref<7x16x1024xf32, #tpu.memory_space<vmem>> -> memref<1x16x1024xf32, #tpu.memory_space<vmem>>
    %dma_wait3A_525 = tpu.memref_squeeze %dma_wait3A_524 : memref<1x16x1024xf32, #tpu.memory_space<vmem>> -> memref<16x1024xf32, #tpu.memory_space<vmem>>
    %dma_wait3A_526 = arith.constant 160 : i32
    %dma_wait3A_527 = tpu.memref_slice %arg5[%dma_wait3A_526] : memref<512xi32, #tpu.memory_space<vmem>> -> memref<16xi32, #tpu.memory_space<vmem>>
    %dma_wait3A_528 = arith.constant 0 : i32
    %dma_wait3A_529 = arith.constant 0 : i32
    %dma_wait3A_530 = tpu.memref_slice %arg2[%dma_wait3A_528, %dma_wait3A_529] : memref<8192x1024xf32, #tpu.memory_space<hbm>> -> memref<8192x1024xf32, #tpu.memory_space<hbm>>
    tpu.wait_indirect_dma semaphore(%arg10 : memref<!tpu.dma_semaphore, #tpu.memory_space<semaphore_mem>>) src(%dma_wait3A_530 : memref<8192x1024xf32, #tpu.memory_space<hbm>>) dst(%dma_wait3A_525 : memref<16x1024xf32, #tpu.memory_space<vmem>>)
    %add3A_531 = arith.constant 160 : i32
    %add3A_532 = arith.addi %mul3A_32, %add3A_531 : i32
    %dma_start3A_533 = arith.constant 3 : i32
    %dma_start3A_534 = arith.constant 0 : i32
    %dma_start3A_535 = arith.constant 0 : i32
    %dma_start3A_536 = tpu.memref_slice %arg6[%dma_start3A_533, %dma_start3A_534, %dma_start3A_535] : memref<7x16x1024xf32, #tpu.memory_space<vmem>> -> memref<1x16x1024xf32, #tpu.memory_space<vmem>>
    %dma_start3A_537 = tpu.memref_squeeze %dma_start3A_536 : memref<1x16x1024xf32, #tpu.memory_space<vmem>> -> memref<16x1024xf32, #tpu.memory_space<vmem>>
    %dma_start3A_538 = arith.constant 0 : i32
    %dma_start3A_539 = tpu.memref_slice %arg4[%select_n3A, %add3A_532, %dma_start3A_538] : memref<4x4096x1024xf32, #tpu.memory_space<hbm>> -> memref<1x16x1024xf32, #tpu.memory_space<hbm>>
    %dma_start3A_540 = tpu.memref_squeeze %dma_start3A_539 : memref<1x16x1024xf32, #tpu.memory_space<hbm>> -> memref<16x1024xf32, #tpu.memory_space<hbm>>
    %dma_start3A_541 = arith.constant 0 : i32
    %dma_start3A_542 = tpu.memref_slice %arg4[%select_n3A, %add3A_532, %dma_start3A_541] : memref<4x4096x1024xf32, #tpu.memory_space<hbm>> -> memref<1x16x1024xf32, #tpu.memory_space<hbm>>
    %dma_start3A_543 = tpu.memref_squeeze %dma_start3A_542 : memref<1x16x1024xf32, #tpu.memory_space<hbm>> -> memref<16x1024xf32, #tpu.memory_space<hbm>>
    %dma_start3A_544 = arith.constant 0 : i32
    %dma_start3A_545 = arith.constant 0 : i32
    %dma_start3A_546 = tpu.memref_slice %arg6[%dma_start3A_533, %dma_start3A_544, %dma_start3A_545] : memref<7x16x1024xf32, #tpu.memory_space<vmem>> -> memref<1x16x1024xf32, #tpu.memory_space<vmem>>
    %dma_start3A_547 = tpu.memref_squeeze %dma_start3A_546 : memref<1x16x1024xf32, #tpu.memory_space<vmem>> -> memref<16x1024xf32, #tpu.memory_space<vmem>>
    tpu.enqueue_dma source(%dma_start3A_547 : memref<16x1024xf32, #tpu.memory_space<vmem>>) target(%dma_start3A_543 : memref<16x1024xf32, #tpu.memory_space<hbm>>) target_semaphore(%arg17 : memref<!tpu.dma_semaphore, #tpu.memory_space<semaphore_mem>>)
    %dma_wait3A_548 = arith.constant 6 : i32
    %dma_wait3A_549 = arith.constant 0 : i32
    %dma_wait3A_550 = arith.constant 0 : i32
    %dma_wait3A_551 = tpu.memref_slice %arg6[%dma_wait3A_548, %dma_wait3A_549, %dma_wait3A_550] : memref<7x16x1024xf32, #tpu.memory_space<vmem>> -> memref<1x16x1024xf32, #tpu.memory_space<vmem>>
    %dma_wait3A_552 = tpu.memref_squeeze %dma_wait3A_551 : memref<1x16x1024xf32, #tpu.memory_space<vmem>> -> memref<16x1024xf32, #tpu.memory_space<vmem>>
    %dma_wait3A_553 = arith.constant 0 : i32
    %dma_wait3A_554 = tpu.memref_slice %arg4[%select_n3A, %add3A_324, %dma_wait3A_553] : memref<4x4096x1024xf32, #tpu.memory_space<hbm>> -> memref<1x16x1024xf32, #tpu.memory_space<hbm>>
    %dma_wait3A_555 = tpu.memref_squeeze %dma_wait3A_554 : memref<1x16x1024xf32, #tpu.memory_space<hbm>> -> memref<16x1024xf32, #tpu.memory_space<hbm>>
    %dma_wait3A_556 = arith.constant 0 : i32
    %dma_wait3A_557 = tpu.memref_slice %arg4[%select_n3A, %add3A_324, %dma_wait3A_556] : memref<4x4096x1024xf32, #tpu.memory_space<hbm>> -> memref<1x16x1024xf32, #tpu.memory_space<hbm>>
    %dma_wait3A_558 = tpu.memref_squeeze %dma_wait3A_557 : memref<1x16x1024xf32, #tpu.memory_space<hbm>> -> memref<16x1024xf32, #tpu.memory_space<hbm>>
    %dma_wait3A_559 = arith.constant 0 : i32
    %dma_wait3A_560 = arith.constant 0 : i32
    %dma_wait3A_561 = tpu.memref_slice %arg6[%dma_wait3A_548, %dma_wait3A_559, %dma_wait3A_560] : memref<7x16x1024xf32, #tpu.memory_space<vmem>> -> memref<1x16x1024xf32, #tpu.memory_space<vmem>>
    %dma_wait3A_562 = tpu.memref_squeeze %dma_wait3A_561 : memref<1x16x1024xf32, #tpu.memory_space<vmem>> -> memref<16x1024xf32, #tpu.memory_space<vmem>>
    tpu.wait_dma2 semaphore(%arg20 : memref<!tpu.dma_semaphore, #tpu.memory_space<semaphore_mem>>) src(%dma_wait3A_562 : memref<16x1024xf32, #tpu.memory_space<vmem>>) dst(%dma_wait3A_558 : memref<16x1024xf32, #tpu.memory_space<hbm>>)
    %dma_start3A_563 = arith.constant 6 : i32
    %dma_start3A_564 = arith.constant 0 : i32
    %dma_start3A_565 = arith.constant 0 : i32
    %dma_start3A_566 = tpu.memref_slice %arg6[%dma_start3A_563, %dma_start3A_564, %dma_start3A_565] : memref<7x16x1024xf32, #tpu.memory_space<vmem>> -> memref<1x16x1024xf32, #tpu.memory_space<vmem>>
    %dma_start3A_567 = tpu.memref_squeeze %dma_start3A_566 : memref<1x16x1024xf32, #tpu.memory_space<vmem>> -> memref<16x1024xf32, #tpu.memory_space<vmem>>
    %dma_start3A_568 = arith.constant 208 : i32
    %dma_start3A_569 = tpu.memref_slice %arg5[%dma_start3A_568] : memref<512xi32, #tpu.memory_space<vmem>> -> memref<16xi32, #tpu.memory_space<vmem>>
    %dma_start3A_570 = arith.constant 0 : i32
    %dma_start3A_571 = arith.constant 0 : i32
    %dma_start3A_572 = tpu.memref_slice %arg2[%dma_start3A_570, %dma_start3A_571] : memref<8192x1024xf32, #tpu.memory_space<hbm>> -> memref<8192x1024xf32, #tpu.memory_space<hbm>>
    tpu.enqueue_indirect_dma source(%dma_start3A_572 : memref<8192x1024xf32, #tpu.memory_space<hbm>>) target(%dma_start3A_567 : memref<16x1024xf32, #tpu.memory_space<vmem>>) offsets(%dma_start3A_569 : memref<16xi32, #tpu.memory_space<vmem>>) semaphore(%arg13 : memref<!tpu.dma_semaphore, #tpu.memory_space<semaphore_mem>>)
    %dma_wait3A_573 = arith.constant 4 : i32
    %dma_wait3A_574 = arith.constant 0 : i32
    %dma_wait3A_575 = arith.constant 0 : i32
    %dma_wait3A_576 = tpu.memref_slice %arg6[%dma_wait3A_573, %dma_wait3A_574, %dma_wait3A_575] : memref<7x16x1024xf32, #tpu.memory_space<vmem>> -> memref<1x16x1024xf32, #tpu.memory_space<vmem>>
    %dma_wait3A_577 = tpu.memref_squeeze %dma_wait3A_576 : memref<1x16x1024xf32, #tpu.memory_space<vmem>> -> memref<16x1024xf32, #tpu.memory_space<vmem>>
    %dma_wait3A_578 = arith.constant 176 : i32
    %dma_wait3A_579 = tpu.memref_slice %arg5[%dma_wait3A_578] : memref<512xi32, #tpu.memory_space<vmem>> -> memref<16xi32, #tpu.memory_space<vmem>>
    %dma_wait3A_580 = arith.constant 0 : i32
    %dma_wait3A_581 = arith.constant 0 : i32
    %dma_wait3A_582 = tpu.memref_slice %arg2[%dma_wait3A_580, %dma_wait3A_581] : memref<8192x1024xf32, #tpu.memory_space<hbm>> -> memref<8192x1024xf32, #tpu.memory_space<hbm>>
    tpu.wait_indirect_dma semaphore(%arg11 : memref<!tpu.dma_semaphore, #tpu.memory_space<semaphore_mem>>) src(%dma_wait3A_582 : memref<8192x1024xf32, #tpu.memory_space<hbm>>) dst(%dma_wait3A_577 : memref<16x1024xf32, #tpu.memory_space<vmem>>)
    %add3A_583 = arith.constant 176 : i32
    %add3A_584 = arith.addi %mul3A_32, %add3A_583 : i32
    %dma_start3A_585 = arith.constant 4 : i32
    %dma_start3A_586 = arith.constant 0 : i32
    %dma_start3A_587 = arith.constant 0 : i32
    %dma_start3A_588 = tpu.memref_slice %arg6[%dma_start3A_585, %dma_start3A_586, %dma_start3A_587] : memref<7x16x1024xf32, #tpu.memory_space<vmem>> -> memref<1x16x1024xf32, #tpu.memory_space<vmem>>
    %dma_start3A_589 = tpu.memref_squeeze %dma_start3A_588 : memref<1x16x1024xf32, #tpu.memory_space<vmem>> -> memref<16x1024xf32, #tpu.memory_space<vmem>>
    %dma_start3A_590 = arith.constant 0 : i32
    %dma_start3A_591 = tpu.memref_slice %arg4[%select_n3A, %add3A_584, %dma_start3A_590] : memref<4x4096x1024xf32, #tpu.memory_space<hbm>> -> memref<1x16x1024xf32, #tpu.memory_space<hbm>>
    %dma_start3A_592 = tpu.memref_squeeze %dma_start3A_591 : memref<1x16x1024xf32, #tpu.memory_space<hbm>> -> memref<16x1024xf32, #tpu.memory_space<hbm>>
    %dma_start3A_593 = arith.constant 0 : i32
    %dma_start3A_594 = tpu.memref_slice %arg4[%select_n3A, %add3A_584, %dma_start3A_593] : memref<4x4096x1024xf32, #tpu.memory_space<hbm>> -> memref<1x16x1024xf32, #tpu.memory_space<hbm>>
    %dma_start3A_595 = tpu.memref_squeeze %dma_start3A_594 : memref<1x16x1024xf32, #tpu.memory_space<hbm>> -> memref<16x1024xf32, #tpu.memory_space<hbm>>
    %dma_start3A_596 = arith.constant 0 : i32
    %dma_start3A_597 = arith.constant 0 : i32
    %dma_start3A_598 = tpu.memref_slice %arg6[%dma_start3A_585, %dma_start3A_596, %dma_start3A_597] : memref<7x16x1024xf32, #tpu.memory_space<vmem>> -> memref<1x16x1024xf32, #tpu.memory_space<vmem>>
    %dma_start3A_599 = tpu.memref_squeeze %dma_start3A_598 : memref<1x16x1024xf32, #tpu.memory_space<vmem>> -> memref<16x1024xf32, #tpu.memory_space<vmem>>
    tpu.enqueue_dma source(%dma_start3A_599 : memref<16x1024xf32, #tpu.memory_space<vmem>>) target(%dma_start3A_595 : memref<16x1024xf32, #tpu.memory_space<hbm>>) target_semaphore(%arg18 : memref<!tpu.dma_semaphore, #tpu.memory_space<semaphore_mem>>)
    %dma_wait3A_600 = arith.constant 0 : i32
    %dma_wait3A_601 = arith.constant 0 : i32
    %dma_wait3A_602 = arith.constant 0 : i32
    %dma_wait3A_603 = tpu.memref_slice %arg6[%dma_wait3A_600, %dma_wait3A_601, %dma_wait3A_602] : memref<7x16x1024xf32, #tpu.memory_space<vmem>> -> memref<1x16x1024xf32, #tpu.memory_space<vmem>>
    %dma_wait3A_604 = tpu.memref_squeeze %dma_wait3A_603 : memref<1x16x1024xf32, #tpu.memory_space<vmem>> -> memref<16x1024xf32, #tpu.memory_space<vmem>>
    %dma_wait3A_605 = arith.constant 0 : i32
    %dma_wait3A_606 = tpu.memref_slice %arg4[%select_n3A, %add3A_376, %dma_wait3A_605] : memref<4x4096x1024xf32, #tpu.memory_space<hbm>> -> memref<1x16x1024xf32, #tpu.memory_space<hbm>>
    %dma_wait3A_607 = tpu.memref_squeeze %dma_wait3A_606 : memref<1x16x1024xf32, #tpu.memory_space<hbm>> -> memref<16x1024xf32, #tpu.memory_space<hbm>>
    %dma_wait3A_608 = arith.constant 0 : i32
    %dma_wait3A_609 = tpu.memref_slice %arg4[%select_n3A, %add3A_376, %dma_wait3A_608] : memref<4x4096x1024xf32, #tpu.memory_space<hbm>> -> memref<1x16x1024xf32, #tpu.memory_space<hbm>>
    %dma_wait3A_610 = tpu.memref_squeeze %dma_wait3A_609 : memref<1x16x1024xf32, #tpu.memory_space<hbm>> -> memref<16x1024xf32, #tpu.memory_space<hbm>>
    %dma_wait3A_611 = arith.constant 0 : i32
    %dma_wait3A_612 = arith.constant 0 : i32
    %dma_wait3A_613 = tpu.memref_slice %arg6[%dma_wait3A_600, %dma_wait3A_611, %dma_wait3A_612] : memref<7x16x1024xf32, #tpu.memory_space<vmem>> -> memref<1x16x1024xf32, #tpu.memory_space<vmem>>
    %dma_wait3A_614 = tpu.memref_squeeze %dma_wait3A_613 : memref<1x16x1024xf32, #tpu.memory_space<vmem>> -> memref<16x1024xf32, #tpu.memory_space<vmem>>
    tpu.wait_dma2 semaphore(%arg14 : memref<!tpu.dma_semaphore, #tpu.memory_space<semaphore_mem>>) src(%dma_wait3A_614 : memref<16x1024xf32, #tpu.memory_space<vmem>>) dst(%dma_wait3A_610 : memref<16x1024xf32, #tpu.memory_space<hbm>>)
    %dma_start3A_615 = arith.constant 0 : i32
    %dma_start3A_616 = arith.constant 0 : i32
    %dma_start3A_617 = arith.constant 0 : i32
    %dma_start3A_618 = tpu.memref_slice %arg6[%dma_start3A_615, %dma_start3A_616, %dma_start3A_617] : memref<7x16x1024xf32, #tpu.memory_space<vmem>> -> memref<1x16x1024xf32, #tpu.memory_space<vmem>>
    %dma_start3A_619 = tpu.memref_squeeze %dma_start3A_618 : memref<1x16x1024xf32, #tpu.memory_space<vmem>> -> memref<16x1024xf32, #tpu.memory_space<vmem>>
    %dma_start3A_620 = arith.constant 224 : i32
    %dma_start3A_621 = tpu.memref_slice %arg5[%dma_start3A_620] : memref<512xi32, #tpu.memory_space<vmem>> -> memref<16xi32, #tpu.memory_space<vmem>>
    %dma_start3A_622 = arith.constant 0 : i32
    %dma_start3A_623 = arith.constant 0 : i32
    %dma_start3A_624 = tpu.memref_slice %arg2[%dma_start3A_622, %dma_start3A_623] : memref<8192x1024xf32, #tpu.memory_space<hbm>> -> memref<8192x1024xf32, #tpu.memory_space<hbm>>
    tpu.enqueue_indirect_dma source(%dma_start3A_624 : memref<8192x1024xf32, #tpu.memory_space<hbm>>) target(%dma_start3A_619 : memref<16x1024xf32, #tpu.memory_space<vmem>>) offsets(%dma_start3A_621 : memref<16xi32, #tpu.memory_space<vmem>>) semaphore(%arg7 : memref<!tpu.dma_semaphore, #tpu.memory_space<semaphore_mem>>)
    %dma_wait3A_625 = arith.constant 5 : i32
    %dma_wait3A_626 = arith.constant 0 : i32
    %dma_wait3A_627 = arith.constant 0 : i32
    %dma_wait3A_628 = tpu.memref_slice %arg6[%dma_wait3A_625, %dma_wait3A_626, %dma_wait3A_627] : memref<7x16x1024xf32, #tpu.memory_space<vmem>> -> memref<1x16x1024xf32, #tpu.memory_space<vmem>>
    %dma_wait3A_629 = tpu.memref_squeeze %dma_wait3A_628 : memref<1x16x1024xf32, #tpu.memory_space<vmem>> -> memref<16x1024xf32, #tpu.memory_space<vmem>>
    %dma_wait3A_630 = arith.constant 192 : i32
    %dma_wait3A_631 = tpu.memref_slice %arg5[%dma_wait3A_630] : memref<512xi32, #tpu.memory_space<vmem>> -> memref<16xi32, #tpu.memory_space<vmem>>
    %dma_wait3A_632 = arith.constant 0 : i32
    %dma_wait3A_633 = arith.constant 0 : i32
    %dma_wait3A_634 = tpu.memref_slice %arg2[%dma_wait3A_632, %dma_wait3A_633] : memref<8192x1024xf32, #tpu.memory_space<hbm>> -> memref<8192x1024xf32, #tpu.memory_space<hbm>>
    tpu.wait_indirect_dma semaphore(%arg12 : memref<!tpu.dma_semaphore, #tpu.memory_space<semaphore_mem>>) src(%dma_wait3A_634 : memref<8192x1024xf32, #tpu.memory_space<hbm>>) dst(%dma_wait3A_629 : memref<16x1024xf32, #tpu.memory_space<vmem>>)
    %add3A_635 = arith.constant 192 : i32
    %add3A_636 = arith.addi %mul3A_32, %add3A_635 : i32
    %dma_start3A_637 = arith.constant 5 : i32
    %dma_start3A_638 = arith.constant 0 : i32
    %dma_start3A_639 = arith.constant 0 : i32
    %dma_start3A_640 = tpu.memref_slice %arg6[%dma_start3A_637, %dma_start3A_638, %dma_start3A_639] : memref<7x16x1024xf32, #tpu.memory_space<vmem>> -> memref<1x16x1024xf32, #tpu.memory_space<vmem>>
    %dma_start3A_641 = tpu.memref_squeeze %dma_start3A_640 : memref<1x16x1024xf32, #tpu.memory_space<vmem>> -> memref<16x1024xf32, #tpu.memory_space<vmem>>
    %dma_start3A_642 = arith.constant 0 : i32
    %dma_start3A_643 = tpu.memref_slice %arg4[%select_n3A, %add3A_636, %dma_start3A_642] : memref<4x4096x1024xf32, #tpu.memory_space<hbm>> -> memref<1x16x1024xf32, #tpu.memory_space<hbm>>
    %dma_start3A_644 = tpu.memref_squeeze %dma_start3A_643 : memref<1x16x1024xf32, #tpu.memory_space<hbm>> -> memref<16x1024xf32, #tpu.memory_space<hbm>>
    %dma_start3A_645 = arith.constant 0 : i32
    %dma_start3A_646 = tpu.memref_slice %arg4[%select_n3A, %add3A_636, %dma_start3A_645] : memref<4x4096x1024xf32, #tpu.memory_space<hbm>> -> memref<1x16x1024xf32, #tpu.memory_space<hbm>>
    %dma_start3A_647 = tpu.memref_squeeze %dma_start3A_646 : memref<1x16x1024xf32, #tpu.memory_space<hbm>> -> memref<16x1024xf32, #tpu.memory_space<hbm>>
    %dma_start3A_648 = arith.constant 0 : i32
    %dma_start3A_649 = arith.constant 0 : i32
    %dma_start3A_650 = tpu.memref_slice %arg6[%dma_start3A_637, %dma_start3A_648, %dma_start3A_649] : memref<7x16x1024xf32, #tpu.memory_space<vmem>> -> memref<1x16x1024xf32, #tpu.memory_space<vmem>>
    %dma_start3A_651 = tpu.memref_squeeze %dma_start3A_650 : memref<1x16x1024xf32, #tpu.memory_space<vmem>> -> memref<16x1024xf32, #tpu.memory_space<vmem>>
    tpu.enqueue_dma source(%dma_start3A_651 : memref<16x1024xf32, #tpu.memory_space<vmem>>) target(%dma_start3A_647 : memref<16x1024xf32, #tpu.memory_space<hbm>>) target_semaphore(%arg19 : memref<!tpu.dma_semaphore, #tpu.memory_space<semaphore_mem>>)
    %dma_wait3A_652 = arith.constant 1 : i32
    %dma_wait3A_653 = arith.constant 0 : i32
    %dma_wait3A_654 = arith.constant 0 : i32
    %dma_wait3A_655 = tpu.memref_slice %arg6[%dma_wait3A_652, %dma_wait3A_653, %dma_wait3A_654] : memref<7x16x1024xf32, #tpu.memory_space<vmem>> -> memref<1x16x1024xf32, #tpu.memory_space<vmem>>
    %dma_wait3A_656 = tpu.memref_squeeze %dma_wait3A_655 : memref<1x16x1024xf32, #tpu.memory_space<vmem>> -> memref<16x1024xf32, #tpu.memory_space<vmem>>
    %dma_wait3A_657 = arith.constant 0 : i32
    %dma_wait3A_658 = tpu.memref_slice %arg4[%select_n3A, %add3A_428, %dma_wait3A_657] : memref<4x4096x1024xf32, #tpu.memory_space<hbm>> -> memref<1x16x1024xf32, #tpu.memory_space<hbm>>
    %dma_wait3A_659 = tpu.memref_squeeze %dma_wait3A_658 : memref<1x16x1024xf32, #tpu.memory_space<hbm>> -> memref<16x1024xf32, #tpu.memory_space<hbm>>
    %dma_wait3A_660 = arith.constant 0 : i32
    %dma_wait3A_661 = tpu.memref_slice %arg4[%select_n3A, %add3A_428, %dma_wait3A_660] : memref<4x4096x1024xf32, #tpu.memory_space<hbm>> -> memref<1x16x1024xf32, #tpu.memory_space<hbm>>
    %dma_wait3A_662 = tpu.memref_squeeze %dma_wait3A_661 : memref<1x16x1024xf32, #tpu.memory_space<hbm>> -> memref<16x1024xf32, #tpu.memory_space<hbm>>
    %dma_wait3A_663 = arith.constant 0 : i32
    %dma_wait3A_664 = arith.constant 0 : i32
    %dma_wait3A_665 = tpu.memref_slice %arg6[%dma_wait3A_652, %dma_wait3A_663, %dma_wait3A_664] : memref<7x16x1024xf32, #tpu.memory_space<vmem>> -> memref<1x16x1024xf32, #tpu.memory_space<vmem>>
    %dma_wait3A_666 = tpu.memref_squeeze %dma_wait3A_665 : memref<1x16x1024xf32, #tpu.memory_space<vmem>> -> memref<16x1024xf32, #tpu.memory_space<vmem>>
    tpu.wait_dma2 semaphore(%arg15 : memref<!tpu.dma_semaphore, #tpu.memory_space<semaphore_mem>>) src(%dma_wait3A_666 : memref<16x1024xf32, #tpu.memory_space<vmem>>) dst(%dma_wait3A_662 : memref<16x1024xf32, #tpu.memory_space<hbm>>)
    %dma_start3A_667 = arith.constant 1 : i32
    %dma_start3A_668 = arith.constant 0 : i32
    %dma_start3A_669 = arith.constant 0 : i32
    %dma_start3A_670 = tpu.memref_slice %arg6[%dma_start3A_667, %dma_start3A_668, %dma_start3A_669] : memref<7x16x1024xf32, #tpu.memory_space<vmem>> -> memref<1x16x1024xf32, #tpu.memory_space<vmem>>
    %dma_start3A_671 = tpu.memref_squeeze %dma_start3A_670 : memref<1x16x1024xf32, #tpu.memory_space<vmem>> -> memref<16x1024xf32, #tpu.memory_space<vmem>>
    %dma_start3A_672 = arith.constant 240 : i32
    %dma_start3A_673 = tpu.memref_slice %arg5[%dma_start3A_672] : memref<512xi32, #tpu.memory_space<vmem>> -> memref<16xi32, #tpu.memory_space<vmem>>
    %dma_start3A_674 = arith.constant 0 : i32
    %dma_start3A_675 = arith.constant 0 : i32
    %dma_start3A_676 = tpu.memref_slice %arg2[%dma_start3A_674, %dma_start3A_675] : memref<8192x1024xf32, #tpu.memory_space<hbm>> -> memref<8192x1024xf32, #tpu.memory_space<hbm>>
    tpu.enqueue_indirect_dma source(%dma_start3A_676 : memref<8192x1024xf32, #tpu.memory_space<hbm>>) target(%dma_start3A_671 : memref<16x1024xf32, #tpu.memory_space<vmem>>) offsets(%dma_start3A_673 : memref<16xi32, #tpu.memory_space<vmem>>) semaphore(%arg8 : memref<!tpu.dma_semaphore, #tpu.memory_space<semaphore_mem>>)
    %dma_wait3A_677 = arith.constant 6 : i32
    %dma_wait3A_678 = arith.constant 0 : i32
    %dma_wait3A_679 = arith.constant 0 : i32
    %dma_wait3A_680 = tpu.memref_slice %arg6[%dma_wait3A_677, %dma_wait3A_678, %dma_wait3A_679] : memref<7x16x1024xf32, #tpu.memory_space<vmem>> -> memref<1x16x1024xf32, #tpu.memory_space<vmem>>
    %dma_wait3A_681 = tpu.memref_squeeze %dma_wait3A_680 : memref<1x16x1024xf32, #tpu.memory_space<vmem>> -> memref<16x1024xf32, #tpu.memory_space<vmem>>
    %dma_wait3A_682 = arith.constant 208 : i32
    %dma_wait3A_683 = tpu.memref_slice %arg5[%dma_wait3A_682] : memref<512xi32, #tpu.memory_space<vmem>> -> memref<16xi32, #tpu.memory_space<vmem>>
    %dma_wait3A_684 = arith.constant 0 : i32
    %dma_wait3A_685 = arith.constant 0 : i32
    %dma_wait3A_686 = tpu.memref_slice %arg2[%dma_wait3A_684, %dma_wait3A_685] : memref<8192x1024xf32, #tpu.memory_space<hbm>> -> memref<8192x1024xf32, #tpu.memory_space<hbm>>
    tpu.wait_indirect_dma semaphore(%arg13 : memref<!tpu.dma_semaphore, #tpu.memory_space<semaphore_mem>>) src(%dma_wait3A_686 : memref<8192x1024xf32, #tpu.memory_space<hbm>>) dst(%dma_wait3A_681 : memref<16x1024xf32, #tpu.memory_space<vmem>>)
    %add3A_687 = arith.constant 208 : i32
    %add3A_688 = arith.addi %mul3A_32, %add3A_687 : i32
    %dma_start3A_689 = arith.constant 6 : i32
    %dma_start3A_690 = arith.constant 0 : i32
    %dma_start3A_691 = arith.constant 0 : i32
    %dma_start3A_692 = tpu.memref_slice %arg6[%dma_start3A_689, %dma_start3A_690, %dma_start3A_691] : memref<7x16x1024xf32, #tpu.memory_space<vmem>> -> memref<1x16x1024xf32, #tpu.memory_space<vmem>>
    %dma_start3A_693 = tpu.memref_squeeze %dma_start3A_692 : memref<1x16x1024xf32, #tpu.memory_space<vmem>> -> memref<16x1024xf32, #tpu.memory_space<vmem>>
    %dma_start3A_694 = arith.constant 0 : i32
    %dma_start3A_695 = tpu.memref_slice %arg4[%select_n3A, %add3A_688, %dma_start3A_694] : memref<4x4096x1024xf32, #tpu.memory_space<hbm>> -> memref<1x16x1024xf32, #tpu.memory_space<hbm>>
    %dma_start3A_696 = tpu.memref_squeeze %dma_start3A_695 : memref<1x16x1024xf32, #tpu.memory_space<hbm>> -> memref<16x1024xf32, #tpu.memory_space<hbm>>
    %dma_start3A_697 = arith.constant 0 : i32
    %dma_start3A_698 = tpu.memref_slice %arg4[%select_n3A, %add3A_688, %dma_start3A_697] : memref<4x4096x1024xf32, #tpu.memory_space<hbm>> -> memref<1x16x1024xf32, #tpu.memory_space<hbm>>
    %dma_start3A_699 = tpu.memref_squeeze %dma_start3A_698 : memref<1x16x1024xf32, #tpu.memory_space<hbm>> -> memref<16x1024xf32, #tpu.memory_space<hbm>>
    %dma_start3A_700 = arith.constant 0 : i32
    %dma_start3A_701 = arith.constant 0 : i32
    %dma_start3A_702 = tpu.memref_slice %arg6[%dma_start3A_689, %dma_start3A_700, %dma_start3A_701] : memref<7x16x1024xf32, #tpu.memory_space<vmem>> -> memref<1x16x1024xf32, #tpu.memory_space<vmem>>
    %dma_start3A_703 = tpu.memref_squeeze %dma_start3A_702 : memref<1x16x1024xf32, #tpu.memory_space<vmem>> -> memref<16x1024xf32, #tpu.memory_space<vmem>>
    tpu.enqueue_dma source(%dma_start3A_703 : memref<16x1024xf32, #tpu.memory_space<vmem>>) target(%dma_start3A_699 : memref<16x1024xf32, #tpu.memory_space<hbm>>) target_semaphore(%arg20 : memref<!tpu.dma_semaphore, #tpu.memory_space<semaphore_mem>>)
    %dma_wait3A_704 = arith.constant 2 : i32
    %dma_wait3A_705 = arith.constant 0 : i32
    %dma_wait3A_706 = arith.constant 0 : i32
    %dma_wait3A_707 = tpu.memref_slice %arg6[%dma_wait3A_704, %dma_wait3A_705, %dma_wait3A_706] : memref<7x16x1024xf32, #tpu.memory_space<vmem>> -> memref<1x16x1024xf32, #tpu.memory_space<vmem>>
    %dma_wait3A_708 = tpu.memref_squeeze %dma_wait3A_707 : memref<1x16x1024xf32, #tpu.memory_space<vmem>> -> memref<16x1024xf32, #tpu.memory_space<vmem>>
    %dma_wait3A_709 = arith.constant 0 : i32
    %dma_wait3A_710 = tpu.memref_slice %arg4[%select_n3A, %add3A_480, %dma_wait3A_709] : memref<4x4096x1024xf32, #tpu.memory_space<hbm>> -> memref<1x16x1024xf32, #tpu.memory_space<hbm>>
    %dma_wait3A_711 = tpu.memref_squeeze %dma_wait3A_710 : memref<1x16x1024xf32, #tpu.memory_space<hbm>> -> memref<16x1024xf32, #tpu.memory_space<hbm>>
    %dma_wait3A_712 = arith.constant 0 : i32
    %dma_wait3A_713 = tpu.memref_slice %arg4[%select_n3A, %add3A_480, %dma_wait3A_712] : memref<4x4096x1024xf32, #tpu.memory_space<hbm>> -> memref<1x16x1024xf32, #tpu.memory_space<hbm>>
    %dma_wait3A_714 = tpu.memref_squeeze %dma_wait3A_713 : memref<1x16x1024xf32, #tpu.memory_space<hbm>> -> memref<16x1024xf32, #tpu.memory_space<hbm>>
    %dma_wait3A_715 = arith.constant 0 : i32
    %dma_wait3A_716 = arith.constant 0 : i32
    %dma_wait3A_717 = tpu.memref_slice %arg6[%dma_wait3A_704, %dma_wait3A_715, %dma_wait3A_716] : memref<7x16x1024xf32, #tpu.memory_space<vmem>> -> memref<1x16x1024xf32, #tpu.memory_space<vmem>>
    %dma_wait3A_718 = tpu.memref_squeeze %dma_wait3A_717 : memref<1x16x1024xf32, #tpu.memory_space<vmem>> -> memref<16x1024xf32, #tpu.memory_space<vmem>>
    tpu.wait_dma2 semaphore(%arg16 : memref<!tpu.dma_semaphore, #tpu.memory_space<semaphore_mem>>) src(%dma_wait3A_718 : memref<16x1024xf32, #tpu.memory_space<vmem>>) dst(%dma_wait3A_714 : memref<16x1024xf32, #tpu.memory_space<hbm>>)
    %dma_start3A_719 = arith.constant 2 : i32
    %dma_start3A_720 = arith.constant 0 : i32
    %dma_start3A_721 = arith.constant 0 : i32
    %dma_start3A_722 = tpu.memref_slice %arg6[%dma_start3A_719, %dma_start3A_720, %dma_start3A_721] : memref<7x16x1024xf32, #tpu.memory_space<vmem>> -> memref<1x16x1024xf32, #tpu.memory_space<vmem>>
    %dma_start3A_723 = tpu.memref_squeeze %dma_start3A_722 : memref<1x16x1024xf32, #tpu.memory_space<vmem>> -> memref<16x1024xf32, #tpu.memory_space<vmem>>
    %dma_start3A_724 = arith.constant 256 : i32
    %dma_start3A_725 = tpu.memref_slice %arg5[%dma_start3A_724] : memref<512xi32, #tpu.memory_space<vmem>> -> memref<16xi32, #tpu.memory_space<vmem>>
    %dma_start3A_726 = arith.constant 0 : i32
    %dma_start3A_727 = arith.constant 0 : i32
    %dma_start3A_728 = tpu.memref_slice %arg2[%dma_start3A_726, %dma_start3A_727] : memref<8192x1024xf32, #tpu.memory_space<hbm>> -> memref<8192x1024xf32, #tpu.memory_space<hbm>>
    tpu.enqueue_indirect_dma source(%dma_start3A_728 : memref<8192x1024xf32, #tpu.memory_space<hbm>>) target(%dma_start3A_723 : memref<16x1024xf32, #tpu.memory_space<vmem>>) offsets(%dma_start3A_725 : memref<16xi32, #tpu.memory_space<vmem>>) semaphore(%arg9 : memref<!tpu.dma_semaphore, #tpu.memory_space<semaphore_mem>>)
    %dma_wait3A_729 = arith.constant 0 : i32
    %dma_wait3A_730 = arith.constant 0 : i32
    %dma_wait3A_731 = arith.constant 0 : i32
    %dma_wait3A_732 = tpu.memref_slice %arg6[%dma_wait3A_729, %dma_wait3A_730, %dma_wait3A_731] : memref<7x16x1024xf32, #tpu.memory_space<vmem>> -> memref<1x16x1024xf32, #tpu.memory_space<vmem>>
    %dma_wait3A_733 = tpu.memref_squeeze %dma_wait3A_732 : memref<1x16x1024xf32, #tpu.memory_space<vmem>> -> memref<16x1024xf32, #tpu.memory_space<vmem>>
    %dma_wait3A_734 = arith.constant 224 : i32
    %dma_wait3A_735 = tpu.memref_slice %arg5[%dma_wait3A_734] : memref<512xi32, #tpu.memory_space<vmem>> -> memref<16xi32, #tpu.memory_space<vmem>>
    %dma_wait3A_736 = arith.constant 0 : i32
    %dma_wait3A_737 = arith.constant 0 : i32
    %dma_wait3A_738 = tpu.memref_slice %arg2[%dma_wait3A_736, %dma_wait3A_737] : memref<8192x1024xf32, #tpu.memory_space<hbm>> -> memref<8192x1024xf32, #tpu.memory_space<hbm>>
    tpu.wait_indirect_dma semaphore(%arg7 : memref<!tpu.dma_semaphore, #tpu.memory_space<semaphore_mem>>) src(%dma_wait3A_738 : memref<8192x1024xf32, #tpu.memory_space<hbm>>) dst(%dma_wait3A_733 : memref<16x1024xf32, #tpu.memory_space<vmem>>)
    %add3A_739 = arith.constant 224 : i32
    %add3A_740 = arith.addi %mul3A_32, %add3A_739 : i32
    %dma_start3A_741 = arith.constant 0 : i32
    %dma_start3A_742 = arith.constant 0 : i32
    %dma_start3A_743 = arith.constant 0 : i32
    %dma_start3A_744 = tpu.memref_slice %arg6[%dma_start3A_741, %dma_start3A_742, %dma_start3A_743] : memref<7x16x1024xf32, #tpu.memory_space<vmem>> -> memref<1x16x1024xf32, #tpu.memory_space<vmem>>
    %dma_start3A_745 = tpu.memref_squeeze %dma_start3A_744 : memref<1x16x1024xf32, #tpu.memory_space<vmem>> -> memref<16x1024xf32, #tpu.memory_space<vmem>>
    %dma_start3A_746 = arith.constant 0 : i32
    %dma_start3A_747 = tpu.memref_slice %arg4[%select_n3A, %add3A_740, %dma_start3A_746] : memref<4x4096x1024xf32, #tpu.memory_space<hbm>> -> memref<1x16x1024xf32, #tpu.memory_space<hbm>>
    %dma_start3A_748 = tpu.memref_squeeze %dma_start3A_747 : memref<1x16x1024xf32, #tpu.memory_space<hbm>> -> memref<16x1024xf32, #tpu.memory_space<hbm>>
    %dma_start3A_749 = arith.constant 0 : i32
    %dma_start3A_750 = tpu.memref_slice %arg4[%select_n3A, %add3A_740, %dma_start3A_749] : memref<4x4096x1024xf32, #tpu.memory_space<hbm>> -> memref<1x16x1024xf32, #tpu.memory_space<hbm>>
    %dma_start3A_751 = tpu.memref_squeeze %dma_start3A_750 : memref<1x16x1024xf32, #tpu.memory_space<hbm>> -> memref<16x1024xf32, #tpu.memory_space<hbm>>
    %dma_start3A_752 = arith.constant 0 : i32
    %dma_start3A_753 = arith.constant 0 : i32
    %dma_start3A_754 = tpu.memref_slice %arg6[%dma_start3A_741, %dma_start3A_752, %dma_start3A_753] : memref<7x16x1024xf32, #tpu.memory_space<vmem>> -> memref<1x16x1024xf32, #tpu.memory_space<vmem>>
    %dma_start3A_755 = tpu.memref_squeeze %dma_start3A_754 : memref<1x16x1024xf32, #tpu.memory_space<vmem>> -> memref<16x1024xf32, #tpu.memory_space<vmem>>
    tpu.enqueue_dma source(%dma_start3A_755 : memref<16x1024xf32, #tpu.memory_space<vmem>>) target(%dma_start3A_751 : memref<16x1024xf32, #tpu.memory_space<hbm>>) target_semaphore(%arg14 : memref<!tpu.dma_semaphore, #tpu.memory_space<semaphore_mem>>)
    %dma_wait3A_756 = arith.constant 3 : i32
    %dma_wait3A_757 = arith.constant 0 : i32
    %dma_wait3A_758 = arith.constant 0 : i32
    %dma_wait3A_759 = tpu.memref_slice %arg6[%dma_wait3A_756, %dma_wait3A_757, %dma_wait3A_758] : memref<7x16x1024xf32, #tpu.memory_space<vmem>> -> memref<1x16x1024xf32, #tpu.memory_space<vmem>>
    %dma_wait3A_760 = tpu.memref_squeeze %dma_wait3A_759 : memref<1x16x1024xf32, #tpu.memory_space<vmem>> -> memref<16x1024xf32, #tpu.memory_space<vmem>>
    %dma_wait3A_761 = arith.constant 0 : i32
    %dma_wait3A_762 = tpu.memref_slice %arg4[%select_n3A, %add3A_532, %dma_wait3A_761] : memref<4x4096x1024xf32, #tpu.memory_space<hbm>> -> memref<1x16x1024xf32, #tpu.memory_space<hbm>>
    %dma_wait3A_763 = tpu.memref_squeeze %dma_wait3A_762 : memref<1x16x1024xf32, #tpu.memory_space<hbm>> -> memref<16x1024xf32, #tpu.memory_space<hbm>>
    %dma_wait3A_764 = arith.constant 0 : i32
    %dma_wait3A_765 = tpu.memref_slice %arg4[%select_n3A, %add3A_532, %dma_wait3A_764] : memref<4x4096x1024xf32, #tpu.memory_space<hbm>> -> memref<1x16x1024xf32, #tpu.memory_space<hbm>>
    %dma_wait3A_766 = tpu.memref_squeeze %dma_wait3A_765 : memref<1x16x1024xf32, #tpu.memory_space<hbm>> -> memref<16x1024xf32, #tpu.memory_space<hbm>>
    %dma_wait3A_767 = arith.constant 0 : i32
    %dma_wait3A_768 = arith.constant 0 : i32
    %dma_wait3A_769 = tpu.memref_slice %arg6[%dma_wait3A_756, %dma_wait3A_767, %dma_wait3A_768] : memref<7x16x1024xf32, #tpu.memory_space<vmem>> -> memref<1x16x1024xf32, #tpu.memory_space<vmem>>
    %dma_wait3A_770 = tpu.memref_squeeze %dma_wait3A_769 : memref<1x16x1024xf32, #tpu.memory_space<vmem>> -> memref<16x1024xf32, #tpu.memory_space<vmem>>
    tpu.wait_dma2 semaphore(%arg17 : memref<!tpu.dma_semaphore, #tpu.memory_space<semaphore_mem>>) src(%dma_wait3A_770 : memref<16x1024xf32, #tpu.memory_space<vmem>>) dst(%dma_wait3A_766 : memref<16x1024xf32, #tpu.memory_space<hbm>>)
    %dma_start3A_771 = arith.constant 3 : i32
    %dma_start3A_772 = arith.constant 0 : i32
    %dma_start3A_773 = arith.constant 0 : i32
    %dma_start3A_774 = tpu.memref_slice %arg6[%dma_start3A_771, %dma_start3A_772, %dma_start3A_773] : memref<7x16x1024xf32, #tpu.memory_space<vmem>> -> memref<1x16x1024xf32, #tpu.memory_space<vmem>>
    %dma_start3A_775 = tpu.memref_squeeze %dma_start3A_774 : memref<1x16x1024xf32, #tpu.memory_space<vmem>> -> memref<16x1024xf32, #tpu.memory_space<vmem>>
    %dma_start3A_776 = arith.constant 272 : i32
    %dma_start3A_777 = tpu.memref_slice %arg5[%dma_start3A_776] : memref<512xi32, #tpu.memory_space<vmem>> -> memref<16xi32, #tpu.memory_space<vmem>>
    %dma_start3A_778 = arith.constant 0 : i32
    %dma_start3A_779 = arith.constant 0 : i32
    %dma_start3A_780 = tpu.memref_slice %arg2[%dma_start3A_778, %dma_start3A_779] : memref<8192x1024xf32, #tpu.memory_space<hbm>> -> memref<8192x1024xf32, #tpu.memory_space<hbm>>
    tpu.enqueue_indirect_dma source(%dma_start3A_780 : memref<8192x1024xf32, #tpu.memory_space<hbm>>) target(%dma_start3A_775 : memref<16x1024xf32, #tpu.memory_space<vmem>>) offsets(%dma_start3A_777 : memref<16xi32, #tpu.memory_space<vmem>>) semaphore(%arg10 : memref<!tpu.dma_semaphore, #tpu.memory_space<semaphore_mem>>)
    %dma_wait3A_781 = arith.constant 1 : i32
    %dma_wait3A_782 = arith.constant 0 : i32
    %dma_wait3A_783 = arith.constant 0 : i32
    %dma_wait3A_784 = tpu.memref_slice %arg6[%dma_wait3A_781, %dma_wait3A_782, %dma_wait3A_783] : memref<7x16x1024xf32, #tpu.memory_space<vmem>> -> memref<1x16x1024xf32, #tpu.memory_space<vmem>>
    %dma_wait3A_785 = tpu.memref_squeeze %dma_wait3A_784 : memref<1x16x1024xf32, #tpu.memory_space<vmem>> -> memref<16x1024xf32, #tpu.memory_space<vmem>>
    %dma_wait3A_786 = arith.constant 240 : i32
    %dma_wait3A_787 = tpu.memref_slice %arg5[%dma_wait3A_786] : memref<512xi32, #tpu.memory_space<vmem>> -> memref<16xi32, #tpu.memory_space<vmem>>
    %dma_wait3A_788 = arith.constant 0 : i32
    %dma_wait3A_789 = arith.constant 0 : i32
    %dma_wait3A_790 = tpu.memref_slice %arg2[%dma_wait3A_788, %dma_wait3A_789] : memref<8192x1024xf32, #tpu.memory_space<hbm>> -> memref<8192x1024xf32, #tpu.memory_space<hbm>>
    tpu.wait_indirect_dma semaphore(%arg8 : memref<!tpu.dma_semaphore, #tpu.memory_space<semaphore_mem>>) src(%dma_wait3A_790 : memref<8192x1024xf32, #tpu.memory_space<hbm>>) dst(%dma_wait3A_785 : memref<16x1024xf32, #tpu.memory_space<vmem>>)
    %add3A_791 = arith.constant 240 : i32
    %add3A_792 = arith.addi %mul3A_32, %add3A_791 : i32
    %dma_start3A_793 = arith.constant 1 : i32
    %dma_start3A_794 = arith.constant 0 : i32
    %dma_start3A_795 = arith.constant 0 : i32
    %dma_start3A_796 = tpu.memref_slice %arg6[%dma_start3A_793, %dma_start3A_794, %dma_start3A_795] : memref<7x16x1024xf32, #tpu.memory_space<vmem>> -> memref<1x16x1024xf32, #tpu.memory_space<vmem>>
    %dma_start3A_797 = tpu.memref_squeeze %dma_start3A_796 : memref<1x16x1024xf32, #tpu.memory_space<vmem>> -> memref<16x1024xf32, #tpu.memory_space<vmem>>
    %dma_start3A_798 = arith.constant 0 : i32
    %dma_start3A_799 = tpu.memref_slice %arg4[%select_n3A, %add3A_792, %dma_start3A_798] : memref<4x4096x1024xf32, #tpu.memory_space<hbm>> -> memref<1x16x1024xf32, #tpu.memory_space<hbm>>
    %dma_start3A_800 = tpu.memref_squeeze %dma_start3A_799 : memref<1x16x1024xf32, #tpu.memory_space<hbm>> -> memref<16x1024xf32, #tpu.memory_space<hbm>>
    %dma_start3A_801 = arith.constant 0 : i32
    %dma_start3A_802 = tpu.memref_slice %arg4[%select_n3A, %add3A_792, %dma_start3A_801] : memref<4x4096x1024xf32, #tpu.memory_space<hbm>> -> memref<1x16x1024xf32, #tpu.memory_space<hbm>>
    %dma_start3A_803 = tpu.memref_squeeze %dma_start3A_802 : memref<1x16x1024xf32, #tpu.memory_space<hbm>> -> memref<16x1024xf32, #tpu.memory_space<hbm>>
    %dma_start3A_804 = arith.constant 0 : i32
    %dma_start3A_805 = arith.constant 0 : i32
    %dma_start3A_806 = tpu.memref_slice %arg6[%dma_start3A_793, %dma_start3A_804, %dma_start3A_805] : memref<7x16x1024xf32, #tpu.memory_space<vmem>> -> memref<1x16x1024xf32, #tpu.memory_space<vmem>>
    %dma_start3A_807 = tpu.memref_squeeze %dma_start3A_806 : memref<1x16x1024xf32, #tpu.memory_space<vmem>> -> memref<16x1024xf32, #tpu.memory_space<vmem>>
    tpu.enqueue_dma source(%dma_start3A_807 : memref<16x1024xf32, #tpu.memory_space<vmem>>) target(%dma_start3A_803 : memref<16x1024xf32, #tpu.memory_space<hbm>>) target_semaphore(%arg15 : memref<!tpu.dma_semaphore, #tpu.memory_space<semaphore_mem>>)
    %dma_wait3A_808 = arith.constant 4 : i32
    %dma_wait3A_809 = arith.constant 0 : i32
    %dma_wait3A_810 = arith.constant 0 : i32
    %dma_wait3A_811 = tpu.memref_slice %arg6[%dma_wait3A_808, %dma_wait3A_809, %dma_wait3A_810] : memref<7x16x1024xf32, #tpu.memory_space<vmem>> -> memref<1x16x1024xf32, #tpu.memory_space<vmem>>
    %dma_wait3A_812 = tpu.memref_squeeze %dma_wait3A_811 : memref<1x16x1024xf32, #tpu.memory_space<vmem>> -> memref<16x1024xf32, #tpu.memory_space<vmem>>
    %dma_wait3A_813 = arith.constant 0 : i32
    %dma_wait3A_814 = tpu.memref_slice %arg4[%select_n3A, %add3A_584, %dma_wait3A_813] : memref<4x4096x1024xf32, #tpu.memory_space<hbm>> -> memref<1x16x1024xf32, #tpu.memory_space<hbm>>
    %dma_wait3A_815 = tpu.memref_squeeze %dma_wait3A_814 : memref<1x16x1024xf32, #tpu.memory_space<hbm>> -> memref<16x1024xf32, #tpu.memory_space<hbm>>
    %dma_wait3A_816 = arith.constant 0 : i32
    %dma_wait3A_817 = tpu.memref_slice %arg4[%select_n3A, %add3A_584, %dma_wait3A_816] : memref<4x4096x1024xf32, #tpu.memory_space<hbm>> -> memref<1x16x1024xf32, #tpu.memory_space<hbm>>
    %dma_wait3A_818 = tpu.memref_squeeze %dma_wait3A_817 : memref<1x16x1024xf32, #tpu.memory_space<hbm>> -> memref<16x1024xf32, #tpu.memory_space<hbm>>
    %dma_wait3A_819 = arith.constant 0 : i32
    %dma_wait3A_820 = arith.constant 0 : i32
    %dma_wait3A_821 = tpu.memref_slice %arg6[%dma_wait3A_808, %dma_wait3A_819, %dma_wait3A_820] : memref<7x16x1024xf32, #tpu.memory_space<vmem>> -> memref<1x16x1024xf32, #tpu.memory_space<vmem>>
    %dma_wait3A_822 = tpu.memref_squeeze %dma_wait3A_821 : memref<1x16x1024xf32, #tpu.memory_space<vmem>> -> memref<16x1024xf32, #tpu.memory_space<vmem>>
    tpu.wait_dma2 semaphore(%arg18 : memref<!tpu.dma_semaphore, #tpu.memory_space<semaphore_mem>>) src(%dma_wait3A_822 : memref<16x1024xf32, #tpu.memory_space<vmem>>) dst(%dma_wait3A_818 : memref<16x1024xf32, #tpu.memory_space<hbm>>)
    %dma_start3A_823 = arith.constant 4 : i32
    %dma_start3A_824 = arith.constant 0 : i32
    %dma_start3A_825 = arith.constant 0 : i32
    %dma_start3A_826 = tpu.memref_slice %arg6[%dma_start3A_823, %dma_start3A_824, %dma_start3A_825] : memref<7x16x1024xf32, #tpu.memory_space<vmem>> -> memref<1x16x1024xf32, #tpu.memory_space<vmem>>
    %dma_start3A_827 = tpu.memref_squeeze %dma_start3A_826 : memref<1x16x1024xf32, #tpu.memory_space<vmem>> -> memref<16x1024xf32, #tpu.memory_space<vmem>>
    %dma_start3A_828 = arith.constant 288 : i32
    %dma_start3A_829 = tpu.memref_slice %arg5[%dma_start3A_828] : memref<512xi32, #tpu.memory_space<vmem>> -> memref<16xi32, #tpu.memory_space<vmem>>
    %dma_start3A_830 = arith.constant 0 : i32
    %dma_start3A_831 = arith.constant 0 : i32
    %dma_start3A_832 = tpu.memref_slice %arg2[%dma_start3A_830, %dma_start3A_831] : memref<8192x1024xf32, #tpu.memory_space<hbm>> -> memref<8192x1024xf32, #tpu.memory_space<hbm>>
    tpu.enqueue_indirect_dma source(%dma_start3A_832 : memref<8192x1024xf32, #tpu.memory_space<hbm>>) target(%dma_start3A_827 : memref<16x1024xf32, #tpu.memory_space<vmem>>) offsets(%dma_start3A_829 : memref<16xi32, #tpu.memory_space<vmem>>) semaphore(%arg11 : memref<!tpu.dma_semaphore, #tpu.memory_space<semaphore_mem>>)
    %dma_wait3A_833 = arith.constant 2 : i32
    %dma_wait3A_834 = arith.constant 0 : i32
    %dma_wait3A_835 = arith.constant 0 : i32
    %dma_wait3A_836 = tpu.memref_slice %arg6[%dma_wait3A_833, %dma_wait3A_834, %dma_wait3A_835] : memref<7x16x1024xf32, #tpu.memory_space<vmem>> -> memref<1x16x1024xf32, #tpu.memory_space<vmem>>
    %dma_wait3A_837 = tpu.memref_squeeze %dma_wait3A_836 : memref<1x16x1024xf32, #tpu.memory_space<vmem>> -> memref<16x1024xf32, #tpu.memory_space<vmem>>
    %dma_wait3A_838 = arith.constant 256 : i32
    %dma_wait3A_839 = tpu.memref_slice %arg5[%dma_wait3A_838] : memref<512xi32, #tpu.memory_space<vmem>> -> memref<16xi32, #tpu.memory_space<vmem>>
    %dma_wait3A_840 = arith.constant 0 : i32
    %dma_wait3A_841 = arith.constant 0 : i32
    %dma_wait3A_842 = tpu.memref_slice %arg2[%dma_wait3A_840, %dma_wait3A_841] : memref<8192x1024xf32, #tpu.memory_space<hbm>> -> memref<8192x1024xf32, #tpu.memory_space<hbm>>
    tpu.wait_indirect_dma semaphore(%arg9 : memref<!tpu.dma_semaphore, #tpu.memory_space<semaphore_mem>>) src(%dma_wait3A_842 : memref<8192x1024xf32, #tpu.memory_space<hbm>>) dst(%dma_wait3A_837 : memref<16x1024xf32, #tpu.memory_space<vmem>>)
    %add3A_843 = arith.constant 256 : i32
    %add3A_844 = arith.addi %mul3A_32, %add3A_843 : i32
    %dma_start3A_845 = arith.constant 2 : i32
    %dma_start3A_846 = arith.constant 0 : i32
    %dma_start3A_847 = arith.constant 0 : i32
    %dma_start3A_848 = tpu.memref_slice %arg6[%dma_start3A_845, %dma_start3A_846, %dma_start3A_847] : memref<7x16x1024xf32, #tpu.memory_space<vmem>> -> memref<1x16x1024xf32, #tpu.memory_space<vmem>>
    %dma_start3A_849 = tpu.memref_squeeze %dma_start3A_848 : memref<1x16x1024xf32, #tpu.memory_space<vmem>> -> memref<16x1024xf32, #tpu.memory_space<vmem>>
    %dma_start3A_850 = arith.constant 0 : i32
    %dma_start3A_851 = tpu.memref_slice %arg4[%select_n3A, %add3A_844, %dma_start3A_850] : memref<4x4096x1024xf32, #tpu.memory_space<hbm>> -> memref<1x16x1024xf32, #tpu.memory_space<hbm>>
    %dma_start3A_852 = tpu.memref_squeeze %dma_start3A_851 : memref<1x16x1024xf32, #tpu.memory_space<hbm>> -> memref<16x1024xf32, #tpu.memory_space<hbm>>
    %dma_start3A_853 = arith.constant 0 : i32
    %dma_start3A_854 = tpu.memref_slice %arg4[%select_n3A, %add3A_844, %dma_start3A_853] : memref<4x4096x1024xf32, #tpu.memory_space<hbm>> -> memref<1x16x1024xf32, #tpu.memory_space<hbm>>
    %dma_start3A_855 = tpu.memref_squeeze %dma_start3A_854 : memref<1x16x1024xf32, #tpu.memory_space<hbm>> -> memref<16x1024xf32, #tpu.memory_space<hbm>>
    %dma_start3A_856 = arith.constant 0 : i32
    %dma_start3A_857 = arith.constant 0 : i32
    %dma_start3A_858 = tpu.memref_slice %arg6[%dma_start3A_845, %dma_start3A_856, %dma_start3A_857] : memref<7x16x1024xf32, #tpu.memory_space<vmem>> -> memref<1x16x1024xf32, #tpu.memory_space<vmem>>
    %dma_start3A_859 = tpu.memref_squeeze %dma_start3A_858 : memref<1x16x1024xf32, #tpu.memory_space<vmem>> -> memref<16x1024xf32, #tpu.memory_space<vmem>>
    tpu.enqueue_dma source(%dma_start3A_859 : memref<16x1024xf32, #tpu.memory_space<vmem>>) target(%dma_start3A_855 : memref<16x1024xf32, #tpu.memory_space<hbm>>) target_semaphore(%arg16 : memref<!tpu.dma_semaphore, #tpu.memory_space<semaphore_mem>>)
    %dma_wait3A_860 = arith.constant 5 : i32
    %dma_wait3A_861 = arith.constant 0 : i32
    %dma_wait3A_862 = arith.constant 0 : i32
    %dma_wait3A_863 = tpu.memref_slice %arg6[%dma_wait3A_860, %dma_wait3A_861, %dma_wait3A_862] : memref<7x16x1024xf32, #tpu.memory_space<vmem>> -> memref<1x16x1024xf32, #tpu.memory_space<vmem>>
    %dma_wait3A_864 = tpu.memref_squeeze %dma_wait3A_863 : memref<1x16x1024xf32, #tpu.memory_space<vmem>> -> memref<16x1024xf32, #tpu.memory_space<vmem>>
    %dma_wait3A_865 = arith.constant 0 : i32
    %dma_wait3A_866 = tpu.memref_slice %arg4[%select_n3A, %add3A_636, %dma_wait3A_865] : memref<4x4096x1024xf32, #tpu.memory_space<hbm>> -> memref<1x16x1024xf32, #tpu.memory_space<hbm>>
    %dma_wait3A_867 = tpu.memref_squeeze %dma_wait3A_866 : memref<1x16x1024xf32, #tpu.memory_space<hbm>> -> memref<16x1024xf32, #tpu.memory_space<hbm>>
    %dma_wait3A_868 = arith.constant 0 : i32
    %dma_wait3A_869 = tpu.memref_slice %arg4[%select_n3A, %add3A_636, %dma_wait3A_868] : memref<4x4096x1024xf32, #tpu.memory_space<hbm>> -> memref<1x16x1024xf32, #tpu.memory_space<hbm>>
    %dma_wait3A_870 = tpu.memref_squeeze %dma_wait3A_869 : memref<1x16x1024xf32, #tpu.memory_space<hbm>> -> memref<16x1024xf32, #tpu.memory_space<hbm>>
    %dma_wait3A_871 = arith.constant 0 : i32
    %dma_wait3A_872 = arith.constant 0 : i32
    %dma_wait3A_873 = tpu.memref_slice %arg6[%dma_wait3A_860, %dma_wait3A_871, %dma_wait3A_872] : memref<7x16x1024xf32, #tpu.memory_space<vmem>> -> memref<1x16x1024xf32, #tpu.memory_space<vmem>>
    %dma_wait3A_874 = tpu.memref_squeeze %dma_wait3A_873 : memref<1x16x1024xf32, #tpu.memory_space<vmem>> -> memref<16x1024xf32, #tpu.memory_space<vmem>>
    tpu.wait_dma2 semaphore(%arg19 : memref<!tpu.dma_semaphore, #tpu.memory_space<semaphore_mem>>) src(%dma_wait3A_874 : memref<16x1024xf32, #tpu.memory_space<vmem>>) dst(%dma_wait3A_870 : memref<16x1024xf32, #tpu.memory_space<hbm>>)
    %dma_start3A_875 = arith.constant 5 : i32
    %dma_start3A_876 = arith.constant 0 : i32
    %dma_start3A_877 = arith.constant 0 : i32
    %dma_start3A_878 = tpu.memref_slice %arg6[%dma_start3A_875, %dma_start3A_876, %dma_start3A_877] : memref<7x16x1024xf32, #tpu.memory_space<vmem>> -> memref<1x16x1024xf32, #tpu.memory_space<vmem>>
    %dma_start3A_879 = tpu.memref_squeeze %dma_start3A_878 : memref<1x16x1024xf32, #tpu.memory_space<vmem>> -> memref<16x1024xf32, #tpu.memory_space<vmem>>
    %dma_start3A_880 = arith.constant 304 : i32
    %dma_start3A_881 = tpu.memref_slice %arg5[%dma_start3A_880] : memref<512xi32, #tpu.memory_space<vmem>> -> memref<16xi32, #tpu.memory_space<vmem>>
    %dma_start3A_882 = arith.constant 0 : i32
    %dma_start3A_883 = arith.constant 0 : i32
    %dma_start3A_884 = tpu.memref_slice %arg2[%dma_start3A_882, %dma_start3A_883] : memref<8192x1024xf32, #tpu.memory_space<hbm>> -> memref<8192x1024xf32, #tpu.memory_space<hbm>>
    tpu.enqueue_indirect_dma source(%dma_start3A_884 : memref<8192x1024xf32, #tpu.memory_space<hbm>>) target(%dma_start3A_879 : memref<16x1024xf32, #tpu.memory_space<vmem>>) offsets(%dma_start3A_881 : memref<16xi32, #tpu.memory_space<vmem>>) semaphore(%arg12 : memref<!tpu.dma_semaphore, #tpu.memory_space<semaphore_mem>>)
    %dma_wait3A_885 = arith.constant 3 : i32
    %dma_wait3A_886 = arith.constant 0 : i32
    %dma_wait3A_887 = arith.constant 0 : i32
    %dma_wait3A_888 = tpu.memref_slice %arg6[%dma_wait3A_885, %dma_wait3A_886, %dma_wait3A_887] : memref<7x16x1024xf32, #tpu.memory_space<vmem>> -> memref<1x16x1024xf32, #tpu.memory_space<vmem>>
    %dma_wait3A_889 = tpu.memref_squeeze %dma_wait3A_888 : memref<1x16x1024xf32, #tpu.memory_space<vmem>> -> memref<16x1024xf32, #tpu.memory_space<vmem>>
    %dma_wait3A_890 = arith.constant 272 : i32
    %dma_wait3A_891 = tpu.memref_slice %arg5[%dma_wait3A_890] : memref<512xi32, #tpu.memory_space<vmem>> -> memref<16xi32, #tpu.memory_space<vmem>>
    %dma_wait3A_892 = arith.constant 0 : i32
    %dma_wait3A_893 = arith.constant 0 : i32
    %dma_wait3A_894 = tpu.memref_slice %arg2[%dma_wait3A_892, %dma_wait3A_893] : memref<8192x1024xf32, #tpu.memory_space<hbm>> -> memref<8192x1024xf32, #tpu.memory_space<hbm>>
    tpu.wait_indirect_dma semaphore(%arg10 : memref<!tpu.dma_semaphore, #tpu.memory_space<semaphore_mem>>) src(%dma_wait3A_894 : memref<8192x1024xf32, #tpu.memory_space<hbm>>) dst(%dma_wait3A_889 : memref<16x1024xf32, #tpu.memory_space<vmem>>)
    %add3A_895 = arith.constant 272 : i32
    %add3A_896 = arith.addi %mul3A_32, %add3A_895 : i32
    %dma_start3A_897 = arith.constant 3 : i32
    %dma_start3A_898 = arith.constant 0 : i32
    %dma_start3A_899 = arith.constant 0 : i32
    %dma_start3A_900 = tpu.memref_slice %arg6[%dma_start3A_897, %dma_start3A_898, %dma_start3A_899] : memref<7x16x1024xf32, #tpu.memory_space<vmem>> -> memref<1x16x1024xf32, #tpu.memory_space<vmem>>
    %dma_start3A_901 = tpu.memref_squeeze %dma_start3A_900 : memref<1x16x1024xf32, #tpu.memory_space<vmem>> -> memref<16x1024xf32, #tpu.memory_space<vmem>>
    %dma_start3A_902 = arith.constant 0 : i32
    %dma_start3A_903 = tpu.memref_slice %arg4[%select_n3A, %add3A_896, %dma_start3A_902] : memref<4x4096x1024xf32, #tpu.memory_space<hbm>> -> memref<1x16x1024xf32, #tpu.memory_space<hbm>>
    %dma_start3A_904 = tpu.memref_squeeze %dma_start3A_903 : memref<1x16x1024xf32, #tpu.memory_space<hbm>> -> memref<16x1024xf32, #tpu.memory_space<hbm>>
    %dma_start3A_905 = arith.constant 0 : i32
    %dma_start3A_906 = tpu.memref_slice %arg4[%select_n3A, %add3A_896, %dma_start3A_905] : memref<4x4096x1024xf32, #tpu.memory_space<hbm>> -> memref<1x16x1024xf32, #tpu.memory_space<hbm>>
    %dma_start3A_907 = tpu.memref_squeeze %dma_start3A_906 : memref<1x16x1024xf32, #tpu.memory_space<hbm>> -> memref<16x1024xf32, #tpu.memory_space<hbm>>
    %dma_start3A_908 = arith.constant 0 : i32
    %dma_start3A_909 = arith.constant 0 : i32
    %dma_start3A_910 = tpu.memref_slice %arg6[%dma_start3A_897, %dma_start3A_908, %dma_start3A_909] : memref<7x16x1024xf32, #tpu.memory_space<vmem>> -> memref<1x16x1024xf32, #tpu.memory_space<vmem>>
    %dma_start3A_911 = tpu.memref_squeeze %dma_start3A_910 : memref<1x16x1024xf32, #tpu.memory_space<vmem>> -> memref<16x1024xf32, #tpu.memory_space<vmem>>
    tpu.enqueue_dma source(%dma_start3A_911 : memref<16x1024xf32, #tpu.memory_space<vmem>>) target(%dma_start3A_907 : memref<16x1024xf32, #tpu.memory_space<hbm>>) target_semaphore(%arg17 : memref<!tpu.dma_semaphore, #tpu.memory_space<semaphore_mem>>)
    %dma_wait3A_912 = arith.constant 6 : i32
    %dma_wait3A_913 = arith.constant 0 : i32
    %dma_wait3A_914 = arith.constant 0 : i32
    %dma_wait3A_915 = tpu.memref_slice %arg6[%dma_wait3A_912, %dma_wait3A_913, %dma_wait3A_914] : memref<7x16x1024xf32, #tpu.memory_space<vmem>> -> memref<1x16x1024xf32, #tpu.memory_space<vmem>>
    %dma_wait3A_916 = tpu.memref_squeeze %dma_wait3A_915 : memref<1x16x1024xf32, #tpu.memory_space<vmem>> -> memref<16x1024xf32, #tpu.memory_space<vmem>>
    %dma_wait3A_917 = arith.constant 0 : i32
    %dma_wait3A_918 = tpu.memref_slice %arg4[%select_n3A, %add3A_688, %dma_wait3A_917] : memref<4x4096x1024xf32, #tpu.memory_space<hbm>> -> memref<1x16x1024xf32, #tpu.memory_space<hbm>>
    %dma_wait3A_919 = tpu.memref_squeeze %dma_wait3A_918 : memref<1x16x1024xf32, #tpu.memory_space<hbm>> -> memref<16x1024xf32, #tpu.memory_space<hbm>>
    %dma_wait3A_920 = arith.constant 0 : i32
    %dma_wait3A_921 = tpu.memref_slice %arg4[%select_n3A, %add3A_688, %dma_wait3A_920] : memref<4x4096x1024xf32, #tpu.memory_space<hbm>> -> memref<1x16x1024xf32, #tpu.memory_space<hbm>>
    %dma_wait3A_922 = tpu.memref_squeeze %dma_wait3A_921 : memref<1x16x1024xf32, #tpu.memory_space<hbm>> -> memref<16x1024xf32, #tpu.memory_space<hbm>>
    %dma_wait3A_923 = arith.constant 0 : i32
    %dma_wait3A_924 = arith.constant 0 : i32
    %dma_wait3A_925 = tpu.memref_slice %arg6[%dma_wait3A_912, %dma_wait3A_923, %dma_wait3A_924] : memref<7x16x1024xf32, #tpu.memory_space<vmem>> -> memref<1x16x1024xf32, #tpu.memory_space<vmem>>
    %dma_wait3A_926 = tpu.memref_squeeze %dma_wait3A_925 : memref<1x16x1024xf32, #tpu.memory_space<vmem>> -> memref<16x1024xf32, #tpu.memory_space<vmem>>
    tpu.wait_dma2 semaphore(%arg20 : memref<!tpu.dma_semaphore, #tpu.memory_space<semaphore_mem>>) src(%dma_wait3A_926 : memref<16x1024xf32, #tpu.memory_space<vmem>>) dst(%dma_wait3A_922 : memref<16x1024xf32, #tpu.memory_space<hbm>>)
    %dma_start3A_927 = arith.constant 6 : i32
    %dma_start3A_928 = arith.constant 0 : i32
    %dma_start3A_929 = arith.constant 0 : i32
    %dma_start3A_930 = tpu.memref_slice %arg6[%dma_start3A_927, %dma_start3A_928, %dma_start3A_929] : memref<7x16x1024xf32, #tpu.memory_space<vmem>> -> memref<1x16x1024xf32, #tpu.memory_space<vmem>>
    %dma_start3A_931 = tpu.memref_squeeze %dma_start3A_930 : memref<1x16x1024xf32, #tpu.memory_space<vmem>> -> memref<16x1024xf32, #tpu.memory_space<vmem>>
    %dma_start3A_932 = arith.constant 320 : i32
    %dma_start3A_933 = tpu.memref_slice %arg5[%dma_start3A_932] : memref<512xi32, #tpu.memory_space<vmem>> -> memref<16xi32, #tpu.memory_space<vmem>>
    %dma_start3A_934 = arith.constant 0 : i32
    %dma_start3A_935 = arith.constant 0 : i32
    %dma_start3A_936 = tpu.memref_slice %arg2[%dma_start3A_934, %dma_start3A_935] : memref<8192x1024xf32, #tpu.memory_space<hbm>> -> memref<8192x1024xf32, #tpu.memory_space<hbm>>
    tpu.enqueue_indirect_dma source(%dma_start3A_936 : memref<8192x1024xf32, #tpu.memory_space<hbm>>) target(%dma_start3A_931 : memref<16x1024xf32, #tpu.memory_space<vmem>>) offsets(%dma_start3A_933 : memref<16xi32, #tpu.memory_space<vmem>>) semaphore(%arg13 : memref<!tpu.dma_semaphore, #tpu.memory_space<semaphore_mem>>)
    %dma_wait3A_937 = arith.constant 4 : i32
    %dma_wait3A_938 = arith.constant 0 : i32
    %dma_wait3A_939 = arith.constant 0 : i32
    %dma_wait3A_940 = tpu.memref_slice %arg6[%dma_wait3A_937, %dma_wait3A_938, %dma_wait3A_939] : memref<7x16x1024xf32, #tpu.memory_space<vmem>> -> memref<1x16x1024xf32, #tpu.memory_space<vmem>>
    %dma_wait3A_941 = tpu.memref_squeeze %dma_wait3A_940 : memref<1x16x1024xf32, #tpu.memory_space<vmem>> -> memref<16x1024xf32, #tpu.memory_space<vmem>>
    %dma_wait3A_942 = arith.constant 288 : i32
    %dma_wait3A_943 = tpu.memref_slice %arg5[%dma_wait3A_942] : memref<512xi32, #tpu.memory_space<vmem>> -> memref<16xi32, #tpu.memory_space<vmem>>
    %dma_wait3A_944 = arith.constant 0 : i32
    %dma_wait3A_945 = arith.constant 0 : i32
    %dma_wait3A_946 = tpu.memref_slice %arg2[%dma_wait3A_944, %dma_wait3A_945] : memref<8192x1024xf32, #tpu.memory_space<hbm>> -> memref<8192x1024xf32, #tpu.memory_space<hbm>>
    tpu.wait_indirect_dma semaphore(%arg11 : memref<!tpu.dma_semaphore, #tpu.memory_space<semaphore_mem>>) src(%dma_wait3A_946 : memref<8192x1024xf32, #tpu.memory_space<hbm>>) dst(%dma_wait3A_941 : memref<16x1024xf32, #tpu.memory_space<vmem>>)
    %add3A_947 = arith.constant 288 : i32
    %add3A_948 = arith.addi %mul3A_32, %add3A_947 : i32
    %dma_start3A_949 = arith.constant 4 : i32
    %dma_start3A_950 = arith.constant 0 : i32
    %dma_start3A_951 = arith.constant 0 : i32
    %dma_start3A_952 = tpu.memref_slice %arg6[%dma_start3A_949, %dma_start3A_950, %dma_start3A_951] : memref<7x16x1024xf32, #tpu.memory_space<vmem>> -> memref<1x16x1024xf32, #tpu.memory_space<vmem>>
    %dma_start3A_953 = tpu.memref_squeeze %dma_start3A_952 : memref<1x16x1024xf32, #tpu.memory_space<vmem>> -> memref<16x1024xf32, #tpu.memory_space<vmem>>
    %dma_start3A_954 = arith.constant 0 : i32
    %dma_start3A_955 = tpu.memref_slice %arg4[%select_n3A, %add3A_948, %dma_start3A_954] : memref<4x4096x1024xf32, #tpu.memory_space<hbm>> -> memref<1x16x1024xf32, #tpu.memory_space<hbm>>
    %dma_start3A_956 = tpu.memref_squeeze %dma_start3A_955 : memref<1x16x1024xf32, #tpu.memory_space<hbm>> -> memref<16x1024xf32, #tpu.memory_space<hbm>>
    %dma_start3A_957 = arith.constant 0 : i32
    %dma_start3A_958 = tpu.memref_slice %arg4[%select_n3A, %add3A_948, %dma_start3A_957] : memref<4x4096x1024xf32, #tpu.memory_space<hbm>> -> memref<1x16x1024xf32, #tpu.memory_space<hbm>>
    %dma_start3A_959 = tpu.memref_squeeze %dma_start3A_958 : memref<1x16x1024xf32, #tpu.memory_space<hbm>> -> memref<16x1024xf32, #tpu.memory_space<hbm>>
    %dma_start3A_960 = arith.constant 0 : i32
    %dma_start3A_961 = arith.constant 0 : i32
    %dma_start3A_962 = tpu.memref_slice %arg6[%dma_start3A_949, %dma_start3A_960, %dma_start3A_961] : memref<7x16x1024xf32, #tpu.memory_space<vmem>> -> memref<1x16x1024xf32, #tpu.memory_space<vmem>>
    %dma_start3A_963 = tpu.memref_squeeze %dma_start3A_962 : memref<1x16x1024xf32, #tpu.memory_space<vmem>> -> memref<16x1024xf32, #tpu.memory_space<vmem>>
    tpu.enqueue_dma source(%dma_start3A_963 : memref<16x1024xf32, #tpu.memory_space<vmem>>) target(%dma_start3A_959 : memref<16x1024xf32, #tpu.memory_space<hbm>>) target_semaphore(%arg18 : memref<!tpu.dma_semaphore, #tpu.memory_space<semaphore_mem>>)
    %dma_wait3A_964 = arith.constant 0 : i32
    %dma_wait3A_965 = arith.constant 0 : i32
    %dma_wait3A_966 = arith.constant 0 : i32
    %dma_wait3A_967 = tpu.memref_slice %arg6[%dma_wait3A_964, %dma_wait3A_965, %dma_wait3A_966] : memref<7x16x1024xf32, #tpu.memory_space<vmem>> -> memref<1x16x1024xf32, #tpu.memory_space<vmem>>
    %dma_wait3A_968 = tpu.memref_squeeze %dma_wait3A_967 : memref<1x16x1024xf32, #tpu.memory_space<vmem>> -> memref<16x1024xf32, #tpu.memory_space<vmem>>
    %dma_wait3A_969 = arith.constant 0 : i32
    %dma_wait3A_970 = tpu.memref_slice %arg4[%select_n3A, %add3A_740, %dma_wait3A_969] : memref<4x4096x1024xf32, #tpu.memory_space<hbm>> -> memref<1x16x1024xf32, #tpu.memory_space<hbm>>
    %dma_wait3A_971 = tpu.memref_squeeze %dma_wait3A_970 : memref<1x16x1024xf32, #tpu.memory_space<hbm>> -> memref<16x1024xf32, #tpu.memory_space<hbm>>
    %dma_wait3A_972 = arith.constant 0 : i32
    %dma_wait3A_973 = tpu.memref_slice %arg4[%select_n3A, %add3A_740, %dma_wait3A_972] : memref<4x4096x1024xf32, #tpu.memory_space<hbm>> -> memref<1x16x1024xf32, #tpu.memory_space<hbm>>
    %dma_wait3A_974 = tpu.memref_squeeze %dma_wait3A_973 : memref<1x16x1024xf32, #tpu.memory_space<hbm>> -> memref<16x1024xf32, #tpu.memory_space<hbm>>
    %dma_wait3A_975 = arith.constant 0 : i32
    %dma_wait3A_976 = arith.constant 0 : i32
    %dma_wait3A_977 = tpu.memref_slice %arg6[%dma_wait3A_964, %dma_wait3A_975, %dma_wait3A_976] : memref<7x16x1024xf32, #tpu.memory_space<vmem>> -> memref<1x16x1024xf32, #tpu.memory_space<vmem>>
    %dma_wait3A_978 = tpu.memref_squeeze %dma_wait3A_977 : memref<1x16x1024xf32, #tpu.memory_space<vmem>> -> memref<16x1024xf32, #tpu.memory_space<vmem>>
    tpu.wait_dma2 semaphore(%arg14 : memref<!tpu.dma_semaphore, #tpu.memory_space<semaphore_mem>>) src(%dma_wait3A_978 : memref<16x1024xf32, #tpu.memory_space<vmem>>) dst(%dma_wait3A_974 : memref<16x1024xf32, #tpu.memory_space<hbm>>)
    %dma_start3A_979 = arith.constant 0 : i32
    %dma_start3A_980 = arith.constant 0 : i32
    %dma_start3A_981 = arith.constant 0 : i32
    %dma_start3A_982 = tpu.memref_slice %arg6[%dma_start3A_979, %dma_start3A_980, %dma_start3A_981] : memref<7x16x1024xf32, #tpu.memory_space<vmem>> -> memref<1x16x1024xf32, #tpu.memory_space<vmem>>
    %dma_start3A_983 = tpu.memref_squeeze %dma_start3A_982 : memref<1x16x1024xf32, #tpu.memory_space<vmem>> -> memref<16x1024xf32, #tpu.memory_space<vmem>>
    %dma_start3A_984 = arith.constant 336 : i32
    %dma_start3A_985 = tpu.memref_slice %arg5[%dma_start3A_984] : memref<512xi32, #tpu.memory_space<vmem>> -> memref<16xi32, #tpu.memory_space<vmem>>
    %dma_start3A_986 = arith.constant 0 : i32
    %dma_start3A_987 = arith.constant 0 : i32
    %dma_start3A_988 = tpu.memref_slice %arg2[%dma_start3A_986, %dma_start3A_987] : memref<8192x1024xf32, #tpu.memory_space<hbm>> -> memref<8192x1024xf32, #tpu.memory_space<hbm>>
    tpu.enqueue_indirect_dma source(%dma_start3A_988 : memref<8192x1024xf32, #tpu.memory_space<hbm>>) target(%dma_start3A_983 : memref<16x1024xf32, #tpu.memory_space<vmem>>) offsets(%dma_start3A_985 : memref<16xi32, #tpu.memory_space<vmem>>) semaphore(%arg7 : memref<!tpu.dma_semaphore, #tpu.memory_space<semaphore_mem>>)
    %dma_wait3A_989 = arith.constant 5 : i32
    %dma_wait3A_990 = arith.constant 0 : i32
    %dma_wait3A_991 = arith.constant 0 : i32
    %dma_wait3A_992 = tpu.memref_slice %arg6[%dma_wait3A_989, %dma_wait3A_990, %dma_wait3A_991] : memref<7x16x1024xf32, #tpu.memory_space<vmem>> -> memref<1x16x1024xf32, #tpu.memory_space<vmem>>
    %dma_wait3A_993 = tpu.memref_squeeze %dma_wait3A_992 : memref<1x16x1024xf32, #tpu.memory_space<vmem>> -> memref<16x1024xf32, #tpu.memory_space<vmem>>
    %dma_wait3A_994 = arith.constant 304 : i32
    %dma_wait3A_995 = tpu.memref_slice %arg5[%dma_wait3A_994] : memref<512xi32, #tpu.memory_space<vmem>> -> memref<16xi32, #tpu.memory_space<vmem>>
    %dma_wait3A_996 = arith.constant 0 : i32
    %dma_wait3A_997 = arith.constant 0 : i32
    %dma_wait3A_998 = tpu.memref_slice %arg2[%dma_wait3A_996, %dma_wait3A_997] : memref<8192x1024xf32, #tpu.memory_space<hbm>> -> memref<8192x1024xf32, #tpu.memory_space<hbm>>
    tpu.wait_indirect_dma semaphore(%arg12 : memref<!tpu.dma_semaphore, #tpu.memory_space<semaphore_mem>>) src(%dma_wait3A_998 : memref<8192x1024xf32, #tpu.memory_space<hbm>>) dst(%dma_wait3A_993 : memref<16x1024xf32, #tpu.memory_space<vmem>>)
    %add3A_999 = arith.constant 304 : i32
    %add3A_1000 = arith.addi %mul3A_32, %add3A_999 : i32
    %dma_start3A_1001 = arith.constant 5 : i32
    %dma_start3A_1002 = arith.constant 0 : i32
    %dma_start3A_1003 = arith.constant 0 : i32
    %dma_start3A_1004 = tpu.memref_slice %arg6[%dma_start3A_1001, %dma_start3A_1002, %dma_start3A_1003] : memref<7x16x1024xf32, #tpu.memory_space<vmem>> -> memref<1x16x1024xf32, #tpu.memory_space<vmem>>
    %dma_start3A_1005 = tpu.memref_squeeze %dma_start3A_1004 : memref<1x16x1024xf32, #tpu.memory_space<vmem>> -> memref<16x1024xf32, #tpu.memory_space<vmem>>
    %dma_start3A_1006 = arith.constant 0 : i32
    %dma_start3A_1007 = tpu.memref_slice %arg4[%select_n3A, %add3A_1000, %dma_start3A_1006] : memref<4x4096x1024xf32, #tpu.memory_space<hbm>> -> memref<1x16x1024xf32, #tpu.memory_space<hbm>>
    %dma_start3A_1008 = tpu.memref_squeeze %dma_start3A_1007 : memref<1x16x1024xf32, #tpu.memory_space<hbm>> -> memref<16x1024xf32, #tpu.memory_space<hbm>>
    %dma_start3A_1009 = arith.constant 0 : i32
    %dma_start3A_1010 = tpu.memref_slice %arg4[%select_n3A, %add3A_1000, %dma_start3A_1009] : memref<4x4096x1024xf32, #tpu.memory_space<hbm>> -> memref<1x16x1024xf32, #tpu.memory_space<hbm>>
    %dma_start3A_1011 = tpu.memref_squeeze %dma_start3A_1010 : memref<1x16x1024xf32, #tpu.memory_space<hbm>> -> memref<16x1024xf32, #tpu.memory_space<hbm>>
    %dma_start3A_1012 = arith.constant 0 : i32
    %dma_start3A_1013 = arith.constant 0 : i32
    %dma_start3A_1014 = tpu.memref_slice %arg6[%dma_start3A_1001, %dma_start3A_1012, %dma_start3A_1013] : memref<7x16x1024xf32, #tpu.memory_space<vmem>> -> memref<1x16x1024xf32, #tpu.memory_space<vmem>>
    %dma_start3A_1015 = tpu.memref_squeeze %dma_start3A_1014 : memref<1x16x1024xf32, #tpu.memory_space<vmem>> -> memref<16x1024xf32, #tpu.memory_space<vmem>>
    tpu.enqueue_dma source(%dma_start3A_1015 : memref<16x1024xf32, #tpu.memory_space<vmem>>) target(%dma_start3A_1011 : memref<16x1024xf32, #tpu.memory_space<hbm>>) target_semaphore(%arg19 : memref<!tpu.dma_semaphore, #tpu.memory_space<semaphore_mem>>)
    %dma_wait3A_1016 = arith.constant 1 : i32
    %dma_wait3A_1017 = arith.constant 0 : i32
    %dma_wait3A_1018 = arith.constant 0 : i32
    %dma_wait3A_1019 = tpu.memref_slice %arg6[%dma_wait3A_1016, %dma_wait3A_1017, %dma_wait3A_1018] : memref<7x16x1024xf32, #tpu.memory_space<vmem>> -> memref<1x16x1024xf32, #tpu.memory_space<vmem>>
    %dma_wait3A_1020 = tpu.memref_squeeze %dma_wait3A_1019 : memref<1x16x1024xf32, #tpu.memory_space<vmem>> -> memref<16x1024xf32, #tpu.memory_space<vmem>>
    %dma_wait3A_1021 = arith.constant 0 : i32
    %dma_wait3A_1022 = tpu.memref_slice %arg4[%select_n3A, %add3A_792, %dma_wait3A_1021] : memref<4x4096x1024xf32, #tpu.memory_space<hbm>> -> memref<1x16x1024xf32, #tpu.memory_space<hbm>>
    %dma_wait3A_1023 = tpu.memref_squeeze %dma_wait3A_1022 : memref<1x16x1024xf32, #tpu.memory_space<hbm>> -> memref<16x1024xf32, #tpu.memory_space<hbm>>
    %dma_wait3A_1024 = arith.constant 0 : i32
    %dma_wait3A_1025 = tpu.memref_slice %arg4[%select_n3A, %add3A_792, %dma_wait3A_1024] : memref<4x4096x1024xf32, #tpu.memory_space<hbm>> -> memref<1x16x1024xf32, #tpu.memory_space<hbm>>
    %dma_wait3A_1026 = tpu.memref_squeeze %dma_wait3A_1025 : memref<1x16x1024xf32, #tpu.memory_space<hbm>> -> memref<16x1024xf32, #tpu.memory_space<hbm>>
    %dma_wait3A_1027 = arith.constant 0 : i32
    %dma_wait3A_1028 = arith.constant 0 : i32
    %dma_wait3A_1029 = tpu.memref_slice %arg6[%dma_wait3A_1016, %dma_wait3A_1027, %dma_wait3A_1028] : memref<7x16x1024xf32, #tpu.memory_space<vmem>> -> memref<1x16x1024xf32, #tpu.memory_space<vmem>>
    %dma_wait3A_1030 = tpu.memref_squeeze %dma_wait3A_1029 : memref<1x16x1024xf32, #tpu.memory_space<vmem>> -> memref<16x1024xf32, #tpu.memory_space<vmem>>
    tpu.wait_dma2 semaphore(%arg15 : memref<!tpu.dma_semaphore, #tpu.memory_space<semaphore_mem>>) src(%dma_wait3A_1030 : memref<16x1024xf32, #tpu.memory_space<vmem>>) dst(%dma_wait3A_1026 : memref<16x1024xf32, #tpu.memory_space<hbm>>)
    %dma_start3A_1031 = arith.constant 1 : i32
    %dma_start3A_1032 = arith.constant 0 : i32
    %dma_start3A_1033 = arith.constant 0 : i32
    %dma_start3A_1034 = tpu.memref_slice %arg6[%dma_start3A_1031, %dma_start3A_1032, %dma_start3A_1033] : memref<7x16x1024xf32, #tpu.memory_space<vmem>> -> memref<1x16x1024xf32, #tpu.memory_space<vmem>>
    %dma_start3A_1035 = tpu.memref_squeeze %dma_start3A_1034 : memref<1x16x1024xf32, #tpu.memory_space<vmem>> -> memref<16x1024xf32, #tpu.memory_space<vmem>>
    %dma_start3A_1036 = arith.constant 352 : i32
    %dma_start3A_1037 = tpu.memref_slice %arg5[%dma_start3A_1036] : memref<512xi32, #tpu.memory_space<vmem>> -> memref<16xi32, #tpu.memory_space<vmem>>
    %dma_start3A_1038 = arith.constant 0 : i32
    %dma_start3A_1039 = arith.constant 0 : i32
    %dma_start3A_1040 = tpu.memref_slice %arg2[%dma_start3A_1038, %dma_start3A_1039] : memref<8192x1024xf32, #tpu.memory_space<hbm>> -> memref<8192x1024xf32, #tpu.memory_space<hbm>>
    tpu.enqueue_indirect_dma source(%dma_start3A_1040 : memref<8192x1024xf32, #tpu.memory_space<hbm>>) target(%dma_start3A_1035 : memref<16x1024xf32, #tpu.memory_space<vmem>>) offsets(%dma_start3A_1037 : memref<16xi32, #tpu.memory_space<vmem>>) semaphore(%arg8 : memref<!tpu.dma_semaphore, #tpu.memory_space<semaphore_mem>>)
    %dma_wait3A_1041 = arith.constant 6 : i32
    %dma_wait3A_1042 = arith.constant 0 : i32
    %dma_wait3A_1043 = arith.constant 0 : i32
    %dma_wait3A_1044 = tpu.memref_slice %arg6[%dma_wait3A_1041, %dma_wait3A_1042, %dma_wait3A_1043] : memref<7x16x1024xf32, #tpu.memory_space<vmem>> -> memref<1x16x1024xf32, #tpu.memory_space<vmem>>
    %dma_wait3A_1045 = tpu.memref_squeeze %dma_wait3A_1044 : memref<1x16x1024xf32, #tpu.memory_space<vmem>> -> memref<16x1024xf32, #tpu.memory_space<vmem>>
    %dma_wait3A_1046 = arith.constant 320 : i32
    %dma_wait3A_1047 = tpu.memref_slice %arg5[%dma_wait3A_1046] : memref<512xi32, #tpu.memory_space<vmem>> -> memref<16xi32, #tpu.memory_space<vmem>>
    %dma_wait3A_1048 = arith.constant 0 : i32
    %dma_wait3A_1049 = arith.constant 0 : i32
    %dma_wait3A_1050 = tpu.memref_slice %arg2[%dma_wait3A_1048, %dma_wait3A_1049] : memref<8192x1024xf32, #tpu.memory_space<hbm>> -> memref<8192x1024xf32, #tpu.memory_space<hbm>>
    tpu.wait_indirect_dma semaphore(%arg13 : memref<!tpu.dma_semaphore, #tpu.memory_space<semaphore_mem>>) src(%dma_wait3A_1050 : memref<8192x1024xf32, #tpu.memory_space<hbm>>) dst(%dma_wait3A_1045 : memref<16x1024xf32, #tpu.memory_space<vmem>>)
    %add3A_1051 = arith.constant 320 : i32
    %add3A_1052 = arith.addi %mul3A_32, %add3A_1051 : i32
    %dma_start3A_1053 = arith.constant 6 : i32
    %dma_start3A_1054 = arith.constant 0 : i32
    %dma_start3A_1055 = arith.constant 0 : i32
    %dma_start3A_1056 = tpu.memref_slice %arg6[%dma_start3A_1053, %dma_start3A_1054, %dma_start3A_1055] : memref<7x16x1024xf32, #tpu.memory_space<vmem>> -> memref<1x16x1024xf32, #tpu.memory_space<vmem>>
    %dma_start3A_1057 = tpu.memref_squeeze %dma_start3A_1056 : memref<1x16x1024xf32, #tpu.memory_space<vmem>> -> memref<16x1024xf32, #tpu.memory_space<vmem>>
    %dma_start3A_1058 = arith.constant 0 : i32
    %dma_start3A_1059 = tpu.memref_slice %arg4[%select_n3A, %add3A_1052, %dma_start3A_1058] : memref<4x4096x1024xf32, #tpu.memory_space<hbm>> -> memref<1x16x1024xf32, #tpu.memory_space<hbm>>
    %dma_start3A_1060 = tpu.memref_squeeze %dma_start3A_1059 : memref<1x16x1024xf32, #tpu.memory_space<hbm>> -> memref<16x1024xf32, #tpu.memory_space<hbm>>
    %dma_start3A_1061 = arith.constant 0 : i32
    %dma_start3A_1062 = tpu.memref_slice %arg4[%select_n3A, %add3A_1052, %dma_start3A_1061] : memref<4x4096x1024xf32, #tpu.memory_space<hbm>> -> memref<1x16x1024xf32, #tpu.memory_space<hbm>>
    %dma_start3A_1063 = tpu.memref_squeeze %dma_start3A_1062 : memref<1x16x1024xf32, #tpu.memory_space<hbm>> -> memref<16x1024xf32, #tpu.memory_space<hbm>>
    %dma_start3A_1064 = arith.constant 0 : i32
    %dma_start3A_1065 = arith.constant 0 : i32
    %dma_start3A_1066 = tpu.memref_slice %arg6[%dma_start3A_1053, %dma_start3A_1064, %dma_start3A_1065] : memref<7x16x1024xf32, #tpu.memory_space<vmem>> -> memref<1x16x1024xf32, #tpu.memory_space<vmem>>
    %dma_start3A_1067 = tpu.memref_squeeze %dma_start3A_1066 : memref<1x16x1024xf32, #tpu.memory_space<vmem>> -> memref<16x1024xf32, #tpu.memory_space<vmem>>
    tpu.enqueue_dma source(%dma_start3A_1067 : memref<16x1024xf32, #tpu.memory_space<vmem>>) target(%dma_start3A_1063 : memref<16x1024xf32, #tpu.memory_space<hbm>>) target_semaphore(%arg20 : memref<!tpu.dma_semaphore, #tpu.memory_space<semaphore_mem>>)
    %dma_wait3A_1068 = arith.constant 2 : i32
    %dma_wait3A_1069 = arith.constant 0 : i32
    %dma_wait3A_1070 = arith.constant 0 : i32
    %dma_wait3A_1071 = tpu.memref_slice %arg6[%dma_wait3A_1068, %dma_wait3A_1069, %dma_wait3A_1070] : memref<7x16x1024xf32, #tpu.memory_space<vmem>> -> memref<1x16x1024xf32, #tpu.memory_space<vmem>>
    %dma_wait3A_1072 = tpu.memref_squeeze %dma_wait3A_1071 : memref<1x16x1024xf32, #tpu.memory_space<vmem>> -> memref<16x1024xf32, #tpu.memory_space<vmem>>
    %dma_wait3A_1073 = arith.constant 0 : i32
    %dma_wait3A_1074 = tpu.memref_slice %arg4[%select_n3A, %add3A_844, %dma_wait3A_1073] : memref<4x4096x1024xf32, #tpu.memory_space<hbm>> -> memref<1x16x1024xf32, #tpu.memory_space<hbm>>
    %dma_wait3A_1075 = tpu.memref_squeeze %dma_wait3A_1074 : memref<1x16x1024xf32, #tpu.memory_space<hbm>> -> memref<16x1024xf32, #tpu.memory_space<hbm>>
    %dma_wait3A_1076 = arith.constant 0 : i32
    %dma_wait3A_1077 = tpu.memref_slice %arg4[%select_n3A, %add3A_844, %dma_wait3A_1076] : memref<4x4096x1024xf32, #tpu.memory_space<hbm>> -> memref<1x16x1024xf32, #tpu.memory_space<hbm>>
    %dma_wait3A_1078 = tpu.memref_squeeze %dma_wait3A_1077 : memref<1x16x1024xf32, #tpu.memory_space<hbm>> -> memref<16x1024xf32, #tpu.memory_space<hbm>>
    %dma_wait3A_1079 = arith.constant 0 : i32
    %dma_wait3A_1080 = arith.constant 0 : i32
    %dma_wait3A_1081 = tpu.memref_slice %arg6[%dma_wait3A_1068, %dma_wait3A_1079, %dma_wait3A_1080] : memref<7x16x1024xf32, #tpu.memory_space<vmem>> -> memref<1x16x1024xf32, #tpu.memory_space<vmem>>
    %dma_wait3A_1082 = tpu.memref_squeeze %dma_wait3A_1081 : memref<1x16x1024xf32, #tpu.memory_space<vmem>> -> memref<16x1024xf32, #tpu.memory_space<vmem>>
    tpu.wait_dma2 semaphore(%arg16 : memref<!tpu.dma_semaphore, #tpu.memory_space<semaphore_mem>>) src(%dma_wait3A_1082 : memref<16x1024xf32, #tpu.memory_space<vmem>>) dst(%dma_wait3A_1078 : memref<16x1024xf32, #tpu.memory_space<hbm>>)
    %dma_start3A_1083 = arith.constant 2 : i32
    %dma_start3A_1084 = arith.constant 0 : i32
    %dma_start3A_1085 = arith.constant 0 : i32
    %dma_start3A_1086 = tpu.memref_slice %arg6[%dma_start3A_1083, %dma_start3A_1084, %dma_start3A_1085] : memref<7x16x1024xf32, #tpu.memory_space<vmem>> -> memref<1x16x1024xf32, #tpu.memory_space<vmem>>
    %dma_start3A_1087 = tpu.memref_squeeze %dma_start3A_1086 : memref<1x16x1024xf32, #tpu.memory_space<vmem>> -> memref<16x1024xf32, #tpu.memory_space<vmem>>
    %dma_start3A_1088 = arith.constant 368 : i32
    %dma_start3A_1089 = tpu.memref_slice %arg5[%dma_start3A_1088] : memref<512xi32, #tpu.memory_space<vmem>> -> memref<16xi32, #tpu.memory_space<vmem>>
    %dma_start3A_1090 = arith.constant 0 : i32
    %dma_start3A_1091 = arith.constant 0 : i32
    %dma_start3A_1092 = tpu.memref_slice %arg2[%dma_start3A_1090, %dma_start3A_1091] : memref<8192x1024xf32, #tpu.memory_space<hbm>> -> memref<8192x1024xf32, #tpu.memory_space<hbm>>
    tpu.enqueue_indirect_dma source(%dma_start3A_1092 : memref<8192x1024xf32, #tpu.memory_space<hbm>>) target(%dma_start3A_1087 : memref<16x1024xf32, #tpu.memory_space<vmem>>) offsets(%dma_start3A_1089 : memref<16xi32, #tpu.memory_space<vmem>>) semaphore(%arg9 : memref<!tpu.dma_semaphore, #tpu.memory_space<semaphore_mem>>)
    %dma_wait3A_1093 = arith.constant 0 : i32
    %dma_wait3A_1094 = arith.constant 0 : i32
    %dma_wait3A_1095 = arith.constant 0 : i32
    %dma_wait3A_1096 = tpu.memref_slice %arg6[%dma_wait3A_1093, %dma_wait3A_1094, %dma_wait3A_1095] : memref<7x16x1024xf32, #tpu.memory_space<vmem>> -> memref<1x16x1024xf32, #tpu.memory_space<vmem>>
    %dma_wait3A_1097 = tpu.memref_squeeze %dma_wait3A_1096 : memref<1x16x1024xf32, #tpu.memory_space<vmem>> -> memref<16x1024xf32, #tpu.memory_space<vmem>>
    %dma_wait3A_1098 = arith.constant 336 : i32
    %dma_wait3A_1099 = tpu.memref_slice %arg5[%dma_wait3A_1098] : memref<512xi32, #tpu.memory_space<vmem>> -> memref<16xi32, #tpu.memory_space<vmem>>
    %dma_wait3A_1100 = arith.constant 0 : i32
    %dma_wait3A_1101 = arith.constant 0 : i32
    %dma_wait3A_1102 = tpu.memref_slice %arg2[%dma_wait3A_1100, %dma_wait3A_1101] : memref<8192x1024xf32, #tpu.memory_space<hbm>> -> memref<8192x1024xf32, #tpu.memory_space<hbm>>
    tpu.wait_indirect_dma semaphore(%arg7 : memref<!tpu.dma_semaphore, #tpu.memory_space<semaphore_mem>>) src(%dma_wait3A_1102 : memref<8192x1024xf32, #tpu.memory_space<hbm>>) dst(%dma_wait3A_1097 : memref<16x1024xf32, #tpu.memory_space<vmem>>)
    %add3A_1103 = arith.constant 336 : i32
    %add3A_1104 = arith.addi %mul3A_32, %add3A_1103 : i32
    %dma_start3A_1105 = arith.constant 0 : i32
    %dma_start3A_1106 = arith.constant 0 : i32
    %dma_start3A_1107 = arith.constant 0 : i32
    %dma_start3A_1108 = tpu.memref_slice %arg6[%dma_start3A_1105, %dma_start3A_1106, %dma_start3A_1107] : memref<7x16x1024xf32, #tpu.memory_space<vmem>> -> memref<1x16x1024xf32, #tpu.memory_space<vmem>>
    %dma_start3A_1109 = tpu.memref_squeeze %dma_start3A_1108 : memref<1x16x1024xf32, #tpu.memory_space<vmem>> -> memref<16x1024xf32, #tpu.memory_space<vmem>>
    %dma_start3A_1110 = arith.constant 0 : i32
    %dma_start3A_1111 = tpu.memref_slice %arg4[%select_n3A, %add3A_1104, %dma_start3A_1110] : memref<4x4096x1024xf32, #tpu.memory_space<hbm>> -> memref<1x16x1024xf32, #tpu.memory_space<hbm>>
    %dma_start3A_1112 = tpu.memref_squeeze %dma_start3A_1111 : memref<1x16x1024xf32, #tpu.memory_space<hbm>> -> memref<16x1024xf32, #tpu.memory_space<hbm>>
    %dma_start3A_1113 = arith.constant 0 : i32
    %dma_start3A_1114 = tpu.memref_slice %arg4[%select_n3A, %add3A_1104, %dma_start3A_1113] : memref<4x4096x1024xf32, #tpu.memory_space<hbm>> -> memref<1x16x1024xf32, #tpu.memory_space<hbm>>
    %dma_start3A_1115 = tpu.memref_squeeze %dma_start3A_1114 : memref<1x16x1024xf32, #tpu.memory_space<hbm>> -> memref<16x1024xf32, #tpu.memory_space<hbm>>
    %dma_start3A_1116 = arith.constant 0 : i32
    %dma_start3A_1117 = arith.constant 0 : i32
    %dma_start3A_1118 = tpu.memref_slice %arg6[%dma_start3A_1105, %dma_start3A_1116, %dma_start3A_1117] : memref<7x16x1024xf32, #tpu.memory_space<vmem>> -> memref<1x16x1024xf32, #tpu.memory_space<vmem>>
    %dma_start3A_1119 = tpu.memref_squeeze %dma_start3A_1118 : memref<1x16x1024xf32, #tpu.memory_space<vmem>> -> memref<16x1024xf32, #tpu.memory_space<vmem>>
    tpu.enqueue_dma source(%dma_start3A_1119 : memref<16x1024xf32, #tpu.memory_space<vmem>>) target(%dma_start3A_1115 : memref<16x1024xf32, #tpu.memory_space<hbm>>) target_semaphore(%arg14 : memref<!tpu.dma_semaphore, #tpu.memory_space<semaphore_mem>>)
    %dma_wait3A_1120 = arith.constant 3 : i32
    %dma_wait3A_1121 = arith.constant 0 : i32
    %dma_wait3A_1122 = arith.constant 0 : i32
    %dma_wait3A_1123 = tpu.memref_slice %arg6[%dma_wait3A_1120, %dma_wait3A_1121, %dma_wait3A_1122] : memref<7x16x1024xf32, #tpu.memory_space<vmem>> -> memref<1x16x1024xf32, #tpu.memory_space<vmem>>
    %dma_wait3A_1124 = tpu.memref_squeeze %dma_wait3A_1123 : memref<1x16x1024xf32, #tpu.memory_space<vmem>> -> memref<16x1024xf32, #tpu.memory_space<vmem>>
    %dma_wait3A_1125 = arith.constant 0 : i32
    %dma_wait3A_1126 = tpu.memref_slice %arg4[%select_n3A, %add3A_896, %dma_wait3A_1125] : memref<4x4096x1024xf32, #tpu.memory_space<hbm>> -> memref<1x16x1024xf32, #tpu.memory_space<hbm>>
    %dma_wait3A_1127 = tpu.memref_squeeze %dma_wait3A_1126 : memref<1x16x1024xf32, #tpu.memory_space<hbm>> -> memref<16x1024xf32, #tpu.memory_space<hbm>>
    %dma_wait3A_1128 = arith.constant 0 : i32
    %dma_wait3A_1129 = tpu.memref_slice %arg4[%select_n3A, %add3A_896, %dma_wait3A_1128] : memref<4x4096x1024xf32, #tpu.memory_space<hbm>> -> memref<1x16x1024xf32, #tpu.memory_space<hbm>>
    %dma_wait3A_1130 = tpu.memref_squeeze %dma_wait3A_1129 : memref<1x16x1024xf32, #tpu.memory_space<hbm>> -> memref<16x1024xf32, #tpu.memory_space<hbm>>
    %dma_wait3A_1131 = arith.constant 0 : i32
    %dma_wait3A_1132 = arith.constant 0 : i32
    %dma_wait3A_1133 = tpu.memref_slice %arg6[%dma_wait3A_1120, %dma_wait3A_1131, %dma_wait3A_1132] : memref<7x16x1024xf32, #tpu.memory_space<vmem>> -> memref<1x16x1024xf32, #tpu.memory_space<vmem>>
    %dma_wait3A_1134 = tpu.memref_squeeze %dma_wait3A_1133 : memref<1x16x1024xf32, #tpu.memory_space<vmem>> -> memref<16x1024xf32, #tpu.memory_space<vmem>>
    tpu.wait_dma2 semaphore(%arg17 : memref<!tpu.dma_semaphore, #tpu.memory_space<semaphore_mem>>) src(%dma_wait3A_1134 : memref<16x1024xf32, #tpu.memory_space<vmem>>) dst(%dma_wait3A_1130 : memref<16x1024xf32, #tpu.memory_space<hbm>>)
    %dma_start3A_1135 = arith.constant 3 : i32
    %dma_start3A_1136 = arith.constant 0 : i32
    %dma_start3A_1137 = arith.constant 0 : i32
    %dma_start3A_1138 = tpu.memref_slice %arg6[%dma_start3A_1135, %dma_start3A_1136, %dma_start3A_1137] : memref<7x16x1024xf32, #tpu.memory_space<vmem>> -> memref<1x16x1024xf32, #tpu.memory_space<vmem>>
    %dma_start3A_1139 = tpu.memref_squeeze %dma_start3A_1138 : memref<1x16x1024xf32, #tpu.memory_space<vmem>> -> memref<16x1024xf32, #tpu.memory_space<vmem>>
    %dma_start3A_1140 = arith.constant 384 : i32
    %dma_start3A_1141 = tpu.memref_slice %arg5[%dma_start3A_1140] : memref<512xi32, #tpu.memory_space<vmem>> -> memref<16xi32, #tpu.memory_space<vmem>>
    %dma_start3A_1142 = arith.constant 0 : i32
    %dma_start3A_1143 = arith.constant 0 : i32
    %dma_start3A_1144 = tpu.memref_slice %arg2[%dma_start3A_1142, %dma_start3A_1143] : memref<8192x1024xf32, #tpu.memory_space<hbm>> -> memref<8192x1024xf32, #tpu.memory_space<hbm>>
    tpu.enqueue_indirect_dma source(%dma_start3A_1144 : memref<8192x1024xf32, #tpu.memory_space<hbm>>) target(%dma_start3A_1139 : memref<16x1024xf32, #tpu.memory_space<vmem>>) offsets(%dma_start3A_1141 : memref<16xi32, #tpu.memory_space<vmem>>) semaphore(%arg10 : memref<!tpu.dma_semaphore, #tpu.memory_space<semaphore_mem>>)
    %dma_wait3A_1145 = arith.constant 1 : i32
    %dma_wait3A_1146 = arith.constant 0 : i32
    %dma_wait3A_1147 = arith.constant 0 : i32
    %dma_wait3A_1148 = tpu.memref_slice %arg6[%dma_wait3A_1145, %dma_wait3A_1146, %dma_wait3A_1147] : memref<7x16x1024xf32, #tpu.memory_space<vmem>> -> memref<1x16x1024xf32, #tpu.memory_space<vmem>>
    %dma_wait3A_1149 = tpu.memref_squeeze %dma_wait3A_1148 : memref<1x16x1024xf32, #tpu.memory_space<vmem>> -> memref<16x1024xf32, #tpu.memory_space<vmem>>
    %dma_wait3A_1150 = arith.constant 352 : i32
    %dma_wait3A_1151 = tpu.memref_slice %arg5[%dma_wait3A_1150] : memref<512xi32, #tpu.memory_space<vmem>> -> memref<16xi32, #tpu.memory_space<vmem>>
    %dma_wait3A_1152 = arith.constant 0 : i32
    %dma_wait3A_1153 = arith.constant 0 : i32
    %dma_wait3A_1154 = tpu.memref_slice %arg2[%dma_wait3A_1152, %dma_wait3A_1153] : memref<8192x1024xf32, #tpu.memory_space<hbm>> -> memref<8192x1024xf32, #tpu.memory_space<hbm>>
    tpu.wait_indirect_dma semaphore(%arg8 : memref<!tpu.dma_semaphore, #tpu.memory_space<semaphore_mem>>) src(%dma_wait3A_1154 : memref<8192x1024xf32, #tpu.memory_space<hbm>>) dst(%dma_wait3A_1149 : memref<16x1024xf32, #tpu.memory_space<vmem>>)
    %add3A_1155 = arith.constant 352 : i32
    %add3A_1156 = arith.addi %mul3A_32, %add3A_1155 : i32
    %dma_start3A_1157 = arith.constant 1 : i32
    %dma_start3A_1158 = arith.constant 0 : i32
    %dma_start3A_1159 = arith.constant 0 : i32
    %dma_start3A_1160 = tpu.memref_slice %arg6[%dma_start3A_1157, %dma_start3A_1158, %dma_start3A_1159] : memref<7x16x1024xf32, #tpu.memory_space<vmem>> -> memref<1x16x1024xf32, #tpu.memory_space<vmem>>
    %dma_start3A_1161 = tpu.memref_squeeze %dma_start3A_1160 : memref<1x16x1024xf32, #tpu.memory_space<vmem>> -> memref<16x1024xf32, #tpu.memory_space<vmem>>
    %dma_start3A_1162 = arith.constant 0 : i32
    %dma_start3A_1163 = tpu.memref_slice %arg4[%select_n3A, %add3A_1156, %dma_start3A_1162] : memref<4x4096x1024xf32, #tpu.memory_space<hbm>> -> memref<1x16x1024xf32, #tpu.memory_space<hbm>>
    %dma_start3A_1164 = tpu.memref_squeeze %dma_start3A_1163 : memref<1x16x1024xf32, #tpu.memory_space<hbm>> -> memref<16x1024xf32, #tpu.memory_space<hbm>>
    %dma_start3A_1165 = arith.constant 0 : i32
    %dma_start3A_1166 = tpu.memref_slice %arg4[%select_n3A, %add3A_1156, %dma_start3A_1165] : memref<4x4096x1024xf32, #tpu.memory_space<hbm>> -> memref<1x16x1024xf32, #tpu.memory_space<hbm>>
    %dma_start3A_1167 = tpu.memref_squeeze %dma_start3A_1166 : memref<1x16x1024xf32, #tpu.memory_space<hbm>> -> memref<16x1024xf32, #tpu.memory_space<hbm>>
    %dma_start3A_1168 = arith.constant 0 : i32
    %dma_start3A_1169 = arith.constant 0 : i32
    %dma_start3A_1170 = tpu.memref_slice %arg6[%dma_start3A_1157, %dma_start3A_1168, %dma_start3A_1169] : memref<7x16x1024xf32, #tpu.memory_space<vmem>> -> memref<1x16x1024xf32, #tpu.memory_space<vmem>>
    %dma_start3A_1171 = tpu.memref_squeeze %dma_start3A_1170 : memref<1x16x1024xf32, #tpu.memory_space<vmem>> -> memref<16x1024xf32, #tpu.memory_space<vmem>>
    tpu.enqueue_dma source(%dma_start3A_1171 : memref<16x1024xf32, #tpu.memory_space<vmem>>) target(%dma_start3A_1167 : memref<16x1024xf32, #tpu.memory_space<hbm>>) target_semaphore(%arg15 : memref<!tpu.dma_semaphore, #tpu.memory_space<semaphore_mem>>)
    %dma_wait3A_1172 = arith.constant 4 : i32
    %dma_wait3A_1173 = arith.constant 0 : i32
    %dma_wait3A_1174 = arith.constant 0 : i32
    %dma_wait3A_1175 = tpu.memref_slice %arg6[%dma_wait3A_1172, %dma_wait3A_1173, %dma_wait3A_1174] : memref<7x16x1024xf32, #tpu.memory_space<vmem>> -> memref<1x16x1024xf32, #tpu.memory_space<vmem>>
    %dma_wait3A_1176 = tpu.memref_squeeze %dma_wait3A_1175 : memref<1x16x1024xf32, #tpu.memory_space<vmem>> -> memref<16x1024xf32, #tpu.memory_space<vmem>>
    %dma_wait3A_1177 = arith.constant 0 : i32
    %dma_wait3A_1178 = tpu.memref_slice %arg4[%select_n3A, %add3A_948, %dma_wait3A_1177] : memref<4x4096x1024xf32, #tpu.memory_space<hbm>> -> memref<1x16x1024xf32, #tpu.memory_space<hbm>>
    %dma_wait3A_1179 = tpu.memref_squeeze %dma_wait3A_1178 : memref<1x16x1024xf32, #tpu.memory_space<hbm>> -> memref<16x1024xf32, #tpu.memory_space<hbm>>
    %dma_wait3A_1180 = arith.constant 0 : i32
    %dma_wait3A_1181 = tpu.memref_slice %arg4[%select_n3A, %add3A_948, %dma_wait3A_1180] : memref<4x4096x1024xf32, #tpu.memory_space<hbm>> -> memref<1x16x1024xf32, #tpu.memory_space<hbm>>
    %dma_wait3A_1182 = tpu.memref_squeeze %dma_wait3A_1181 : memref<1x16x1024xf32, #tpu.memory_space<hbm>> -> memref<16x1024xf32, #tpu.memory_space<hbm>>
    %dma_wait3A_1183 = arith.constant 0 : i32
    %dma_wait3A_1184 = arith.constant 0 : i32
    %dma_wait3A_1185 = tpu.memref_slice %arg6[%dma_wait3A_1172, %dma_wait3A_1183, %dma_wait3A_1184] : memref<7x16x1024xf32, #tpu.memory_space<vmem>> -> memref<1x16x1024xf32, #tpu.memory_space<vmem>>
    %dma_wait3A_1186 = tpu.memref_squeeze %dma_wait3A_1185 : memref<1x16x1024xf32, #tpu.memory_space<vmem>> -> memref<16x1024xf32, #tpu.memory_space<vmem>>
    tpu.wait_dma2 semaphore(%arg18 : memref<!tpu.dma_semaphore, #tpu.memory_space<semaphore_mem>>) src(%dma_wait3A_1186 : memref<16x1024xf32, #tpu.memory_space<vmem>>) dst(%dma_wait3A_1182 : memref<16x1024xf32, #tpu.memory_space<hbm>>)
    %dma_start3A_1187 = arith.constant 4 : i32
    %dma_start3A_1188 = arith.constant 0 : i32
    %dma_start3A_1189 = arith.constant 0 : i32
    %dma_start3A_1190 = tpu.memref_slice %arg6[%dma_start3A_1187, %dma_start3A_1188, %dma_start3A_1189] : memref<7x16x1024xf32, #tpu.memory_space<vmem>> -> memref<1x16x1024xf32, #tpu.memory_space<vmem>>
    %dma_start3A_1191 = tpu.memref_squeeze %dma_start3A_1190 : memref<1x16x1024xf32, #tpu.memory_space<vmem>> -> memref<16x1024xf32, #tpu.memory_space<vmem>>
    %dma_start3A_1192 = arith.constant 400 : i32
    %dma_start3A_1193 = tpu.memref_slice %arg5[%dma_start3A_1192] : memref<512xi32, #tpu.memory_space<vmem>> -> memref<16xi32, #tpu.memory_space<vmem>>
    %dma_start3A_1194 = arith.constant 0 : i32
    %dma_start3A_1195 = arith.constant 0 : i32
    %dma_start3A_1196 = tpu.memref_slice %arg2[%dma_start3A_1194, %dma_start3A_1195] : memref<8192x1024xf32, #tpu.memory_space<hbm>> -> memref<8192x1024xf32, #tpu.memory_space<hbm>>
    tpu.enqueue_indirect_dma source(%dma_start3A_1196 : memref<8192x1024xf32, #tpu.memory_space<hbm>>) target(%dma_start3A_1191 : memref<16x1024xf32, #tpu.memory_space<vmem>>) offsets(%dma_start3A_1193 : memref<16xi32, #tpu.memory_space<vmem>>) semaphore(%arg11 : memref<!tpu.dma_semaphore, #tpu.memory_space<semaphore_mem>>)
    %dma_wait3A_1197 = arith.constant 2 : i32
    %dma_wait3A_1198 = arith.constant 0 : i32
    %dma_wait3A_1199 = arith.constant 0 : i32
    %dma_wait3A_1200 = tpu.memref_slice %arg6[%dma_wait3A_1197, %dma_wait3A_1198, %dma_wait3A_1199] : memref<7x16x1024xf32, #tpu.memory_space<vmem>> -> memref<1x16x1024xf32, #tpu.memory_space<vmem>>
    %dma_wait3A_1201 = tpu.memref_squeeze %dma_wait3A_1200 : memref<1x16x1024xf32, #tpu.memory_space<vmem>> -> memref<16x1024xf32, #tpu.memory_space<vmem>>
    %dma_wait3A_1202 = arith.constant 368 : i32
    %dma_wait3A_1203 = tpu.memref_slice %arg5[%dma_wait3A_1202] : memref<512xi32, #tpu.memory_space<vmem>> -> memref<16xi32, #tpu.memory_space<vmem>>
    %dma_wait3A_1204 = arith.constant 0 : i32
    %dma_wait3A_1205 = arith.constant 0 : i32
    %dma_wait3A_1206 = tpu.memref_slice %arg2[%dma_wait3A_1204, %dma_wait3A_1205] : memref<8192x1024xf32, #tpu.memory_space<hbm>> -> memref<8192x1024xf32, #tpu.memory_space<hbm>>
    tpu.wait_indirect_dma semaphore(%arg9 : memref<!tpu.dma_semaphore, #tpu.memory_space<semaphore_mem>>) src(%dma_wait3A_1206 : memref<8192x1024xf32, #tpu.memory_space<hbm>>) dst(%dma_wait3A_1201 : memref<16x1024xf32, #tpu.memory_space<vmem>>)
    %add3A_1207 = arith.constant 368 : i32
    %add3A_1208 = arith.addi %mul3A_32, %add3A_1207 : i32
    %dma_start3A_1209 = arith.constant 2 : i32
    %dma_start3A_1210 = arith.constant 0 : i32
    %dma_start3A_1211 = arith.constant 0 : i32
    %dma_start3A_1212 = tpu.memref_slice %arg6[%dma_start3A_1209, %dma_start3A_1210, %dma_start3A_1211] : memref<7x16x1024xf32, #tpu.memory_space<vmem>> -> memref<1x16x1024xf32, #tpu.memory_space<vmem>>
    %dma_start3A_1213 = tpu.memref_squeeze %dma_start3A_1212 : memref<1x16x1024xf32, #tpu.memory_space<vmem>> -> memref<16x1024xf32, #tpu.memory_space<vmem>>
    %dma_start3A_1214 = arith.constant 0 : i32
    %dma_start3A_1215 = tpu.memref_slice %arg4[%select_n3A, %add3A_1208, %dma_start3A_1214] : memref<4x4096x1024xf32, #tpu.memory_space<hbm>> -> memref<1x16x1024xf32, #tpu.memory_space<hbm>>
    %dma_start3A_1216 = tpu.memref_squeeze %dma_start3A_1215 : memref<1x16x1024xf32, #tpu.memory_space<hbm>> -> memref<16x1024xf32, #tpu.memory_space<hbm>>
    %dma_start3A_1217 = arith.constant 0 : i32
    %dma_start3A_1218 = tpu.memref_slice %arg4[%select_n3A, %add3A_1208, %dma_start3A_1217] : memref<4x4096x1024xf32, #tpu.memory_space<hbm>> -> memref<1x16x1024xf32, #tpu.memory_space<hbm>>
    %dma_start3A_1219 = tpu.memref_squeeze %dma_start3A_1218 : memref<1x16x1024xf32, #tpu.memory_space<hbm>> -> memref<16x1024xf32, #tpu.memory_space<hbm>>
    %dma_start3A_1220 = arith.constant 0 : i32
    %dma_start3A_1221 = arith.constant 0 : i32
    %dma_start3A_1222 = tpu.memref_slice %arg6[%dma_start3A_1209, %dma_start3A_1220, %dma_start3A_1221] : memref<7x16x1024xf32, #tpu.memory_space<vmem>> -> memref<1x16x1024xf32, #tpu.memory_space<vmem>>
    %dma_start3A_1223 = tpu.memref_squeeze %dma_start3A_1222 : memref<1x16x1024xf32, #tpu.memory_space<vmem>> -> memref<16x1024xf32, #tpu.memory_space<vmem>>
    tpu.enqueue_dma source(%dma_start3A_1223 : memref<16x1024xf32, #tpu.memory_space<vmem>>) target(%dma_start3A_1219 : memref<16x1024xf32, #tpu.memory_space<hbm>>) target_semaphore(%arg16 : memref<!tpu.dma_semaphore, #tpu.memory_space<semaphore_mem>>)
    %dma_wait3A_1224 = arith.constant 5 : i32
    %dma_wait3A_1225 = arith.constant 0 : i32
    %dma_wait3A_1226 = arith.constant 0 : i32
    %dma_wait3A_1227 = tpu.memref_slice %arg6[%dma_wait3A_1224, %dma_wait3A_1225, %dma_wait3A_1226] : memref<7x16x1024xf32, #tpu.memory_space<vmem>> -> memref<1x16x1024xf32, #tpu.memory_space<vmem>>
    %dma_wait3A_1228 = tpu.memref_squeeze %dma_wait3A_1227 : memref<1x16x1024xf32, #tpu.memory_space<vmem>> -> memref<16x1024xf32, #tpu.memory_space<vmem>>
    %dma_wait3A_1229 = arith.constant 0 : i32
    %dma_wait3A_1230 = tpu.memref_slice %arg4[%select_n3A, %add3A_1000, %dma_wait3A_1229] : memref<4x4096x1024xf32, #tpu.memory_space<hbm>> -> memref<1x16x1024xf32, #tpu.memory_space<hbm>>
    %dma_wait3A_1231 = tpu.memref_squeeze %dma_wait3A_1230 : memref<1x16x1024xf32, #tpu.memory_space<hbm>> -> memref<16x1024xf32, #tpu.memory_space<hbm>>
    %dma_wait3A_1232 = arith.constant 0 : i32
    %dma_wait3A_1233 = tpu.memref_slice %arg4[%select_n3A, %add3A_1000, %dma_wait3A_1232] : memref<4x4096x1024xf32, #tpu.memory_space<hbm>> -> memref<1x16x1024xf32, #tpu.memory_space<hbm>>
    %dma_wait3A_1234 = tpu.memref_squeeze %dma_wait3A_1233 : memref<1x16x1024xf32, #tpu.memory_space<hbm>> -> memref<16x1024xf32, #tpu.memory_space<hbm>>
    %dma_wait3A_1235 = arith.constant 0 : i32
    %dma_wait3A_1236 = arith.constant 0 : i32
    %dma_wait3A_1237 = tpu.memref_slice %arg6[%dma_wait3A_1224, %dma_wait3A_1235, %dma_wait3A_1236] : memref<7x16x1024xf32, #tpu.memory_space<vmem>> -> memref<1x16x1024xf32, #tpu.memory_space<vmem>>
    %dma_wait3A_1238 = tpu.memref_squeeze %dma_wait3A_1237 : memref<1x16x1024xf32, #tpu.memory_space<vmem>> -> memref<16x1024xf32, #tpu.memory_space<vmem>>
    tpu.wait_dma2 semaphore(%arg19 : memref<!tpu.dma_semaphore, #tpu.memory_space<semaphore_mem>>) src(%dma_wait3A_1238 : memref<16x1024xf32, #tpu.memory_space<vmem>>) dst(%dma_wait3A_1234 : memref<16x1024xf32, #tpu.memory_space<hbm>>)
    %dma_start3A_1239 = arith.constant 5 : i32
    %dma_start3A_1240 = arith.constant 0 : i32
    %dma_start3A_1241 = arith.constant 0 : i32
    %dma_start3A_1242 = tpu.memref_slice %arg6[%dma_start3A_1239, %dma_start3A_1240, %dma_start3A_1241] : memref<7x16x1024xf32, #tpu.memory_space<vmem>> -> memref<1x16x1024xf32, #tpu.memory_space<vmem>>
    %dma_start3A_1243 = tpu.memref_squeeze %dma_start3A_1242 : memref<1x16x1024xf32, #tpu.memory_space<vmem>> -> memref<16x1024xf32, #tpu.memory_space<vmem>>
    %dma_start3A_1244 = arith.constant 416 : i32
    %dma_start3A_1245 = tpu.memref_slice %arg5[%dma_start3A_1244] : memref<512xi32, #tpu.memory_space<vmem>> -> memref<16xi32, #tpu.memory_space<vmem>>
    %dma_start3A_1246 = arith.constant 0 : i32
    %dma_start3A_1247 = arith.constant 0 : i32
    %dma_start3A_1248 = tpu.memref_slice %arg2[%dma_start3A_1246, %dma_start3A_1247] : memref<8192x1024xf32, #tpu.memory_space<hbm>> -> memref<8192x1024xf32, #tpu.memory_space<hbm>>
    tpu.enqueue_indirect_dma source(%dma_start3A_1248 : memref<8192x1024xf32, #tpu.memory_space<hbm>>) target(%dma_start3A_1243 : memref<16x1024xf32, #tpu.memory_space<vmem>>) offsets(%dma_start3A_1245 : memref<16xi32, #tpu.memory_space<vmem>>) semaphore(%arg12 : memref<!tpu.dma_semaphore, #tpu.memory_space<semaphore_mem>>)
    %dma_wait3A_1249 = arith.constant 3 : i32
    %dma_wait3A_1250 = arith.constant 0 : i32
    %dma_wait3A_1251 = arith.constant 0 : i32
    %dma_wait3A_1252 = tpu.memref_slice %arg6[%dma_wait3A_1249, %dma_wait3A_1250, %dma_wait3A_1251] : memref<7x16x1024xf32, #tpu.memory_space<vmem>> -> memref<1x16x1024xf32, #tpu.memory_space<vmem>>
    %dma_wait3A_1253 = tpu.memref_squeeze %dma_wait3A_1252 : memref<1x16x1024xf32, #tpu.memory_space<vmem>> -> memref<16x1024xf32, #tpu.memory_space<vmem>>
    %dma_wait3A_1254 = arith.constant 384 : i32
    %dma_wait3A_1255 = tpu.memref_slice %arg5[%dma_wait3A_1254] : memref<512xi32, #tpu.memory_space<vmem>> -> memref<16xi32, #tpu.memory_space<vmem>>
    %dma_wait3A_1256 = arith.constant 0 : i32
    %dma_wait3A_1257 = arith.constant 0 : i32
    %dma_wait3A_1258 = tpu.memref_slice %arg2[%dma_wait3A_1256, %dma_wait3A_1257] : memref<8192x1024xf32, #tpu.memory_space<hbm>> -> memref<8192x1024xf32, #tpu.memory_space<hbm>>
    tpu.wait_indirect_dma semaphore(%arg10 : memref<!tpu.dma_semaphore, #tpu.memory_space<semaphore_mem>>) src(%dma_wait3A_1258 : memref<8192x1024xf32, #tpu.memory_space<hbm>>) dst(%dma_wait3A_1253 : memref<16x1024xf32, #tpu.memory_space<vmem>>)
    %add3A_1259 = arith.constant 384 : i32
    %add3A_1260 = arith.addi %mul3A_32, %add3A_1259 : i32
    %dma_start3A_1261 = arith.constant 3 : i32
    %dma_start3A_1262 = arith.constant 0 : i32
    %dma_start3A_1263 = arith.constant 0 : i32
    %dma_start3A_1264 = tpu.memref_slice %arg6[%dma_start3A_1261, %dma_start3A_1262, %dma_start3A_1263] : memref<7x16x1024xf32, #tpu.memory_space<vmem>> -> memref<1x16x1024xf32, #tpu.memory_space<vmem>>
    %dma_start3A_1265 = tpu.memref_squeeze %dma_start3A_1264 : memref<1x16x1024xf32, #tpu.memory_space<vmem>> -> memref<16x1024xf32, #tpu.memory_space<vmem>>
    %dma_start3A_1266 = arith.constant 0 : i32
    %dma_start3A_1267 = tpu.memref_slice %arg4[%select_n3A, %add3A_1260, %dma_start3A_1266] : memref<4x4096x1024xf32, #tpu.memory_space<hbm>> -> memref<1x16x1024xf32, #tpu.memory_space<hbm>>
    %dma_start3A_1268 = tpu.memref_squeeze %dma_start3A_1267 : memref<1x16x1024xf32, #tpu.memory_space<hbm>> -> memref<16x1024xf32, #tpu.memory_space<hbm>>
    %dma_start3A_1269 = arith.constant 0 : i32
    %dma_start3A_1270 = tpu.memref_slice %arg4[%select_n3A, %add3A_1260, %dma_start3A_1269] : memref<4x4096x1024xf32, #tpu.memory_space<hbm>> -> memref<1x16x1024xf32, #tpu.memory_space<hbm>>
    %dma_start3A_1271 = tpu.memref_squeeze %dma_start3A_1270 : memref<1x16x1024xf32, #tpu.memory_space<hbm>> -> memref<16x1024xf32, #tpu.memory_space<hbm>>
    %dma_start3A_1272 = arith.constant 0 : i32
    %dma_start3A_1273 = arith.constant 0 : i32
    %dma_start3A_1274 = tpu.memref_slice %arg6[%dma_start3A_1261, %dma_start3A_1272, %dma_start3A_1273] : memref<7x16x1024xf32, #tpu.memory_space<vmem>> -> memref<1x16x1024xf32, #tpu.memory_space<vmem>>
    %dma_start3A_1275 = tpu.memref_squeeze %dma_start3A_1274 : memref<1x16x1024xf32, #tpu.memory_space<vmem>> -> memref<16x1024xf32, #tpu.memory_space<vmem>>
    tpu.enqueue_dma source(%dma_start3A_1275 : memref<16x1024xf32, #tpu.memory_space<vmem>>) target(%dma_start3A_1271 : memref<16x1024xf32, #tpu.memory_space<hbm>>) target_semaphore(%arg17 : memref<!tpu.dma_semaphore, #tpu.memory_space<semaphore_mem>>)
    %dma_wait3A_1276 = arith.constant 6 : i32
    %dma_wait3A_1277 = arith.constant 0 : i32
    %dma_wait3A_1278 = arith.constant 0 : i32
    %dma_wait3A_1279 = tpu.memref_slice %arg6[%dma_wait3A_1276, %dma_wait3A_1277, %dma_wait3A_1278] : memref<7x16x1024xf32, #tpu.memory_space<vmem>> -> memref<1x16x1024xf32, #tpu.memory_space<vmem>>
    %dma_wait3A_1280 = tpu.memref_squeeze %dma_wait3A_1279 : memref<1x16x1024xf32, #tpu.memory_space<vmem>> -> memref<16x1024xf32, #tpu.memory_space<vmem>>
    %dma_wait3A_1281 = arith.constant 0 : i32
    %dma_wait3A_1282 = tpu.memref_slice %arg4[%select_n3A, %add3A_1052, %dma_wait3A_1281] : memref<4x4096x1024xf32, #tpu.memory_space<hbm>> -> memref<1x16x1024xf32, #tpu.memory_space<hbm>>
    %dma_wait3A_1283 = tpu.memref_squeeze %dma_wait3A_1282 : memref<1x16x1024xf32, #tpu.memory_space<hbm>> -> memref<16x1024xf32, #tpu.memory_space<hbm>>
    %dma_wait3A_1284 = arith.constant 0 : i32
    %dma_wait3A_1285 = tpu.memref_slice %arg4[%select_n3A, %add3A_1052, %dma_wait3A_1284] : memref<4x4096x1024xf32, #tpu.memory_space<hbm>> -> memref<1x16x1024xf32, #tpu.memory_space<hbm>>
    %dma_wait3A_1286 = tpu.memref_squeeze %dma_wait3A_1285 : memref<1x16x1024xf32, #tpu.memory_space<hbm>> -> memref<16x1024xf32, #tpu.memory_space<hbm>>
    %dma_wait3A_1287 = arith.constant 0 : i32
    %dma_wait3A_1288 = arith.constant 0 : i32
    %dma_wait3A_1289 = tpu.memref_slice %arg6[%dma_wait3A_1276, %dma_wait3A_1287, %dma_wait3A_1288] : memref<7x16x1024xf32, #tpu.memory_space<vmem>> -> memref<1x16x1024xf32, #tpu.memory_space<vmem>>
    %dma_wait3A_1290 = tpu.memref_squeeze %dma_wait3A_1289 : memref<1x16x1024xf32, #tpu.memory_space<vmem>> -> memref<16x1024xf32, #tpu.memory_space<vmem>>
    tpu.wait_dma2 semaphore(%arg20 : memref<!tpu.dma_semaphore, #tpu.memory_space<semaphore_mem>>) src(%dma_wait3A_1290 : memref<16x1024xf32, #tpu.memory_space<vmem>>) dst(%dma_wait3A_1286 : memref<16x1024xf32, #tpu.memory_space<hbm>>)
    %dma_start3A_1291 = arith.constant 6 : i32
    %dma_start3A_1292 = arith.constant 0 : i32
    %dma_start3A_1293 = arith.constant 0 : i32
    %dma_start3A_1294 = tpu.memref_slice %arg6[%dma_start3A_1291, %dma_start3A_1292, %dma_start3A_1293] : memref<7x16x1024xf32, #tpu.memory_space<vmem>> -> memref<1x16x1024xf32, #tpu.memory_space<vmem>>
    %dma_start3A_1295 = tpu.memref_squeeze %dma_start3A_1294 : memref<1x16x1024xf32, #tpu.memory_space<vmem>> -> memref<16x1024xf32, #tpu.memory_space<vmem>>
    %dma_start3A_1296 = arith.constant 432 : i32
    %dma_start3A_1297 = tpu.memref_slice %arg5[%dma_start3A_1296] : memref<512xi32, #tpu.memory_space<vmem>> -> memref<16xi32, #tpu.memory_space<vmem>>
    %dma_start3A_1298 = arith.constant 0 : i32
    %dma_start3A_1299 = arith.constant 0 : i32
    %dma_start3A_1300 = tpu.memref_slice %arg2[%dma_start3A_1298, %dma_start3A_1299] : memref<8192x1024xf32, #tpu.memory_space<hbm>> -> memref<8192x1024xf32, #tpu.memory_space<hbm>>
    tpu.enqueue_indirect_dma source(%dma_start3A_1300 : memref<8192x1024xf32, #tpu.memory_space<hbm>>) target(%dma_start3A_1295 : memref<16x1024xf32, #tpu.memory_space<vmem>>) offsets(%dma_start3A_1297 : memref<16xi32, #tpu.memory_space<vmem>>) semaphore(%arg13 : memref<!tpu.dma_semaphore, #tpu.memory_space<semaphore_mem>>)
    %dma_wait3A_1301 = arith.constant 4 : i32
    %dma_wait3A_1302 = arith.constant 0 : i32
    %dma_wait3A_1303 = arith.constant 0 : i32
    %dma_wait3A_1304 = tpu.memref_slice %arg6[%dma_wait3A_1301, %dma_wait3A_1302, %dma_wait3A_1303] : memref<7x16x1024xf32, #tpu.memory_space<vmem>> -> memref<1x16x1024xf32, #tpu.memory_space<vmem>>
    %dma_wait3A_1305 = tpu.memref_squeeze %dma_wait3A_1304 : memref<1x16x1024xf32, #tpu.memory_space<vmem>> -> memref<16x1024xf32, #tpu.memory_space<vmem>>
    %dma_wait3A_1306 = arith.constant 400 : i32
    %dma_wait3A_1307 = tpu.memref_slice %arg5[%dma_wait3A_1306] : memref<512xi32, #tpu.memory_space<vmem>> -> memref<16xi32, #tpu.memory_space<vmem>>
    %dma_wait3A_1308 = arith.constant 0 : i32
    %dma_wait3A_1309 = arith.constant 0 : i32
    %dma_wait3A_1310 = tpu.memref_slice %arg2[%dma_wait3A_1308, %dma_wait3A_1309] : memref<8192x1024xf32, #tpu.memory_space<hbm>> -> memref<8192x1024xf32, #tpu.memory_space<hbm>>
    tpu.wait_indirect_dma semaphore(%arg11 : memref<!tpu.dma_semaphore, #tpu.memory_space<semaphore_mem>>) src(%dma_wait3A_1310 : memref<8192x1024xf32, #tpu.memory_space<hbm>>) dst(%dma_wait3A_1305 : memref<16x1024xf32, #tpu.memory_space<vmem>>)
    %add3A_1311 = arith.constant 400 : i32
    %add3A_1312 = arith.addi %mul3A_32, %add3A_1311 : i32
    %dma_start3A_1313 = arith.constant 4 : i32
    %dma_start3A_1314 = arith.constant 0 : i32
    %dma_start3A_1315 = arith.constant 0 : i32
    %dma_start3A_1316 = tpu.memref_slice %arg6[%dma_start3A_1313, %dma_start3A_1314, %dma_start3A_1315] : memref<7x16x1024xf32, #tpu.memory_space<vmem>> -> memref<1x16x1024xf32, #tpu.memory_space<vmem>>
    %dma_start3A_1317 = tpu.memref_squeeze %dma_start3A_1316 : memref<1x16x1024xf32, #tpu.memory_space<vmem>> -> memref<16x1024xf32, #tpu.memory_space<vmem>>
    %dma_start3A_1318 = arith.constant 0 : i32
    %dma_start3A_1319 = tpu.memref_slice %arg4[%select_n3A, %add3A_1312, %dma_start3A_1318] : memref<4x4096x1024xf32, #tpu.memory_space<hbm>> -> memref<1x16x1024xf32, #tpu.memory_space<hbm>>
    %dma_start3A_1320 = tpu.memref_squeeze %dma_start3A_1319 : memref<1x16x1024xf32, #tpu.memory_space<hbm>> -> memref<16x1024xf32, #tpu.memory_space<hbm>>
    %dma_start3A_1321 = arith.constant 0 : i32
    %dma_start3A_1322 = tpu.memref_slice %arg4[%select_n3A, %add3A_1312, %dma_start3A_1321] : memref<4x4096x1024xf32, #tpu.memory_space<hbm>> -> memref<1x16x1024xf32, #tpu.memory_space<hbm>>
    %dma_start3A_1323 = tpu.memref_squeeze %dma_start3A_1322 : memref<1x16x1024xf32, #tpu.memory_space<hbm>> -> memref<16x1024xf32, #tpu.memory_space<hbm>>
    %dma_start3A_1324 = arith.constant 0 : i32
    %dma_start3A_1325 = arith.constant 0 : i32
    %dma_start3A_1326 = tpu.memref_slice %arg6[%dma_start3A_1313, %dma_start3A_1324, %dma_start3A_1325] : memref<7x16x1024xf32, #tpu.memory_space<vmem>> -> memref<1x16x1024xf32, #tpu.memory_space<vmem>>
    %dma_start3A_1327 = tpu.memref_squeeze %dma_start3A_1326 : memref<1x16x1024xf32, #tpu.memory_space<vmem>> -> memref<16x1024xf32, #tpu.memory_space<vmem>>
    tpu.enqueue_dma source(%dma_start3A_1327 : memref<16x1024xf32, #tpu.memory_space<vmem>>) target(%dma_start3A_1323 : memref<16x1024xf32, #tpu.memory_space<hbm>>) target_semaphore(%arg18 : memref<!tpu.dma_semaphore, #tpu.memory_space<semaphore_mem>>)
    %dma_wait3A_1328 = arith.constant 0 : i32
    %dma_wait3A_1329 = arith.constant 0 : i32
    %dma_wait3A_1330 = arith.constant 0 : i32
    %dma_wait3A_1331 = tpu.memref_slice %arg6[%dma_wait3A_1328, %dma_wait3A_1329, %dma_wait3A_1330] : memref<7x16x1024xf32, #tpu.memory_space<vmem>> -> memref<1x16x1024xf32, #tpu.memory_space<vmem>>
    %dma_wait3A_1332 = tpu.memref_squeeze %dma_wait3A_1331 : memref<1x16x1024xf32, #tpu.memory_space<vmem>> -> memref<16x1024xf32, #tpu.memory_space<vmem>>
    %dma_wait3A_1333 = arith.constant 0 : i32
    %dma_wait3A_1334 = tpu.memref_slice %arg4[%select_n3A, %add3A_1104, %dma_wait3A_1333] : memref<4x4096x1024xf32, #tpu.memory_space<hbm>> -> memref<1x16x1024xf32, #tpu.memory_space<hbm>>
    %dma_wait3A_1335 = tpu.memref_squeeze %dma_wait3A_1334 : memref<1x16x1024xf32, #tpu.memory_space<hbm>> -> memref<16x1024xf32, #tpu.memory_space<hbm>>
    %dma_wait3A_1336 = arith.constant 0 : i32
    %dma_wait3A_1337 = tpu.memref_slice %arg4[%select_n3A, %add3A_1104, %dma_wait3A_1336] : memref<4x4096x1024xf32, #tpu.memory_space<hbm>> -> memref<1x16x1024xf32, #tpu.memory_space<hbm>>
    %dma_wait3A_1338 = tpu.memref_squeeze %dma_wait3A_1337 : memref<1x16x1024xf32, #tpu.memory_space<hbm>> -> memref<16x1024xf32, #tpu.memory_space<hbm>>
    %dma_wait3A_1339 = arith.constant 0 : i32
    %dma_wait3A_1340 = arith.constant 0 : i32
    %dma_wait3A_1341 = tpu.memref_slice %arg6[%dma_wait3A_1328, %dma_wait3A_1339, %dma_wait3A_1340] : memref<7x16x1024xf32, #tpu.memory_space<vmem>> -> memref<1x16x1024xf32, #tpu.memory_space<vmem>>
    %dma_wait3A_1342 = tpu.memref_squeeze %dma_wait3A_1341 : memref<1x16x1024xf32, #tpu.memory_space<vmem>> -> memref<16x1024xf32, #tpu.memory_space<vmem>>
    tpu.wait_dma2 semaphore(%arg14 : memref<!tpu.dma_semaphore, #tpu.memory_space<semaphore_mem>>) src(%dma_wait3A_1342 : memref<16x1024xf32, #tpu.memory_space<vmem>>) dst(%dma_wait3A_1338 : memref<16x1024xf32, #tpu.memory_space<hbm>>)
    %dma_start3A_1343 = arith.constant 0 : i32
    %dma_start3A_1344 = arith.constant 0 : i32
    %dma_start3A_1345 = arith.constant 0 : i32
    %dma_start3A_1346 = tpu.memref_slice %arg6[%dma_start3A_1343, %dma_start3A_1344, %dma_start3A_1345] : memref<7x16x1024xf32, #tpu.memory_space<vmem>> -> memref<1x16x1024xf32, #tpu.memory_space<vmem>>
    %dma_start3A_1347 = tpu.memref_squeeze %dma_start3A_1346 : memref<1x16x1024xf32, #tpu.memory_space<vmem>> -> memref<16x1024xf32, #tpu.memory_space<vmem>>
    %dma_start3A_1348 = arith.constant 448 : i32
    %dma_start3A_1349 = tpu.memref_slice %arg5[%dma_start3A_1348] : memref<512xi32, #tpu.memory_space<vmem>> -> memref<16xi32, #tpu.memory_space<vmem>>
    %dma_start3A_1350 = arith.constant 0 : i32
    %dma_start3A_1351 = arith.constant 0 : i32
    %dma_start3A_1352 = tpu.memref_slice %arg2[%dma_start3A_1350, %dma_start3A_1351] : memref<8192x1024xf32, #tpu.memory_space<hbm>> -> memref<8192x1024xf32, #tpu.memory_space<hbm>>
    tpu.enqueue_indirect_dma source(%dma_start3A_1352 : memref<8192x1024xf32, #tpu.memory_space<hbm>>) target(%dma_start3A_1347 : memref<16x1024xf32, #tpu.memory_space<vmem>>) offsets(%dma_start3A_1349 : memref<16xi32, #tpu.memory_space<vmem>>) semaphore(%arg7 : memref<!tpu.dma_semaphore, #tpu.memory_space<semaphore_mem>>)
    %dma_wait3A_1353 = arith.constant 5 : i32
    %dma_wait3A_1354 = arith.constant 0 : i32
    %dma_wait3A_1355 = arith.constant 0 : i32
    %dma_wait3A_1356 = tpu.memref_slice %arg6[%dma_wait3A_1353, %dma_wait3A_1354, %dma_wait3A_1355] : memref<7x16x1024xf32, #tpu.memory_space<vmem>> -> memref<1x16x1024xf32, #tpu.memory_space<vmem>>
    %dma_wait3A_1357 = tpu.memref_squeeze %dma_wait3A_1356 : memref<1x16x1024xf32, #tpu.memory_space<vmem>> -> memref<16x1024xf32, #tpu.memory_space<vmem>>
    %dma_wait3A_1358 = arith.constant 416 : i32
    %dma_wait3A_1359 = tpu.memref_slice %arg5[%dma_wait3A_1358] : memref<512xi32, #tpu.memory_space<vmem>> -> memref<16xi32, #tpu.memory_space<vmem>>
    %dma_wait3A_1360 = arith.constant 0 : i32
    %dma_wait3A_1361 = arith.constant 0 : i32
    %dma_wait3A_1362 = tpu.memref_slice %arg2[%dma_wait3A_1360, %dma_wait3A_1361] : memref<8192x1024xf32, #tpu.memory_space<hbm>> -> memref<8192x1024xf32, #tpu.memory_space<hbm>>
    tpu.wait_indirect_dma semaphore(%arg12 : memref<!tpu.dma_semaphore, #tpu.memory_space<semaphore_mem>>) src(%dma_wait3A_1362 : memref<8192x1024xf32, #tpu.memory_space<hbm>>) dst(%dma_wait3A_1357 : memref<16x1024xf32, #tpu.memory_space<vmem>>)
    %add3A_1363 = arith.constant 416 : i32
    %add3A_1364 = arith.addi %mul3A_32, %add3A_1363 : i32
    %dma_start3A_1365 = arith.constant 5 : i32
    %dma_start3A_1366 = arith.constant 0 : i32
    %dma_start3A_1367 = arith.constant 0 : i32
    %dma_start3A_1368 = tpu.memref_slice %arg6[%dma_start3A_1365, %dma_start3A_1366, %dma_start3A_1367] : memref<7x16x1024xf32, #tpu.memory_space<vmem>> -> memref<1x16x1024xf32, #tpu.memory_space<vmem>>
    %dma_start3A_1369 = tpu.memref_squeeze %dma_start3A_1368 : memref<1x16x1024xf32, #tpu.memory_space<vmem>> -> memref<16x1024xf32, #tpu.memory_space<vmem>>
    %dma_start3A_1370 = arith.constant 0 : i32
    %dma_start3A_1371 = tpu.memref_slice %arg4[%select_n3A, %add3A_1364, %dma_start3A_1370] : memref<4x4096x1024xf32, #tpu.memory_space<hbm>> -> memref<1x16x1024xf32, #tpu.memory_space<hbm>>
    %dma_start3A_1372 = tpu.memref_squeeze %dma_start3A_1371 : memref<1x16x1024xf32, #tpu.memory_space<hbm>> -> memref<16x1024xf32, #tpu.memory_space<hbm>>
    %dma_start3A_1373 = arith.constant 0 : i32
    %dma_start3A_1374 = tpu.memref_slice %arg4[%select_n3A, %add3A_1364, %dma_start3A_1373] : memref<4x4096x1024xf32, #tpu.memory_space<hbm>> -> memref<1x16x1024xf32, #tpu.memory_space<hbm>>
    %dma_start3A_1375 = tpu.memref_squeeze %dma_start3A_1374 : memref<1x16x1024xf32, #tpu.memory_space<hbm>> -> memref<16x1024xf32, #tpu.memory_space<hbm>>
    %dma_start3A_1376 = arith.constant 0 : i32
    %dma_start3A_1377 = arith.constant 0 : i32
    %dma_start3A_1378 = tpu.memref_slice %arg6[%dma_start3A_1365, %dma_start3A_1376, %dma_start3A_1377] : memref<7x16x1024xf32, #tpu.memory_space<vmem>> -> memref<1x16x1024xf32, #tpu.memory_space<vmem>>
    %dma_start3A_1379 = tpu.memref_squeeze %dma_start3A_1378 : memref<1x16x1024xf32, #tpu.memory_space<vmem>> -> memref<16x1024xf32, #tpu.memory_space<vmem>>
    tpu.enqueue_dma source(%dma_start3A_1379 : memref<16x1024xf32, #tpu.memory_space<vmem>>) target(%dma_start3A_1375 : memref<16x1024xf32, #tpu.memory_space<hbm>>) target_semaphore(%arg19 : memref<!tpu.dma_semaphore, #tpu.memory_space<semaphore_mem>>)
    %dma_wait3A_1380 = arith.constant 1 : i32
    %dma_wait3A_1381 = arith.constant 0 : i32
    %dma_wait3A_1382 = arith.constant 0 : i32
    %dma_wait3A_1383 = tpu.memref_slice %arg6[%dma_wait3A_1380, %dma_wait3A_1381, %dma_wait3A_1382] : memref<7x16x1024xf32, #tpu.memory_space<vmem>> -> memref<1x16x1024xf32, #tpu.memory_space<vmem>>
    %dma_wait3A_1384 = tpu.memref_squeeze %dma_wait3A_1383 : memref<1x16x1024xf32, #tpu.memory_space<vmem>> -> memref<16x1024xf32, #tpu.memory_space<vmem>>
    %dma_wait3A_1385 = arith.constant 0 : i32
    %dma_wait3A_1386 = tpu.memref_slice %arg4[%select_n3A, %add3A_1156, %dma_wait3A_1385] : memref<4x4096x1024xf32, #tpu.memory_space<hbm>> -> memref<1x16x1024xf32, #tpu.memory_space<hbm>>
    %dma_wait3A_1387 = tpu.memref_squeeze %dma_wait3A_1386 : memref<1x16x1024xf32, #tpu.memory_space<hbm>> -> memref<16x1024xf32, #tpu.memory_space<hbm>>
    %dma_wait3A_1388 = arith.constant 0 : i32
    %dma_wait3A_1389 = tpu.memref_slice %arg4[%select_n3A, %add3A_1156, %dma_wait3A_1388] : memref<4x4096x1024xf32, #tpu.memory_space<hbm>> -> memref<1x16x1024xf32, #tpu.memory_space<hbm>>
    %dma_wait3A_1390 = tpu.memref_squeeze %dma_wait3A_1389 : memref<1x16x1024xf32, #tpu.memory_space<hbm>> -> memref<16x1024xf32, #tpu.memory_space<hbm>>
    %dma_wait3A_1391 = arith.constant 0 : i32
    %dma_wait3A_1392 = arith.constant 0 : i32
    %dma_wait3A_1393 = tpu.memref_slice %arg6[%dma_wait3A_1380, %dma_wait3A_1391, %dma_wait3A_1392] : memref<7x16x1024xf32, #tpu.memory_space<vmem>> -> memref<1x16x1024xf32, #tpu.memory_space<vmem>>
    %dma_wait3A_1394 = tpu.memref_squeeze %dma_wait3A_1393 : memref<1x16x1024xf32, #tpu.memory_space<vmem>> -> memref<16x1024xf32, #tpu.memory_space<vmem>>
    tpu.wait_dma2 semaphore(%arg15 : memref<!tpu.dma_semaphore, #tpu.memory_space<semaphore_mem>>) src(%dma_wait3A_1394 : memref<16x1024xf32, #tpu.memory_space<vmem>>) dst(%dma_wait3A_1390 : memref<16x1024xf32, #tpu.memory_space<hbm>>)
    %dma_start3A_1395 = arith.constant 1 : i32
    %dma_start3A_1396 = arith.constant 0 : i32
    %dma_start3A_1397 = arith.constant 0 : i32
    %dma_start3A_1398 = tpu.memref_slice %arg6[%dma_start3A_1395, %dma_start3A_1396, %dma_start3A_1397] : memref<7x16x1024xf32, #tpu.memory_space<vmem>> -> memref<1x16x1024xf32, #tpu.memory_space<vmem>>
    %dma_start3A_1399 = tpu.memref_squeeze %dma_start3A_1398 : memref<1x16x1024xf32, #tpu.memory_space<vmem>> -> memref<16x1024xf32, #tpu.memory_space<vmem>>
    %dma_start3A_1400 = arith.constant 464 : i32
    %dma_start3A_1401 = tpu.memref_slice %arg5[%dma_start3A_1400] : memref<512xi32, #tpu.memory_space<vmem>> -> memref<16xi32, #tpu.memory_space<vmem>>
    %dma_start3A_1402 = arith.constant 0 : i32
    %dma_start3A_1403 = arith.constant 0 : i32
    %dma_start3A_1404 = tpu.memref_slice %arg2[%dma_start3A_1402, %dma_start3A_1403] : memref<8192x1024xf32, #tpu.memory_space<hbm>> -> memref<8192x1024xf32, #tpu.memory_space<hbm>>
    tpu.enqueue_indirect_dma source(%dma_start3A_1404 : memref<8192x1024xf32, #tpu.memory_space<hbm>>) target(%dma_start3A_1399 : memref<16x1024xf32, #tpu.memory_space<vmem>>) offsets(%dma_start3A_1401 : memref<16xi32, #tpu.memory_space<vmem>>) semaphore(%arg8 : memref<!tpu.dma_semaphore, #tpu.memory_space<semaphore_mem>>)
    %dma_wait3A_1405 = arith.constant 6 : i32
    %dma_wait3A_1406 = arith.constant 0 : i32
    %dma_wait3A_1407 = arith.constant 0 : i32
    %dma_wait3A_1408 = tpu.memref_slice %arg6[%dma_wait3A_1405, %dma_wait3A_1406, %dma_wait3A_1407] : memref<7x16x1024xf32, #tpu.memory_space<vmem>> -> memref<1x16x1024xf32, #tpu.memory_space<vmem>>
    %dma_wait3A_1409 = tpu.memref_squeeze %dma_wait3A_1408 : memref<1x16x1024xf32, #tpu.memory_space<vmem>> -> memref<16x1024xf32, #tpu.memory_space<vmem>>
    %dma_wait3A_1410 = arith.constant 432 : i32
    %dma_wait3A_1411 = tpu.memref_slice %arg5[%dma_wait3A_1410] : memref<512xi32, #tpu.memory_space<vmem>> -> memref<16xi32, #tpu.memory_space<vmem>>
    %dma_wait3A_1412 = arith.constant 0 : i32
    %dma_wait3A_1413 = arith.constant 0 : i32
    %dma_wait3A_1414 = tpu.memref_slice %arg2[%dma_wait3A_1412, %dma_wait3A_1413] : memref<8192x1024xf32, #tpu.memory_space<hbm>> -> memref<8192x1024xf32, #tpu.memory_space<hbm>>
    tpu.wait_indirect_dma semaphore(%arg13 : memref<!tpu.dma_semaphore, #tpu.memory_space<semaphore_mem>>) src(%dma_wait3A_1414 : memref<8192x1024xf32, #tpu.memory_space<hbm>>) dst(%dma_wait3A_1409 : memref<16x1024xf32, #tpu.memory_space<vmem>>)
    %add3A_1415 = arith.constant 432 : i32
    %add3A_1416 = arith.addi %mul3A_32, %add3A_1415 : i32
    %dma_start3A_1417 = arith.constant 6 : i32
    %dma_start3A_1418 = arith.constant 0 : i32
    %dma_start3A_1419 = arith.constant 0 : i32
    %dma_start3A_1420 = tpu.memref_slice %arg6[%dma_start3A_1417, %dma_start3A_1418, %dma_start3A_1419] : memref<7x16x1024xf32, #tpu.memory_space<vmem>> -> memref<1x16x1024xf32, #tpu.memory_space<vmem>>
    %dma_start3A_1421 = tpu.memref_squeeze %dma_start3A_1420 : memref<1x16x1024xf32, #tpu.memory_space<vmem>> -> memref<16x1024xf32, #tpu.memory_space<vmem>>
    %dma_start3A_1422 = arith.constant 0 : i32
    %dma_start3A_1423 = tpu.memref_slice %arg4[%select_n3A, %add3A_1416, %dma_start3A_1422] : memref<4x4096x1024xf32, #tpu.memory_space<hbm>> -> memref<1x16x1024xf32, #tpu.memory_space<hbm>>
    %dma_start3A_1424 = tpu.memref_squeeze %dma_start3A_1423 : memref<1x16x1024xf32, #tpu.memory_space<hbm>> -> memref<16x1024xf32, #tpu.memory_space<hbm>>
    %dma_start3A_1425 = arith.constant 0 : i32
    %dma_start3A_1426 = tpu.memref_slice %arg4[%select_n3A, %add3A_1416, %dma_start3A_1425] : memref<4x4096x1024xf32, #tpu.memory_space<hbm>> -> memref<1x16x1024xf32, #tpu.memory_space<hbm>>
    %dma_start3A_1427 = tpu.memref_squeeze %dma_start3A_1426 : memref<1x16x1024xf32, #tpu.memory_space<hbm>> -> memref<16x1024xf32, #tpu.memory_space<hbm>>
    %dma_start3A_1428 = arith.constant 0 : i32
    %dma_start3A_1429 = arith.constant 0 : i32
    %dma_start3A_1430 = tpu.memref_slice %arg6[%dma_start3A_1417, %dma_start3A_1428, %dma_start3A_1429] : memref<7x16x1024xf32, #tpu.memory_space<vmem>> -> memref<1x16x1024xf32, #tpu.memory_space<vmem>>
    %dma_start3A_1431 = tpu.memref_squeeze %dma_start3A_1430 : memref<1x16x1024xf32, #tpu.memory_space<vmem>> -> memref<16x1024xf32, #tpu.memory_space<vmem>>
    tpu.enqueue_dma source(%dma_start3A_1431 : memref<16x1024xf32, #tpu.memory_space<vmem>>) target(%dma_start3A_1427 : memref<16x1024xf32, #tpu.memory_space<hbm>>) target_semaphore(%arg20 : memref<!tpu.dma_semaphore, #tpu.memory_space<semaphore_mem>>)
    %dma_wait3A_1432 = arith.constant 2 : i32
    %dma_wait3A_1433 = arith.constant 0 : i32
    %dma_wait3A_1434 = arith.constant 0 : i32
    %dma_wait3A_1435 = tpu.memref_slice %arg6[%dma_wait3A_1432, %dma_wait3A_1433, %dma_wait3A_1434] : memref<7x16x1024xf32, #tpu.memory_space<vmem>> -> memref<1x16x1024xf32, #tpu.memory_space<vmem>>
    %dma_wait3A_1436 = tpu.memref_squeeze %dma_wait3A_1435 : memref<1x16x1024xf32, #tpu.memory_space<vmem>> -> memref<16x1024xf32, #tpu.memory_space<vmem>>
    %dma_wait3A_1437 = arith.constant 0 : i32
    %dma_wait3A_1438 = tpu.memref_slice %arg4[%select_n3A, %add3A_1208, %dma_wait3A_1437] : memref<4x4096x1024xf32, #tpu.memory_space<hbm>> -> memref<1x16x1024xf32, #tpu.memory_space<hbm>>
    %dma_wait3A_1439 = tpu.memref_squeeze %dma_wait3A_1438 : memref<1x16x1024xf32, #tpu.memory_space<hbm>> -> memref<16x1024xf32, #tpu.memory_space<hbm>>
    %dma_wait3A_1440 = arith.constant 0 : i32
    %dma_wait3A_1441 = tpu.memref_slice %arg4[%select_n3A, %add3A_1208, %dma_wait3A_1440] : memref<4x4096x1024xf32, #tpu.memory_space<hbm>> -> memref<1x16x1024xf32, #tpu.memory_space<hbm>>
    %dma_wait3A_1442 = tpu.memref_squeeze %dma_wait3A_1441 : memref<1x16x1024xf32, #tpu.memory_space<hbm>> -> memref<16x1024xf32, #tpu.memory_space<hbm>>
    %dma_wait3A_1443 = arith.constant 0 : i32
    %dma_wait3A_1444 = arith.constant 0 : i32
    %dma_wait3A_1445 = tpu.memref_slice %arg6[%dma_wait3A_1432, %dma_wait3A_1443, %dma_wait3A_1444] : memref<7x16x1024xf32, #tpu.memory_space<vmem>> -> memref<1x16x1024xf32, #tpu.memory_space<vmem>>
    %dma_wait3A_1446 = tpu.memref_squeeze %dma_wait3A_1445 : memref<1x16x1024xf32, #tpu.memory_space<vmem>> -> memref<16x1024xf32, #tpu.memory_space<vmem>>
    tpu.wait_dma2 semaphore(%arg16 : memref<!tpu.dma_semaphore, #tpu.memory_space<semaphore_mem>>) src(%dma_wait3A_1446 : memref<16x1024xf32, #tpu.memory_space<vmem>>) dst(%dma_wait3A_1442 : memref<16x1024xf32, #tpu.memory_space<hbm>>)
    %dma_start3A_1447 = arith.constant 2 : i32
    %dma_start3A_1448 = arith.constant 0 : i32
    %dma_start3A_1449 = arith.constant 0 : i32
    %dma_start3A_1450 = tpu.memref_slice %arg6[%dma_start3A_1447, %dma_start3A_1448, %dma_start3A_1449] : memref<7x16x1024xf32, #tpu.memory_space<vmem>> -> memref<1x16x1024xf32, #tpu.memory_space<vmem>>
    %dma_start3A_1451 = tpu.memref_squeeze %dma_start3A_1450 : memref<1x16x1024xf32, #tpu.memory_space<vmem>> -> memref<16x1024xf32, #tpu.memory_space<vmem>>
    %dma_start3A_1452 = arith.constant 480 : i32
    %dma_start3A_1453 = tpu.memref_slice %arg5[%dma_start3A_1452] : memref<512xi32, #tpu.memory_space<vmem>> -> memref<16xi32, #tpu.memory_space<vmem>>
    %dma_start3A_1454 = arith.constant 0 : i32
    %dma_start3A_1455 = arith.constant 0 : i32
    %dma_start3A_1456 = tpu.memref_slice %arg2[%dma_start3A_1454, %dma_start3A_1455] : memref<8192x1024xf32, #tpu.memory_space<hbm>> -> memref<8192x1024xf32, #tpu.memory_space<hbm>>
    tpu.enqueue_indirect_dma source(%dma_start3A_1456 : memref<8192x1024xf32, #tpu.memory_space<hbm>>) target(%dma_start3A_1451 : memref<16x1024xf32, #tpu.memory_space<vmem>>) offsets(%dma_start3A_1453 : memref<16xi32, #tpu.memory_space<vmem>>) semaphore(%arg9 : memref<!tpu.dma_semaphore, #tpu.memory_space<semaphore_mem>>)
    %dma_wait3A_1457 = arith.constant 0 : i32
    %dma_wait3A_1458 = arith.constant 0 : i32
    %dma_wait3A_1459 = arith.constant 0 : i32
    %dma_wait3A_1460 = tpu.memref_slice %arg6[%dma_wait3A_1457, %dma_wait3A_1458, %dma_wait3A_1459] : memref<7x16x1024xf32, #tpu.memory_space<vmem>> -> memref<1x16x1024xf32, #tpu.memory_space<vmem>>
    %dma_wait3A_1461 = tpu.memref_squeeze %dma_wait3A_1460 : memref<1x16x1024xf32, #tpu.memory_space<vmem>> -> memref<16x1024xf32, #tpu.memory_space<vmem>>
    %dma_wait3A_1462 = arith.constant 448 : i32
    %dma_wait3A_1463 = tpu.memref_slice %arg5[%dma_wait3A_1462] : memref<512xi32, #tpu.memory_space<vmem>> -> memref<16xi32, #tpu.memory_space<vmem>>
    %dma_wait3A_1464 = arith.constant 0 : i32
    %dma_wait3A_1465 = arith.constant 0 : i32
    %dma_wait3A_1466 = tpu.memref_slice %arg2[%dma_wait3A_1464, %dma_wait3A_1465] : memref<8192x1024xf32, #tpu.memory_space<hbm>> -> memref<8192x1024xf32, #tpu.memory_space<hbm>>
    tpu.wait_indirect_dma semaphore(%arg7 : memref<!tpu.dma_semaphore, #tpu.memory_space<semaphore_mem>>) src(%dma_wait3A_1466 : memref<8192x1024xf32, #tpu.memory_space<hbm>>) dst(%dma_wait3A_1461 : memref<16x1024xf32, #tpu.memory_space<vmem>>)
    %add3A_1467 = arith.constant 448 : i32
    %add3A_1468 = arith.addi %mul3A_32, %add3A_1467 : i32
    %dma_start3A_1469 = arith.constant 0 : i32
    %dma_start3A_1470 = arith.constant 0 : i32
    %dma_start3A_1471 = arith.constant 0 : i32
    %dma_start3A_1472 = tpu.memref_slice %arg6[%dma_start3A_1469, %dma_start3A_1470, %dma_start3A_1471] : memref<7x16x1024xf32, #tpu.memory_space<vmem>> -> memref<1x16x1024xf32, #tpu.memory_space<vmem>>
    %dma_start3A_1473 = tpu.memref_squeeze %dma_start3A_1472 : memref<1x16x1024xf32, #tpu.memory_space<vmem>> -> memref<16x1024xf32, #tpu.memory_space<vmem>>
    %dma_start3A_1474 = arith.constant 0 : i32
    %dma_start3A_1475 = tpu.memref_slice %arg4[%select_n3A, %add3A_1468, %dma_start3A_1474] : memref<4x4096x1024xf32, #tpu.memory_space<hbm>> -> memref<1x16x1024xf32, #tpu.memory_space<hbm>>
    %dma_start3A_1476 = tpu.memref_squeeze %dma_start3A_1475 : memref<1x16x1024xf32, #tpu.memory_space<hbm>> -> memref<16x1024xf32, #tpu.memory_space<hbm>>
    %dma_start3A_1477 = arith.constant 0 : i32
    %dma_start3A_1478 = tpu.memref_slice %arg4[%select_n3A, %add3A_1468, %dma_start3A_1477] : memref<4x4096x1024xf32, #tpu.memory_space<hbm>> -> memref<1x16x1024xf32, #tpu.memory_space<hbm>>
    %dma_start3A_1479 = tpu.memref_squeeze %dma_start3A_1478 : memref<1x16x1024xf32, #tpu.memory_space<hbm>> -> memref<16x1024xf32, #tpu.memory_space<hbm>>
    %dma_start3A_1480 = arith.constant 0 : i32
    %dma_start3A_1481 = arith.constant 0 : i32
    %dma_start3A_1482 = tpu.memref_slice %arg6[%dma_start3A_1469, %dma_start3A_1480, %dma_start3A_1481] : memref<7x16x1024xf32, #tpu.memory_space<vmem>> -> memref<1x16x1024xf32, #tpu.memory_space<vmem>>
    %dma_start3A_1483 = tpu.memref_squeeze %dma_start3A_1482 : memref<1x16x1024xf32, #tpu.memory_space<vmem>> -> memref<16x1024xf32, #tpu.memory_space<vmem>>
    tpu.enqueue_dma source(%dma_start3A_1483 : memref<16x1024xf32, #tpu.memory_space<vmem>>) target(%dma_start3A_1479 : memref<16x1024xf32, #tpu.memory_space<hbm>>) target_semaphore(%arg14 : memref<!tpu.dma_semaphore, #tpu.memory_space<semaphore_mem>>)
    %dma_wait3A_1484 = arith.constant 3 : i32
    %dma_wait3A_1485 = arith.constant 0 : i32
    %dma_wait3A_1486 = arith.constant 0 : i32
    %dma_wait3A_1487 = tpu.memref_slice %arg6[%dma_wait3A_1484, %dma_wait3A_1485, %dma_wait3A_1486] : memref<7x16x1024xf32, #tpu.memory_space<vmem>> -> memref<1x16x1024xf32, #tpu.memory_space<vmem>>
    %dma_wait3A_1488 = tpu.memref_squeeze %dma_wait3A_1487 : memref<1x16x1024xf32, #tpu.memory_space<vmem>> -> memref<16x1024xf32, #tpu.memory_space<vmem>>
    %dma_wait3A_1489 = arith.constant 0 : i32
    %dma_wait3A_1490 = tpu.memref_slice %arg4[%select_n3A, %add3A_1260, %dma_wait3A_1489] : memref<4x4096x1024xf32, #tpu.memory_space<hbm>> -> memref<1x16x1024xf32, #tpu.memory_space<hbm>>
    %dma_wait3A_1491 = tpu.memref_squeeze %dma_wait3A_1490 : memref<1x16x1024xf32, #tpu.memory_space<hbm>> -> memref<16x1024xf32, #tpu.memory_space<hbm>>
    %dma_wait3A_1492 = arith.constant 0 : i32
    %dma_wait3A_1493 = tpu.memref_slice %arg4[%select_n3A, %add3A_1260, %dma_wait3A_1492] : memref<4x4096x1024xf32, #tpu.memory_space<hbm>> -> memref<1x16x1024xf32, #tpu.memory_space<hbm>>
    %dma_wait3A_1494 = tpu.memref_squeeze %dma_wait3A_1493 : memref<1x16x1024xf32, #tpu.memory_space<hbm>> -> memref<16x1024xf32, #tpu.memory_space<hbm>>
    %dma_wait3A_1495 = arith.constant 0 : i32
    %dma_wait3A_1496 = arith.constant 0 : i32
    %dma_wait3A_1497 = tpu.memref_slice %arg6[%dma_wait3A_1484, %dma_wait3A_1495, %dma_wait3A_1496] : memref<7x16x1024xf32, #tpu.memory_space<vmem>> -> memref<1x16x1024xf32, #tpu.memory_space<vmem>>
    %dma_wait3A_1498 = tpu.memref_squeeze %dma_wait3A_1497 : memref<1x16x1024xf32, #tpu.memory_space<vmem>> -> memref<16x1024xf32, #tpu.memory_space<vmem>>
    tpu.wait_dma2 semaphore(%arg17 : memref<!tpu.dma_semaphore, #tpu.memory_space<semaphore_mem>>) src(%dma_wait3A_1498 : memref<16x1024xf32, #tpu.memory_space<vmem>>) dst(%dma_wait3A_1494 : memref<16x1024xf32, #tpu.memory_space<hbm>>)
    %dma_start3A_1499 = arith.constant 3 : i32
    %dma_start3A_1500 = arith.constant 0 : i32
    %dma_start3A_1501 = arith.constant 0 : i32
    %dma_start3A_1502 = tpu.memref_slice %arg6[%dma_start3A_1499, %dma_start3A_1500, %dma_start3A_1501] : memref<7x16x1024xf32, #tpu.memory_space<vmem>> -> memref<1x16x1024xf32, #tpu.memory_space<vmem>>
    %dma_start3A_1503 = tpu.memref_squeeze %dma_start3A_1502 : memref<1x16x1024xf32, #tpu.memory_space<vmem>> -> memref<16x1024xf32, #tpu.memory_space<vmem>>
    %dma_start3A_1504 = arith.constant 496 : i32
    %dma_start3A_1505 = tpu.memref_slice %arg5[%dma_start3A_1504] : memref<512xi32, #tpu.memory_space<vmem>> -> memref<16xi32, #tpu.memory_space<vmem>>
    %dma_start3A_1506 = arith.constant 0 : i32
    %dma_start3A_1507 = arith.constant 0 : i32
    %dma_start3A_1508 = tpu.memref_slice %arg2[%dma_start3A_1506, %dma_start3A_1507] : memref<8192x1024xf32, #tpu.memory_space<hbm>> -> memref<8192x1024xf32, #tpu.memory_space<hbm>>
    tpu.enqueue_indirect_dma source(%dma_start3A_1508 : memref<8192x1024xf32, #tpu.memory_space<hbm>>) target(%dma_start3A_1503 : memref<16x1024xf32, #tpu.memory_space<vmem>>) offsets(%dma_start3A_1505 : memref<16xi32, #tpu.memory_space<vmem>>) semaphore(%arg10 : memref<!tpu.dma_semaphore, #tpu.memory_space<semaphore_mem>>)
    %dma_wait3A_1509 = arith.constant 1 : i32
    %dma_wait3A_1510 = arith.constant 0 : i32
    %dma_wait3A_1511 = arith.constant 0 : i32
    %dma_wait3A_1512 = tpu.memref_slice %arg6[%dma_wait3A_1509, %dma_wait3A_1510, %dma_wait3A_1511] : memref<7x16x1024xf32, #tpu.memory_space<vmem>> -> memref<1x16x1024xf32, #tpu.memory_space<vmem>>
    %dma_wait3A_1513 = tpu.memref_squeeze %dma_wait3A_1512 : memref<1x16x1024xf32, #tpu.memory_space<vmem>> -> memref<16x1024xf32, #tpu.memory_space<vmem>>
    %dma_wait3A_1514 = arith.constant 464 : i32
    %dma_wait3A_1515 = tpu.memref_slice %arg5[%dma_wait3A_1514] : memref<512xi32, #tpu.memory_space<vmem>> -> memref<16xi32, #tpu.memory_space<vmem>>
    %dma_wait3A_1516 = arith.constant 0 : i32
    %dma_wait3A_1517 = arith.constant 0 : i32
    %dma_wait3A_1518 = tpu.memref_slice %arg2[%dma_wait3A_1516, %dma_wait3A_1517] : memref<8192x1024xf32, #tpu.memory_space<hbm>> -> memref<8192x1024xf32, #tpu.memory_space<hbm>>
    tpu.wait_indirect_dma semaphore(%arg8 : memref<!tpu.dma_semaphore, #tpu.memory_space<semaphore_mem>>) src(%dma_wait3A_1518 : memref<8192x1024xf32, #tpu.memory_space<hbm>>) dst(%dma_wait3A_1513 : memref<16x1024xf32, #tpu.memory_space<vmem>>)
    %add3A_1519 = arith.constant 464 : i32
    %add3A_1520 = arith.addi %mul3A_32, %add3A_1519 : i32
    %dma_start3A_1521 = arith.constant 1 : i32
    %dma_start3A_1522 = arith.constant 0 : i32
    %dma_start3A_1523 = arith.constant 0 : i32
    %dma_start3A_1524 = tpu.memref_slice %arg6[%dma_start3A_1521, %dma_start3A_1522, %dma_start3A_1523] : memref<7x16x1024xf32, #tpu.memory_space<vmem>> -> memref<1x16x1024xf32, #tpu.memory_space<vmem>>
    %dma_start3A_1525 = tpu.memref_squeeze %dma_start3A_1524 : memref<1x16x1024xf32, #tpu.memory_space<vmem>> -> memref<16x1024xf32, #tpu.memory_space<vmem>>
    %dma_start3A_1526 = arith.constant 0 : i32
    %dma_start3A_1527 = tpu.memref_slice %arg4[%select_n3A, %add3A_1520, %dma_start3A_1526] : memref<4x4096x1024xf32, #tpu.memory_space<hbm>> -> memref<1x16x1024xf32, #tpu.memory_space<hbm>>
    %dma_start3A_1528 = tpu.memref_squeeze %dma_start3A_1527 : memref<1x16x1024xf32, #tpu.memory_space<hbm>> -> memref<16x1024xf32, #tpu.memory_space<hbm>>
    %dma_start3A_1529 = arith.constant 0 : i32
    %dma_start3A_1530 = tpu.memref_slice %arg4[%select_n3A, %add3A_1520, %dma_start3A_1529] : memref<4x4096x1024xf32, #tpu.memory_space<hbm>> -> memref<1x16x1024xf32, #tpu.memory_space<hbm>>
    %dma_start3A_1531 = tpu.memref_squeeze %dma_start3A_1530 : memref<1x16x1024xf32, #tpu.memory_space<hbm>> -> memref<16x1024xf32, #tpu.memory_space<hbm>>
    %dma_start3A_1532 = arith.constant 0 : i32
    %dma_start3A_1533 = arith.constant 0 : i32
    %dma_start3A_1534 = tpu.memref_slice %arg6[%dma_start3A_1521, %dma_start3A_1532, %dma_start3A_1533] : memref<7x16x1024xf32, #tpu.memory_space<vmem>> -> memref<1x16x1024xf32, #tpu.memory_space<vmem>>
    %dma_start3A_1535 = tpu.memref_squeeze %dma_start3A_1534 : memref<1x16x1024xf32, #tpu.memory_space<vmem>> -> memref<16x1024xf32, #tpu.memory_space<vmem>>
    tpu.enqueue_dma source(%dma_start3A_1535 : memref<16x1024xf32, #tpu.memory_space<vmem>>) target(%dma_start3A_1531 : memref<16x1024xf32, #tpu.memory_space<hbm>>) target_semaphore(%arg15 : memref<!tpu.dma_semaphore, #tpu.memory_space<semaphore_mem>>)
    %dma_wait3A_1536 = arith.constant 2 : i32
    %dma_wait3A_1537 = arith.constant 0 : i32
    %dma_wait3A_1538 = arith.constant 0 : i32
    %dma_wait3A_1539 = tpu.memref_slice %arg6[%dma_wait3A_1536, %dma_wait3A_1537, %dma_wait3A_1538] : memref<7x16x1024xf32, #tpu.memory_space<vmem>> -> memref<1x16x1024xf32, #tpu.memory_space<vmem>>
    %dma_wait3A_1540 = tpu.memref_squeeze %dma_wait3A_1539 : memref<1x16x1024xf32, #tpu.memory_space<vmem>> -> memref<16x1024xf32, #tpu.memory_space<vmem>>
    %dma_wait3A_1541 = arith.constant 480 : i32
    %dma_wait3A_1542 = tpu.memref_slice %arg5[%dma_wait3A_1541] : memref<512xi32, #tpu.memory_space<vmem>> -> memref<16xi32, #tpu.memory_space<vmem>>
    %dma_wait3A_1543 = arith.constant 0 : i32
    %dma_wait3A_1544 = arith.constant 0 : i32
    %dma_wait3A_1545 = tpu.memref_slice %arg2[%dma_wait3A_1543, %dma_wait3A_1544] : memref<8192x1024xf32, #tpu.memory_space<hbm>> -> memref<8192x1024xf32, #tpu.memory_space<hbm>>
    tpu.wait_indirect_dma semaphore(%arg9 : memref<!tpu.dma_semaphore, #tpu.memory_space<semaphore_mem>>) src(%dma_wait3A_1545 : memref<8192x1024xf32, #tpu.memory_space<hbm>>) dst(%dma_wait3A_1540 : memref<16x1024xf32, #tpu.memory_space<vmem>>)
    %add3A_1546 = arith.constant 480 : i32
    %add3A_1547 = arith.addi %mul3A_32, %add3A_1546 : i32
    %dma_start3A_1548 = arith.constant 2 : i32
    %dma_start3A_1549 = arith.constant 0 : i32
    %dma_start3A_1550 = arith.constant 0 : i32
    %dma_start3A_1551 = tpu.memref_slice %arg6[%dma_start3A_1548, %dma_start3A_1549, %dma_start3A_1550] : memref<7x16x1024xf32, #tpu.memory_space<vmem>> -> memref<1x16x1024xf32, #tpu.memory_space<vmem>>
    %dma_start3A_1552 = tpu.memref_squeeze %dma_start3A_1551 : memref<1x16x1024xf32, #tpu.memory_space<vmem>> -> memref<16x1024xf32, #tpu.memory_space<vmem>>
    %dma_start3A_1553 = arith.constant 0 : i32
    %dma_start3A_1554 = tpu.memref_slice %arg4[%select_n3A, %add3A_1547, %dma_start3A_1553] : memref<4x4096x1024xf32, #tpu.memory_space<hbm>> -> memref<1x16x1024xf32, #tpu.memory_space<hbm>>
    %dma_start3A_1555 = tpu.memref_squeeze %dma_start3A_1554 : memref<1x16x1024xf32, #tpu.memory_space<hbm>> -> memref<16x1024xf32, #tpu.memory_space<hbm>>
    %dma_start3A_1556 = arith.constant 0 : i32
    %dma_start3A_1557 = tpu.memref_slice %arg4[%select_n3A, %add3A_1547, %dma_start3A_1556] : memref<4x4096x1024xf32, #tpu.memory_space<hbm>> -> memref<1x16x1024xf32, #tpu.memory_space<hbm>>
    %dma_start3A_1558 = tpu.memref_squeeze %dma_start3A_1557 : memref<1x16x1024xf32, #tpu.memory_space<hbm>> -> memref<16x1024xf32, #tpu.memory_space<hbm>>
    %dma_start3A_1559 = arith.constant 0 : i32
    %dma_start3A_1560 = arith.constant 0 : i32
    %dma_start3A_1561 = tpu.memref_slice %arg6[%dma_start3A_1548, %dma_start3A_1559, %dma_start3A_1560] : memref<7x16x1024xf32, #tpu.memory_space<vmem>> -> memref<1x16x1024xf32, #tpu.memory_space<vmem>>
    %dma_start3A_1562 = tpu.memref_squeeze %dma_start3A_1561 : memref<1x16x1024xf32, #tpu.memory_space<vmem>> -> memref<16x1024xf32, #tpu.memory_space<vmem>>
    tpu.enqueue_dma source(%dma_start3A_1562 : memref<16x1024xf32, #tpu.memory_space<vmem>>) target(%dma_start3A_1558 : memref<16x1024xf32, #tpu.memory_space<hbm>>) target_semaphore(%arg16 : memref<!tpu.dma_semaphore, #tpu.memory_space<semaphore_mem>>)
    %dma_wait3A_1563 = arith.constant 3 : i32
    %dma_wait3A_1564 = arith.constant 0 : i32
    %dma_wait3A_1565 = arith.constant 0 : i32
    %dma_wait3A_1566 = tpu.memref_slice %arg6[%dma_wait3A_1563, %dma_wait3A_1564, %dma_wait3A_1565] : memref<7x16x1024xf32, #tpu.memory_space<vmem>> -> memref<1x16x1024xf32, #tpu.memory_space<vmem>>
    %dma_wait3A_1567 = tpu.memref_squeeze %dma_wait3A_1566 : memref<1x16x1024xf32, #tpu.memory_space<vmem>> -> memref<16x1024xf32, #tpu.memory_space<vmem>>
    %dma_wait3A_1568 = arith.constant 496 : i32
    %dma_wait3A_1569 = tpu.memref_slice %arg5[%dma_wait3A_1568] : memref<512xi32, #tpu.memory_space<vmem>> -> memref<16xi32, #tpu.memory_space<vmem>>
    %dma_wait3A_1570 = arith.constant 0 : i32
    %dma_wait3A_1571 = arith.constant 0 : i32
    %dma_wait3A_1572 = tpu.memref_slice %arg2[%dma_wait3A_1570, %dma_wait3A_1571] : memref<8192x1024xf32, #tpu.memory_space<hbm>> -> memref<8192x1024xf32, #tpu.memory_space<hbm>>
    tpu.wait_indirect_dma semaphore(%arg10 : memref<!tpu.dma_semaphore, #tpu.memory_space<semaphore_mem>>) src(%dma_wait3A_1572 : memref<8192x1024xf32, #tpu.memory_space<hbm>>) dst(%dma_wait3A_1567 : memref<16x1024xf32, #tpu.memory_space<vmem>>)
    %add3A_1573 = arith.constant 496 : i32
    %add3A_1574 = arith.addi %mul3A_32, %add3A_1573 : i32
    %dma_start3A_1575 = arith.constant 3 : i32
    %dma_start3A_1576 = arith.constant 0 : i32
    %dma_start3A_1577 = arith.constant 0 : i32
    %dma_start3A_1578 = tpu.memref_slice %arg6[%dma_start3A_1575, %dma_start3A_1576, %dma_start3A_1577] : memref<7x16x1024xf32, #tpu.memory_space<vmem>> -> memref<1x16x1024xf32, #tpu.memory_space<vmem>>
    %dma_start3A_1579 = tpu.memref_squeeze %dma_start3A_1578 : memref<1x16x1024xf32, #tpu.memory_space<vmem>> -> memref<16x1024xf32, #tpu.memory_space<vmem>>
    %dma_start3A_1580 = arith.constant 0 : i32
    %dma_start3A_1581 = tpu.memref_slice %arg4[%select_n3A, %add3A_1574, %dma_start3A_1580] : memref<4x4096x1024xf32, #tpu.memory_space<hbm>> -> memref<1x16x1024xf32, #tpu.memory_space<hbm>>
    %dma_start3A_1582 = tpu.memref_squeeze %dma_start3A_1581 : memref<1x16x1024xf32, #tpu.memory_space<hbm>> -> memref<16x1024xf32, #tpu.memory_space<hbm>>
    %dma_start3A_1583 = arith.constant 0 : i32
    %dma_start3A_1584 = tpu.memref_slice %arg4[%select_n3A, %add3A_1574, %dma_start3A_1583] : memref<4x4096x1024xf32, #tpu.memory_space<hbm>> -> memref<1x16x1024xf32, #tpu.memory_space<hbm>>
    %dma_start3A_1585 = tpu.memref_squeeze %dma_start3A_1584 : memref<1x16x1024xf32, #tpu.memory_space<hbm>> -> memref<16x1024xf32, #tpu.memory_space<hbm>>
    %dma_start3A_1586 = arith.constant 0 : i32
    %dma_start3A_1587 = arith.constant 0 : i32
    %dma_start3A_1588 = tpu.memref_slice %arg6[%dma_start3A_1575, %dma_start3A_1586, %dma_start3A_1587] : memref<7x16x1024xf32, #tpu.memory_space<vmem>> -> memref<1x16x1024xf32, #tpu.memory_space<vmem>>
    %dma_start3A_1589 = tpu.memref_squeeze %dma_start3A_1588 : memref<1x16x1024xf32, #tpu.memory_space<vmem>> -> memref<16x1024xf32, #tpu.memory_space<vmem>>
    tpu.enqueue_dma source(%dma_start3A_1589 : memref<16x1024xf32, #tpu.memory_space<vmem>>) target(%dma_start3A_1585 : memref<16x1024xf32, #tpu.memory_space<hbm>>) target_semaphore(%arg17 : memref<!tpu.dma_semaphore, #tpu.memory_space<semaphore_mem>>)
    %dma_wait3A_1590 = arith.constant 0 : i32
    %dma_wait3A_1591 = arith.constant 0 : i32
    %dma_wait3A_1592 = arith.constant 0 : i32
    %dma_wait3A_1593 = tpu.memref_slice %arg6[%dma_wait3A_1590, %dma_wait3A_1591, %dma_wait3A_1592] : memref<7x16x1024xf32, #tpu.memory_space<vmem>> -> memref<1x16x1024xf32, #tpu.memory_space<vmem>>
    %dma_wait3A_1594 = tpu.memref_squeeze %dma_wait3A_1593 : memref<1x16x1024xf32, #tpu.memory_space<vmem>> -> memref<16x1024xf32, #tpu.memory_space<vmem>>
    %dma_wait3A_1595 = arith.constant 0 : i32
    %dma_wait3A_1596 = tpu.memref_slice %arg4[%select_n3A, %add3A_1468, %dma_wait3A_1595] : memref<4x4096x1024xf32, #tpu.memory_space<hbm>> -> memref<1x16x1024xf32, #tpu.memory_space<hbm>>
    %dma_wait3A_1597 = tpu.memref_squeeze %dma_wait3A_1596 : memref<1x16x1024xf32, #tpu.memory_space<hbm>> -> memref<16x1024xf32, #tpu.memory_space<hbm>>
    %dma_wait3A_1598 = arith.constant 0 : i32
    %dma_wait3A_1599 = tpu.memref_slice %arg4[%select_n3A, %add3A_1468, %dma_wait3A_1598] : memref<4x4096x1024xf32, #tpu.memory_space<hbm>> -> memref<1x16x1024xf32, #tpu.memory_space<hbm>>
    %dma_wait3A_1600 = tpu.memref_squeeze %dma_wait3A_1599 : memref<1x16x1024xf32, #tpu.memory_space<hbm>> -> memref<16x1024xf32, #tpu.memory_space<hbm>>
    %dma_wait3A_1601 = arith.constant 0 : i32
    %dma_wait3A_1602 = arith.constant 0 : i32
    %dma_wait3A_1603 = tpu.memref_slice %arg6[%dma_wait3A_1590, %dma_wait3A_1601, %dma_wait3A_1602] : memref<7x16x1024xf32, #tpu.memory_space<vmem>> -> memref<1x16x1024xf32, #tpu.memory_space<vmem>>
    %dma_wait3A_1604 = tpu.memref_squeeze %dma_wait3A_1603 : memref<1x16x1024xf32, #tpu.memory_space<vmem>> -> memref<16x1024xf32, #tpu.memory_space<vmem>>
    tpu.wait_dma2 semaphore(%arg14 : memref<!tpu.dma_semaphore, #tpu.memory_space<semaphore_mem>>) src(%dma_wait3A_1604 : memref<16x1024xf32, #tpu.memory_space<vmem>>) dst(%dma_wait3A_1600 : memref<16x1024xf32, #tpu.memory_space<hbm>>)
    %dma_wait3A_1605 = arith.constant 1 : i32
    %dma_wait3A_1606 = arith.constant 0 : i32
    %dma_wait3A_1607 = arith.constant 0 : i32
    %dma_wait3A_1608 = tpu.memref_slice %arg6[%dma_wait3A_1605, %dma_wait3A_1606, %dma_wait3A_1607] : memref<7x16x1024xf32, #tpu.memory_space<vmem>> -> memref<1x16x1024xf32, #tpu.memory_space<vmem>>
    %dma_wait3A_1609 = tpu.memref_squeeze %dma_wait3A_1608 : memref<1x16x1024xf32, #tpu.memory_space<vmem>> -> memref<16x1024xf32, #tpu.memory_space<vmem>>
    %dma_wait3A_1610 = arith.constant 0 : i32
    %dma_wait3A_1611 = tpu.memref_slice %arg4[%select_n3A, %add3A_1520, %dma_wait3A_1610] : memref<4x4096x1024xf32, #tpu.memory_space<hbm>> -> memref<1x16x1024xf32, #tpu.memory_space<hbm>>
    %dma_wait3A_1612 = tpu.memref_squeeze %dma_wait3A_1611 : memref<1x16x1024xf32, #tpu.memory_space<hbm>> -> memref<16x1024xf32, #tpu.memory_space<hbm>>
    %dma_wait3A_1613 = arith.constant 0 : i32
    %dma_wait3A_1614 = tpu.memref_slice %arg4[%select_n3A, %add3A_1520, %dma_wait3A_1613] : memref<4x4096x1024xf32, #tpu.memory_space<hbm>> -> memref<1x16x1024xf32, #tpu.memory_space<hbm>>
    %dma_wait3A_1615 = tpu.memref_squeeze %dma_wait3A_1614 : memref<1x16x1024xf32, #tpu.memory_space<hbm>> -> memref<16x1024xf32, #tpu.memory_space<hbm>>
    %dma_wait3A_1616 = arith.constant 0 : i32
    %dma_wait3A_1617 = arith.constant 0 : i32
    %dma_wait3A_1618 = tpu.memref_slice %arg6[%dma_wait3A_1605, %dma_wait3A_1616, %dma_wait3A_1617] : memref<7x16x1024xf32, #tpu.memory_space<vmem>> -> memref<1x16x1024xf32, #tpu.memory_space<vmem>>
    %dma_wait3A_1619 = tpu.memref_squeeze %dma_wait3A_1618 : memref<1x16x1024xf32, #tpu.memory_space<vmem>> -> memref<16x1024xf32, #tpu.memory_space<vmem>>
    tpu.wait_dma2 semaphore(%arg15 : memref<!tpu.dma_semaphore, #tpu.memory_space<semaphore_mem>>) src(%dma_wait3A_1619 : memref<16x1024xf32, #tpu.memory_space<vmem>>) dst(%dma_wait3A_1615 : memref<16x1024xf32, #tpu.memory_space<hbm>>)
    %dma_wait3A_1620 = arith.constant 2 : i32
    %dma_wait3A_1621 = arith.constant 0 : i32
    %dma_wait3A_1622 = arith.constant 0 : i32
    %dma_wait3A_1623 = tpu.memref_slice %arg6[%dma_wait3A_1620, %dma_wait3A_1621, %dma_wait3A_1622] : memref<7x16x1024xf32, #tpu.memory_space<vmem>> -> memref<1x16x1024xf32, #tpu.memory_space<vmem>>
    %dma_wait3A_1624 = tpu.memref_squeeze %dma_wait3A_1623 : memref<1x16x1024xf32, #tpu.memory_space<vmem>> -> memref<16x1024xf32, #tpu.memory_space<vmem>>
    %dma_wait3A_1625 = arith.constant 0 : i32
    %dma_wait3A_1626 = tpu.memref_slice %arg4[%select_n3A, %add3A_1547, %dma_wait3A_1625] : memref<4x4096x1024xf32, #tpu.memory_space<hbm>> -> memref<1x16x1024xf32, #tpu.memory_space<hbm>>
    %dma_wait3A_1627 = tpu.memref_squeeze %dma_wait3A_1626 : memref<1x16x1024xf32, #tpu.memory_space<hbm>> -> memref<16x1024xf32, #tpu.memory_space<hbm>>
    %dma_wait3A_1628 = arith.constant 0 : i32
    %dma_wait3A_1629 = tpu.memref_slice %arg4[%select_n3A, %add3A_1547, %dma_wait3A_1628] : memref<4x4096x1024xf32, #tpu.memory_space<hbm>> -> memref<1x16x1024xf32, #tpu.memory_space<hbm>>
    %dma_wait3A_1630 = tpu.memref_squeeze %dma_wait3A_1629 : memref<1x16x1024xf32, #tpu.memory_space<hbm>> -> memref<16x1024xf32, #tpu.memory_space<hbm>>
    %dma_wait3A_1631 = arith.constant 0 : i32
    %dma_wait3A_1632 = arith.constant 0 : i32
    %dma_wait3A_1633 = tpu.memref_slice %arg6[%dma_wait3A_1620, %dma_wait3A_1631, %dma_wait3A_1632] : memref<7x16x1024xf32, #tpu.memory_space<vmem>> -> memref<1x16x1024xf32, #tpu.memory_space<vmem>>
    %dma_wait3A_1634 = tpu.memref_squeeze %dma_wait3A_1633 : memref<1x16x1024xf32, #tpu.memory_space<vmem>> -> memref<16x1024xf32, #tpu.memory_space<vmem>>
    tpu.wait_dma2 semaphore(%arg16 : memref<!tpu.dma_semaphore, #tpu.memory_space<semaphore_mem>>) src(%dma_wait3A_1634 : memref<16x1024xf32, #tpu.memory_space<vmem>>) dst(%dma_wait3A_1630 : memref<16x1024xf32, #tpu.memory_space<hbm>>)
    %dma_wait3A_1635 = arith.constant 3 : i32
    %dma_wait3A_1636 = arith.constant 0 : i32
    %dma_wait3A_1637 = arith.constant 0 : i32
    %dma_wait3A_1638 = tpu.memref_slice %arg6[%dma_wait3A_1635, %dma_wait3A_1636, %dma_wait3A_1637] : memref<7x16x1024xf32, #tpu.memory_space<vmem>> -> memref<1x16x1024xf32, #tpu.memory_space<vmem>>
    %dma_wait3A_1639 = tpu.memref_squeeze %dma_wait3A_1638 : memref<1x16x1024xf32, #tpu.memory_space<vmem>> -> memref<16x1024xf32, #tpu.memory_space<vmem>>
    %dma_wait3A_1640 = arith.constant 0 : i32
    %dma_wait3A_1641 = tpu.memref_slice %arg4[%select_n3A, %add3A_1574, %dma_wait3A_1640] : memref<4x4096x1024xf32, #tpu.memory_space<hbm>> -> memref<1x16x1024xf32, #tpu.memory_space<hbm>>
    %dma_wait3A_1642 = tpu.memref_squeeze %dma_wait3A_1641 : memref<1x16x1024xf32, #tpu.memory_space<hbm>> -> memref<16x1024xf32, #tpu.memory_space<hbm>>
    %dma_wait3A_1643 = arith.constant 0 : i32
    %dma_wait3A_1644 = tpu.memref_slice %arg4[%select_n3A, %add3A_1574, %dma_wait3A_1643] : memref<4x4096x1024xf32, #tpu.memory_space<hbm>> -> memref<1x16x1024xf32, #tpu.memory_space<hbm>>
    %dma_wait3A_1645 = tpu.memref_squeeze %dma_wait3A_1644 : memref<1x16x1024xf32, #tpu.memory_space<hbm>> -> memref<16x1024xf32, #tpu.memory_space<hbm>>
    %dma_wait3A_1646 = arith.constant 0 : i32
    %dma_wait3A_1647 = arith.constant 0 : i32
    %dma_wait3A_1648 = tpu.memref_slice %arg6[%dma_wait3A_1635, %dma_wait3A_1646, %dma_wait3A_1647] : memref<7x16x1024xf32, #tpu.memory_space<vmem>> -> memref<1x16x1024xf32, #tpu.memory_space<vmem>>
    %dma_wait3A_1649 = tpu.memref_squeeze %dma_wait3A_1648 : memref<1x16x1024xf32, #tpu.memory_space<vmem>> -> memref<16x1024xf32, #tpu.memory_space<vmem>>
    tpu.wait_dma2 semaphore(%arg17 : memref<!tpu.dma_semaphore, #tpu.memory_space<semaphore_mem>>) src(%dma_wait3A_1649 : memref<16x1024xf32, #tpu.memory_space<vmem>>) dst(%dma_wait3A_1645 : memref<16x1024xf32, #tpu.memory_space<hbm>>)
    %dma_wait3A_1650 = arith.constant 4 : i32
    %dma_wait3A_1651 = arith.constant 0 : i32
    %dma_wait3A_1652 = arith.constant 0 : i32
    %dma_wait3A_1653 = tpu.memref_slice %arg6[%dma_wait3A_1650, %dma_wait3A_1651, %dma_wait3A_1652] : memref<7x16x1024xf32, #tpu.memory_space<vmem>> -> memref<1x16x1024xf32, #tpu.memory_space<vmem>>
    %dma_wait3A_1654 = tpu.memref_squeeze %dma_wait3A_1653 : memref<1x16x1024xf32, #tpu.memory_space<vmem>> -> memref<16x1024xf32, #tpu.memory_space<vmem>>
    %dma_wait3A_1655 = arith.constant 0 : i32
    %dma_wait3A_1656 = tpu.memref_slice %arg4[%select_n3A, %add3A_1312, %dma_wait3A_1655] : memref<4x4096x1024xf32, #tpu.memory_space<hbm>> -> memref<1x16x1024xf32, #tpu.memory_space<hbm>>
    %dma_wait3A_1657 = tpu.memref_squeeze %dma_wait3A_1656 : memref<1x16x1024xf32, #tpu.memory_space<hbm>> -> memref<16x1024xf32, #tpu.memory_space<hbm>>
    %dma_wait3A_1658 = arith.constant 0 : i32
    %dma_wait3A_1659 = tpu.memref_slice %arg4[%select_n3A, %add3A_1312, %dma_wait3A_1658] : memref<4x4096x1024xf32, #tpu.memory_space<hbm>> -> memref<1x16x1024xf32, #tpu.memory_space<hbm>>
    %dma_wait3A_1660 = tpu.memref_squeeze %dma_wait3A_1659 : memref<1x16x1024xf32, #tpu.memory_space<hbm>> -> memref<16x1024xf32, #tpu.memory_space<hbm>>
    %dma_wait3A_1661 = arith.constant 0 : i32
    %dma_wait3A_1662 = arith.constant 0 : i32
    %dma_wait3A_1663 = tpu.memref_slice %arg6[%dma_wait3A_1650, %dma_wait3A_1661, %dma_wait3A_1662] : memref<7x16x1024xf32, #tpu.memory_space<vmem>> -> memref<1x16x1024xf32, #tpu.memory_space<vmem>>
    %dma_wait3A_1664 = tpu.memref_squeeze %dma_wait3A_1663 : memref<1x16x1024xf32, #tpu.memory_space<vmem>> -> memref<16x1024xf32, #tpu.memory_space<vmem>>
    tpu.wait_dma2 semaphore(%arg18 : memref<!tpu.dma_semaphore, #tpu.memory_space<semaphore_mem>>) src(%dma_wait3A_1664 : memref<16x1024xf32, #tpu.memory_space<vmem>>) dst(%dma_wait3A_1660 : memref<16x1024xf32, #tpu.memory_space<hbm>>)
    %dma_wait3A_1665 = arith.constant 5 : i32
    %dma_wait3A_1666 = arith.constant 0 : i32
    %dma_wait3A_1667 = arith.constant 0 : i32
    %dma_wait3A_1668 = tpu.memref_slice %arg6[%dma_wait3A_1665, %dma_wait3A_1666, %dma_wait3A_1667] : memref<7x16x1024xf32, #tpu.memory_space<vmem>> -> memref<1x16x1024xf32, #tpu.memory_space<vmem>>
    %dma_wait3A_1669 = tpu.memref_squeeze %dma_wait3A_1668 : memref<1x16x1024xf32, #tpu.memory_space<vmem>> -> memref<16x1024xf32, #tpu.memory_space<vmem>>
    %dma_wait3A_1670 = arith.constant 0 : i32
    %dma_wait3A_1671 = tpu.memref_slice %arg4[%select_n3A, %add3A_1364, %dma_wait3A_1670] : memref<4x4096x1024xf32, #tpu.memory_space<hbm>> -> memref<1x16x1024xf32, #tpu.memory_space<hbm>>
    %dma_wait3A_1672 = tpu.memref_squeeze %dma_wait3A_1671 : memref<1x16x1024xf32, #tpu.memory_space<hbm>> -> memref<16x1024xf32, #tpu.memory_space<hbm>>
    %dma_wait3A_1673 = arith.constant 0 : i32
    %dma_wait3A_1674 = tpu.memref_slice %arg4[%select_n3A, %add3A_1364, %dma_wait3A_1673] : memref<4x4096x1024xf32, #tpu.memory_space<hbm>> -> memref<1x16x1024xf32, #tpu.memory_space<hbm>>
    %dma_wait3A_1675 = tpu.memref_squeeze %dma_wait3A_1674 : memref<1x16x1024xf32, #tpu.memory_space<hbm>> -> memref<16x1024xf32, #tpu.memory_space<hbm>>
    %dma_wait3A_1676 = arith.constant 0 : i32
    %dma_wait3A_1677 = arith.constant 0 : i32
    %dma_wait3A_1678 = tpu.memref_slice %arg6[%dma_wait3A_1665, %dma_wait3A_1676, %dma_wait3A_1677] : memref<7x16x1024xf32, #tpu.memory_space<vmem>> -> memref<1x16x1024xf32, #tpu.memory_space<vmem>>
    %dma_wait3A_1679 = tpu.memref_squeeze %dma_wait3A_1678 : memref<1x16x1024xf32, #tpu.memory_space<vmem>> -> memref<16x1024xf32, #tpu.memory_space<vmem>>
    tpu.wait_dma2 semaphore(%arg19 : memref<!tpu.dma_semaphore, #tpu.memory_space<semaphore_mem>>) src(%dma_wait3A_1679 : memref<16x1024xf32, #tpu.memory_space<vmem>>) dst(%dma_wait3A_1675 : memref<16x1024xf32, #tpu.memory_space<hbm>>)
    %dma_wait3A_1680 = arith.constant 6 : i32
    %dma_wait3A_1681 = arith.constant 0 : i32
    %dma_wait3A_1682 = arith.constant 0 : i32
    %dma_wait3A_1683 = tpu.memref_slice %arg6[%dma_wait3A_1680, %dma_wait3A_1681, %dma_wait3A_1682] : memref<7x16x1024xf32, #tpu.memory_space<vmem>> -> memref<1x16x1024xf32, #tpu.memory_space<vmem>>
    %dma_wait3A_1684 = tpu.memref_squeeze %dma_wait3A_1683 : memref<1x16x1024xf32, #tpu.memory_space<vmem>> -> memref<16x1024xf32, #tpu.memory_space<vmem>>
    %dma_wait3A_1685 = arith.constant 0 : i32
    %dma_wait3A_1686 = tpu.memref_slice %arg4[%select_n3A, %add3A_1416, %dma_wait3A_1685] : memref<4x4096x1024xf32, #tpu.memory_space<hbm>> -> memref<1x16x1024xf32, #tpu.memory_space<hbm>>
    %dma_wait3A_1687 = tpu.memref_squeeze %dma_wait3A_1686 : memref<1x16x1024xf32, #tpu.memory_space<hbm>> -> memref<16x1024xf32, #tpu.memory_space<hbm>>
    %dma_wait3A_1688 = arith.constant 0 : i32
    %dma_wait3A_1689 = tpu.memref_slice %arg4[%select_n3A, %add3A_1416, %dma_wait3A_1688] : memref<4x4096x1024xf32, #tpu.memory_space<hbm>> -> memref<1x16x1024xf32, #tpu.memory_space<hbm>>
    %dma_wait3A_1690 = tpu.memref_squeeze %dma_wait3A_1689 : memref<1x16x1024xf32, #tpu.memory_space<hbm>> -> memref<16x1024xf32, #tpu.memory_space<hbm>>
    %dma_wait3A_1691 = arith.constant 0 : i32
    %dma_wait3A_1692 = arith.constant 0 : i32
    %dma_wait3A_1693 = tpu.memref_slice %arg6[%dma_wait3A_1680, %dma_wait3A_1691, %dma_wait3A_1692] : memref<7x16x1024xf32, #tpu.memory_space<vmem>> -> memref<1x16x1024xf32, #tpu.memory_space<vmem>>
    %dma_wait3A_1694 = tpu.memref_squeeze %dma_wait3A_1693 : memref<1x16x1024xf32, #tpu.memory_space<vmem>> -> memref<16x1024xf32, #tpu.memory_space<vmem>>
    tpu.wait_dma2 semaphore(%arg20 : memref<!tpu.dma_semaphore, #tpu.memory_space<semaphore_mem>>) src(%dma_wait3A_1694 : memref<16x1024xf32, #tpu.memory_space<vmem>>) dst(%dma_wait3A_1690 : memref<16x1024xf32, #tpu.memory_space<hbm>>)
    return
  }
}

</mosaic_0001>

<sc_bundles>
// kernel: kernel.3.cloned.1.call-start
scs
__scs_entry_jumppad:
0x0: {  	(pc) =	sbr.rel $0x88, $3  }
0x1: {  	(tag) =	ssettag $0x0;
	lr =	simm.s32 $0x1  }
0x2: {  	[smem:$0x3F9F] =	sst lr;
	_ =	strace $0xD0000000  }
0x3: {  	_ = 	snop  }
0x4: {  	_ = 	snop  }
0x5: {  	_ = 	snop  }
0x6: {  	_ = 	snop  }
0x7: {  	_ = 	snop  }
__scs_overlays_trampoline_lowered:
0x8: {  	[smem:$0x3FAE] =	sst s0  }
0x9: {  	[smem:$0x3FAF] =	sst s1  }
0xa: {  	[smem:$0x3FB0] =	sst s2  }
0xb: {  	[smem:$0x3FB1] =	sst s3  }
0xc: {  	[smem:$0x3FB2] =	sst s4  }
0xd: {  	[smem:$0x3FB3] =	sst s5  }
0xe: {  	[smem:$0x3FB4] =	sst s6  }
0xf: {  	[smem:$0x3FB5] =	sst s7  }
0x10: {  	[smem:$0x3FB6] =	sst s8  }
0x11: {  	[smem:$0x3FB7] =	sst s9;
	s0 =	simm.s32 @!p0 $0x0  }
0x12: {  	s1 =	sld [smem:$0x3F9D];
	s0 =	simm.s32 @p0 $0x1  }
0x13: {  	[smem:$0x3FB8] =	sst s0;
	s0 =	simm.s32 @!p1 $0x0  }
0x14: {  	s2 =	sld [smem:$0x3F9C];
	s0 =	simm.s32 @p1 $0x1  }
0x15: {  	[smem:$0x3FB9] =	sst s0;
	s0 =	simm.s32 @!p2 $0x0  }
0x16: {  	s3 =	sld [smem:$0x3FDB];
	s0 =	simm.s32 @p2 $0x1  }
0x17: {  	s4 =	simm.s32 $0x1BF5;
	[smem:$0x3FBB] =	sst s0  }
0x18: {  	s0 =	sld [smem:$0x3F9E];
	_ =	swait.ge [sflag:s4], $0x0  }
0x19: {  	s7 =	sld [smem:$0x3F9F]  }
0x1a: {  	s8 =	sadd.s32 $0xFFFFE003, lr  }
0x1b: {  	s9 =	sadd.s32 $0xFFFFFEF7, lr;
	s5 =	simm.s32 $0xFFFFFFFF;
	p2 =	slt.u32 s8, $0xFFFFF086  }
0x1c: {  	p1 =	slt.u32 s9, $0xF7A;
	s5 =	simm.s32 @!p2 $0x0  }
0x1d: {  	s5 =	simm.s32 @p1 $0x1;
	p0 =	seq.s32 s7, s2  }
0x1e: {  	s7 =	smul.u32 @!p0 $0xF7A, s2;
	p2 =	seq.s32 @!p0 s5, $0x0  }
0x1f: {  	s9 =	smul.u32 $0xF7A, s1;
	s8 =	simm.s32 @!p0 $0x1BF5;
	p2 =	por !p2, p0  }
0x20: {  	[sflag:s8] =	ssyncset.s32 @!p0 $0xFFFFF086;
	s6 =	sadd.s32 @!p0 s3, s7;
	s7 =	simm.s32 @!p0 $0x108  }
0x21: {  	s3 =	sadd.s32 s3, s9;
	s6 =	sadd.s32 @!p0 $0x88, s6;
	s7 =	simm.s32 @p2 $0x1082  }
0x22: {  	[simem:s7], [sflag:s8] =	dma.local @!p0 [hbm:s6], $0xF7A  }
0x23: {  	s9 =	sor.u32 $0xD0000000, s2;
	s6 =	simm.s32 $0x108;
	_ =	swait.ge @!p0 [sflag:s8], $0x0  }
0x24: {  	s3 =	sadd.s32 $0x88, s3;
	s6 =	simm.s32 @!p1 $0x1082;
	[sflag:s4] =	ssyncset.s32 $0xFFFFF086  }
0x25: {  	[simem:s6], [sflag:s4] =	dma.local [hbm:s3], $0xF7A  }
0x26: {  	[smem:$0x3F9F] =	sst s1;
	(tag) =	ssettag s2;
	_ =	strace s9  }
0x27: {  	s1 =	sld [smem:$0x3FAF]  }
0x28: {  	s2 =	sld [smem:$0x3FB0]  }
0x29: {  	s4 =	sld [smem:$0x3FB2]  }
0x2a: {  	p0 =	seq.s32 s5, $0x0;
	s5 =	sld [smem:$0x3FB3]  }
0x2b: {  	s6 =	sld [smem:$0x3FB4]  }
0x2c: {  	s7 =	sld [smem:$0x3FB5]  }
0x2d: {  	s3 =	simm.s32 $0x108;
	s8 =	sld [smem:$0x3FB6]  }
0x2e: {  	s3 =	simm.s32 @!p0 $0x1082;
	s9 =	sld [smem:$0x3FB7]  }
0x2f: {  	lr =	sadd.s32 s0, s3;
	s0 =	sld [smem:$0x3FAE]  }
0x30: {  	s3 =	sld [smem:$0x3FB1]  }
0x31: {  	[smem:$0x3FBA] =	sst s10  }
0x32: {  	s10 =	sld [smem:$0x3FB8];
	_ =	sdelay $0x3  }
0x33: {  	p0 =	seq.s32 s10, $0x1;
	s10 =	sld [smem:$0x3FBA];
	_ =	sdelay $0x3  }
0x34: {  	[smem:$0x3FBA] =	sst s10  }
0x35: {  	s10 =	sld [smem:$0x3FB9];
	_ =	sdelay $0x3  }
0x36: {  	p1 =	seq.s32 s10, $0x1;
	s10 =	sld [smem:$0x3FBA];
	_ =	sdelay $0x3  }
0x37: {  	[smem:$0x3FBA] =	sst s10  }
0x38: {  	s10 =	sld [smem:$0x3FBB]  }
0x39: {  	_ = 	snop;
	(pc) =	sbr.ind lr, $3  }
0x3a: {  	_ = 	snop  }
0x3b: {  	_ = 	snop  }
0x3c: {  	p2 =	seq.s32 s10, $0x1;
	s10 =	sld [smem:$0x3FBA]  }
0x3d: {  	_ =	shalt  }
0x3e: {  	_ =	shalt  }
0x3f: {  	_ =	shalt  }
0x40: {  	_ =	shalt  }
0x41: {  	_ =	shalt  }
0x42: {  	_ =	shalt  }
0x43: {  	_ =	shalt  }
0x44: {  	_ =	shalt  }
0x45: {  	_ =	shalt  }
0x46: {  	_ =	shalt  }
0x47: {  	_ =	shalt  }
0x48: {  	_ =	shalt  }
0x49: {  	_ =	shalt  }
0x4a: {  	_ =	shalt  }
0x4b: {  	_ =	shalt  }
0x4c: {  	_ =	shalt  }
0x4d: {  	_ =	shalt  }
0x4e: {  	_ =	shalt  }
0x4f: {  	_ =	shalt  }
0x50: {  	_ =	shalt  }
0x51: {  	_ =	shalt  }
0x52: {  	_ =	shalt  }
0x53: {  	_ =	shalt  }
0x54: {  	_ =	shalt  }
0x55: {  	_ =	shalt  }
0x56: {  	_ =	shalt  }
0x57: {  	_ =	shalt  }
0x58: {  	_ =	shalt  }
0x59: {  	_ =	shalt  }
0x5a: {  	_ =	shalt  }
0x5b: {  	_ =	shalt  }
0x5c: {  	_ =	shalt  }
0x5d: {  	_ =	shalt  }
0x5e: {  	_ =	shalt  }
0x5f: {  	_ =	shalt  }
0x60: {  	_ =	shalt  }
0x61: {  	_ =	shalt  }
0x62: {  	_ =	shalt  }
0x63: {  	_ =	shalt  }
0x64: {  	_ =	shalt  }
0x65: {  	_ =	shalt  }
0x66: {  	_ =	shalt  }
0x67: {  	_ =	shalt  }
0x68: {  	_ =	shalt  }
0x69: {  	_ =	shalt  }
0x6a: {  	_ =	shalt  }
0x6b: {  	_ =	shalt  }
0x6c: {  	_ =	shalt  }
0x6d: {  	_ =	shalt  }
0x6e: {  	_ =	shalt  }
0x6f: {  	_ =	shalt  }
0x70: {  	_ =	shalt  }
0x71: {  	_ =	shalt  }
0x72: {  	_ =	shalt  }
0x73: {  	_ =	shalt  }
0x74: {  	_ =	shalt  }
0x75: {  	_ =	shalt  }
0x76: {  	_ =	shalt  }
0x77: {  	_ =	shalt  }
0x78: {  	_ =	shalt  }
0x79: {  	_ =	shalt  }
0x7a: {  	_ =	shalt  }
0x7b: {  	_ =	shalt  }
0x7c: {  	_ =	shalt  }
0x7d: {  	_ =	shalt  }
0x7e: {  	_ =	shalt  }
0x7f: {  	_ =	shalt  }
0x80: {  	_ =	shalt  }
0x81: {  	_ =	shalt  }
0x82: {  	_ =	shalt  }
0x83: {  	_ =	shalt  }
0x84: {  	_ =	shalt  }
0x85: {  	_ =	shalt  }
0x86: {  	_ =	shalt  }
0x87: {  	_ =	shalt  }
.Lfunc_end0:
.L_simem_size_0:
called_computation_lowered:
.L_overlay_start_0:
0x88: {  	s2 =	sld [smem:$0x3FD9]  }
0x89: {  	s3 =	sld [smem:$0x3FFE];
	_ =	sdelay $0x1  }
0x8a: {  	s1 =	srdreg.scid  }
0x8b: {  	s0 =	sand.u32 $0x1, s1  }
0x8c: {  	s18 =	sshll.u32 s0, $0xA;
	s2 =	sadd.s32 s3, s2  }
0x8d: {  	s2 =	sadd.s32 s2, s18  }
0x8e: {  	[smem:$0x3FC6] =	sst s2  }
0x8f: {  	_ = 	snop  }
0x90: {  	s2 =	sld [smem:$0x3FC9]  }
0x91: {  	s19 =	sld [smem:$0x3FC8]  }
0x92: {  	s4 =	sld [smem:$0x3FD0];
	(tm) =	ssettm $0x1  }
0x93: {  	s5 =	sld [smem:$0x3FFB];
	_ =	sdelay $0x3  }
0x94: {  	_ =	strace s5  }
0x95: {  	s5 =	sld [smem:$0x3FFC];
	_ =	sdelay $0x3  }
0x96: {  	_ =	strace s5  }
0x97: {  	s5 =	sld [smem:$0x3FFD];
	_ =	sdelay $0x3  }
0x98: {  	_ =	strace s5  }
0x99: {  	_ =	strace $0x8FFFFFFF  }
0x9a: {  	s20 =	sld [smem:$0x3FDB];
	_ =	sdelay $0x1  }
0x9b: {  	s6 =	simm.s32 $_scs_section_size  }
0x9c: {  	s7 =	simm.s32 $_size__tile_overlayer_lowered;
	s8 =	simm.s32 $_tile_overlayer_lowered  }
0x9d: {  	s23 =	simm.s32 $0x1BFF;
	s22 =	sshll.u32 s8, $0x1;
	s5 =	sadd.s32 s6, s20  }
0x9e: {  	s9 =	simm.s32 $0x0;
	s21 =	sshll.u32 s7, $0x1;
	s7 =	sadd.s32 s22, s5  }
0x9f: {  	[timem:s9], [sflag:s23] =	dma.local [hbm:s7], s21  }
0xa0: {  	_ =	swait.ge [sflag:s23], s21  }
0xa1: {  	s6 =	ssub.s32 $0x0, s21;
	[sflag:s23] =	ssyncset.done $0x0  }
0xa2: {  	[sflag:s23] =	ssyncadd.s32 s6;
	_ =	sdelay $0x1  }
0xa3: {  	s24 =	simm.s32 $0x1B8B  }
0xa4: {  	_ =	swait.ge [sflag:s24], $0x1  }
0xa5: {  	[sflag:s24] =	ssyncset.done $0x0  }
0xa6: {  	s25 =	simm.s32 $0x1B8E;
	[sflag:s24] =	ssyncadd.s32 $0xFFFFFFFF  }
0xa7: {  	s26 =	simm.s32 $execute0_lowered;
	[smem:$0x3FD2] =	sst s25  }
0xa8: {  	s6 =	sshll.u32 s26, $0x1;
	_ =	strace $0x80000046;
	[dreg:$0x1] =	wrdreg $0xFFFFFFFF  }
0xa9: {  	s28 =	simm.s32 $_size_execute0_lowered;
	s5 =	sadd.s32 s5, s6;
	[dreg:$0x0] =	wrdreg $0x0  }
0xaa: {  	s6 =	sshll.u32 s28, $0x1;
	[dreg:$0x2] =	wrdreg s5  }
0xab: {  	[dreg:$0x3] =	wrdreg s6  }
0xac: {  	[dreg:$0x4] =	wrdreg $0xC0  }
0xad: {  	_ =	task [dreg:s9], $0x5FFFF  }
0xae: {  	[dreg:$0x1] =	wrdreg $0xFFFFFFFF  }
0xaf: {  	[dreg:$0x0] =	wrdreg $0x60  }
0xb0: {  	[dreg:$0x2] =	wrdreg s19  }
0xb1: {  	[dreg:$0x3] =	wrdreg s2  }
0xb2: {  	[dreg:$0x4] =	wrdreg s4  }
0xb3: {  	[dreg:$0x5] =	wrdreg $0x9  }
0xb4: {  	_ =	task.clear_ibuf [dreg:s9], $0x6FFFF;
	_ =	strace $0x90000046  }
0xb5: {  	s29 =	simm.s32 $0x9;
	_ =	strace $0x80000048  }
0xb6: {  	_ =	swait.ge [sflag:s29], $0x1  }
0xb7: {  	[sflag:s29] =	ssyncadd.s32 $0xFFFFFFFF  }
0xb8: {  	_ =	strace $0x90000048  }
0xb9: {  	_ =	sfence  }
0xba: {  	s30 =	sld [smem:$0x0];
	_ =	sdelay $0x2  }
0xbb: {  	s31 =	sshll.u32 s1, $0xD;
	s1 =	sshrl.u32 s1, $0x2  }
0xbc: {  	s3 =	sand.u32 $0x4000, s31;
	s1 =	sadd.s32 s1, s30  }
0xbd: {  	s0 =	sor.u32 s3, s0;
	s1 =	sshll.u32 s1, $0x11  }
0xbe: {  	s0 =	sor.u32 s1, s0  }
0xbf: {  	s0 =	sadd.s32 $0x8F2B, s0  }
0xc0: {  	[sflag:s0] =	ssyncadd.remote.s32 $0x1  }
0xc1: {  	_ =	sfence.sel $0xFFFF  }
0xc2: {  	[dreg:$0x0] =	wrdreg $0xFFFFFFFF;
	(pc) =	sbr.abs _section_cstart, $3  }
0xc3: {  	[dreg:$0x1] =	wrdreg $0xFFFFFFFF  }
0xc4: {  	_ =	task.clear_ibuf [dreg:s9], $0x2FFFF;
	_ =	strace $0x9FFFFFFF  }
0xc5: {  	(tm) =	ssettm $0x7FFFFFFF  }
tec
execute0_lowered:
.L_overlay_start_1:
0x0: {  	(tag) =	ssettag $0x1  }
0x1: {  	s2 =	rddreg [dreg:$0x0]  }
0x2: {  	s1 =	rddreg [dreg:$0x1]  }
0x3: {  	s4 =	rddreg [dreg:$0x2];
	s6 =	stileid.u32  }
0x4: {  	s0 =	srdreg.scid;
	s3 =	simm.s32 $0x0;
	s5 =	sshll.u32 s6, $0x1  }
0x5: {  	s0 =	sand.u32 $0x1, s0;
	s6 =	sshrl.u32 s6, $0x2;
	s5 =	sand.u32 $0x6, s5  }
0x6: {  	s8 =	sshll.u32 s6, $0x4;
	s6 =	sshll.u32 s6, $0x13;
	s5 =	sor.u32 s0, s5  }
0x7: {  	s1 =	sadd.s32 s1, s8;
	s7 =	sshll.u32 s5, $0x10;
	s5 =	sshll.u32 s5, $0x8  }
0x8: {  	[smem:$0x7FF] =	sst s3;
	s6 =	sor.u32 s6, s7;
	s1 =	sadd.s32 s5, s1  }
0x9: {  	_ =	strace $0x80000047;
	s8 =	sadd.s32 s4, s6;
	[dreg:$0x4] =	wrdreg s1  }
0xa: {  	s16 =	sadd.s32 $0x800, s8;
	[smem:$0x7FB] =	sst s8  }
0xb: {  	s17 =	sadd.s32 $0x1000, s8;
	[dreg:$0x5] =	wrdreg s16  }
0xc: {  	s18 =	sadd.s32 $0x1800, s8;
	[dreg:$0x6] =	wrdreg s17  }
0xd: {  	s19 =	sadd.s32 $0x2000, s8;
	[dreg:$0x7] =	wrdreg s18  }
0xe: {  	s20 =	sadd.s32 $0x2800, s8;
	[dreg:$0x8] =	wrdreg s19  }
0xf: {  	s21 =	sadd.s32 $0x3000, s8;
	[dreg:$0x9] =	wrdreg s20  }
0x10: {  	s22 =	sadd.s32 $0x3800, s8;
	[dreg:$0xa] =	wrdreg s21  }
0x11: {  	s23 =	sadd.s32 $0x4000, s8;
	[dreg:$0xb] =	wrdreg s22  }
0x12: {  	s24 =	sadd.s32 $0x4800, s8;
	[dreg:$0xc] =	wrdreg s23  }
0x13: {  	s25 =	sadd.s32 $0x5000, s8;
	[dreg:$0xd] =	wrdreg s24  }
0x14: {  	s26 =	sadd.s32 $0x5800, s8;
	[dreg:$0xe] =	wrdreg s25  }
0x15: {  	s4 =	sadd.s32 $0x6000, s8;
	[dreg:$0xf] =	wrdreg s26  }
0x16: {  	s5 =	sadd.s32 $0x6800, s8;
	[dreg:$0x10] =	wrdreg s4  }
0x17: {  	s6 =	sadd.s32 $0x7000, s8;
	[dreg:$0x11] =	wrdreg s5  }
0x18: {  	s7 =	sadd.s32 $0x7800, s8;
	[dreg:$0x12] =	wrdreg s6  }
0x19: {  	s9 =	sadd.s32 $0x8000, s8;
	[dreg:$0x13] =	wrdreg s7  }
0x1a: {  	s10 =	sadd.s32 $0x8800, s8;
	[dreg:$0x14] =	wrdreg s9  }
0x1b: {  	s11 =	sadd.s32 $0x9000, s8;
	[dreg:$0x15] =	wrdreg s10  }
0x1c: {  	s28 =	simm.s32 $0x5;
	s12 =	sadd.s32 $0x9800, s8;
	[dreg:$0x16] =	wrdreg s11  }
0x1d: {  	s29 =	simm.s32 $0x8;
	s13 =	sadd.s32 $0xA000, s8;
	[dreg:$0x17] =	wrdreg s12  }
0x1e: {  	s30 =	simm.s32 $0x6;
	s14 =	sadd.s32 $0xA800, s8;
	[dreg:$0x18] =	wrdreg s13  }
0x1f: {  	s31 =	simm.s32 $0x9;
	s15 =	sadd.s32 $0xB000, s8;
	[dreg:$0x19] =	wrdreg s14  }
0x20: {  	s0 =	ssub.s32 $0x2, s0;
	s1 =	simm.s32 $0xA;
	[dreg:$0x1a] =	wrdreg s15  }
0x21: {  	s16 =	sadd.s32 $0xB800, s8;
	s17 =	sadd.s32 $0xC000, s8;
	s18 =	sadd.s32 $0xC800, s8  }
0x22: {  	s19 =	sadd.s32 $0xD000, s8;
	s20 =	sshrl.u32 s0, $0x1;
	[dreg:$0x1b] =	wrdreg s16  }
0x23: {  	s21 =	sadd.s32 $0xD800, s8;
	s22 =	sadd.s32 $0xE000, s8;
	[dreg:$0x1c] =	wrdreg s17  }
0x24: {  	s5 =	sadd.s32 $0x100, s2;
	s23 =	sadd.s32 $0xE800, s8;
	[dreg:$0x1d] =	wrdreg s18  }
0x25: {  	s6 =	sadd.s32 $0x200, s2;
	s24 =	sadd.s32 $0xF000, s8;
	[dreg:$0x1e] =	wrdreg s19  }
0x26: {  	s7 =	sadd.s32 $0x300, s2;
	s25 =	sadd.s32 $0xF800, s8;
	[dreg:$0x1f] =	wrdreg s21  }
0x27: {  	s26 =	simm.s32 $0x80;
	s4 =	simm.s32 $0x1;
	[smem:$0x7F8] =	sst s22  }
0x28: {  	s10 =	simm.s32 $0xB;
	s12 =	simm.s32 $0xC;
	[smem:$0x7F9] =	sst s23  }
0x29: {  	s13 =	simm.s32 $0xD;
	s14 =	simm.s32 $0xE;
	[smem:$0x7FA] =	sst s24  }
0x2a: {  	s11 =	simm.s32 $0x8200;
	s9 =	simm.s32 $0xC200;
	[smem:$0x7FC] =	sst s25  }
0x2b: {  	s0 =	ssub.s32 s0, s20;
	[smem:$0x7FD] =	sst s26;
	s17 =	simm.s32 $0x200  }
0x2c: {  	v2 =	vlaneseq.u32;
	s20 =	simm.s32 $0x2;
	s22 =	simm.s32 $0x3;
	s24 =	simm.s32 $0x4  }
0x2d: {  	vm0 =	vmmov $0xffff;
	v1 =	vshrl.u32 v2, $0x3;
	s26 =	simm.s32 $0x4200;
	s23 =	simm.s32 $0x10200;
	s25 =	simm.s32 $0x14200  }
0x2e: {  	v0 =	vand.u32 $0x7, v2;
	v2 =	vor.u32 $0x8, v2;
	v1 =	vmul.u32 $0x8, v1;
	s18 =	simm.s32 $0x18200;
	s8 =	smax.u32 s0, $0x1;
	s0 =	simm.s32 $0x7  }
.LBB2_1:
0x2f: {  	s16 =	sld [smem:$0x7FD];
	_ =	sdelay $0x1  }
0x30: {  	s15 =	rddreg [dreg:$0x4];
	s21 =	simm.s32 $0xF  }
0x31: {  	[tilespmem:s3], [sflag:$0xF] =	stream.strided.gather [hbm4b:s15+s16], $0x200, s17, s16, $0x38;
	[tilespmem:$0x1C200] =	vst v63  }
0x32: {  	_ =	swait.ge [sflag:s21], $0x200  }
0x33: {  	[sflag:s21] =	ssyncset.done $0x0  }
0x34: {  	[sflag:s21] =	ssyncadd.s32 $0xFFFFFE00  }
0x35: {  	v3 =	vld [tilespmem:$0x0];
	_ =	sdelay $0x4  }
0x36: {  	v4 =	vshll.u32 v3, $0x3  }
0x37: {  	v3 =	vand.u32 $0x7, v3;
	v4 =	vand.u32 $0xFFFFFFC0, v4  }
0x38: {  	v3 =	vor.u32 v3, v4  }
0x39: {  	v4 =	vperm.xlane v3, v0;
	_ =	sdelay $0x1  }
0x3a: {  	v4 =	vadd.s32 v1, v4;
	_ =	sdelay $0x4  }
0x3b: {  	[tilespmem:s17], [sflag:$0x1] =	stream.indirect_vreg.gather [hbm4b:s2+s3], $0x80, v4, vm0, $0xb8;
	[tilespmem:$0x1C200] =	vst v63  }
0x3c: {  	s16 =	simm.s32 $0xA00;
	v3 =	vperm.xlane v3, v2  }
0x3d: {  	[tilespmem:s16], [sflag:$0x1] =	stream.indirect_vreg.gather [hbm4b:s5+s3], $0x80, v4, vm0, $0xb8;
	[tilespmem:$0x1C200] =	vst v63  }
0x3e: {  	s19 =	simm.s32 $0x1200;
	v3 =	vadd.s32 v1, v3  }
0x3f: {  	[tilespmem:s19], [sflag:$0x1] =	stream.indirect_vreg.gather [hbm4b:s6+s3], $0x80, v4, vm0, $0xb8;
	[tilespmem:$0x1C200] =	vst v63  }
0x40: {  	s21 =	simm.s32 $0x1A00  }
0x41: {  	[tilespmem:s21], [sflag:$0x1] =	stream.indirect_vreg.gather [hbm4b:s7+s3], $0x80, v4, vm0, $0xb8;
	[tilespmem:$0x1C200] =	vst v63  }
0x42: {  	s19 =	simm.s32 $0x2200  }
0x43: {  	[tilespmem:s19], [sflag:$0x1] =	stream.indirect_vreg.gather [hbm4b:s2+s3], $0x80, v3, vm0, $0xb8;
	[tilespmem:$0x1C200] =	vst v63  }
0x44: {  	s19 =	simm.s32 $0x2A00  }
0x45: {  	[tilespmem:s19], [sflag:$0x1] =	stream.indirect_vreg.gather [hbm4b:s5+s3], $0x80, v3, vm0, $0xb8;
	[tilespmem:$0x1C200] =	vst v63  }
0x46: {  	s19 =	simm.s32 $0x3200  }
0x47: {  	[tilespmem:s19], [sflag:$0x1] =	stream.indirect_vreg.gather [hbm4b:s6+s3], $0x80, v3, vm0, $0xb8;
	[tilespmem:$0x1C200] =	vst v63  }
0x48: {  	s19 =	simm.s32 $0x3A00  }
0x49: {  	[tilespmem:s19], [sflag:$0x1] =	stream.indirect_vreg.gather [hbm4b:s7+s3], $0x80, v3, vm0, $0xb8;
	[tilespmem:$0x1C200] =	vst v63  }
0x4a: {  	v3 =	vld [tilespmem:$0x10];
	_ =	sdelay $0x4  }
0x4b: {  	v33 =	vshll.u32 v3, $0x3  }
0x4c: {  	v3 =	vand.u32 $0x7, v3;
	v4 =	vand.u32 $0xFFFFFFC0, v33  }
0x4d: {  	v3 =	vor.u32 v3, v4  }
0x4e: {  	v4 =	vperm.xlane v3, v0;
	_ =	sdelay $0x1  }
0x4f: {  	v4 =	vadd.s32 v1, v4;
	_ =	sdelay $0x4  }
0x50: {  	[tilespmem:s26], [sflag:$0x2] =	stream.indirect_vreg.gather [hbm4b:s2+s3], $0x80, v4, vm0, $0xb8;
	[tilespmem:$0x1C200] =	vst v63  }
0x51: {  	s15 =	simm.s32 $0x4A00;
	v3 =	vperm.xlane v3, v2  }
0x52: {  	[tilespmem:s15], [sflag:$0x2] =	stream.indirect_vreg.gather [hbm4b:s5+s3], $0x80, v4, vm0, $0xb8;
	[tilespmem:$0x1C200] =	vst v63  }
0x53: {  	v3 =	vadd.s32 v1, v3;
	s15 =	simm.s32 $0x5200  }
0x54: {  	[tilespmem:s15], [sflag:$0x2] =	stream.indirect_vreg.gather [hbm4b:s6+s3], $0x80, v4, vm0, $0xb8;
	[tilespmem:$0x1C200] =	vst v63  }
0x55: {  	s15 =	simm.s32 $0x5A00  }
0x56: {  	[tilespmem:s15], [sflag:$0x2] =	stream.indirect_vreg.gather [hbm4b:s7+s3], $0x80, v4, vm0, $0xb8;
	[tilespmem:$0x1C200] =	vst v63  }
0x57: {  	s15 =	simm.s32 $0x6200  }
0x58: {  	[tilespmem:s15], [sflag:$0x2] =	stream.indirect_vreg.gather [hbm4b:s2+s3], $0x80, v3, vm0, $0xb8;
	[tilespmem:$0x1C200] =	vst v63  }
0x59: {  	s15 =	simm.s32 $0x6A00  }
0x5a: {  	[tilespmem:s15], [sflag:$0x2] =	stream.indirect_vreg.gather [hbm4b:s5+s3], $0x80, v3, vm0, $0xb8;
	[tilespmem:$0x1C200] =	vst v63  }
0x5b: {  	s15 =	simm.s32 $0x7200  }
0x5c: {  	[tilespmem:s15], [sflag:$0x2] =	stream.indirect_vreg.gather [hbm4b:s6+s3], $0x80, v3, vm0, $0xb8;
	[tilespmem:$0x1C200] =	vst v63  }
0x5d: {  	s15 =	simm.s32 $0x7A00  }
0x5e: {  	[tilespmem:s15], [sflag:$0x2] =	stream.indirect_vreg.gather [hbm4b:s7+s3], $0x80, v3, vm0, $0xb8;
	[tilespmem:$0x1C200] =	vst v63  }
0x5f: {  	v3 =	vld [tilespmem:$0x20];
	_ =	sdelay $0x4  }
0x60: {  	v34 =	vshll.u32 v3, $0x3  }
0x61: {  	v3 =	vand.u32 $0x7, v3;
	v4 =	vand.u32 $0xFFFFFFC0, v34  }
0x62: {  	v3 =	vor.u32 v3, v4  }
0x63: {  	v4 =	vperm.xlane v3, v0;
	_ =	sdelay $0x1  }
0x64: {  	v4 =	vadd.s32 v1, v4;
	_ =	sdelay $0x4  }
0x65: {  	[tilespmem:s11], [sflag:$0x3] =	stream.indirect_vreg.gather [hbm4b:s2+s3], $0x80, v4, vm0, $0xb8;
	[tilespmem:$0x1C200] =	vst v63  }
0x66: {  	s15 =	simm.s32 $0x8A00;
	v3 =	vperm.xlane v3, v2  }
0x67: {  	[tilespmem:s15], [sflag:$0x3] =	stream.indirect_vreg.gather [hbm4b:s5+s3], $0x80, v4, vm0, $0xb8;
	[tilespmem:$0x1C200] =	vst v63  }
0x68: {  	v3 =	vadd.s32 v1, v3;
	s15 =	simm.s32 $0x9200  }
0x69: {  	[tilespmem:s15], [sflag:$0x3] =	stream.indirect_vreg.gather [hbm4b:s6+s3], $0x80, v4, vm0, $0xb8;
	[tilespmem:$0x1C200] =	vst v63  }
0x6a: {  	s15 =	simm.s32 $0x9A00  }
0x6b: {  	[tilespmem:s15], [sflag:$0x3] =	stream.indirect_vreg.gather [hbm4b:s7+s3], $0x80, v4, vm0, $0xb8;
	[tilespmem:$0x1C200] =	vst v63  }
0x6c: {  	s15 =	simm.s32 $0xA200  }
0x6d: {  	[tilespmem:s15], [sflag:$0x3] =	stream.indirect_vreg.gather [hbm4b:s2+s3], $0x80, v3, vm0, $0xb8;
	[tilespmem:$0x1C200] =	vst v63  }
0x6e: {  	s15 =	simm.s32 $0xAA00  }
0x6f: {  	[tilespmem:s15], [sflag:$0x3] =	stream.indirect_vreg.gather [hbm4b:s5+s3], $0x80, v3, vm0, $0xb8;
	[tilespmem:$0x1C200] =	vst v63  }
0x70: {  	s15 =	simm.s32 $0xB200  }
0x71: {  	[tilespmem:s15], [sflag:$0x3] =	stream.indirect_vreg.gather [hbm4b:s6+s3], $0x80, v3, vm0, $0xb8;
	[tilespmem:$0x1C200] =	vst v63  }
0x72: {  	s15 =	simm.s32 $0xBA00  }
0x73: {  	[tilespmem:s15], [sflag:$0x3] =	stream.indirect_vreg.gather [hbm4b:s7+s3], $0x80, v3, vm0, $0xb8;
	[tilespmem:$0x1C200] =	vst v63  }
0x74: {  	_ =	swait.ge [sflag:s4], $0x4000  }
0x75: {  	s15 =	sld [smem:$0x7FB]  }
0x76: {  	[sflag:s4] =	ssyncset.done $0x0  }
0x77: {  	[sflag:s4] =	ssyncadd.s32 $0xFFFFC000  }
0x78: {  	[hbm4b:s15+s3] =	stream.linear.scatter [tilespmem:s17], [sflag:$0x8], $0x4000, $0x38;
	[tilespmem:$0x1C200] =	vst v63  }
0x79: {  	v3 =	vld [tilespmem:$0x30];
	_ =	sdelay $0x4  }
0x7a: {  	v35 =	vshll.u32 v3, $0x3  }
0x7b: {  	v3 =	vand.u32 $0x7, v3;
	v4 =	vand.u32 $0xFFFFFFC0, v35  }
0x7c: {  	v3 =	vor.u32 v3, v4  }
0x7d: {  	v4 =	vperm.xlane v3, v0;
	_ =	sdelay $0x1  }
0x7e: {  	v4 =	vadd.s32 v1, v4;
	_ =	sdelay $0x4  }
0x7f: {  	[tilespmem:s9], [sflag:$0x4] =	stream.indirect_vreg.gather [hbm4b:s2+s3], $0x80, v4, vm0, $0xb8;
	[tilespmem:$0x1C200] =	vst v63  }
0x80: {  	s15 =	simm.s32 $0xCA00;
	v3 =	vperm.xlane v3, v2  }
0x81: {  	[tilespmem:s15], [sflag:$0x4] =	stream.indirect_vreg.gather [hbm4b:s5+s3], $0x80, v4, vm0, $0xb8;
	[tilespmem:$0x1C200] =	vst v63  }
0x82: {  	v3 =	vadd.s32 v1, v3;
	s15 =	simm.s32 $0xD200  }
0x83: {  	[tilespmem:s15], [sflag:$0x4] =	stream.indirect_vreg.gather [hbm4b:s6+s3], $0x80, v4, vm0, $0xb8;
	[tilespmem:$0x1C200] =	vst v63  }
0x84: {  	s15 =	simm.s32 $0xDA00  }
0x85: {  	[tilespmem:s15], [sflag:$0x4] =	stream.indirect_vreg.gather [hbm4b:s7+s3], $0x80, v4, vm0, $0xb8;
	[tilespmem:$0x1C200] =	vst v63  }
0x86: {  	s15 =	simm.s32 $0xE200  }
0x87: {  	[tilespmem:s15], [sflag:$0x4] =	stream.indirect_vreg.gather [hbm4b:s2+s3], $0x80, v3, vm0, $0xb8;
	[tilespmem:$0x1C200] =	vst v63  }
0x88: {  	s15 =	simm.s32 $0xEA00  }
0x89: {  	[tilespmem:s15], [sflag:$0x4] =	stream.indirect_vreg.gather [hbm4b:s5+s3], $0x80, v3, vm0, $0xb8;
	[tilespmem:$0x1C200] =	vst v63  }
0x8a: {  	s15 =	simm.s32 $0xF200  }
0x8b: {  	[tilespmem:s15], [sflag:$0x4] =	stream.indirect_vreg.gather [hbm4b:s6+s3], $0x80, v3, vm0, $0xb8;
	[tilespmem:$0x1C200] =	vst v63  }
0x8c: {  	s15 =	simm.s32 $0xFA00  }
0x8d: {  	[tilespmem:s15], [sflag:$0x4] =	stream.indirect_vreg.gather [hbm4b:s7+s3], $0x80, v3, vm0, $0xb8;
	[tilespmem:$0x1C200] =	vst v63  }
0x8e: {  	_ =	swait.ge [sflag:s20], $0x4000  }
0x8f: {  	[sflag:s20] =	ssyncset.done $0x0  }
0x90: {  	s15 =	rddreg [dreg:$0x5];
	[sflag:s20] =	ssyncadd.s32 $0xFFFFC000  }
0x91: {  	[hbm4b:s15+s3] =	stream.linear.scatter [tilespmem:s26], [sflag:$0x9], $0x4000, $0x38;
	[tilespmem:$0x1C200] =	vst v63  }
0x92: {  	v3 =	vld [tilespmem:$0x40];
	_ =	sdelay $0x4  }
0x93: {  	v36 =	vshll.u32 v3, $0x3  }
0x94: {  	v3 =	vand.u32 $0x7, v3;
	v4 =	vand.u32 $0xFFFFFFC0, v36  }
0x95: {  	v3 =	vor.u32 v3, v4  }
0x96: {  	v4 =	vperm.xlane v3, v0;
	_ =	sdelay $0x1  }
0x97: {  	v4 =	vadd.s32 v1, v4;
	_ =	sdelay $0x4  }
0x98: {  	[tilespmem:s23], [sflag:$0x5] =	stream.indirect_vreg.gather [hbm4b:s2+s3], $0x80, v4, vm0, $0xb8;
	[tilespmem:$0x1C200] =	vst v63  }
0x99: {  	s15 =	simm.s32 $0x10A00;
	v3 =	vperm.xlane v3, v2  }
0x9a: {  	[tilespmem:s15], [sflag:$0x5] =	stream.indirect_vreg.gather [hbm4b:s5+s3], $0x80, v4, vm0, $0xb8;
	[tilespmem:$0x1C200] =	vst v63  }
0x9b: {  	v3 =	vadd.s32 v1, v3;
	s15 =	simm.s32 $0x11200  }
0x9c: {  	[tilespmem:s15], [sflag:$0x5] =	stream.indirect_vreg.gather [hbm4b:s6+s3], $0x80, v4, vm0, $0xb8;
	[tilespmem:$0x1C200] =	vst v63  }
0x9d: {  	s15 =	simm.s32 $0x11A00  }
0x9e: {  	[tilespmem:s15], [sflag:$0x5] =	stream.indirect_vreg.gather [hbm4b:s7+s3], $0x80, v4, vm0, $0xb8;
	[tilespmem:$0x1C200] =	vst v63  }
0x9f: {  	s15 =	simm.s32 $0x12200  }
0xa0: {  	[tilespmem:s15], [sflag:$0x5] =	stream.indirect_vreg.gather [hbm4b:s2+s3], $0x80, v3, vm0, $0xb8;
	[tilespmem:$0x1C200] =	vst v63  }
0xa1: {  	s15 =	simm.s32 $0x12A00  }
0xa2: {  	[tilespmem:s15], [sflag:$0x5] =	stream.indirect_vreg.gather [hbm4b:s5+s3], $0x80, v3, vm0, $0xb8;
	[tilespmem:$0x1C200] =	vst v63  }
0xa3: {  	s15 =	simm.s32 $0x13200  }
0xa4: {  	[tilespmem:s15], [sflag:$0x5] =	stream.indirect_vreg.gather [hbm4b:s6+s3], $0x80, v3, vm0, $0xb8;
	[tilespmem:$0x1C200] =	vst v63  }
0xa5: {  	s15 =	simm.s32 $0x13A00  }
0xa6: {  	[tilespmem:s15], [sflag:$0x5] =	stream.indirect_vreg.gather [hbm4b:s7+s3], $0x80, v3, vm0, $0xb8;
	[tilespmem:$0x1C200] =	vst v63  }
0xa7: {  	_ =	swait.ge [sflag:s22], $0x4000  }
0xa8: {  	[sflag:s22] =	ssyncset.done $0x0  }
0xa9: {  	s15 =	rddreg [dreg:$0x6];
	[sflag:s22] =	ssyncadd.s32 $0xFFFFC000  }
0xaa: {  	[hbm4b:s15+s3] =	stream.linear.scatter [tilespmem:s11], [sflag:$0xA], $0x4000, $0x38;
	[tilespmem:$0x1C200] =	vst v63  }
0xab: {  	v3 =	vld [tilespmem:$0x50];
	_ =	sdelay $0x4  }
0xac: {  	v37 =	vshll.u32 v3, $0x3  }
0xad: {  	v3 =	vand.u32 $0x7, v3;
	v4 =	vand.u32 $0xFFFFFFC0, v37  }
0xae: {  	v3 =	vor.u32 v3, v4  }
0xaf: {  	v4 =	vperm.xlane v3, v0;
	_ =	sdelay $0x1  }
0xb0: {  	v4 =	vadd.s32 v1, v4;
	_ =	sdelay $0x4  }
0xb1: {  	[tilespmem:s25], [sflag:$0x6] =	stream.indirect_vreg.gather [hbm4b:s2+s3], $0x80, v4, vm0, $0xb8;
	[tilespmem:$0x1C200] =	vst v63  }
0xb2: {  	s15 =	simm.s32 $0x14A00;
	v3 =	vperm.xlane v3, v2  }
0xb3: {  	[tilespmem:s15], [sflag:$0x6] =	stream.indirect_vreg.gather [hbm4b:s5+s3], $0x80, v4, vm0, $0xb8;
	[tilespmem:$0x1C200] =	vst v63  }
0xb4: {  	v3 =	vadd.s32 v1, v3;
	s15 =	simm.s32 $0x15200  }
0xb5: {  	[tilespmem:s15], [sflag:$0x6] =	stream.indirect_vreg.gather [hbm4b:s6+s3], $0x80, v4, vm0, $0xb8;
	[tilespmem:$0x1C200] =	vst v63  }
0xb6: {  	s15 =	simm.s32 $0x15A00  }
0xb7: {  	[tilespmem:s15], [sflag:$0x6] =	stream.indirect_vreg.gather [hbm4b:s7+s3], $0x80, v4, vm0, $0xb8;
	[tilespmem:$0x1C200] =	vst v63  }
0xb8: {  	s15 =	simm.s32 $0x16200  }
0xb9: {  	[tilespmem:s15], [sflag:$0x6] =	stream.indirect_vreg.gather [hbm4b:s2+s3], $0x80, v3, vm0, $0xb8;
	[tilespmem:$0x1C200] =	vst v63  }
0xba: {  	s15 =	simm.s32 $0x16A00  }
0xbb: {  	[tilespmem:s15], [sflag:$0x6] =	stream.indirect_vreg.gather [hbm4b:s5+s3], $0x80, v3, vm0, $0xb8;
	[tilespmem:$0x1C200] =	vst v63  }
0xbc: {  	s15 =	simm.s32 $0x17200  }
0xbd: {  	[tilespmem:s15], [sflag:$0x6] =	stream.indirect_vreg.gather [hbm4b:s6+s3], $0x80, v3, vm0, $0xb8;
	[tilespmem:$0x1C200] =	vst v63  }
0xbe: {  	s15 =	simm.s32 $0x17A00  }
0xbf: {  	[tilespmem:s15], [sflag:$0x6] =	stream.indirect_vreg.gather [hbm4b:s7+s3], $0x80, v3, vm0, $0xb8;
	[tilespmem:$0x1C200] =	vst v63  }
0xc0: {  	_ =	swait.ge [sflag:s24], $0x4000  }
0xc1: {  	[sflag:s24] =	ssyncset.done $0x0  }
0xc2: {  	s15 =	rddreg [dreg:$0x7];
	[sflag:s24] =	ssyncadd.s32 $0xFFFFC000  }
0xc3: {  	[hbm4b:s15+s3] =	stream.linear.scatter [tilespmem:s9], [sflag:$0xB], $0x4000, $0x38;
	[tilespmem:$0x1C200] =	vst v63  }
0xc4: {  	v3 =	vld [tilespmem:$0x60];
	_ =	sdelay $0x4  }
0xc5: {  	v38 =	vshll.u32 v3, $0x3  }
0xc6: {  	v3 =	vand.u32 $0x7, v3;
	v4 =	vand.u32 $0xFFFFFFC0, v38  }
0xc7: {  	v3 =	vor.u32 v3, v4  }
0xc8: {  	v4 =	vperm.xlane v3, v0;
	_ =	sdelay $0x1  }
0xc9: {  	v4 =	vadd.s32 v1, v4;
	_ =	sdelay $0x4  }
0xca: {  	[tilespmem:s18], [sflag:$0x7] =	stream.indirect_vreg.gather [hbm4b:s2+s3], $0x80, v4, vm0, $0xb8;
	[tilespmem:$0x1C200] =	vst v63  }
0xcb: {  	s15 =	simm.s32 $0x18A00;
	v3 =	vperm.xlane v3, v2  }
0xcc: {  	[tilespmem:s15], [sflag:$0x7] =	stream.indirect_vreg.gather [hbm4b:s5+s3], $0x80, v4, vm0, $0xb8;
	[tilespmem:$0x1C200] =	vst v63  }
0xcd: {  	v3 =	vadd.s32 v1, v3;
	s15 =	simm.s32 $0x19200  }
0xce: {  	[tilespmem:s15], [sflag:$0x7] =	stream.indirect_vreg.gather [hbm4b:s6+s3], $0x80, v4, vm0, $0xb8;
	[tilespmem:$0x1C200] =	vst v63  }
0xcf: {  	s15 =	simm.s32 $0x19A00  }
0xd0: {  	[tilespmem:s15], [sflag:$0x7] =	stream.indirect_vreg.gather [hbm4b:s7+s3], $0x80, v4, vm0, $0xb8;
	[tilespmem:$0x1C200] =	vst v63  }
0xd1: {  	s15 =	simm.s32 $0x1A200  }
0xd2: {  	[tilespmem:s15], [sflag:$0x7] =	stream.indirect_vreg.gather [hbm4b:s2+s3], $0x80, v3, vm0, $0xb8;
	[tilespmem:$0x1C200] =	vst v63  }
0xd3: {  	s15 =	simm.s32 $0x1AA00  }
0xd4: {  	[tilespmem:s15], [sflag:$0x7] =	stream.indirect_vreg.gather [hbm4b:s5+s3], $0x80, v3, vm0, $0xb8;
	[tilespmem:$0x1C200] =	vst v63  }
0xd5: {  	s15 =	simm.s32 $0x1B200  }
0xd6: {  	[tilespmem:s15], [sflag:$0x7] =	stream.indirect_vreg.gather [hbm4b:s6+s3], $0x80, v3, vm0, $0xb8;
	[tilespmem:$0x1C200] =	vst v63  }
0xd7: {  	s15 =	simm.s32 $0x1BA00  }
0xd8: {  	[tilespmem:s15], [sflag:$0x7] =	stream.indirect_vreg.gather [hbm4b:s7+s3], $0x80, v3, vm0, $0xb8;
	[tilespmem:$0x1C200] =	vst v63  }
0xd9: {  	_ =	swait.ge [sflag:s28], $0x4000  }
0xda: {  	[sflag:s28] =	ssyncset.done $0x0  }
0xdb: {  	s15 =	rddreg [dreg:$0x8];
	[sflag:s28] =	ssyncadd.s32 $0xFFFFC000  }
0xdc: {  	[hbm4b:s15+s3] =	stream.linear.scatter [tilespmem:s23], [sflag:$0xC], $0x4000, $0x38;
	[tilespmem:$0x1C200] =	vst v63  }
0xdd: {  	_ =	swait.ge [sflag:s29], $0x4000  }
0xde: {  	[sflag:s29] =	ssyncset.done $0x0  }
0xdf: {  	[sflag:s29] =	ssyncadd.s32 $0xFFFFC000  }
0xe0: {  	v3 =	vld [tilespmem:$0x70];
	_ =	sdelay $0x4  }
0xe1: {  	v39 =	vshll.u32 v3, $0x3  }
0xe2: {  	v3 =	vand.u32 $0x7, v3;
	v4 =	vand.u32 $0xFFFFFFC0, v39  }
0xe3: {  	v3 =	vor.u32 v3, v4  }
0xe4: {  	v4 =	vperm.xlane v3, v0;
	_ =	sdelay $0x1  }
0xe5: {  	v4 =	vadd.s32 v1, v4;
	_ =	sdelay $0x4  }
0xe6: {  	[tilespmem:s17], [sflag:$0x1] =	stream.indirect_vreg.gather [hbm4b:s2+s3], $0x80, v4, vm0, $0xb8;
	[tilespmem:$0x1C200] =	vst v63  }
0xe7: {  	s16 =	simm.s32 $0xA00;
	v3 =	vperm.xlane v3, v2  }
0xe8: {  	[tilespmem:s16], [sflag:$0x1] =	stream.indirect_vreg.gather [hbm4b:s5+s3], $0x80, v4, vm0, $0xb8;
	[tilespmem:$0x1C200] =	vst v63  }
0xe9: {  	v3 =	vadd.s32 v1, v3;
	s16 =	simm.s32 $0x1200  }
0xea: {  	[tilespmem:s16], [sflag:$0x1] =	stream.indirect_vreg.gather [hbm4b:s6+s3], $0x80, v4, vm0, $0xb8;
	[tilespmem:$0x1C200] =	vst v63  }
0xeb: {  	s21 =	simm.s32 $0x1A00  }
0xec: {  	[tilespmem:s21], [sflag:$0x1] =	stream.indirect_vreg.gather [hbm4b:s7+s3], $0x80, v4, vm0, $0xb8;
	[tilespmem:$0x1C200] =	vst v63  }
0xed: {  	s21 =	simm.s32 $0x2200  }
0xee: {  	[tilespmem:s21], [sflag:$0x1] =	stream.indirect_vreg.gather [hbm4b:s2+s3], $0x80, v3, vm0, $0xb8;
	[tilespmem:$0x1C200] =	vst v63  }
0xef: {  	s16 =	simm.s32 $0x2A00  }
0xf0: {  	[tilespmem:s16], [sflag:$0x1] =	stream.indirect_vreg.gather [hbm4b:s5+s3], $0x80, v3, vm0, $0xb8;
	[tilespmem:$0x1C200] =	vst v63  }
0xf1: {  	s21 =	simm.s32 $0x3200  }
0xf2: {  	[tilespmem:s21], [sflag:$0x1] =	stream.indirect_vreg.gather [hbm4b:s6+s3], $0x80, v3, vm0, $0xb8;
	[tilespmem:$0x1C200] =	vst v63  }
0xf3: {  	s19 =	simm.s32 $0x3A00  }
0xf4: {  	[tilespmem:s19], [sflag:$0x1] =	stream.indirect_vreg.gather [hbm4b:s7+s3], $0x80, v3, vm0, $0xb8;
	[tilespmem:$0x1C200] =	vst v63  }
0xf5: {  	_ =	swait.ge [sflag:s30], $0x4000  }
0xf6: {  	[sflag:s30] =	ssyncset.done $0x0  }
0xf7: {  	s16 =	rddreg [dreg:$0x9];
	[sflag:s30] =	ssyncadd.s32 $0xFFFFC000  }
0xf8: {  	[hbm4b:s16+s3] =	stream.linear.scatter [tilespmem:s25], [sflag:$0xD], $0x4000, $0x38;
	[tilespmem:$0x1C200] =	vst v63  }
0xf9: {  	_ =	swait.ge [sflag:s31], $0x4000  }
0xfa: {  	[sflag:s31] =	ssyncset.done $0x0  }
0xfb: {  	[sflag:s31] =	ssyncadd.s32 $0xFFFFC000  }
0xfc: {  	v3 =	vld [tilespmem:$0x80];
	_ =	sdelay $0x4  }
0xfd: {  	v40 =	vshll.u32 v3, $0x3  }
0xfe: {  	v3 =	vand.u32 $0x7, v3;
	v4 =	vand.u32 $0xFFFFFFC0, v40  }
0xff: {  	v3 =	vor.u32 v3, v4  }
0x100: {  	v4 =	vperm.xlane v3, v0;
	_ =	sdelay $0x1  }
0x101: {  	v4 =	vadd.s32 v1, v4;
	_ =	sdelay $0x4  }
0x102: {  	[tilespmem:s26], [sflag:$0x2] =	stream.indirect_vreg.gather [hbm4b:s2+s3], $0x80, v4, vm0, $0xb8;
	[tilespmem:$0x1C200] =	vst v63  }
0x103: {  	s19 =	simm.s32 $0x4A00;
	v3 =	vperm.xlane v3, v2  }
0x104: {  	[tilespmem:s19], [sflag:$0x2] =	stream.indirect_vreg.gather [hbm4b:s5+s3], $0x80, v4, vm0, $0xb8;
	[tilespmem:$0x1C200] =	vst v63  }
0x105: {  	s21 =	simm.s32 $0x5200;
	v3 =	vadd.s32 v1, v3  }
0x106: {  	[tilespmem:s21], [sflag:$0x2] =	stream.indirect_vreg.gather [hbm4b:s6+s3], $0x80, v4, vm0, $0xb8;
	[tilespmem:$0x1C200] =	vst v63  }
0x107: {  	s16 =	simm.s32 $0x5A00  }
0x108: {  	[tilespmem:s16], [sflag:$0x2] =	stream.indirect_vreg.gather [hbm4b:s7+s3], $0x80, v4, vm0, $0xb8;
	[tilespmem:$0x1C200] =	vst v63  }
0x109: {  	s19 =	simm.s32 $0x6200  }
0x10a: {  	[tilespmem:s19], [sflag:$0x2] =	stream.indirect_vreg.gather [hbm4b:s2+s3], $0x80, v3, vm0, $0xb8;
	[tilespmem:$0x1C200] =	vst v63  }
0x10b: {  	s21 =	simm.s32 $0x6A00  }
0x10c: {  	[tilespmem:s21], [sflag:$0x2] =	stream.indirect_vreg.gather [hbm4b:s5+s3], $0x80, v3, vm0, $0xb8;
	[tilespmem:$0x1C200] =	vst v63  }
0x10d: {  	s16 =	simm.s32 $0x7200  }
0x10e: {  	[tilespmem:s16], [sflag:$0x2] =	stream.indirect_vreg.gather [hbm4b:s6+s3], $0x80, v3, vm0, $0xb8;
	[tilespmem:$0x1C200] =	vst v63  }
0x10f: {  	s19 =	simm.s32 $0x7A00  }
0x110: {  	[tilespmem:s19], [sflag:$0x2] =	stream.indirect_vreg.gather [hbm4b:s7+s3], $0x80, v3, vm0, $0xb8;
	[tilespmem:$0x1C200] =	vst v63  }
0x111: {  	_ =	swait.ge [sflag:s0], $0x4000  }
0x112: {  	[sflag:s0] =	ssyncset.done $0x0  }
0x113: {  	s21 =	rddreg [dreg:$0xa];
	[sflag:s0] =	ssyncadd.s32 $0xFFFFC000  }
0x114: {  	[hbm4b:s21+s3] =	stream.linear.scatter [tilespmem:s18], [sflag:$0xE], $0x4000, $0x38;
	[tilespmem:$0x1C200] =	vst v63  }
0x115: {  	_ =	swait.ge [sflag:s1], $0x4000  }
0x116: {  	[sflag:s1] =	ssyncset.done $0x0  }
0x117: {  	[sflag:s1] =	ssyncadd.s32 $0xFFFFC000  }
0x118: {  	v3 =	vld [tilespmem:$0x90];
	_ =	sdelay $0x4  }
0x119: {  	v41 =	vshll.u32 v3, $0x3  }
0x11a: {  	v3 =	vand.u32 $0x7, v3;
	v4 =	vand.u32 $0xFFFFFFC0, v41  }
0x11b: {  	v3 =	vor.u32 v3, v4  }
0x11c: {  	v4 =	vperm.xlane v3, v0;
	_ =	sdelay $0x1  }
0x11d: {  	v4 =	vadd.s32 v1, v4;
	_ =	sdelay $0x4  }
0x11e: {  	[tilespmem:s11], [sflag:$0x3] =	stream.indirect_vreg.gather [hbm4b:s2+s3], $0x80, v4, vm0, $0xb8;
	[tilespmem:$0x1C200] =	vst v63  }
0x11f: {  	s16 =	simm.s32 $0x8A00;
	v3 =	vperm.xlane v3, v2  }
0x120: {  	[tilespmem:s16], [sflag:$0x3] =	stream.indirect_vreg.gather [hbm4b:s5+s3], $0x80, v4, vm0, $0xb8;
	[tilespmem:$0x1C200] =	vst v63  }
0x121: {  	s19 =	simm.s32 $0x9200;
	v3 =	vadd.s32 v1, v3  }
0x122: {  	[tilespmem:s19], [sflag:$0x3] =	stream.indirect_vreg.gather [hbm4b:s6+s3], $0x80, v4, vm0, $0xb8;
	[tilespmem:$0x1C200] =	vst v63  }
0x123: {  	s21 =	simm.s32 $0x9A00  }
0x124: {  	[tilespmem:s21], [sflag:$0x3] =	stream.indirect_vreg.gather [hbm4b:s7+s3], $0x80, v4, vm0, $0xb8;
	[tilespmem:$0x1C200] =	vst v63  }
0x125: {  	s16 =	simm.s32 $0xA200  }
0x126: {  	[tilespmem:s16], [sflag:$0x3] =	stream.indirect_vreg.gather [hbm4b:s2+s3], $0x80, v3, vm0, $0xb8;
	[tilespmem:$0x1C200] =	vst v63  }
0x127: {  	s19 =	simm.s32 $0xAA00  }
0x128: {  	[tilespmem:s19], [sflag:$0x3] =	stream.indirect_vreg.gather [hbm4b:s5+s3], $0x80, v3, vm0, $0xb8;
	[tilespmem:$0x1C200] =	vst v63  }
0x129: {  	s21 =	simm.s32 $0xB200  }
0x12a: {  	[tilespmem:s21], [sflag:$0x3] =	stream.indirect_vreg.gather [hbm4b:s6+s3], $0x80, v3, vm0, $0xb8;
	[tilespmem:$0x1C200] =	vst v63  }
0x12b: {  	s16 =	simm.s32 $0xBA00  }
0x12c: {  	[tilespmem:s16], [sflag:$0x3] =	stream.indirect_vreg.gather [hbm4b:s7+s3], $0x80, v3, vm0, $0xb8;
	[tilespmem:$0x1C200] =	vst v63  }
0x12d: {  	_ =	swait.ge [sflag:s4], $0x4000  }
0x12e: {  	[sflag:s4] =	ssyncset.done $0x0  }
0x12f: {  	s19 =	rddreg [dreg:$0xb];
	[sflag:s4] =	ssyncadd.s32 $0xFFFFC000  }
0x130: {  	[hbm4b:s19+s3] =	stream.linear.scatter [tilespmem:s17], [sflag:$0x8], $0x4000, $0x38;
	[tilespmem:$0x1C200] =	vst v63  }
0x131: {  	_ =	swait.ge [sflag:s10], $0x4000  }
0x132: {  	[sflag:s10] =	ssyncset.done $0x0  }
0x133: {  	[sflag:s10] =	ssyncadd.s32 $0xFFFFC000  }
0x134: {  	v3 =	vld [tilespmem:$0xA0];
	_ =	sdelay $0x4  }
0x135: {  	v42 =	vshll.u32 v3, $0x3  }
0x136: {  	v3 =	vand.u32 $0x7, v3;
	v4 =	vand.u32 $0xFFFFFFC0, v42  }
0x137: {  	v3 =	vor.u32 v3, v4  }
0x138: {  	v4 =	vperm.xlane v3, v0;
	_ =	sdelay $0x1  }
0x139: {  	v4 =	vadd.s32 v1, v4;
	_ =	sdelay $0x4  }
0x13a: {  	[tilespmem:s9], [sflag:$0x4] =	stream.indirect_vreg.gather [hbm4b:s2+s3], $0x80, v4, vm0, $0xb8;
	[tilespmem:$0x1C200] =	vst v63  }
0x13b: {  	s21 =	simm.s32 $0xCA00;
	v3 =	vperm.xlane v3, v2  }
0x13c: {  	[tilespmem:s21], [sflag:$0x4] =	stream.indirect_vreg.gather [hbm4b:s5+s3], $0x80, v4, vm0, $0xb8;
	[tilespmem:$0x1C200] =	vst v63  }
0x13d: {  	s16 =	simm.s32 $0xD200;
	v3 =	vadd.s32 v1, v3  }
0x13e: {  	[tilespmem:s16], [sflag:$0x4] =	stream.indirect_vreg.gather [hbm4b:s6+s3], $0x80, v4, vm0, $0xb8;
	[tilespmem:$0x1C200] =	vst v63  }
0x13f: {  	s19 =	simm.s32 $0xDA00  }
0x140: {  	[tilespmem:s19], [sflag:$0x4] =	stream.indirect_vreg.gather [hbm4b:s7+s3], $0x80, v4, vm0, $0xb8;
	[tilespmem:$0x1C200] =	vst v63  }
0x141: {  	s21 =	simm.s32 $0xE200  }
0x142: {  	[tilespmem:s21], [sflag:$0x4] =	stream.indirect_vreg.gather [hbm4b:s2+s3], $0x80, v3, vm0, $0xb8;
	[tilespmem:$0x1C200] =	vst v63  }
0x143: {  	s15 =	simm.s32 $0xEA00  }
0x144: {  	[tilespmem:s15], [sflag:$0x4] =	stream.indirect_vreg.gather [hbm4b:s5+s3], $0x80, v3, vm0, $0xb8;
	[tilespmem:$0x1C200] =	vst v63  }
0x145: {  	s15 =	simm.s32 $0xF200  }
0x146: {  	[tilespmem:s15], [sflag:$0x4] =	stream.indirect_vreg.gather [hbm4b:s6+s3], $0x80, v3, vm0, $0xb8;
	[tilespmem:$0x1C200] =	vst v63  }
0x147: {  	s15 =	simm.s32 $0xFA00  }
0x148: {  	[tilespmem:s15], [sflag:$0x4] =	stream.indirect_vreg.gather [hbm4b:s7+s3], $0x80, v3, vm0, $0xb8;
	[tilespmem:$0x1C200] =	vst v63  }
0x149: {  	_ =	swait.ge [sflag:s20], $0x4000  }
0x14a: {  	[sflag:s20] =	ssyncset.done $0x0  }
0x14b: {  	s15 =	rddreg [dreg:$0xc];
	[sflag:s20] =	ssyncadd.s32 $0xFFFFC000  }
0x14c: {  	[hbm4b:s15+s3] =	stream.linear.scatter [tilespmem:s26], [sflag:$0x9], $0x4000, $0x38;
	[tilespmem:$0x1C200] =	vst v63  }
0x14d: {  	_ =	swait.ge [sflag:s12], $0x4000  }
0x14e: {  	[sflag:s12] =	ssyncset.done $0x0  }
0x14f: {  	[sflag:s12] =	ssyncadd.s32 $0xFFFFC000  }
0x150: {  	v3 =	vld [tilespmem:$0xB0];
	_ =	sdelay $0x4  }
0x151: {  	v43 =	vshll.u32 v3, $0x3  }
0x152: {  	v3 =	vand.u32 $0x7, v3;
	v4 =	vand.u32 $0xFFFFFFC0, v43  }
0x153: {  	v3 =	vor.u32 v3, v4  }
0x154: {  	v4 =	vperm.xlane v3, v0;
	_ =	sdelay $0x1  }
0x155: {  	v4 =	vadd.s32 v1, v4;
	_ =	sdelay $0x4  }
0x156: {  	[tilespmem:s23], [sflag:$0x5] =	stream.indirect_vreg.gather [hbm4b:s2+s3], $0x80, v4, vm0, $0xb8;
	[tilespmem:$0x1C200] =	vst v63  }
0x157: {  	s15 =	simm.s32 $0x10A00;
	v3 =	vperm.xlane v3, v2  }
0x158: {  	[tilespmem:s15], [sflag:$0x5] =	stream.indirect_vreg.gather [hbm4b:s5+s3], $0x80, v4, vm0, $0xb8;
	[tilespmem:$0x1C200] =	vst v63  }
0x159: {  	v3 =	vadd.s32 v1, v3;
	s15 =	simm.s32 $0x11200  }
0x15a: {  	[tilespmem:s15], [sflag:$0x5] =	stream.indirect_vreg.gather [hbm4b:s6+s3], $0x80, v4, vm0, $0xb8;
	[tilespmem:$0x1C200] =	vst v63  }
0x15b: {  	s15 =	simm.s32 $0x11A00  }
0x15c: {  	[tilespmem:s15], [sflag:$0x5] =	stream.indirect_vreg.gather [hbm4b:s7+s3], $0x80, v4, vm0, $0xb8;
	[tilespmem:$0x1C200] =	vst v63  }
0x15d: {  	s15 =	simm.s32 $0x12200  }
0x15e: {  	[tilespmem:s15], [sflag:$0x5] =	stream.indirect_vreg.gather [hbm4b:s2+s3], $0x80, v3, vm0, $0xb8;
	[tilespmem:$0x1C200] =	vst v63  }
0x15f: {  	s15 =	simm.s32 $0x12A00  }
0x160: {  	[tilespmem:s15], [sflag:$0x5] =	stream.indirect_vreg.gather [hbm4b:s5+s3], $0x80, v3, vm0, $0xb8;
	[tilespmem:$0x1C200] =	vst v63  }
0x161: {  	s15 =	simm.s32 $0x13200  }
0x162: {  	[tilespmem:s15], [sflag:$0x5] =	stream.indirect_vreg.gather [hbm4b:s6+s3], $0x80, v3, vm0, $0xb8;
	[tilespmem:$0x1C200] =	vst v63  }
0x163: {  	s15 =	simm.s32 $0x13A00  }
0x164: {  	[tilespmem:s15], [sflag:$0x5] =	stream.indirect_vreg.gather [hbm4b:s7+s3], $0x80, v3, vm0, $0xb8;
	[tilespmem:$0x1C200] =	vst v63  }
0x165: {  	_ =	swait.ge [sflag:s22], $0x4000  }
0x166: {  	[sflag:s22] =	ssyncset.done $0x0  }
0x167: {  	s15 =	rddreg [dreg:$0xd];
	[sflag:s22] =	ssyncadd.s32 $0xFFFFC000  }
0x168: {  	[hbm4b:s15+s3] =	stream.linear.scatter [tilespmem:s11], [sflag:$0xA], $0x4000, $0x38;
	[tilespmem:$0x1C200] =	vst v63  }
0x169: {  	_ =	swait.ge [sflag:s13], $0x4000  }
0x16a: {  	[sflag:s13] =	ssyncset.done $0x0  }
0x16b: {  	[sflag:s13] =	ssyncadd.s32 $0xFFFFC000  }
0x16c: {  	v3 =	vld [tilespmem:$0xC0];
	_ =	sdelay $0x4  }
0x16d: {  	v44 =	vshll.u32 v3, $0x3  }
0x16e: {  	v3 =	vand.u32 $0x7, v3;
	v4 =	vand.u32 $0xFFFFFFC0, v44  }
0x16f: {  	v3 =	vor.u32 v3, v4  }
0x170: {  	v4 =	vperm.xlane v3, v0;
	_ =	sdelay $0x1  }
0x171: {  	v4 =	vadd.s32 v1, v4;
	_ =	sdelay $0x4  }
0x172: {  	[tilespmem:s25], [sflag:$0x6] =	stream.indirect_vreg.gather [hbm4b:s2+s3], $0x80, v4, vm0, $0xb8;
	[tilespmem:$0x1C200] =	vst v63  }
0x173: {  	s15 =	simm.s32 $0x14A00;
	v3 =	vperm.xlane v3, v2  }
0x174: {  	[tilespmem:s15], [sflag:$0x6] =	stream.indirect_vreg.gather [hbm4b:s5+s3], $0x80, v4, vm0, $0xb8;
	[tilespmem:$0x1C200] =	vst v63  }
0x175: {  	v3 =	vadd.s32 v1, v3;
	s15 =	simm.s32 $0x15200  }
0x176: {  	[tilespmem:s15], [sflag:$0x6] =	stream.indirect_vreg.gather [hbm4b:s6+s3], $0x80, v4, vm0, $0xb8;
	[tilespmem:$0x1C200] =	vst v63  }
0x177: {  	s15 =	simm.s32 $0x15A00  }
0x178: {  	[tilespmem:s15], [sflag:$0x6] =	stream.indirect_vreg.gather [hbm4b:s7+s3], $0x80, v4, vm0, $0xb8;
	[tilespmem:$0x1C200] =	vst v63  }
0x179: {  	s15 =	simm.s32 $0x16200  }
0x17a: {  	[tilespmem:s15], [sflag:$0x6] =	stream.indirect_vreg.gather [hbm4b:s2+s3], $0x80, v3, vm0, $0xb8;
	[tilespmem:$0x1C200] =	vst v63  }
0x17b: {  	s15 =	simm.s32 $0x16A00  }
0x17c: {  	[tilespmem:s15], [sflag:$0x6] =	stream.indirect_vreg.gather [hbm4b:s5+s3], $0x80, v3, vm0, $0xb8;
	[tilespmem:$0x1C200] =	vst v63  }
0x17d: {  	s15 =	simm.s32 $0x17200  }
0x17e: {  	[tilespmem:s15], [sflag:$0x6] =	stream.indirect_vreg.gather [hbm4b:s6+s3], $0x80, v3, vm0, $0xb8;
	[tilespmem:$0x1C200] =	vst v63  }
0x17f: {  	s15 =	simm.s32 $0x17A00  }
0x180: {  	[tilespmem:s15], [sflag:$0x6] =	stream.indirect_vreg.gather [hbm4b:s7+s3], $0x80, v3, vm0, $0xb8;
	[tilespmem:$0x1C200] =	vst v63  }
0x181: {  	_ =	swait.ge [sflag:s24], $0x4000  }
0x182: {  	[sflag:s24] =	ssyncset.done $0x0  }
0x183: {  	s15 =	rddreg [dreg:$0xe];
	[sflag:s24] =	ssyncadd.s32 $0xFFFFC000  }
0x184: {  	[hbm4b:s15+s3] =	stream.linear.scatter [tilespmem:s9], [sflag:$0xB], $0x4000, $0x38;
	[tilespmem:$0x1C200] =	vst v63  }
0x185: {  	_ =	swait.ge [sflag:s14], $0x4000  }
0x186: {  	[sflag:s14] =	ssyncset.done $0x0  }
0x187: {  	[sflag:s14] =	ssyncadd.s32 $0xFFFFC000  }
0x188: {  	v3 =	vld [tilespmem:$0xD0];
	_ =	sdelay $0x4  }
0x189: {  	v45 =	vshll.u32 v3, $0x3  }
0x18a: {  	v3 =	vand.u32 $0x7, v3;
	v4 =	vand.u32 $0xFFFFFFC0, v45  }
0x18b: {  	v3 =	vor.u32 v3, v4  }
0x18c: {  	v4 =	vperm.xlane v3, v0;
	_ =	sdelay $0x1  }
0x18d: {  	v4 =	vadd.s32 v1, v4;
	_ =	sdelay $0x4  }
0x18e: {  	[tilespmem:s18], [sflag:$0x7] =	stream.indirect_vreg.gather [hbm4b:s2+s3], $0x80, v4, vm0, $0xb8;
	[tilespmem:$0x1C200] =	vst v63  }
0x18f: {  	s15 =	simm.s32 $0x18A00;
	v3 =	vperm.xlane v3, v2  }
0x190: {  	[tilespmem:s15], [sflag:$0x7] =	stream.indirect_vreg.gather [hbm4b:s5+s3], $0x80, v4, vm0, $0xb8;
	[tilespmem:$0x1C200] =	vst v63  }
0x191: {  	v3 =	vadd.s32 v1, v3;
	s15 =	simm.s32 $0x19200  }
0x192: {  	[tilespmem:s15], [sflag:$0x7] =	stream.indirect_vreg.gather [hbm4b:s6+s3], $0x80, v4, vm0, $0xb8;
	[tilespmem:$0x1C200] =	vst v63  }
0x193: {  	s15 =	simm.s32 $0x19A00  }
0x194: {  	[tilespmem:s15], [sflag:$0x7] =	stream.indirect_vreg.gather [hbm4b:s7+s3], $0x80, v4, vm0, $0xb8;
	[tilespmem:$0x1C200] =	vst v63  }
0x195: {  	s15 =	simm.s32 $0x1A200  }
0x196: {  	[tilespmem:s15], [sflag:$0x7] =	stream.indirect_vreg.gather [hbm4b:s2+s3], $0x80, v3, vm0, $0xb8;
	[tilespmem:$0x1C200] =	vst v63  }
0x197: {  	s15 =	simm.s32 $0x1AA00  }
0x198: {  	[tilespmem:s15], [sflag:$0x7] =	stream.indirect_vreg.gather [hbm4b:s5+s3], $0x80, v3, vm0, $0xb8;
	[tilespmem:$0x1C200] =	vst v63  }
0x199: {  	s15 =	simm.s32 $0x1B200  }
0x19a: {  	[tilespmem:s15], [sflag:$0x7] =	stream.indirect_vreg.gather [hbm4b:s6+s3], $0x80, v3, vm0, $0xb8;
	[tilespmem:$0x1C200] =	vst v63  }
0x19b: {  	s15 =	simm.s32 $0x1BA00  }
0x19c: {  	[tilespmem:s15], [sflag:$0x7] =	stream.indirect_vreg.gather [hbm4b:s7+s3], $0x80, v3, vm0, $0xb8;
	[tilespmem:$0x1C200] =	vst v63  }
0x19d: {  	_ =	swait.ge [sflag:s28], $0x4000  }
0x19e: {  	[sflag:s28] =	ssyncset.done $0x0  }
0x19f: {  	s15 =	rddreg [dreg:$0xf];
	[sflag:s28] =	ssyncadd.s32 $0xFFFFC000  }
0x1a0: {  	[hbm4b:s15+s3] =	stream.linear.scatter [tilespmem:s23], [sflag:$0xC], $0x4000, $0x38;
	[tilespmem:$0x1C200] =	vst v63  }
0x1a1: {  	_ =	swait.ge [sflag:s29], $0x4000  }
0x1a2: {  	[sflag:s29] =	ssyncset.done $0x0  }
0x1a3: {  	[sflag:s29] =	ssyncadd.s32 $0xFFFFC000  }
0x1a4: {  	v3 =	vld [tilespmem:$0xE0];
	_ =	sdelay $0x4  }
0x1a5: {  	v46 =	vshll.u32 v3, $0x3  }
0x1a6: {  	v3 =	vand.u32 $0x7, v3;
	v4 =	vand.u32 $0xFFFFFFC0, v46  }
0x1a7: {  	v3 =	vor.u32 v3, v4  }
0x1a8: {  	v4 =	vperm.xlane v3, v0;
	_ =	sdelay $0x1  }
0x1a9: {  	v4 =	vadd.s32 v1, v4;
	_ =	sdelay $0x4  }
0x1aa: {  	[tilespmem:s17], [sflag:$0x1] =	stream.indirect_vreg.gather [hbm4b:s2+s3], $0x80, v4, vm0, $0xb8;
	[tilespmem:$0x1C200] =	vst v63  }
0x1ab: {  	s15 =	simm.s32 $0xA00;
	v3 =	vperm.xlane v3, v2  }
0x1ac: {  	[tilespmem:s15], [sflag:$0x1] =	stream.indirect_vreg.gather [hbm4b:s5+s3], $0x80, v4, vm0, $0xb8;
	[tilespmem:$0x1C200] =	vst v63  }
0x1ad: {  	v3 =	vadd.s32 v1, v3;
	s15 =	simm.s32 $0x1200  }
0x1ae: {  	[tilespmem:s15], [sflag:$0x1] =	stream.indirect_vreg.gather [hbm4b:s6+s3], $0x80, v4, vm0, $0xb8;
	[tilespmem:$0x1C200] =	vst v63  }
0x1af: {  	s15 =	simm.s32 $0x1A00  }
0x1b0: {  	[tilespmem:s15], [sflag:$0x1] =	stream.indirect_vreg.gather [hbm4b:s7+s3], $0x80, v4, vm0, $0xb8;
	[tilespmem:$0x1C200] =	vst v63  }
0x1b1: {  	s15 =	simm.s32 $0x2200  }
0x1b2: {  	[tilespmem:s15], [sflag:$0x1] =	stream.indirect_vreg.gather [hbm4b:s2+s3], $0x80, v3, vm0, $0xb8;
	[tilespmem:$0x1C200] =	vst v63  }
0x1b3: {  	s15 =	simm.s32 $0x2A00  }
0x1b4: {  	[tilespmem:s15], [sflag:$0x1] =	stream.indirect_vreg.gather [hbm4b:s5+s3], $0x80, v3, vm0, $0xb8;
	[tilespmem:$0x1C200] =	vst v63  }
0x1b5: {  	s15 =	simm.s32 $0x3200  }
0x1b6: {  	[tilespmem:s15], [sflag:$0x1] =	stream.indirect_vreg.gather [hbm4b:s6+s3], $0x80, v3, vm0, $0xb8;
	[tilespmem:$0x1C200] =	vst v63  }
0x1b7: {  	s15 =	simm.s32 $0x3A00  }
0x1b8: {  	[tilespmem:s15], [sflag:$0x1] =	stream.indirect_vreg.gather [hbm4b:s7+s3], $0x80, v3, vm0, $0xb8;
	[tilespmem:$0x1C200] =	vst v63  }
0x1b9: {  	_ =	swait.ge [sflag:s30], $0x4000  }
0x1ba: {  	[sflag:s30] =	ssyncset.done $0x0  }
0x1bb: {  	s15 =	rddreg [dreg:$0x10];
	[sflag:s30] =	ssyncadd.s32 $0xFFFFC000  }
0x1bc: {  	[hbm4b:s15+s3] =	stream.linear.scatter [tilespmem:s25], [sflag:$0xD], $0x4000, $0x38;
	[tilespmem:$0x1C200] =	vst v63  }
0x1bd: {  	_ =	swait.ge [sflag:s31], $0x4000  }
0x1be: {  	[sflag:s31] =	ssyncset.done $0x0  }
0x1bf: {  	[sflag:s31] =	ssyncadd.s32 $0xFFFFC000  }
0x1c0: {  	v3 =	vld [tilespmem:$0xF0];
	_ =	sdelay $0x4  }
0x1c1: {  	v47 =	vshll.u32 v3, $0x3  }
0x1c2: {  	v3 =	vand.u32 $0x7, v3;
	v4 =	vand.u32 $0xFFFFFFC0, v47  }
0x1c3: {  	v3 =	vor.u32 v3, v4  }
0x1c4: {  	v4 =	vperm.xlane v3, v0;
	_ =	sdelay $0x1  }
0x1c5: {  	v4 =	vadd.s32 v1, v4;
	_ =	sdelay $0x4  }
0x1c6: {  	[tilespmem:s26], [sflag:$0x2] =	stream.indirect_vreg.gather [hbm4b:s2+s3], $0x80, v4, vm0, $0xb8;
	[tilespmem:$0x1C200] =	vst v63  }
0x1c7: {  	s15 =	simm.s32 $0x4A00;
	v3 =	vperm.xlane v3, v2  }
0x1c8: {  	[tilespmem:s15], [sflag:$0x2] =	stream.indirect_vreg.gather [hbm4b:s5+s3], $0x80, v4, vm0, $0xb8;
	[tilespmem:$0x1C200] =	vst v63  }
0x1c9: {  	v3 =	vadd.s32 v1, v3;
	s15 =	simm.s32 $0x5200  }
0x1ca: {  	[tilespmem:s15], [sflag:$0x2] =	stream.indirect_vreg.gather [hbm4b:s6+s3], $0x80, v4, vm0, $0xb8;
	[tilespmem:$0x1C200] =	vst v63  }
0x1cb: {  	s15 =	simm.s32 $0x5A00  }
0x1cc: {  	[tilespmem:s15], [sflag:$0x2] =	stream.indirect_vreg.gather [hbm4b:s7+s3], $0x80, v4, vm0, $0xb8;
	[tilespmem:$0x1C200] =	vst v63  }
0x1cd: {  	s15 =	simm.s32 $0x6200  }
0x1ce: {  	[tilespmem:s15], [sflag:$0x2] =	stream.indirect_vreg.gather [hbm4b:s2+s3], $0x80, v3, vm0, $0xb8;
	[tilespmem:$0x1C200] =	vst v63  }
0x1cf: {  	s15 =	simm.s32 $0x6A00  }
0x1d0: {  	[tilespmem:s15], [sflag:$0x2] =	stream.indirect_vreg.gather [hbm4b:s5+s3], $0x80, v3, vm0, $0xb8;
	[tilespmem:$0x1C200] =	vst v63  }
0x1d1: {  	s15 =	simm.s32 $0x7200  }
0x1d2: {  	[tilespmem:s15], [sflag:$0x2] =	stream.indirect_vreg.gather [hbm4b:s6+s3], $0x80, v3, vm0, $0xb8;
	[tilespmem:$0x1C200] =	vst v63  }
0x1d3: {  	s15 =	simm.s32 $0x7A00  }
0x1d4: {  	[tilespmem:s15], [sflag:$0x2] =	stream.indirect_vreg.gather [hbm4b:s7+s3], $0x80, v3, vm0, $0xb8;
	[tilespmem:$0x1C200] =	vst v63  }
0x1d5: {  	_ =	swait.ge [sflag:s0], $0x4000  }
0x1d6: {  	[sflag:s0] =	ssyncset.done $0x0  }
0x1d7: {  	s15 =	rddreg [dreg:$0x11];
	[sflag:s0] =	ssyncadd.s32 $0xFFFFC000  }
0x1d8: {  	[hbm4b:s15+s3] =	stream.linear.scatter [tilespmem:s18], [sflag:$0xE], $0x4000, $0x38;
	[tilespmem:$0x1C200] =	vst v63  }
0x1d9: {  	_ =	swait.ge [sflag:s1], $0x4000  }
0x1da: {  	[sflag:s1] =	ssyncset.done $0x0  }
0x1db: {  	[sflag:s1] =	ssyncadd.s32 $0xFFFFC000  }
0x1dc: {  	v3 =	vld [tilespmem:$0x100];
	_ =	sdelay $0x4  }
0x1dd: {  	v48 =	vshll.u32 v3, $0x3  }
0x1de: {  	v3 =	vand.u32 $0x7, v3;
	v4 =	vand.u32 $0xFFFFFFC0, v48  }
0x1df: {  	v3 =	vor.u32 v3, v4  }
0x1e0: {  	v4 =	vperm.xlane v3, v0;
	_ =	sdelay $0x1  }
0x1e1: {  	v4 =	vadd.s32 v1, v4;
	_ =	sdelay $0x4  }
0x1e2: {  	[tilespmem:s11], [sflag:$0x3] =	stream.indirect_vreg.gather [hbm4b:s2+s3], $0x80, v4, vm0, $0xb8;
	[tilespmem:$0x1C200] =	vst v63  }
0x1e3: {  	s15 =	simm.s32 $0x8A00;
	v3 =	vperm.xlane v3, v2  }
0x1e4: {  	[tilespmem:s15], [sflag:$0x3] =	stream.indirect_vreg.gather [hbm4b:s5+s3], $0x80, v4, vm0, $0xb8;
	[tilespmem:$0x1C200] =	vst v63  }
0x1e5: {  	v3 =	vadd.s32 v1, v3;
	s15 =	simm.s32 $0x9200  }
0x1e6: {  	[tilespmem:s15], [sflag:$0x3] =	stream.indirect_vreg.gather [hbm4b:s6+s3], $0x80, v4, vm0, $0xb8;
	[tilespmem:$0x1C200] =	vst v63  }
0x1e7: {  	s15 =	simm.s32 $0x9A00  }
0x1e8: {  	[tilespmem:s15], [sflag:$0x3] =	stream.indirect_vreg.gather [hbm4b:s7+s3], $0x80, v4, vm0, $0xb8;
	[tilespmem:$0x1C200] =	vst v63  }
0x1e9: {  	s15 =	simm.s32 $0xA200  }
0x1ea: {  	[tilespmem:s15], [sflag:$0x3] =	stream.indirect_vreg.gather [hbm4b:s2+s3], $0x80, v3, vm0, $0xb8;
	[tilespmem:$0x1C200] =	vst v63  }
0x1eb: {  	s15 =	simm.s32 $0xAA00  }
0x1ec: {  	[tilespmem:s15], [sflag:$0x3] =	stream.indirect_vreg.gather [hbm4b:s5+s3], $0x80, v3, vm0, $0xb8;
	[tilespmem:$0x1C200] =	vst v63  }
0x1ed: {  	s15 =	simm.s32 $0xB200  }
0x1ee: {  	[tilespmem:s15], [sflag:$0x3] =	stream.indirect_vreg.gather [hbm4b:s6+s3], $0x80, v3, vm0, $0xb8;
	[tilespmem:$0x1C200] =	vst v63  }
0x1ef: {  	s15 =	simm.s32 $0xBA00  }
0x1f0: {  	[tilespmem:s15], [sflag:$0x3] =	stream.indirect_vreg.gather [hbm4b:s7+s3], $0x80, v3, vm0, $0xb8;
	[tilespmem:$0x1C200] =	vst v63  }
0x1f1: {  	_ =	swait.ge [sflag:s4], $0x4000  }
0x1f2: {  	[sflag:s4] =	ssyncset.done $0x0  }
0x1f3: {  	s15 =	rddreg [dreg:$0x12];
	[sflag:s4] =	ssyncadd.s32 $0xFFFFC000  }
0x1f4: {  	[hbm4b:s15+s3] =	stream.linear.scatter [tilespmem:s17], [sflag:$0x8], $0x4000, $0x38;
	[tilespmem:$0x1C200] =	vst v63  }
0x1f5: {  	_ =	swait.ge [sflag:s10], $0x4000  }
0x1f6: {  	[sflag:s10] =	ssyncset.done $0x0  }
0x1f7: {  	[sflag:s10] =	ssyncadd.s32 $0xFFFFC000  }
0x1f8: {  	v3 =	vld [tilespmem:$0x110];
	_ =	sdelay $0x4  }
0x1f9: {  	v49 =	vshll.u32 v3, $0x3  }
0x1fa: {  	v3 =	vand.u32 $0x7, v3;
	v4 =	vand.u32 $0xFFFFFFC0, v49  }
0x1fb: {  	v3 =	vor.u32 v3, v4  }
0x1fc: {  	v4 =	vperm.xlane v3, v0;
	_ =	sdelay $0x1  }
0x1fd: {  	v4 =	vadd.s32 v1, v4;
	_ =	sdelay $0x4  }
0x1fe: {  	[tilespmem:s9], [sflag:$0x4] =	stream.indirect_vreg.gather [hbm4b:s2+s3], $0x80, v4, vm0, $0xb8;
	[tilespmem:$0x1C200] =	vst v63  }
0x1ff: {  	s15 =	simm.s32 $0xCA00;
	v3 =	vperm.xlane v3, v2  }
0x200: {  	[tilespmem:s15], [sflag:$0x4] =	stream.indirect_vreg.gather [hbm4b:s5+s3], $0x80, v4, vm0, $0xb8;
	[tilespmem:$0x1C200] =	vst v63  }
0x201: {  	s16 =	simm.s32 $0xD200;
	v3 =	vadd.s32 v1, v3  }
0x202: {  	[tilespmem:s16], [sflag:$0x4] =	stream.indirect_vreg.gather [hbm4b:s6+s3], $0x80, v4, vm0, $0xb8;
	[tilespmem:$0x1C200] =	vst v63  }
0x203: {  	s19 =	simm.s32 $0xDA00  }
0x204: {  	[tilespmem:s19], [sflag:$0x4] =	stream.indirect_vreg.gather [hbm4b:s7+s3], $0x80, v4, vm0, $0xb8;
	[tilespmem:$0x1C200] =	vst v63  }
0x205: {  	s21 =	simm.s32 $0xE200  }
0x206: {  	[tilespmem:s21], [sflag:$0x4] =	stream.indirect_vreg.gather [hbm4b:s2+s3], $0x80, v3, vm0, $0xb8;
	[tilespmem:$0x1C200] =	vst v63  }
0x207: {  	s16 =	simm.s32 $0xEA00  }
0x208: {  	[tilespmem:s16], [sflag:$0x4] =	stream.indirect_vreg.gather [hbm4b:s5+s3], $0x80, v3, vm0, $0xb8;
	[tilespmem:$0x1C200] =	vst v63  }
0x209: {  	s19 =	simm.s32 $0xF200  }
0x20a: {  	[tilespmem:s19], [sflag:$0x4] =	stream.indirect_vreg.gather [hbm4b:s6+s3], $0x80, v3, vm0, $0xb8;
	[tilespmem:$0x1C200] =	vst v63  }
0x20b: {  	s21 =	simm.s32 $0xFA00  }
0x20c: {  	[tilespmem:s21], [sflag:$0x4] =	stream.indirect_vreg.gather [hbm4b:s7+s3], $0x80, v3, vm0, $0xb8;
	[tilespmem:$0x1C200] =	vst v63  }
0x20d: {  	_ =	swait.ge [sflag:s20], $0x4000  }
0x20e: {  	[sflag:s20] =	ssyncset.done $0x0  }
0x20f: {  	s16 =	rddreg [dreg:$0x13];
	[sflag:s20] =	ssyncadd.s32 $0xFFFFC000  }
0x210: {  	[hbm4b:s16+s3] =	stream.linear.scatter [tilespmem:s26], [sflag:$0x9], $0x4000, $0x38;
	[tilespmem:$0x1C200] =	vst v63  }
0x211: {  	_ =	swait.ge [sflag:s12], $0x4000  }
0x212: {  	[sflag:s12] =	ssyncset.done $0x0  }
0x213: {  	[sflag:s12] =	ssyncadd.s32 $0xFFFFC000  }
0x214: {  	v3 =	vld [tilespmem:$0x120];
	_ =	sdelay $0x4  }
0x215: {  	v50 =	vshll.u32 v3, $0x3  }
0x216: {  	v3 =	vand.u32 $0x7, v3;
	v4 =	vand.u32 $0xFFFFFFC0, v50  }
0x217: {  	v3 =	vor.u32 v3, v4  }
0x218: {  	v4 =	vperm.xlane v3, v0;
	_ =	sdelay $0x1  }
0x219: {  	v4 =	vadd.s32 v1, v4;
	_ =	sdelay $0x4  }
0x21a: {  	[tilespmem:s23], [sflag:$0x5] =	stream.indirect_vreg.gather [hbm4b:s2+s3], $0x80, v4, vm0, $0xb8;
	[tilespmem:$0x1C200] =	vst v63  }
0x21b: {  	s19 =	simm.s32 $0x10A00;
	v3 =	vperm.xlane v3, v2  }
0x21c: {  	[tilespmem:s19], [sflag:$0x5] =	stream.indirect_vreg.gather [hbm4b:s5+s3], $0x80, v4, vm0, $0xb8;
	[tilespmem:$0x1C200] =	vst v63  }
0x21d: {  	s21 =	simm.s32 $0x11200;
	v3 =	vadd.s32 v1, v3  }
0x21e: {  	[tilespmem:s21], [sflag:$0x5] =	stream.indirect_vreg.gather [hbm4b:s6+s3], $0x80, v4, vm0, $0xb8;
	[tilespmem:$0x1C200] =	vst v63  }
0x21f: {  	s16 =	simm.s32 $0x11A00  }
0x220: {  	[tilespmem:s16], [sflag:$0x5] =	stream.indirect_vreg.gather [hbm4b:s7+s3], $0x80, v4, vm0, $0xb8;
	[tilespmem:$0x1C200] =	vst v63  }
0x221: {  	s19 =	simm.s32 $0x12200  }
0x222: {  	[tilespmem:s19], [sflag:$0x5] =	stream.indirect_vreg.gather [hbm4b:s2+s3], $0x80, v3, vm0, $0xb8;
	[tilespmem:$0x1C200] =	vst v63  }
0x223: {  	s21 =	simm.s32 $0x12A00  }
0x224: {  	[tilespmem:s21], [sflag:$0x5] =	stream.indirect_vreg.gather [hbm4b:s5+s3], $0x80, v3, vm0, $0xb8;
	[tilespmem:$0x1C200] =	vst v63  }
0x225: {  	s16 =	simm.s32 $0x13200  }
0x226: {  	[tilespmem:s16], [sflag:$0x5] =	stream.indirect_vreg.gather [hbm4b:s6+s3], $0x80, v3, vm0, $0xb8;
	[tilespmem:$0x1C200] =	vst v63  }
0x227: {  	s19 =	simm.s32 $0x13A00  }
0x228: {  	[tilespmem:s19], [sflag:$0x5] =	stream.indirect_vreg.gather [hbm4b:s7+s3], $0x80, v3, vm0, $0xb8;
	[tilespmem:$0x1C200] =	vst v63  }
0x229: {  	_ =	swait.ge [sflag:s22], $0x4000  }
0x22a: {  	[sflag:s22] =	ssyncset.done $0x0  }
0x22b: {  	s21 =	rddreg [dreg:$0x14];
	[sflag:s22] =	ssyncadd.s32 $0xFFFFC000  }
0x22c: {  	[hbm4b:s21+s3] =	stream.linear.scatter [tilespmem:s11], [sflag:$0xA], $0x4000, $0x38;
	[tilespmem:$0x1C200] =	vst v63  }
0x22d: {  	_ =	swait.ge [sflag:s13], $0x4000  }
0x22e: {  	[sflag:s13] =	ssyncset.done $0x0  }
0x22f: {  	[sflag:s13] =	ssyncadd.s32 $0xFFFFC000  }
0x230: {  	v3 =	vld [tilespmem:$0x130];
	_ =	sdelay $0x4  }
0x231: {  	v51 =	vshll.u32 v3, $0x3  }
0x232: {  	v3 =	vand.u32 $0x7, v3;
	v4 =	vand.u32 $0xFFFFFFC0, v51  }
0x233: {  	v3 =	vor.u32 v3, v4  }
0x234: {  	v4 =	vperm.xlane v3, v0;
	_ =	sdelay $0x1  }
0x235: {  	v4 =	vadd.s32 v1, v4;
	_ =	sdelay $0x4  }
0x236: {  	[tilespmem:s25], [sflag:$0x6] =	stream.indirect_vreg.gather [hbm4b:s2+s3], $0x80, v4, vm0, $0xb8;
	[tilespmem:$0x1C200] =	vst v63  }
0x237: {  	s16 =	simm.s32 $0x14A00;
	v3 =	vperm.xlane v3, v2  }
0x238: {  	[tilespmem:s16], [sflag:$0x6] =	stream.indirect_vreg.gather [hbm4b:s5+s3], $0x80, v4, vm0, $0xb8;
	[tilespmem:$0x1C200] =	vst v63  }
0x239: {  	s19 =	simm.s32 $0x15200;
	v3 =	vadd.s32 v1, v3  }
0x23a: {  	[tilespmem:s19], [sflag:$0x6] =	stream.indirect_vreg.gather [hbm4b:s6+s3], $0x80, v4, vm0, $0xb8;
	[tilespmem:$0x1C200] =	vst v63  }
0x23b: {  	s21 =	simm.s32 $0x15A00  }
0x23c: {  	[tilespmem:s21], [sflag:$0x6] =	stream.indirect_vreg.gather [hbm4b:s7+s3], $0x80, v4, vm0, $0xb8;
	[tilespmem:$0x1C200] =	vst v63  }
0x23d: {  	s16 =	simm.s32 $0x16200  }
0x23e: {  	[tilespmem:s16], [sflag:$0x6] =	stream.indirect_vreg.gather [hbm4b:s2+s3], $0x80, v3, vm0, $0xb8;
	[tilespmem:$0x1C200] =	vst v63  }
0x23f: {  	s19 =	simm.s32 $0x16A00  }
0x240: {  	[tilespmem:s19], [sflag:$0x6] =	stream.indirect_vreg.gather [hbm4b:s5+s3], $0x80, v3, vm0, $0xb8;
	[tilespmem:$0x1C200] =	vst v63  }
0x241: {  	s21 =	simm.s32 $0x17200  }
0x242: {  	[tilespmem:s21], [sflag:$0x6] =	stream.indirect_vreg.gather [hbm4b:s6+s3], $0x80, v3, vm0, $0xb8;
	[tilespmem:$0x1C200] =	vst v63  }
0x243: {  	s16 =	simm.s32 $0x17A00  }
0x244: {  	[tilespmem:s16], [sflag:$0x6] =	stream.indirect_vreg.gather [hbm4b:s7+s3], $0x80, v3, vm0, $0xb8;
	[tilespmem:$0x1C200] =	vst v63  }
0x245: {  	_ =	swait.ge [sflag:s24], $0x4000  }
0x246: {  	[sflag:s24] =	ssyncset.done $0x0  }
0x247: {  	s19 =	rddreg [dreg:$0x15];
	[sflag:s24] =	ssyncadd.s32 $0xFFFFC000  }
0x248: {  	[hbm4b:s19+s3] =	stream.linear.scatter [tilespmem:s9], [sflag:$0xB], $0x4000, $0x38;
	[tilespmem:$0x1C200] =	vst v63  }
0x249: {  	_ =	swait.ge [sflag:s14], $0x4000  }
0x24a: {  	[sflag:s14] =	ssyncset.done $0x0  }
0x24b: {  	[sflag:s14] =	ssyncadd.s32 $0xFFFFC000  }
0x24c: {  	v3 =	vld [tilespmem:$0x140];
	_ =	sdelay $0x4  }
0x24d: {  	v52 =	vshll.u32 v3, $0x3  }
0x24e: {  	v3 =	vand.u32 $0x7, v3;
	v4 =	vand.u32 $0xFFFFFFC0, v52  }
0x24f: {  	v3 =	vor.u32 v3, v4  }
0x250: {  	v4 =	vperm.xlane v3, v0;
	_ =	sdelay $0x1  }
0x251: {  	v4 =	vadd.s32 v1, v4;
	_ =	sdelay $0x4  }
0x252: {  	[tilespmem:s18], [sflag:$0x7] =	stream.indirect_vreg.gather [hbm4b:s2+s3], $0x80, v4, vm0, $0xb8;
	[tilespmem:$0x1C200] =	vst v63  }
0x253: {  	s21 =	simm.s32 $0x18A00;
	v3 =	vperm.xlane v3, v2  }
0x254: {  	[tilespmem:s21], [sflag:$0x7] =	stream.indirect_vreg.gather [hbm4b:s5+s3], $0x80, v4, vm0, $0xb8;
	[tilespmem:$0x1C200] =	vst v63  }
0x255: {  	s16 =	simm.s32 $0x19200;
	v3 =	vadd.s32 v1, v3  }
0x256: {  	[tilespmem:s16], [sflag:$0x7] =	stream.indirect_vreg.gather [hbm4b:s6+s3], $0x80, v4, vm0, $0xb8;
	[tilespmem:$0x1C200] =	vst v63  }
0x257: {  	s19 =	simm.s32 $0x19A00  }
0x258: {  	[tilespmem:s19], [sflag:$0x7] =	stream.indirect_vreg.gather [hbm4b:s7+s3], $0x80, v4, vm0, $0xb8;
	[tilespmem:$0x1C200] =	vst v63  }
0x259: {  	s21 =	simm.s32 $0x1A200  }
0x25a: {  	[tilespmem:s21], [sflag:$0x7] =	stream.indirect_vreg.gather [hbm4b:s2+s3], $0x80, v3, vm0, $0xb8;
	[tilespmem:$0x1C200] =	vst v63  }
0x25b: {  	s15 =	simm.s32 $0x1AA00  }
0x25c: {  	[tilespmem:s15], [sflag:$0x7] =	stream.indirect_vreg.gather [hbm4b:s5+s3], $0x80, v3, vm0, $0xb8;
	[tilespmem:$0x1C200] =	vst v63  }
0x25d: {  	s15 =	simm.s32 $0x1B200  }
0x25e: {  	[tilespmem:s15], [sflag:$0x7] =	stream.indirect_vreg.gather [hbm4b:s6+s3], $0x80, v3, vm0, $0xb8;
	[tilespmem:$0x1C200] =	vst v63  }
0x25f: {  	s15 =	simm.s32 $0x1BA00  }
0x260: {  	[tilespmem:s15], [sflag:$0x7] =	stream.indirect_vreg.gather [hbm4b:s7+s3], $0x80, v3, vm0, $0xb8;
	[tilespmem:$0x1C200] =	vst v63  }
0x261: {  	_ =	swait.ge [sflag:s28], $0x4000  }
0x262: {  	[sflag:s28] =	ssyncset.done $0x0  }
0x263: {  	s15 =	rddreg [dreg:$0x16];
	[sflag:s28] =	ssyncadd.s32 $0xFFFFC000  }
0x264: {  	[hbm4b:s15+s3] =	stream.linear.scatter [tilespmem:s23], [sflag:$0xC], $0x4000, $0x38;
	[tilespmem:$0x1C200] =	vst v63  }
0x265: {  	_ =	swait.ge [sflag:s29], $0x4000  }
0x266: {  	[sflag:s29] =	ssyncset.done $0x0  }
0x267: {  	[sflag:s29] =	ssyncadd.s32 $0xFFFFC000  }
0x268: {  	v3 =	vld [tilespmem:$0x150];
	_ =	sdelay $0x4  }
0x269: {  	v53 =	vshll.u32 v3, $0x3  }
0x26a: {  	v3 =	vand.u32 $0x7, v3;
	v4 =	vand.u32 $0xFFFFFFC0, v53  }
0x26b: {  	v3 =	vor.u32 v3, v4  }
0x26c: {  	v4 =	vperm.xlane v3, v0;
	_ =	sdelay $0x1  }
0x26d: {  	v4 =	vadd.s32 v1, v4;
	_ =	sdelay $0x4  }
0x26e: {  	[tilespmem:s17], [sflag:$0x1] =	stream.indirect_vreg.gather [hbm4b:s2+s3], $0x80, v4, vm0, $0xb8;
	[tilespmem:$0x1C200] =	vst v63  }
0x26f: {  	s15 =	simm.s32 $0xA00;
	v3 =	vperm.xlane v3, v2  }
0x270: {  	[tilespmem:s15], [sflag:$0x1] =	stream.indirect_vreg.gather [hbm4b:s5+s3], $0x80, v4, vm0, $0xb8;
	[tilespmem:$0x1C200] =	vst v63  }
0x271: {  	v3 =	vadd.s32 v1, v3;
	s15 =	simm.s32 $0x1200  }
0x272: {  	[tilespmem:s15], [sflag:$0x1] =	stream.indirect_vreg.gather [hbm4b:s6+s3], $0x80, v4, vm0, $0xb8;
	[tilespmem:$0x1C200] =	vst v63  }
0x273: {  	s15 =	simm.s32 $0x1A00  }
0x274: {  	[tilespmem:s15], [sflag:$0x1] =	stream.indirect_vreg.gather [hbm4b:s7+s3], $0x80, v4, vm0, $0xb8;
	[tilespmem:$0x1C200] =	vst v63  }
0x275: {  	s15 =	simm.s32 $0x2200  }
0x276: {  	[tilespmem:s15], [sflag:$0x1] =	stream.indirect_vreg.gather [hbm4b:s2+s3], $0x80, v3, vm0, $0xb8;
	[tilespmem:$0x1C200] =	vst v63  }
0x277: {  	s15 =	simm.s32 $0x2A00  }
0x278: {  	[tilespmem:s15], [sflag:$0x1] =	stream.indirect_vreg.gather [hbm4b:s5+s3], $0x80, v3, vm0, $0xb8;
	[tilespmem:$0x1C200] =	vst v63  }
0x279: {  	s15 =	simm.s32 $0x3200  }
0x27a: {  	[tilespmem:s15], [sflag:$0x1] =	stream.indirect_vreg.gather [hbm4b:s6+s3], $0x80, v3, vm0, $0xb8;
	[tilespmem:$0x1C200] =	vst v63  }
0x27b: {  	s15 =	simm.s32 $0x3A00  }
0x27c: {  	[tilespmem:s15], [sflag:$0x1] =	stream.indirect_vreg.gather [hbm4b:s7+s3], $0x80, v3, vm0, $0xb8;
	[tilespmem:$0x1C200] =	vst v63  }
0x27d: {  	_ =	swait.ge [sflag:s30], $0x4000  }
0x27e: {  	[sflag:s30] =	ssyncset.done $0x0  }
0x27f: {  	s15 =	rddreg [dreg:$0x17];
	[sflag:s30] =	ssyncadd.s32 $0xFFFFC000  }
0x280: {  	[hbm4b:s15+s3] =	stream.linear.scatter [tilespmem:s25], [sflag:$0xD], $0x4000, $0x38;
	[tilespmem:$0x1C200] =	vst v63  }
0x281: {  	_ =	swait.ge [sflag:s31], $0x4000  }
0x282: {  	[sflag:s31] =	ssyncset.done $0x0  }
0x283: {  	[sflag:s31] =	ssyncadd.s32 $0xFFFFC000  }
0x284: {  	v3 =	vld [tilespmem:$0x160];
	_ =	sdelay $0x4  }
0x285: {  	v54 =	vshll.u32 v3, $0x3  }
0x286: {  	v3 =	vand.u32 $0x7, v3;
	v4 =	vand.u32 $0xFFFFFFC0, v54  }
0x287: {  	v3 =	vor.u32 v3, v4  }
0x288: {  	v4 =	vperm.xlane v3, v0;
	_ =	sdelay $0x1  }
0x289: {  	v4 =	vadd.s32 v1, v4;
	_ =	sdelay $0x4  }
0x28a: {  	[tilespmem:s26], [sflag:$0x2] =	stream.indirect_vreg.gather [hbm4b:s2+s3], $0x80, v4, vm0, $0xb8;
	[tilespmem:$0x1C200] =	vst v63  }
0x28b: {  	s15 =	simm.s32 $0x4A00;
	v3 =	vperm.xlane v3, v2  }
0x28c: {  	[tilespmem:s15], [sflag:$0x2] =	stream.indirect_vreg.gather [hbm4b:s5+s3], $0x80, v4, vm0, $0xb8;
	[tilespmem:$0x1C200] =	vst v63  }
0x28d: {  	v3 =	vadd.s32 v1, v3;
	s15 =	simm.s32 $0x5200  }
0x28e: {  	[tilespmem:s15], [sflag:$0x2] =	stream.indirect_vreg.gather [hbm4b:s6+s3], $0x80, v4, vm0, $0xb8;
	[tilespmem:$0x1C200] =	vst v63  }
0x28f: {  	s15 =	simm.s32 $0x5A00  }
0x290: {  	[tilespmem:s15], [sflag:$0x2] =	stream.indirect_vreg.gather [hbm4b:s7+s3], $0x80, v4, vm0, $0xb8;
	[tilespmem:$0x1C200] =	vst v63  }
0x291: {  	s15 =	simm.s32 $0x6200  }
0x292: {  	[tilespmem:s15], [sflag:$0x2] =	stream.indirect_vreg.gather [hbm4b:s2+s3], $0x80, v3, vm0, $0xb8;
	[tilespmem:$0x1C200] =	vst v63  }
0x293: {  	s15 =	simm.s32 $0x6A00  }
0x294: {  	[tilespmem:s15], [sflag:$0x2] =	stream.indirect_vreg.gather [hbm4b:s5+s3], $0x80, v3, vm0, $0xb8;
	[tilespmem:$0x1C200] =	vst v63  }
0x295: {  	s15 =	simm.s32 $0x7200  }
0x296: {  	[tilespmem:s15], [sflag:$0x2] =	stream.indirect_vreg.gather [hbm4b:s6+s3], $0x80, v3, vm0, $0xb8;
	[tilespmem:$0x1C200] =	vst v63  }
0x297: {  	s15 =	simm.s32 $0x7A00  }
0x298: {  	[tilespmem:s15], [sflag:$0x2] =	stream.indirect_vreg.gather [hbm4b:s7+s3], $0x80, v3, vm0, $0xb8;
	[tilespmem:$0x1C200] =	vst v63  }
0x299: {  	_ =	swait.ge [sflag:s0], $0x4000  }
0x29a: {  	[sflag:s0] =	ssyncset.done $0x0  }
0x29b: {  	s15 =	rddreg [dreg:$0x18];
	[sflag:s0] =	ssyncadd.s32 $0xFFFFC000  }
0x29c: {  	[hbm4b:s15+s3] =	stream.linear.scatter [tilespmem:s18], [sflag:$0xE], $0x4000, $0x38;
	[tilespmem:$0x1C200] =	vst v63  }
0x29d: {  	_ =	swait.ge [sflag:s1], $0x4000  }
0x29e: {  	[sflag:s1] =	ssyncset.done $0x0  }
0x29f: {  	[sflag:s1] =	ssyncadd.s32 $0xFFFFC000  }
0x2a0: {  	v3 =	vld [tilespmem:$0x170];
	_ =	sdelay $0x4  }
0x2a1: {  	v55 =	vshll.u32 v3, $0x3  }
0x2a2: {  	v3 =	vand.u32 $0x7, v3;
	v4 =	vand.u32 $0xFFFFFFC0, v55  }
0x2a3: {  	v3 =	vor.u32 v3, v4  }
0x2a4: {  	v4 =	vperm.xlane v3, v0;
	_ =	sdelay $0x1  }
0x2a5: {  	v4 =	vadd.s32 v1, v4;
	_ =	sdelay $0x4  }
0x2a6: {  	[tilespmem:s11], [sflag:$0x3] =	stream.indirect_vreg.gather [hbm4b:s2+s3], $0x80, v4, vm0, $0xb8;
	[tilespmem:$0x1C200] =	vst v63  }
0x2a7: {  	s15 =	simm.s32 $0x8A00;
	v3 =	vperm.xlane v3, v2  }
0x2a8: {  	[tilespmem:s15], [sflag:$0x3] =	stream.indirect_vreg.gather [hbm4b:s5+s3], $0x80, v4, vm0, $0xb8;
	[tilespmem:$0x1C200] =	vst v63  }
0x2a9: {  	v3 =	vadd.s32 v1, v3;
	s15 =	simm.s32 $0x9200  }
0x2aa: {  	[tilespmem:s15], [sflag:$0x3] =	stream.indirect_vreg.gather [hbm4b:s6+s3], $0x80, v4, vm0, $0xb8;
	[tilespmem:$0x1C200] =	vst v63  }
0x2ab: {  	s15 =	simm.s32 $0x9A00  }
0x2ac: {  	[tilespmem:s15], [sflag:$0x3] =	stream.indirect_vreg.gather [hbm4b:s7+s3], $0x80, v4, vm0, $0xb8;
	[tilespmem:$0x1C200] =	vst v63  }
0x2ad: {  	s15 =	simm.s32 $0xA200  }
0x2ae: {  	[tilespmem:s15], [sflag:$0x3] =	stream.indirect_vreg.gather [hbm4b:s2+s3], $0x80, v3, vm0, $0xb8;
	[tilespmem:$0x1C200] =	vst v63  }
0x2af: {  	s15 =	simm.s32 $0xAA00  }
0x2b0: {  	[tilespmem:s15], [sflag:$0x3] =	stream.indirect_vreg.gather [hbm4b:s5+s3], $0x80, v3, vm0, $0xb8;
	[tilespmem:$0x1C200] =	vst v63  }
0x2b1: {  	s15 =	simm.s32 $0xB200  }
0x2b2: {  	[tilespmem:s15], [sflag:$0x3] =	stream.indirect_vreg.gather [hbm4b:s6+s3], $0x80, v3, vm0, $0xb8;
	[tilespmem:$0x1C200] =	vst v63  }
0x2b3: {  	s15 =	simm.s32 $0xBA00  }
0x2b4: {  	[tilespmem:s15], [sflag:$0x3] =	stream.indirect_vreg.gather [hbm4b:s7+s3], $0x80, v3, vm0, $0xb8;
	[tilespmem:$0x1C200] =	vst v63  }
0x2b5: {  	_ =	swait.ge [sflag:s4], $0x4000  }
0x2b6: {  	[sflag:s4] =	ssyncset.done $0x0  }
0x2b7: {  	s15 =	rddreg [dreg:$0x19];
	[sflag:s4] =	ssyncadd.s32 $0xFFFFC000  }
0x2b8: {  	[hbm4b:s15+s3] =	stream.linear.scatter [tilespmem:s17], [sflag:$0x8], $0x4000, $0x38;
	[tilespmem:$0x1C200] =	vst v63  }
0x2b9: {  	_ =	swait.ge [sflag:s10], $0x4000  }
0x2ba: {  	[sflag:s10] =	ssyncset.done $0x0  }
0x2bb: {  	[sflag:s10] =	ssyncadd.s32 $0xFFFFC000  }
0x2bc: {  	v3 =	vld [tilespmem:$0x180];
	_ =	sdelay $0x4  }
0x2bd: {  	v56 =	vshll.u32 v3, $0x3  }
0x2be: {  	v3 =	vand.u32 $0x7, v3;
	v4 =	vand.u32 $0xFFFFFFC0, v56  }
0x2bf: {  	v3 =	vor.u32 v3, v4  }
0x2c0: {  	v4 =	vperm.xlane v3, v0;
	_ =	sdelay $0x1  }
0x2c1: {  	v4 =	vadd.s32 v1, v4;
	_ =	sdelay $0x4  }
0x2c2: {  	[tilespmem:s9], [sflag:$0x4] =	stream.indirect_vreg.gather [hbm4b:s2+s3], $0x80, v4, vm0, $0xb8;
	[tilespmem:$0x1C200] =	vst v63  }
0x2c3: {  	s15 =	simm.s32 $0xCA00;
	v3 =	vperm.xlane v3, v2  }
0x2c4: {  	[tilespmem:s15], [sflag:$0x4] =	stream.indirect_vreg.gather [hbm4b:s5+s3], $0x80, v4, vm0, $0xb8;
	[tilespmem:$0x1C200] =	vst v63  }
0x2c5: {  	v3 =	vadd.s32 v1, v3;
	s15 =	simm.s32 $0xD200  }
0x2c6: {  	[tilespmem:s15], [sflag:$0x4] =	stream.indirect_vreg.gather [hbm4b:s6+s3], $0x80, v4, vm0, $0xb8;
	[tilespmem:$0x1C200] =	vst v63  }
0x2c7: {  	s15 =	simm.s32 $0xDA00  }
0x2c8: {  	[tilespmem:s15], [sflag:$0x4] =	stream.indirect_vreg.gather [hbm4b:s7+s3], $0x80, v4, vm0, $0xb8;
	[tilespmem:$0x1C200] =	vst v63  }
0x2c9: {  	s15 =	simm.s32 $0xE200  }
0x2ca: {  	[tilespmem:s15], [sflag:$0x4] =	stream.indirect_vreg.gather [hbm4b:s2+s3], $0x80, v3, vm0, $0xb8;
	[tilespmem:$0x1C200] =	vst v63  }
0x2cb: {  	s15 =	simm.s32 $0xEA00  }
0x2cc: {  	[tilespmem:s15], [sflag:$0x4] =	stream.indirect_vreg.gather [hbm4b:s5+s3], $0x80, v3, vm0, $0xb8;
	[tilespmem:$0x1C200] =	vst v63  }
0x2cd: {  	s15 =	simm.s32 $0xF200  }
0x2ce: {  	[tilespmem:s15], [sflag:$0x4] =	stream.indirect_vreg.gather [hbm4b:s6+s3], $0x80, v3, vm0, $0xb8;
	[tilespmem:$0x1C200] =	vst v63  }
0x2cf: {  	s15 =	simm.s32 $0xFA00  }
0x2d0: {  	[tilespmem:s15], [sflag:$0x4] =	stream.indirect_vreg.gather [hbm4b:s7+s3], $0x80, v3, vm0, $0xb8;
	[tilespmem:$0x1C200] =	vst v63  }
0x2d1: {  	_ =	swait.ge [sflag:s20], $0x4000  }
0x2d2: {  	[sflag:s20] =	ssyncset.done $0x0  }
0x2d3: {  	s15 =	rddreg [dreg:$0x1a];
	[sflag:s20] =	ssyncadd.s32 $0xFFFFC000  }
0x2d4: {  	[hbm4b:s15+s3] =	stream.linear.scatter [tilespmem:s26], [sflag:$0x9], $0x4000, $0x38;
	[tilespmem:$0x1C200] =	vst v63  }
0x2d5: {  	_ =	swait.ge [sflag:s12], $0x4000  }
0x2d6: {  	[sflag:s12] =	ssyncset.done $0x0  }
0x2d7: {  	[sflag:s12] =	ssyncadd.s32 $0xFFFFC000  }
0x2d8: {  	v3 =	vld [tilespmem:$0x190];
	_ =	sdelay $0x4  }
0x2d9: {  	v57 =	vshll.u32 v3, $0x3  }
0x2da: {  	v3 =	vand.u32 $0x7, v3;
	v4 =	vand.u32 $0xFFFFFFC0, v57  }
0x2db: {  	v3 =	vor.u32 v3, v4  }
0x2dc: {  	v4 =	vperm.xlane v3, v0;
	_ =	sdelay $0x1  }
0x2dd: {  	v4 =	vadd.s32 v1, v4;
	_ =	sdelay $0x4  }
0x2de: {  	[tilespmem:s23], [sflag:$0x5] =	stream.indirect_vreg.gather [hbm4b:s2+s3], $0x80, v4, vm0, $0xb8;
	[tilespmem:$0x1C200] =	vst v63  }
0x2df: {  	s15 =	simm.s32 $0x10A00;
	v3 =	vperm.xlane v3, v2  }
0x2e0: {  	[tilespmem:s15], [sflag:$0x5] =	stream.indirect_vreg.gather [hbm4b:s5+s3], $0x80, v4, vm0, $0xb8;
	[tilespmem:$0x1C200] =	vst v63  }
0x2e1: {  	v3 =	vadd.s32 v1, v3;
	s15 =	simm.s32 $0x11200  }
0x2e2: {  	[tilespmem:s15], [sflag:$0x5] =	stream.indirect_vreg.gather [hbm4b:s6+s3], $0x80, v4, vm0, $0xb8;
	[tilespmem:$0x1C200] =	vst v63  }
0x2e3: {  	s15 =	simm.s32 $0x11A00  }
0x2e4: {  	[tilespmem:s15], [sflag:$0x5] =	stream.indirect_vreg.gather [hbm4b:s7+s3], $0x80, v4, vm0, $0xb8;
	[tilespmem:$0x1C200] =	vst v63  }
0x2e5: {  	s15 =	simm.s32 $0x12200  }
0x2e6: {  	[tilespmem:s15], [sflag:$0x5] =	stream.indirect_vreg.gather [hbm4b:s2+s3], $0x80, v3, vm0, $0xb8;
	[tilespmem:$0x1C200] =	vst v63  }
0x2e7: {  	s15 =	simm.s32 $0x12A00  }
0x2e8: {  	[tilespmem:s15], [sflag:$0x5] =	stream.indirect_vreg.gather [hbm4b:s5+s3], $0x80, v3, vm0, $0xb8;
	[tilespmem:$0x1C200] =	vst v63  }
0x2e9: {  	s15 =	simm.s32 $0x13200  }
0x2ea: {  	[tilespmem:s15], [sflag:$0x5] =	stream.indirect_vreg.gather [hbm4b:s6+s3], $0x80, v3, vm0, $0xb8;
	[tilespmem:$0x1C200] =	vst v63  }
0x2eb: {  	s15 =	simm.s32 $0x13A00  }
0x2ec: {  	[tilespmem:s15], [sflag:$0x5] =	stream.indirect_vreg.gather [hbm4b:s7+s3], $0x80, v3, vm0, $0xb8;
	[tilespmem:$0x1C200] =	vst v63  }
0x2ed: {  	_ =	swait.ge [sflag:s22], $0x4000  }
0x2ee: {  	[sflag:s22] =	ssyncset.done $0x0  }
0x2ef: {  	s15 =	rddreg [dreg:$0x1b];
	[sflag:s22] =	ssyncadd.s32 $0xFFFFC000  }
0x2f0: {  	[hbm4b:s15+s3] =	stream.linear.scatter [tilespmem:s11], [sflag:$0xA], $0x4000, $0x38;
	[tilespmem:$0x1C200] =	vst v63  }
0x2f1: {  	_ =	swait.ge [sflag:s13], $0x4000  }
0x2f2: {  	[sflag:s13] =	ssyncset.done $0x0  }
0x2f3: {  	[sflag:s13] =	ssyncadd.s32 $0xFFFFC000  }
0x2f4: {  	v3 =	vld [tilespmem:$0x1A0];
	_ =	sdelay $0x4  }
0x2f5: {  	v58 =	vshll.u32 v3, $0x3  }
0x2f6: {  	v3 =	vand.u32 $0x7, v3;
	v4 =	vand.u32 $0xFFFFFFC0, v58  }
0x2f7: {  	v3 =	vor.u32 v3, v4  }
0x2f8: {  	v4 =	vperm.xlane v3, v0;
	_ =	sdelay $0x1  }
0x2f9: {  	v4 =	vadd.s32 v1, v4;
	_ =	sdelay $0x4  }
0x2fa: {  	[tilespmem:s25], [sflag:$0x6] =	stream.indirect_vreg.gather [hbm4b:s2+s3], $0x80, v4, vm0, $0xb8;
	[tilespmem:$0x1C200] =	vst v63  }
0x2fb: {  	s15 =	simm.s32 $0x14A00;
	v3 =	vperm.xlane v3, v2  }
0x2fc: {  	[tilespmem:s15], [sflag:$0x6] =	stream.indirect_vreg.gather [hbm4b:s5+s3], $0x80, v4, vm0, $0xb8;
	[tilespmem:$0x1C200] =	vst v63  }
0x2fd: {  	v3 =	vadd.s32 v1, v3;
	s15 =	simm.s32 $0x15200  }
0x2fe: {  	[tilespmem:s15], [sflag:$0x6] =	stream.indirect_vreg.gather [hbm4b:s6+s3], $0x80, v4, vm0, $0xb8;
	[tilespmem:$0x1C200] =	vst v63  }
0x2ff: {  	s15 =	simm.s32 $0x15A00  }
0x300: {  	[tilespmem:s15], [sflag:$0x6] =	stream.indirect_vreg.gather [hbm4b:s7+s3], $0x80, v4, vm0, $0xb8;
	[tilespmem:$0x1C200] =	vst v63  }
0x301: {  	s15 =	simm.s32 $0x16200  }
0x302: {  	[tilespmem:s15], [sflag:$0x6] =	stream.indirect_vreg.gather [hbm4b:s2+s3], $0x80, v3, vm0, $0xb8;
	[tilespmem:$0x1C200] =	vst v63  }
0x303: {  	s15 =	simm.s32 $0x16A00  }
0x304: {  	[tilespmem:s15], [sflag:$0x6] =	stream.indirect_vreg.gather [hbm4b:s5+s3], $0x80, v3, vm0, $0xb8;
	[tilespmem:$0x1C200] =	vst v63  }
0x305: {  	s15 =	simm.s32 $0x17200  }
0x306: {  	[tilespmem:s15], [sflag:$0x6] =	stream.indirect_vreg.gather [hbm4b:s6+s3], $0x80, v3, vm0, $0xb8;
	[tilespmem:$0x1C200] =	vst v63  }
0x307: {  	s15 =	simm.s32 $0x17A00  }
0x308: {  	[tilespmem:s15], [sflag:$0x6] =	stream.indirect_vreg.gather [hbm4b:s7+s3], $0x80, v3, vm0, $0xb8;
	[tilespmem:$0x1C200] =	vst v63  }
0x309: {  	_ =	swait.ge [sflag:s24], $0x4000  }
0x30a: {  	[sflag:s24] =	ssyncset.done $0x0  }
0x30b: {  	s15 =	rddreg [dreg:$0x1c];
	[sflag:s24] =	ssyncadd.s32 $0xFFFFC000  }
0x30c: {  	[hbm4b:s15+s3] =	stream.linear.scatter [tilespmem:s9], [sflag:$0xB], $0x4000, $0x38;
	[tilespmem:$0x1C200] =	vst v63  }
0x30d: {  	_ =	swait.ge [sflag:s14], $0x4000  }
0x30e: {  	[sflag:s14] =	ssyncset.done $0x0  }
0x30f: {  	[sflag:s14] =	ssyncadd.s32 $0xFFFFC000  }
0x310: {  	v3 =	vld [tilespmem:$0x1B0];
	_ =	sdelay $0x4  }
0x311: {  	v59 =	vshll.u32 v3, $0x3  }
0x312: {  	v3 =	vand.u32 $0x7, v3;
	v4 =	vand.u32 $0xFFFFFFC0, v59  }
0x313: {  	v3 =	vor.u32 v3, v4  }
0x314: {  	v4 =	vperm.xlane v3, v0;
	_ =	sdelay $0x1  }
0x315: {  	v4 =	vadd.s32 v1, v4;
	_ =	sdelay $0x4  }
0x316: {  	[tilespmem:s18], [sflag:$0x7] =	stream.indirect_vreg.gather [hbm4b:s2+s3], $0x80, v4, vm0, $0xb8;
	[tilespmem:$0x1C200] =	vst v63  }
0x317: {  	s15 =	simm.s32 $0x18A00;
	v3 =	vperm.xlane v3, v2  }
0x318: {  	[tilespmem:s15], [sflag:$0x7] =	stream.indirect_vreg.gather [hbm4b:s5+s3], $0x80, v4, vm0, $0xb8;
	[tilespmem:$0x1C200] =	vst v63  }
0x319: {  	s16 =	simm.s32 $0x19200;
	v3 =	vadd.s32 v1, v3  }
0x31a: {  	[tilespmem:s16], [sflag:$0x7] =	stream.indirect_vreg.gather [hbm4b:s6+s3], $0x80, v4, vm0, $0xb8;
	[tilespmem:$0x1C200] =	vst v63  }
0x31b: {  	s19 =	simm.s32 $0x19A00  }
0x31c: {  	[tilespmem:s19], [sflag:$0x7] =	stream.indirect_vreg.gather [hbm4b:s7+s3], $0x80, v4, vm0, $0xb8;
	[tilespmem:$0x1C200] =	vst v63  }
0x31d: {  	s21 =	simm.s32 $0x1A200  }
0x31e: {  	[tilespmem:s21], [sflag:$0x7] =	stream.indirect_vreg.gather [hbm4b:s2+s3], $0x80, v3, vm0, $0xb8;
	[tilespmem:$0x1C200] =	vst v63  }
0x31f: {  	s19 =	simm.s32 $0x1AA00  }
0x320: {  	[tilespmem:s19], [sflag:$0x7] =	stream.indirect_vreg.gather [hbm4b:s5+s3], $0x80, v3, vm0, $0xb8;
	[tilespmem:$0x1C200] =	vst v63  }
0x321: {  	s21 =	simm.s32 $0x1B200  }
0x322: {  	[tilespmem:s21], [sflag:$0x7] =	stream.indirect_vreg.gather [hbm4b:s6+s3], $0x80, v3, vm0, $0xb8;
	[tilespmem:$0x1C200] =	vst v63  }
0x323: {  	s16 =	simm.s32 $0x1BA00  }
0x324: {  	[tilespmem:s16], [sflag:$0x7] =	stream.indirect_vreg.gather [hbm4b:s7+s3], $0x80, v3, vm0, $0xb8;
	[tilespmem:$0x1C200] =	vst v63  }
0x325: {  	_ =	swait.ge [sflag:s28], $0x4000  }
0x326: {  	[sflag:s28] =	ssyncset.done $0x0  }
0x327: {  	s19 =	rddreg [dreg:$0x1d];
	[sflag:s28] =	ssyncadd.s32 $0xFFFFC000  }
0x328: {  	[hbm4b:s19+s3] =	stream.linear.scatter [tilespmem:s23], [sflag:$0xC], $0x4000, $0x38;
	[tilespmem:$0x1C200] =	vst v63  }
0x329: {  	_ =	swait.ge [sflag:s29], $0x4000  }
0x32a: {  	[sflag:s29] =	ssyncset.done $0x0  }
0x32b: {  	[sflag:s29] =	ssyncadd.s32 $0xFFFFC000  }
0x32c: {  	v3 =	vld [tilespmem:$0x1C0];
	_ =	sdelay $0x4  }
0x32d: {  	v60 =	vshll.u32 v3, $0x3  }
0x32e: {  	v3 =	vand.u32 $0x7, v3;
	v4 =	vand.u32 $0xFFFFFFC0, v60  }
0x32f: {  	v3 =	vor.u32 v3, v4  }
0x330: {  	v4 =	vperm.xlane v3, v0;
	_ =	sdelay $0x1  }
0x331: {  	v4 =	vadd.s32 v1, v4;
	_ =	sdelay $0x4  }
0x332: {  	[tilespmem:s17], [sflag:$0x1] =	stream.indirect_vreg.gather [hbm4b:s2+s3], $0x80, v4, vm0, $0xb8;
	[tilespmem:$0x1C200] =	vst v63  }
0x333: {  	s21 =	simm.s32 $0xA00;
	v3 =	vperm.xlane v3, v2  }
0x334: {  	[tilespmem:s21], [sflag:$0x1] =	stream.indirect_vreg.gather [hbm4b:s5+s3], $0x80, v4, vm0, $0xb8;
	[tilespmem:$0x1C200] =	vst v63  }
0x335: {  	s16 =	simm.s32 $0x1200;
	v3 =	vadd.s32 v1, v3  }
0x336: {  	[tilespmem:s16], [sflag:$0x1] =	stream.indirect_vreg.gather [hbm4b:s6+s3], $0x80, v4, vm0, $0xb8;
	[tilespmem:$0x1C200] =	vst v63  }
0x337: {  	s19 =	simm.s32 $0x1A00  }
0x338: {  	[tilespmem:s19], [sflag:$0x1] =	stream.indirect_vreg.gather [hbm4b:s7+s3], $0x80, v4, vm0, $0xb8;
	[tilespmem:$0x1C200] =	vst v63  }
0x339: {  	s21 =	simm.s32 $0x2200  }
0x33a: {  	[tilespmem:s21], [sflag:$0x1] =	stream.indirect_vreg.gather [hbm4b:s2+s3], $0x80, v3, vm0, $0xb8;
	[tilespmem:$0x1C200] =	vst v63  }
0x33b: {  	s16 =	simm.s32 $0x2A00  }
0x33c: {  	[tilespmem:s16], [sflag:$0x1] =	stream.indirect_vreg.gather [hbm4b:s5+s3], $0x80, v3, vm0, $0xb8;
	[tilespmem:$0x1C200] =	vst v63  }
0x33d: {  	s19 =	simm.s32 $0x3200  }
0x33e: {  	[tilespmem:s19], [sflag:$0x1] =	stream.indirect_vreg.gather [hbm4b:s6+s3], $0x80, v3, vm0, $0xb8;
	[tilespmem:$0x1C200] =	vst v63  }
0x33f: {  	s21 =	simm.s32 $0x3A00  }
0x340: {  	[tilespmem:s21], [sflag:$0x1] =	stream.indirect_vreg.gather [hbm4b:s7+s3], $0x80, v3, vm0, $0xb8;
	[tilespmem:$0x1C200] =	vst v63  }
0x341: {  	_ =	swait.ge [sflag:s30], $0x4000  }
0x342: {  	[sflag:s30] =	ssyncset.done $0x0  }
0x343: {  	s16 =	rddreg [dreg:$0x1e];
	[sflag:s30] =	ssyncadd.s32 $0xFFFFC000  }
0x344: {  	[hbm4b:s16+s3] =	stream.linear.scatter [tilespmem:s25], [sflag:$0xD], $0x4000, $0x38;
	[tilespmem:$0x1C200] =	vst v63  }
0x345: {  	_ =	swait.ge [sflag:s31], $0x4000  }
0x346: {  	[sflag:s31] =	ssyncset.done $0x0  }
0x347: {  	[sflag:s31] =	ssyncadd.s32 $0xFFFFC000  }
0x348: {  	v3 =	vld [tilespmem:$0x1D0];
	_ =	sdelay $0x4  }
0x349: {  	v61 =	vshll.u32 v3, $0x3  }
0x34a: {  	v3 =	vand.u32 $0x7, v3;
	v4 =	vand.u32 $0xFFFFFFC0, v61  }
0x34b: {  	v3 =	vor.u32 v3, v4  }
0x34c: {  	v4 =	vperm.xlane v3, v0;
	_ =	sdelay $0x1  }
0x34d: {  	v4 =	vadd.s32 v1, v4;
	_ =	sdelay $0x4  }
0x34e: {  	[tilespmem:s26], [sflag:$0x2] =	stream.indirect_vreg.gather [hbm4b:s2+s3], $0x80, v4, vm0, $0xb8;
	[tilespmem:$0x1C200] =	vst v63  }
0x34f: {  	s19 =	simm.s32 $0x4A00;
	v3 =	vperm.xlane v3, v2  }
0x350: {  	[tilespmem:s19], [sflag:$0x2] =	stream.indirect_vreg.gather [hbm4b:s5+s3], $0x80, v4, vm0, $0xb8;
	[tilespmem:$0x1C200] =	vst v63  }
0x351: {  	s21 =	simm.s32 $0x5200;
	v3 =	vadd.s32 v1, v3  }
0x352: {  	[tilespmem:s21], [sflag:$0x2] =	stream.indirect_vreg.gather [hbm4b:s6+s3], $0x80, v4, vm0, $0xb8;
	[tilespmem:$0x1C200] =	vst v63  }
0x353: {  	s16 =	simm.s32 $0x5A00  }
0x354: {  	[tilespmem:s16], [sflag:$0x2] =	stream.indirect_vreg.gather [hbm4b:s7+s3], $0x80, v4, vm0, $0xb8;
	[tilespmem:$0x1C200] =	vst v63  }
0x355: {  	s19 =	simm.s32 $0x6200  }
0x356: {  	[tilespmem:s19], [sflag:$0x2] =	stream.indirect_vreg.gather [hbm4b:s2+s3], $0x80, v3, vm0, $0xb8;
	[tilespmem:$0x1C200] =	vst v63  }
0x357: {  	s21 =	simm.s32 $0x6A00  }
0x358: {  	[tilespmem:s21], [sflag:$0x2] =	stream.indirect_vreg.gather [hbm4b:s5+s3], $0x80, v3, vm0, $0xb8;
	[tilespmem:$0x1C200] =	vst v63  }
0x359: {  	s16 =	simm.s32 $0x7200  }
0x35a: {  	[tilespmem:s16], [sflag:$0x2] =	stream.indirect_vreg.gather [hbm4b:s6+s3], $0x80, v3, vm0, $0xb8;
	[tilespmem:$0x1C200] =	vst v63  }
0x35b: {  	s19 =	simm.s32 $0x7A00  }
0x35c: {  	[tilespmem:s19], [sflag:$0x2] =	stream.indirect_vreg.gather [hbm4b:s7+s3], $0x80, v3, vm0, $0xb8;
	[tilespmem:$0x1C200] =	vst v63  }
0x35d: {  	_ =	swait.ge [sflag:s0], $0x4000  }
0x35e: {  	[sflag:s0] =	ssyncset.done $0x0  }
0x35f: {  	s21 =	rddreg [dreg:$0x1f];
	[sflag:s0] =	ssyncadd.s32 $0xFFFFC000  }
0x360: {  	[hbm4b:s21+s3] =	stream.linear.scatter [tilespmem:s18], [sflag:$0xE], $0x4000, $0x38;
	[tilespmem:$0x1C200] =	vst v63  }
0x361: {  	_ =	swait.ge [sflag:s1], $0x4000  }
0x362: {  	[sflag:s1] =	ssyncset.done $0x0  }
0x363: {  	[sflag:s1] =	ssyncadd.s32 $0xFFFFC000  }
0x364: {  	v3 =	vld [tilespmem:$0x1E0];
	_ =	sdelay $0x4  }
0x365: {  	v62 =	vshll.u32 v3, $0x3  }
0x366: {  	v3 =	vand.u32 $0x7, v3;
	v4 =	vand.u32 $0xFFFFFFC0, v62  }
0x367: {  	v3 =	vor.u32 v3, v4  }
0x368: {  	v4 =	vperm.xlane v3, v0;
	_ =	sdelay $0x1  }
0x369: {  	v4 =	vadd.s32 v1, v4;
	_ =	sdelay $0x4  }
0x36a: {  	[tilespmem:s11], [sflag:$0x3] =	stream.indirect_vreg.gather [hbm4b:s2+s3], $0x80, v4, vm0, $0xb8;
	[tilespmem:$0x1C200] =	vst v63  }
0x36b: {  	s16 =	simm.s32 $0x8A00;
	v3 =	vperm.xlane v3, v2  }
0x36c: {  	[tilespmem:s16], [sflag:$0x3] =	stream.indirect_vreg.gather [hbm4b:s5+s3], $0x80, v4, vm0, $0xb8;
	[tilespmem:$0x1C200] =	vst v63  }
0x36d: {  	s19 =	simm.s32 $0x9200;
	v3 =	vadd.s32 v1, v3  }
0x36e: {  	[tilespmem:s19], [sflag:$0x3] =	stream.indirect_vreg.gather [hbm4b:s6+s3], $0x80, v4, vm0, $0xb8;
	[tilespmem:$0x1C200] =	vst v63  }
0x36f: {  	s21 =	simm.s32 $0x9A00  }
0x370: {  	[tilespmem:s21], [sflag:$0x3] =	stream.indirect_vreg.gather [hbm4b:s7+s3], $0x80, v4, vm0, $0xb8;
	[tilespmem:$0x1C200] =	vst v63  }
0x371: {  	s16 =	simm.s32 $0xA200  }
0x372: {  	[tilespmem:s16], [sflag:$0x3] =	stream.indirect_vreg.gather [hbm4b:s2+s3], $0x80, v3, vm0, $0xb8;
	[tilespmem:$0x1C200] =	vst v63  }
0x373: {  	s19 =	simm.s32 $0xAA00  }
0x374: {  	[tilespmem:s19], [sflag:$0x3] =	stream.indirect_vreg.gather [hbm4b:s5+s3], $0x80, v3, vm0, $0xb8;
	[tilespmem:$0x1C200] =	vst v63  }
0x375: {  	s21 =	simm.s32 $0xB200  }
0x376: {  	[tilespmem:s21], [sflag:$0x3] =	stream.indirect_vreg.gather [hbm4b:s6+s3], $0x80, v3, vm0, $0xb8;
	[tilespmem:$0x1C200] =	vst v63  }
0x377: {  	s16 =	simm.s32 $0xBA00  }
0x378: {  	[tilespmem:s16], [sflag:$0x3] =	stream.indirect_vreg.gather [hbm4b:s7+s3], $0x80, v3, vm0, $0xb8;
	[tilespmem:$0x1C200] =	vst v63  }
0x379: {  	_ =	swait.ge [sflag:s4], $0x4000  }
0x37a: {  	s19 =	sld [smem:$0x7F8]  }
0x37b: {  	[sflag:s4] =	ssyncset.done $0x0  }
0x37c: {  	[sflag:s4] =	ssyncadd.s32 $0xFFFFC000  }
0x37d: {  	[hbm4b:s19+s3] =	stream.linear.scatter [tilespmem:s17], [sflag:$0x8], $0x4000, $0x38;
	[tilespmem:$0x1C200] =	vst v63  }
0x37e: {  	_ =	swait.ge [sflag:s10], $0x4000  }
0x37f: {  	[sflag:s10] =	ssyncset.done $0x0  }
0x380: {  	[sflag:s10] =	ssyncadd.s32 $0xFFFFC000  }
0x381: {  	v3 =	vld [tilespmem:$0x1F0];
	_ =	sdelay $0x4  }
0x382: {  	v63 =	vshll.u32 v3, $0x3  }
0x383: {  	v3 =	vand.u32 $0x7, v3;
	v4 =	vand.u32 $0xFFFFFFC0, v63  }
0x384: {  	v3 =	vor.u32 v3, v4  }
0x385: {  	v4 =	vperm.xlane v3, v0;
	_ =	sdelay $0x1  }
0x386: {  	v4 =	vadd.s32 v1, v4;
	_ =	sdelay $0x4  }
0x387: {  	[tilespmem:s9], [sflag:$0x4] =	stream.indirect_vreg.gather [hbm4b:s2+s3], $0x80, v4, vm0, $0xb8;
	[tilespmem:$0x1C200] =	vst v63  }
0x388: {  	s21 =	simm.s32 $0xCA00;
	v3 =	vperm.xlane v3, v2  }
0x389: {  	[tilespmem:s21], [sflag:$0x4] =	stream.indirect_vreg.gather [hbm4b:s5+s3], $0x80, v4, vm0, $0xb8;
	[tilespmem:$0x1C200] =	vst v63  }
0x38a: {  	s16 =	simm.s32 $0xD200;
	v3 =	vadd.s32 v1, v3  }
0x38b: {  	[tilespmem:s16], [sflag:$0x4] =	stream.indirect_vreg.gather [hbm4b:s6+s3], $0x80, v4, vm0, $0xb8;
	[tilespmem:$0x1C200] =	vst v63  }
0x38c: {  	s19 =	simm.s32 $0xDA00  }
0x38d: {  	[tilespmem:s19], [sflag:$0x4] =	stream.indirect_vreg.gather [hbm4b:s7+s3], $0x80, v4, vm0, $0xb8;
	[tilespmem:$0x1C200] =	vst v63  }
0x38e: {  	s21 =	simm.s32 $0xE200  }
0x38f: {  	[tilespmem:s21], [sflag:$0x4] =	stream.indirect_vreg.gather [hbm4b:s2+s3], $0x80, v3, vm0, $0xb8;
	[tilespmem:$0x1C200] =	vst v63  }
0x390: {  	s16 =	simm.s32 $0xEA00  }
0x391: {  	[tilespmem:s16], [sflag:$0x4] =	stream.indirect_vreg.gather [hbm4b:s5+s3], $0x80, v3, vm0, $0xb8;
	[tilespmem:$0x1C200] =	vst v63  }
0x392: {  	s19 =	simm.s32 $0xF200  }
0x393: {  	[tilespmem:s19], [sflag:$0x4] =	stream.indirect_vreg.gather [hbm4b:s6+s3], $0x80, v3, vm0, $0xb8;
	[tilespmem:$0x1C200] =	vst v63  }
0x394: {  	s21 =	simm.s32 $0xFA00  }
0x395: {  	[tilespmem:s21], [sflag:$0x4] =	stream.indirect_vreg.gather [hbm4b:s7+s3], $0x80, v3, vm0, $0xb8;
	[tilespmem:$0x1C200] =	vst v63  }
0x396: {  	_ =	swait.ge [sflag:s20], $0x4000  }
0x397: {  	s16 =	sld [smem:$0x7F9]  }
0x398: {  	[sflag:s20] =	ssyncset.done $0x0  }
0x399: {  	[sflag:s20] =	ssyncadd.s32 $0xFFFFC000  }
0x39a: {  	[hbm4b:s16+s3] =	stream.linear.scatter [tilespmem:s26], [sflag:$0x9], $0x4000, $0x38;
	[tilespmem:$0x1C200] =	vst v63  }
0x39b: {  	_ =	swait.ge [sflag:s22], $0x4000  }
0x39c: {  	s19 =	sld [smem:$0x7FA]  }
0x39d: {  	[sflag:s22] =	ssyncset.done $0x0  }
0x39e: {  	[sflag:s22] =	ssyncadd.s32 $0xFFFFC000  }
0x39f: {  	[hbm4b:s19+s3] =	stream.linear.scatter [tilespmem:s11], [sflag:$0xA], $0x4000, $0x38;
	[tilespmem:$0x1C200] =	vst v63  }
0x3a0: {  	_ =	swait.ge [sflag:s24], $0x4000  }
0x3a1: {  	s21 =	sld [smem:$0x7FC]  }
0x3a2: {  	[sflag:s24] =	ssyncset.done $0x0  }
0x3a3: {  	[sflag:s24] =	ssyncadd.s32 $0xFFFFC000  }
0x3a4: {  	[hbm4b:s21+s3] =	stream.linear.scatter [tilespmem:s9], [sflag:$0xB], $0x4000, $0x38;
	[tilespmem:$0x1C200] =	vst v63  }
0x3a5: {  	_ =	swait.ge [sflag:s29], $0x4000  }
0x3a6: {  	[sflag:s29] =	ssyncset.done $0x0  }
0x3a7: {  	[sflag:s29] =	ssyncadd.s32 $0xFFFFC000  }
0x3a8: {  	_ =	swait.ge [sflag:s31], $0x4000  }
0x3a9: {  	[sflag:s31] =	ssyncset.done $0x0  }
0x3aa: {  	[sflag:s31] =	ssyncadd.s32 $0xFFFFC000  }
0x3ab: {  	_ =	swait.ge [sflag:s1], $0x4000  }
0x3ac: {  	[sflag:s1] =	ssyncset.done $0x0  }
0x3ad: {  	[sflag:s1] =	ssyncadd.s32 $0xFFFFC000  }
0x3ae: {  	_ =	swait.ge [sflag:s10], $0x4000  }
0x3af: {  	[sflag:s10] =	ssyncset.done $0x0  }
0x3b0: {  	[sflag:s10] =	ssyncadd.s32 $0xFFFFC000  }
0x3b1: {  	_ =	swait.ge [sflag:s12], $0x4000  }
0x3b2: {  	[sflag:s12] =	ssyncset.done $0x0  }
0x3b3: {  	[sflag:s12] =	ssyncadd.s32 $0xFFFFC000  }
0x3b4: {  	p0 =	sne.s32 s8, $0x1;
	_ =	swait.ge [sflag:s13], $0x4000  }
.Ltmp0:
0x3b5: {  	[sflag:s13] =	ssyncset.done $0x0;
	(pc) =	sbr.rel @p0 .LBB2_1-.Ltmp0, $4  }
0x3b6: {  	[sflag:s13] =	ssyncadd.s32 $0xFFFFC000  }
0x3b7: {  	_ =	swait.ge [sflag:s14], $0x4000  }
0x3b8: {  	[sflag:s14] =	ssyncset.done $0x0  }
0x3b9: {  	s8 =	sadd.s32 $0xFFFFFFFF, s8;
	[sflag:s14] =	ssyncadd.s32 $0xFFFFC000  }
0x3ba: {  	_ =	sfence.sel $0x180000  }
0x3bb: {  	[bflag:$0x0] =	sbarrier.arrive $0xFFFF  }
0x3bc: {  	_ =	strace $0x90000047  }
0x3bd: {  	s0 =	stileid.u32;
	[bflag:$0x2] =	sbarrier.arrive $0xFFFF  }
0x3be: {  	p0 =	sne.s32 s0, $0x0;
	s0 =	rddreg [dreg:$0x3]  }
0x3bf: {  	s0 =	sadd.s32 @!p0 $0x100000, s0  }
0x3c0: {  	[sflag:s0] =	ssyncadd.tile.s32 @!p0 $0x1;
	_ =	shalt  }
.Lfunc_end2:
_tile_overlayer_lowered:
.L_overlay_start_2:
0x3c1: {  	(tag) =	ssettag $0x2  }
0x3c2: {  	s0 =	rddreg [dreg:$0x0];
	s2 =	stileid.u32  }
0x3c3: {  	s1 =	rddreg [dreg:$0x1];
	p0 =	sne.s32 s2, $0x0  }
0x3c4: {  	s3 =	rddreg [dreg:$0x2];
	[bflag:$0x3] =	sbarrier.arrive $0xFFFF;
	s2 =	simm.s32 @!p0 $0x1C0F  }
0x3c5: {  	[timem:s3], [sflag:s2] =	dma.local @!p0 [hbm:s0], s1  }
0x3c6: {  	s0 =	simm.s32 @!p0 $0xF  }
0x3c7: {  	_ =	swait.ge @!p0 [sflag:s0], s1  }
0x3c8: {  	s1 =	ssub.s32 @!p0 $0x0, s1;
	[sflag:s0] =	ssyncset.done @!p0 $0x0  }
0x3c9: {  	[sflag:s0] =	ssyncadd.s32 @!p0 s1  }
0x3ca: {  	[bflag:$0x3] =	sbarrier.arrive $0xFFFF  }
0x3cb: {  	_ =	shalt  }

</sc_bundles>
